<compile_context>
chip_gen: v7x
topology: tpu7x:2x2x1
jax: 0.10.2.dev20260603
libtpu: 0.0.44.dev20260713+nightly
codegen_flags: <defaults>
</compile_context>

<pallas_src>
import functools

import jax
import jax.numpy as jnp
from jax import lax
from jax.experimental import pallas as pl
from jax.experimental.pallas import tpu as pltpu
from jax.experimental.pallas import tpu_sc as plsc

_TOPK = 8
_NE = 64
_NG = 8
_EPG = _NE // _NG
_TG = 4
_SCALE = 16.0

_NW = 32
_L = 16


def _scores_block(x_ref, w_ref, st_ref):
    x = x_ref[...]
    w = w_ref[...]
    logits = jax.lax.dot_general(
        x, w, (((1,), (1,)), ((), ())),
        preferred_element_type=jnp.float32,
        precision=jax.lax.Precision.DEFAULT,
    )
    lt = logits.T
    m = jnp.max(lt, axis=0, keepdims=True)
    e = jnp.exp(lt - m)
    s = jnp.sum(e, axis=0, keepdims=True)
    sc = e / s
    nt = sc.shape[1] // 128
    for tb in range(nt):
        st_ref[:, tb, :, :] = sc[:, 128 * tb:128 * (tb + 1)].reshape(
            _NG, _EPG, 128)


def _cswap_min(a, b):
    return jnp.minimum(a, b), jnp.maximum(a, b)


def _tree_argmax(pairs):
    while len(pairs) > 1:
        nxt = []
        for i in range(0, len(pairs) - 1, 2):
            (v1, i1), (v2, i2) = pairs[i], pairs[i + 1]
            c = v2 > v1
            nxt.append((jnp.where(c, v2, v1), jnp.where(c, i2, i1)))
        if len(pairs) % 2:
            nxt.append(pairs[-1])
        pairs = nxt
    return pairs[0]


def _route_sc_body(ch, st_hbm, idx_hbm, wgt_hbm, sv, iv, wv):
    wid = lax.axis_index("s") * 2 + lax.axis_index("c")
    base = wid * ch
    ntb = ch // 128
    for a in range(_NG):
        pltpu.sync_copy(st_hbm.at[a, pl.ds(base // 128, ntb)], sv.at[a])

    def step(t0, carry):
        tb = t0 // (128 // _L)
        c0 = (t0 % (128 // _L)) * _L
        ccol = pl.ds(c0, _L)
        cvec = c0 + lax.iota(jnp.int32, _L)
        tbv = jnp.full((_L,), 0, jnp.int32) + tb
        s = [sv[e // _EPG, tb, e % _EPG, ccol] for e in range(_NE)]

        gv = []
        for g in range(_NG):
            m1 = [jnp.maximum(s[_EPG * g + j], s[_EPG * g + j + 1])
                  for j in range(0, _EPG, 2)]
            m2 = [jnp.maximum(m1[j], m1[j + 1]) for j in range(0, 4, 2)]
            gv.append(jnp.maximum(m2[0], m2[1]))

        gidx = [jnp.full((_L,), g, jnp.int32) for g in range(_NG)]
        chosen = []
        for _ in range(_TG):
            _, bi = _tree_argmax(list(zip(gv, gidx)))
            chosen.append(bi)
            for g in range(_NG):
                gv[g] = jnp.where(bi == g, -1.0, gv[g])

        a, b = _cswap_min(chosen[0], chosen[1])
        c, d = _cswap_min(chosen[2], chosen[3])
        a, c = _cswap_min(a, c)
        b, d = _cswap_min(b, d)
        b, c = _cswap_min(b, c)
        groups = [a, b, c, d]
        gbases = [g * _EPG for g in groups]

        cand = []
        for k in range(_TG):
            for j in range(_EPG):
                val = plsc.load_gather(
                    sv, [groups[k], tbv, jnp.full((_L,), j, jnp.int32),
                         cvec])
                cand.append((val, gbases[k] + j))

        for r in range(_TOPK):
            bv, bi = _tree_argmax(cand)
            iv[tb, r, ccol] = bi
            wv[tb, r, ccol] = bv * _SCALE
            if r + 1 < _TOPK:
                cand = [(jnp.where(ci == bi, -1.0, cv), ci)
                        for cv, ci in cand]
        return carry

    lax.fori_loop(0, ch // _L, step, 0)
    pltpu.sync_copy(iv, idx_hbm.at[pl.ds(base // 128, ntb)])
    pltpu.sync_copy(wv, wgt_hbm.at[pl.ds(base // 128, ntb)])


def kernel(hidden_states, weight):
    b, sq, h = hidden_states.shape
    x = hidden_states.reshape(-1, h)
    n = x.shape[0]
    bt = 512
    ch = n // _NW
    scores_t = pl.pallas_call(
        _scores_block,
        grid=(n // bt,),
        in_specs=[
            pl.BlockSpec((bt, h), lambda i: (i, 0)),
            pl.BlockSpec((_NE, h), lambda i: (0, 0)),
        ],
        out_specs=pl.BlockSpec((_NG, bt // 128, _EPG, 128),
                               lambda i: (0, i, 0, 0)),
        out_shape=jax.ShapeDtypeStruct((_NG, n // 128, _EPG, 128),
                                       jnp.float32),
    )(x, weight)

    route = pl.kernel(
        functools.partial(_route_sc_body, ch),
        out_type=[
            jax.ShapeDtypeStruct((n // 128, _TOPK, 128), jnp.int32),
            jax.ShapeDtypeStruct((n // 128, _TOPK, 128), jnp.float32),
        ],
        mesh=plsc.VectorSubcoreMesh(core_axis_name="c", subcore_axis_name="s",
                                    num_cores=2, num_subcores=16),
        compiler_params=pltpu.CompilerParams(use_tc_tiling_on_sc=False,
                                             needs_layout_passes=False,
                                             skip_device_barrier=True),
        scratch_types=[
            pltpu.VMEM((_NG, ch // 128, _EPG, 128), jnp.float32),
            pltpu.VMEM((ch // 128, _TOPK, 128), jnp.int32),
            pltpu.VMEM((ch // 128, _TOPK, 128), jnp.float32),
        ],
    )
    idx3, wgt3 = route(scores_t)
    idx = idx3.transpose(1, 0, 2).reshape(_TOPK, n).T
    wgt = wgt3.transpose(1, 0, 2).reshape(_TOPK, n).T
    return idx, wgt

# --- scband reference (transcript-rebuilt; emitter-appended) ---
"""Pipeline reference for scband-deepseek-v2-mo-egate-72481868087635 (READ-ONLY COPY).

The authoritative reference and input builder live on the scoring server;
editing this copy changes nothing except your own understanding.
"""

import jax, jax.numpy as jnp
import numpy as np

TOP_K = 8
NUM_EXPERTS = 64
N_GROUP = 8
TOPK_GROUP = 4
ROUTED_SCALING_FACTOR = 16.0
HIDDEN = 4096
BATCH = 4
SEQ = 4096


def setup_inputs(seed: int = 0) -> dict:
    key = jax.random.key(seed)
    k1, k2 = jax.random.split(key)
    hidden_states = jax.random.normal(k1, (BATCH, SEQ, HIDDEN), dtype=jnp.float32)
    # gate weight, shape (num_experts, gating_dim), kaiming-ish init scale
    weight = jax.random.normal(k2, (NUM_EXPERTS, HIDDEN), dtype=jnp.float32) * 0.02
    return {"hidden_states": hidden_states, "weight": weight}


def reference(hidden_states, weight):
    b, s, h = hidden_states.shape
    x = hidden_states.reshape(-1, h).astype(jnp.float32)
    # F.linear(x, W) == x @ W.T
    logits = x @ weight.astype(jnp.float32).T
    scores = jax.nn.softmax(logits, axis=-1)
    n = b * s
    # group_limited_greedy routing
    group_scores = scores.reshape(n, N_GROUP, -1).max(axis=-1)  # [n, n_group]
    _, group_idx = jax.lax.top_k(group_scores, TOPK_GROUP)  # [n, topk_group]
    group_mask = jnp.zeros_like(group_scores).at[
        jnp.arange(n)[:, None], group_idx
    ].set(1.0)  # [n, n_group]
    experts_per_group = NUM_EXPERTS // N_GROUP
    score_mask = jnp.broadcast_to(
        group_mask[:, :, None], (n, N_GROUP, experts_per_group)
    ).reshape(n, -1)  # [n, num_experts]
    tmp_scores = jnp.where(score_mask.astype(bool), scores, 0.0)
    topk_weight, topk_idx = jax.lax.top_k(tmp_scores, TOP_K)
    topk_weight = topk_weight * ROUTED_SCALING_FACTOR
    return topk_idx, topk_weight

if __name__ == "__main__":
    import jax
    _d = setup_inputs()
    print(jax.jit(kernel)(*tuple(_d.values())))

</pallas_src>

<mosaic_0001>
#map = affine_map<(d0, d1) -> (0, 0, 0, 0)>
#map1 = affine_map<(d0, d1) -> (0, 0, 0)>
module attributes {stable_mosaic.version = 14 : i64} {
  func.func @_route_sc_body(%arg0: i32, %arg1: i32, %arg2: memref<8x128x8x128xf32, #tpu.memory_space<hbm>>, %arg3: memref<128x8x128xi32, #tpu.memory_space<hbm>>, %arg4: memref<128x8x128xf32, #tpu.memory_space<hbm>>, %arg5: memref<8x4x8x128xf32, #tpu.memory_space<vmem>>, %arg6: memref<4x8x128xi32, #tpu.memory_space<vmem>>, %arg7: memref<4x8x128xf32, #tpu.memory_space<vmem>>) attributes {dimension_semantics = [#tpu.dimension_semantics<core_parallel>, #tpu.dimension_semantics<subcore_parallel>], iteration_bounds = array<i64: 2, 16>, scalar_prefetch = 0 : i64, scratch_operands = 3 : i64, tpu.core_type = #tpu.core_type<sc_vector_subcore>, window_params = [{transform_indices = #map}, {transform_indices = #map1}, {transform_indices = #map1}]} {
    %mul3A = arith.constant 2 : i32
    %mul3A_0 = arith.muli %arg1, %mul3A : i32
    %add3A = arith.addi %mul3A_0, %arg0 : i32
    %mul3A_1 = arith.constant 512 : i32
    %mul3A_2 = arith.muli %add3A, %mul3A_1 : i32
    %jit3A = arith.constant 128 : i32
    %div3A = arith.divsi %mul3A_2, %jit3A : i32
    %sign3A = arith.constant 0 : i32
    %sign3A_3 = arith.cmpi sgt, %mul3A_2, %sign3A : i32
    %sign3A_4 = arith.extui %sign3A_3 : i1 to i32
    %sign3A_5 = arith.constant 0 : i32
    %sign3A_6 = arith.cmpi slt, %mul3A_2, %sign3A_5 : i32
    %sign3A_7 = arith.extui %sign3A_6 : i1 to i32
    %sign3A_8 = arith.subi %sign3A_4, %sign3A_7 : i32
    %sign3A_9 = arith.constant 0 : i32
    %sign3A_10 = arith.cmpi sgt, %jit3A, %sign3A_9 : i32
    %sign3A_11 = arith.extui %sign3A_10 : i1 to i32
    %sign3A_12 = arith.constant 0 : i32
    %sign3A_13 = arith.cmpi slt, %jit3A, %sign3A_12 : i32
    %sign3A_14 = arith.extui %sign3A_13 : i1 to i32
    %sign3A_15 = arith.subi %sign3A_11, %sign3A_14 : i32
    %ne3A = arith.cmpi ne, %sign3A_8, %sign3A_15 : i32
    %rem3A = arith.remsi %mul3A_2, %jit3A : i32
    %ne3A_16 = arith.constant 0 : i32
    %ne3A_17 = arith.cmpi ne, %rem3A, %ne3A_16 : i32
    %and3A = arith.andi %ne3A, %ne3A_17 : i1
    %sub3A = arith.constant 1 : i32
    %sub3A_18 = arith.subi %div3A, %sub3A : i32
    %select_n3A = arith.select %and3A, %sub3A_18, %div3A : i32
    %run_scoped3A = arith.constant 0 : i32
    %run_scoped3A_19 = arith.constant 0 : i32
    "tpu.region"() ({
      %run_scoped3A_255 = tpu.sem_alloc : memref<!tpu.dma_semaphore, #tpu.memory_space<semaphore_mem>>
      %dma_start3A = arith.constant 0 : i32
      %dma_start3A_256 = arith.constant 0 : i32
      %dma_start3A_257 = arith.constant 0 : i32
      %dma_start3A_258 = tpu.memref_slice %arg5[%run_scoped3A_19, %dma_start3A, %dma_start3A_256, %dma_start3A_257] : memref<8x4x8x128xf32, #tpu.memory_space<vmem>> -> memref<1x4x8x128xf32, #tpu.memory_space<vmem>>
      %dma_start3A_259 = tpu.memref_squeeze %dma_start3A_258 : memref<1x4x8x128xf32, #tpu.memory_space<vmem>> -> memref<4x8x128xf32, #tpu.memory_space<vmem>>
      %dma_start3A_260 = arith.constant 0 : i32
      %dma_start3A_261 = arith.constant 0 : i32
      %dma_start3A_262 = tpu.memref_slice %arg2[%run_scoped3A, %select_n3A, %dma_start3A_260, %dma_start3A_261] : memref<8x128x8x128xf32, #tpu.memory_space<hbm>> -> memref<1x4x8x128xf32, #tpu.memory_space<hbm>>
      %dma_start3A_263 = tpu.memref_squeeze %dma_start3A_262 : memref<1x4x8x128xf32, #tpu.memory_space<hbm>> -> memref<4x8x128xf32, #tpu.memory_space<hbm>>
      %dma_start3A_264 = arith.constant 0 : i32
      %dma_start3A_265 = arith.constant 0 : i32
      %dma_start3A_266 = arith.constant 0 : i32
      %dma_start3A_267 = tpu.memref_slice %arg5[%run_scoped3A_19, %dma_start3A_264, %dma_start3A_265, %dma_start3A_266] : memref<8x4x8x128xf32, #tpu.memory_space<vmem>> -> memref<1x4x8x128xf32, #tpu.memory_space<vmem>>
      %dma_start3A_268 = tpu.memref_squeeze %dma_start3A_267 : memref<1x4x8x128xf32, #tpu.memory_space<vmem>> -> memref<4x8x128xf32, #tpu.memory_space<vmem>>
      %dma_start3A_269 = arith.constant 0 : i32
      %dma_start3A_270 = arith.constant 0 : i32
      %dma_start3A_271 = tpu.memref_slice %arg2[%run_scoped3A, %select_n3A, %dma_start3A_269, %dma_start3A_270] : memref<8x128x8x128xf32, #tpu.memory_space<hbm>> -> memref<1x4x8x128xf32, #tpu.memory_space<hbm>>
      %dma_start3A_272 = tpu.memref_squeeze %dma_start3A_271 : memref<1x4x8x128xf32, #tpu.memory_space<hbm>> -> memref<4x8x128xf32, #tpu.memory_space<hbm>>
      tpu.enqueue_dma source(%dma_start3A_272 : memref<4x8x128xf32, #tpu.memory_space<hbm>>) target(%dma_start3A_268 : memref<4x8x128xf32, #tpu.memory_space<vmem>>) target_semaphore(%run_scoped3A_255 : memref<!tpu.dma_semaphore, #tpu.memory_space<semaphore_mem>>)
      %dma_wait3A = arith.constant 0 : i32
      %dma_wait3A_273 = arith.constant 0 : i32
      %dma_wait3A_274 = arith.constant 0 : i32
      %dma_wait3A_275 = tpu.memref_slice %arg5[%run_scoped3A_19, %dma_wait3A, %dma_wait3A_273, %dma_wait3A_274] : memref<8x4x8x128xf32, #tpu.memory_space<vmem>> -> memref<1x4x8x128xf32, #tpu.memory_space<vmem>>
      %dma_wait3A_276 = tpu.memref_squeeze %dma_wait3A_275 : memref<1x4x8x128xf32, #tpu.memory_space<vmem>> -> memref<4x8x128xf32, #tpu.memory_space<vmem>>
      %dma_wait3A_277 = arith.constant 0 : i32
      %dma_wait3A_278 = arith.constant 0 : i32
      %dma_wait3A_279 = tpu.memref_slice %arg2[%run_scoped3A, %select_n3A, %dma_wait3A_277, %dma_wait3A_278] : memref<8x128x8x128xf32, #tpu.memory_space<hbm>> -> memref<1x4x8x128xf32, #tpu.memory_space<hbm>>
      %dma_wait3A_280 = tpu.memref_squeeze %dma_wait3A_279 : memref<1x4x8x128xf32, #tpu.memory_space<hbm>> -> memref<4x8x128xf32, #tpu.memory_space<hbm>>
      %dma_wait3A_281 = arith.constant 0 : i32
      %dma_wait3A_282 = arith.constant 0 : i32
      %dma_wait3A_283 = arith.constant 0 : i32
      %dma_wait3A_284 = tpu.memref_slice %arg5[%run_scoped3A_19, %dma_wait3A_281, %dma_wait3A_282, %dma_wait3A_283] : memref<8x4x8x128xf32, #tpu.memory_space<vmem>> -> memref<1x4x8x128xf32, #tpu.memory_space<vmem>>
      %dma_wait3A_285 = tpu.memref_squeeze %dma_wait3A_284 : memref<1x4x8x128xf32, #tpu.memory_space<vmem>> -> memref<4x8x128xf32, #tpu.memory_space<vmem>>
      %dma_wait3A_286 = arith.constant 0 : i32
      %dma_wait3A_287 = arith.constant 0 : i32
      %dma_wait3A_288 = tpu.memref_slice %arg2[%run_scoped3A, %select_n3A, %dma_wait3A_286, %dma_wait3A_287] : memref<8x128x8x128xf32, #tpu.memory_space<hbm>> -> memref<1x4x8x128xf32, #tpu.memory_space<hbm>>
      %dma_wait3A_289 = tpu.memref_squeeze %dma_wait3A_288 : memref<1x4x8x128xf32, #tpu.memory_space<hbm>> -> memref<4x8x128xf32, #tpu.memory_space<hbm>>
      tpu.wait_dma2 semaphore(%run_scoped3A_255 : memref<!tpu.dma_semaphore, #tpu.memory_space<semaphore_mem>>) src(%dma_wait3A_289 : memref<4x8x128xf32, #tpu.memory_space<hbm>>) dst(%dma_wait3A_285 : memref<4x8x128xf32, #tpu.memory_space<vmem>>)
      tpu.yield
    }) : () -> ()
    %jit3A_20 = arith.constant 128 : i32
    %div3A_21 = arith.divsi %mul3A_2, %jit3A_20 : i32
    %sign3A_22 = arith.constant 0 : i32
    %sign3A_23 = arith.cmpi sgt, %mul3A_2, %sign3A_22 : i32
    %sign3A_24 = arith.extui %sign3A_23 : i1 to i32
    %sign3A_25 = arith.constant 0 : i32
    %sign3A_26 = arith.cmpi slt, %mul3A_2, %sign3A_25 : i32
    %sign3A_27 = arith.extui %sign3A_26 : i1 to i32
    %sign3A_28 = arith.subi %sign3A_24, %sign3A_27 : i32
    %sign3A_29 = arith.constant 0 : i32
    %sign3A_30 = arith.cmpi sgt, %jit3A_20, %sign3A_29 : i32
    %sign3A_31 = arith.extui %sign3A_30 : i1 to i32
    %sign3A_32 = arith.constant 0 : i32
    %sign3A_33 = arith.cmpi slt, %jit3A_20, %sign3A_32 : i32
    %sign3A_34 = arith.extui %sign3A_33 : i1 to i32
    %sign3A_35 = arith.subi %sign3A_31, %sign3A_34 : i32
    %ne3A_36 = arith.cmpi ne, %sign3A_28, %sign3A_35 : i32
    %rem3A_37 = arith.remsi %mul3A_2, %jit3A_20 : i32
    %ne3A_38 = arith.constant 0 : i32
    %ne3A_39 = arith.cmpi ne, %rem3A_37, %ne3A_38 : i32
    %and3A_40 = arith.andi %ne3A_36, %ne3A_39 : i1
    %sub3A_41 = arith.constant 1 : i32
    %sub3A_42 = arith.subi %div3A_21, %sub3A_41 : i32
    %select_n3A_43 = arith.select %and3A_40, %sub3A_42, %div3A_21 : i32
    %run_scoped3A_44 = arith.constant 1 : i32
    %run_scoped3A_45 = arith.constant 1 : i32
    "tpu.region"() ({
      %run_scoped3A_255 = tpu.sem_alloc : memref<!tpu.dma_semaphore, #tpu.memory_space<semaphore_mem>>
      %dma_start3A = arith.constant 0 : i32
      %dma_start3A_256 = arith.constant 0 : i32
      %dma_start3A_257 = arith.constant 0 : i32
      %dma_start3A_258 = tpu.memref_slice %arg5[%run_scoped3A_45, %dma_start3A, %dma_start3A_256, %dma_start3A_257] : memref<8x4x8x128xf32, #tpu.memory_space<vmem>> -> memref<1x4x8x128xf32, #tpu.memory_space<vmem>>
      %dma_start3A_259 = tpu.memref_squeeze %dma_start3A_258 : memref<1x4x8x128xf32, #tpu.memory_space<vmem>> -> memref<4x8x128xf32, #tpu.memory_space<vmem>>
      %dma_start3A_260 = arith.constant 0 : i32
      %dma_start3A_261 = arith.constant 0 : i32
      %dma_start3A_262 = tpu.memref_slice %arg2[%run_scoped3A_44, %select_n3A_43, %dma_start3A_260, %dma_start3A_261] : memref<8x128x8x128xf32, #tpu.memory_space<hbm>> -> memref<1x4x8x128xf32, #tpu.memory_space<hbm>>
      %dma_start3A_263 = tpu.memref_squeeze %dma_start3A_262 : memref<1x4x8x128xf32, #tpu.memory_space<hbm>> -> memref<4x8x128xf32, #tpu.memory_space<hbm>>
      %dma_start3A_264 = arith.constant 0 : i32
      %dma_start3A_265 = arith.constant 0 : i32
      %dma_start3A_266 = arith.constant 0 : i32
      %dma_start3A_267 = tpu.memref_slice %arg5[%run_scoped3A_45, %dma_start3A_264, %dma_start3A_265, %dma_start3A_266] : memref<8x4x8x128xf32, #tpu.memory_space<vmem>> -> memref<1x4x8x128xf32, #tpu.memory_space<vmem>>
      %dma_start3A_268 = tpu.memref_squeeze %dma_start3A_267 : memref<1x4x8x128xf32, #tpu.memory_space<vmem>> -> memref<4x8x128xf32, #tpu.memory_space<vmem>>
      %dma_start3A_269 = arith.constant 0 : i32
      %dma_start3A_270 = arith.constant 0 : i32
      %dma_start3A_271 = tpu.memref_slice %arg2[%run_scoped3A_44, %select_n3A_43, %dma_start3A_269, %dma_start3A_270] : memref<8x128x8x128xf32, #tpu.memory_space<hbm>> -> memref<1x4x8x128xf32, #tpu.memory_space<hbm>>
      %dma_start3A_272 = tpu.memref_squeeze %dma_start3A_271 : memref<1x4x8x128xf32, #tpu.memory_space<hbm>> -> memref<4x8x128xf32, #tpu.memory_space<hbm>>
      tpu.enqueue_dma source(%dma_start3A_272 : memref<4x8x128xf32, #tpu.memory_space<hbm>>) target(%dma_start3A_268 : memref<4x8x128xf32, #tpu.memory_space<vmem>>) target_semaphore(%run_scoped3A_255 : memref<!tpu.dma_semaphore, #tpu.memory_space<semaphore_mem>>)
      %dma_wait3A = arith.constant 0 : i32
      %dma_wait3A_273 = arith.constant 0 : i32
      %dma_wait3A_274 = arith.constant 0 : i32
      %dma_wait3A_275 = tpu.memref_slice %arg5[%run_scoped3A_45, %dma_wait3A, %dma_wait3A_273, %dma_wait3A_274] : memref<8x4x8x128xf32, #tpu.memory_space<vmem>> -> memref<1x4x8x128xf32, #tpu.memory_space<vmem>>
      %dma_wait3A_276 = tpu.memref_squeeze %dma_wait3A_275 : memref<1x4x8x128xf32, #tpu.memory_space<vmem>> -> memref<4x8x128xf32, #tpu.memory_space<vmem>>
      %dma_wait3A_277 = arith.constant 0 : i32
      %dma_wait3A_278 = arith.constant 0 : i32
      %dma_wait3A_279 = tpu.memref_slice %arg2[%run_scoped3A_44, %select_n3A_43, %dma_wait3A_277, %dma_wait3A_278] : memref<8x128x8x128xf32, #tpu.memory_space<hbm>> -> memref<1x4x8x128xf32, #tpu.memory_space<hbm>>
      %dma_wait3A_280 = tpu.memref_squeeze %dma_wait3A_279 : memref<1x4x8x128xf32, #tpu.memory_space<hbm>> -> memref<4x8x128xf32, #tpu.memory_space<hbm>>
      %dma_wait3A_281 = arith.constant 0 : i32
      %dma_wait3A_282 = arith.constant 0 : i32
      %dma_wait3A_283 = arith.constant 0 : i32
      %dma_wait3A_284 = tpu.memref_slice %arg5[%run_scoped3A_45, %dma_wait3A_281, %dma_wait3A_282, %dma_wait3A_283] : memref<8x4x8x128xf32, #tpu.memory_space<vmem>> -> memref<1x4x8x128xf32, #tpu.memory_space<vmem>>
      %dma_wait3A_285 = tpu.memref_squeeze %dma_wait3A_284 : memref<1x4x8x128xf32, #tpu.memory_space<vmem>> -> memref<4x8x128xf32, #tpu.memory_space<vmem>>
      %dma_wait3A_286 = arith.constant 0 : i32
      %dma_wait3A_287 = arith.constant 0 : i32
      %dma_wait3A_288 = tpu.memref_slice %arg2[%run_scoped3A_44, %select_n3A_43, %dma_wait3A_286, %dma_wait3A_287] : memref<8x128x8x128xf32, #tpu.memory_space<hbm>> -> memref<1x4x8x128xf32, #tpu.memory_space<hbm>>
      %dma_wait3A_289 = tpu.memref_squeeze %dma_wait3A_288 : memref<1x4x8x128xf32, #tpu.memory_space<hbm>> -> memref<4x8x128xf32, #tpu.memory_space<hbm>>
      tpu.wait_dma2 semaphore(%run_scoped3A_255 : memref<!tpu.dma_semaphore, #tpu.memory_space<semaphore_mem>>) src(%dma_wait3A_289 : memref<4x8x128xf32, #tpu.memory_space<hbm>>) dst(%dma_wait3A_285 : memref<4x8x128xf32, #tpu.memory_space<vmem>>)
      tpu.yield
    }) : () -> ()
    %jit3A_46 = arith.constant 128 : i32
    %div3A_47 = arith.divsi %mul3A_2, %jit3A_46 : i32
    %sign3A_48 = arith.constant 0 : i32
    %sign3A_49 = arith.cmpi sgt, %mul3A_2, %sign3A_48 : i32
    %sign3A_50 = arith.extui %sign3A_49 : i1 to i32
    %sign3A_51 = arith.constant 0 : i32
    %sign3A_52 = arith.cmpi slt, %mul3A_2, %sign3A_51 : i32
    %sign3A_53 = arith.extui %sign3A_52 : i1 to i32
    %sign3A_54 = arith.subi %sign3A_50, %sign3A_53 : i32
    %sign3A_55 = arith.constant 0 : i32
    %sign3A_56 = arith.cmpi sgt, %jit3A_46, %sign3A_55 : i32
    %sign3A_57 = arith.extui %sign3A_56 : i1 to i32
    %sign3A_58 = arith.constant 0 : i32
    %sign3A_59 = arith.cmpi slt, %jit3A_46, %sign3A_58 : i32
    %sign3A_60 = arith.extui %sign3A_59 : i1 to i32
    %sign3A_61 = arith.subi %sign3A_57, %sign3A_60 : i32
    %ne3A_62 = arith.cmpi ne, %sign3A_54, %sign3A_61 : i32
    %rem3A_63 = arith.remsi %mul3A_2, %jit3A_46 : i32
    %ne3A_64 = arith.constant 0 : i32
    %ne3A_65 = arith.cmpi ne, %rem3A_63, %ne3A_64 : i32
    %and3A_66 = arith.andi %ne3A_62, %ne3A_65 : i1
    %sub3A_67 = arith.constant 1 : i32
    %sub3A_68 = arith.subi %div3A_47, %sub3A_67 : i32
    %select_n3A_69 = arith.select %and3A_66, %sub3A_68, %div3A_47 : i32
    %run_scoped3A_70 = arith.constant 2 : i32
    %run_scoped3A_71 = arith.constant 2 : i32
    "tpu.region"() ({
      %run_scoped3A_255 = tpu.sem_alloc : memref<!tpu.dma_semaphore, #tpu.memory_space<semaphore_mem>>
      %dma_start3A = arith.constant 0 : i32
      %dma_start3A_256 = arith.constant 0 : i32
      %dma_start3A_257 = arith.constant 0 : i32
      %dma_start3A_258 = tpu.memref_slice %arg5[%run_scoped3A_71, %dma_start3A, %dma_start3A_256, %dma_start3A_257] : memref<8x4x8x128xf32, #tpu.memory_space<vmem>> -> memref<1x4x8x128xf32, #tpu.memory_space<vmem>>
      %dma_start3A_259 = tpu.memref_squeeze %dma_start3A_258 : memref<1x4x8x128xf32, #tpu.memory_space<vmem>> -> memref<4x8x128xf32, #tpu.memory_space<vmem>>
      %dma_start3A_260 = arith.constant 0 : i32
      %dma_start3A_261 = arith.constant 0 : i32
      %dma_start3A_262 = tpu.memref_slice %arg2[%run_scoped3A_70, %select_n3A_69, %dma_start3A_260, %dma_start3A_261] : memref<8x128x8x128xf32, #tpu.memory_space<hbm>> -> memref<1x4x8x128xf32, #tpu.memory_space<hbm>>
      %dma_start3A_263 = tpu.memref_squeeze %dma_start3A_262 : memref<1x4x8x128xf32, #tpu.memory_space<hbm>> -> memref<4x8x128xf32, #tpu.memory_space<hbm>>
      %dma_start3A_264 = arith.constant 0 : i32
      %dma_start3A_265 = arith.constant 0 : i32
      %dma_start3A_266 = arith.constant 0 : i32
      %dma_start3A_267 = tpu.memref_slice %arg5[%run_scoped3A_71, %dma_start3A_264, %dma_start3A_265, %dma_start3A_266] : memref<8x4x8x128xf32, #tpu.memory_space<vmem>> -> memref<1x4x8x128xf32, #tpu.memory_space<vmem>>
      %dma_start3A_268 = tpu.memref_squeeze %dma_start3A_267 : memref<1x4x8x128xf32, #tpu.memory_space<vmem>> -> memref<4x8x128xf32, #tpu.memory_space<vmem>>
      %dma_start3A_269 = arith.constant 0 : i32
      %dma_start3A_270 = arith.constant 0 : i32
      %dma_start3A_271 = tpu.memref_slice %arg2[%run_scoped3A_70, %select_n3A_69, %dma_start3A_269, %dma_start3A_270] : memref<8x128x8x128xf32, #tpu.memory_space<hbm>> -> memref<1x4x8x128xf32, #tpu.memory_space<hbm>>
      %dma_start3A_272 = tpu.memref_squeeze %dma_start3A_271 : memref<1x4x8x128xf32, #tpu.memory_space<hbm>> -> memref<4x8x128xf32, #tpu.memory_space<hbm>>
      tpu.enqueue_dma source(%dma_start3A_272 : memref<4x8x128xf32, #tpu.memory_space<hbm>>) target(%dma_start3A_268 : memref<4x8x128xf32, #tpu.memory_space<vmem>>) target_semaphore(%run_scoped3A_255 : memref<!tpu.dma_semaphore, #tpu.memory_space<semaphore_mem>>)
      %dma_wait3A = arith.constant 0 : i32
      %dma_wait3A_273 = arith.constant 0 : i32
      %dma_wait3A_274 = arith.constant 0 : i32
      %dma_wait3A_275 = tpu.memref_slice %arg5[%run_scoped3A_71, %dma_wait3A, %dma_wait3A_273, %dma_wait3A_274] : memref<8x4x8x128xf32, #tpu.memory_space<vmem>> -> memref<1x4x8x128xf32, #tpu.memory_space<vmem>>
      %dma_wait3A_276 = tpu.memref_squeeze %dma_wait3A_275 : memref<1x4x8x128xf32, #tpu.memory_space<vmem>> -> memref<4x8x128xf32, #tpu.memory_space<vmem>>
      %dma_wait3A_277 = arith.constant 0 : i32
      %dma_wait3A_278 = arith.constant 0 : i32
      %dma_wait3A_279 = tpu.memref_slice %arg2[%run_scoped3A_70, %select_n3A_69, %dma_wait3A_277, %dma_wait3A_278] : memref<8x128x8x128xf32, #tpu.memory_space<hbm>> -> memref<1x4x8x128xf32, #tpu.memory_space<hbm>>
      %dma_wait3A_280 = tpu.memref_squeeze %dma_wait3A_279 : memref<1x4x8x128xf32, #tpu.memory_space<hbm>> -> memref<4x8x128xf32, #tpu.memory_space<hbm>>
      %dma_wait3A_281 = arith.constant 0 : i32
      %dma_wait3A_282 = arith.constant 0 : i32
      %dma_wait3A_283 = arith.constant 0 : i32
      %dma_wait3A_284 = tpu.memref_slice %arg5[%run_scoped3A_71, %dma_wait3A_281, %dma_wait3A_282, %dma_wait3A_283] : memref<8x4x8x128xf32, #tpu.memory_space<vmem>> -> memref<1x4x8x128xf32, #tpu.memory_space<vmem>>
      %dma_wait3A_285 = tpu.memref_squeeze %dma_wait3A_284 : memref<1x4x8x128xf32, #tpu.memory_space<vmem>> -> memref<4x8x128xf32, #tpu.memory_space<vmem>>
      %dma_wait3A_286 = arith.constant 0 : i32
      %dma_wait3A_287 = arith.constant 0 : i32
      %dma_wait3A_288 = tpu.memref_slice %arg2[%run_scoped3A_70, %select_n3A_69, %dma_wait3A_286, %dma_wait3A_287] : memref<8x128x8x128xf32, #tpu.memory_space<hbm>> -> memref<1x4x8x128xf32, #tpu.memory_space<hbm>>
      %dma_wait3A_289 = tpu.memref_squeeze %dma_wait3A_288 : memref<1x4x8x128xf32, #tpu.memory_space<hbm>> -> memref<4x8x128xf32, #tpu.memory_space<hbm>>
      tpu.wait_dma2 semaphore(%run_scoped3A_255 : memref<!tpu.dma_semaphore, #tpu.memory_space<semaphore_mem>>) src(%dma_wait3A_289 : memref<4x8x128xf32, #tpu.memory_space<hbm>>) dst(%dma_wait3A_285 : memref<4x8x128xf32, #tpu.memory_space<vmem>>)
      tpu.yield
    }) : () -> ()
    %jit3A_72 = arith.constant 128 : i32
    %div3A_73 = arith.divsi %mul3A_2, %jit3A_72 : i32
    %sign3A_74 = arith.constant 0 : i32
    %sign3A_75 = arith.cmpi sgt, %mul3A_2, %sign3A_74 : i32
    %sign3A_76 = arith.extui %sign3A_75 : i1 to i32
    %sign3A_77 = arith.constant 0 : i32
    %sign3A_78 = arith.cmpi slt, %mul3A_2, %sign3A_77 : i32
    %sign3A_79 = arith.extui %sign3A_78 : i1 to i32
    %sign3A_80 = arith.subi %sign3A_76, %sign3A_79 : i32
    %sign3A_81 = arith.constant 0 : i32
    %sign3A_82 = arith.cmpi sgt, %jit3A_72, %sign3A_81 : i32
    %sign3A_83 = arith.extui %sign3A_82 : i1 to i32
    %sign3A_84 = arith.constant 0 : i32
    %sign3A_85 = arith.cmpi slt, %jit3A_72, %sign3A_84 : i32
    %sign3A_86 = arith.extui %sign3A_85 : i1 to i32
    %sign3A_87 = arith.subi %sign3A_83, %sign3A_86 : i32
    %ne3A_88 = arith.cmpi ne, %sign3A_80, %sign3A_87 : i32
    %rem3A_89 = arith.remsi %mul3A_2, %jit3A_72 : i32
    %ne3A_90 = arith.constant 0 : i32
    %ne3A_91 = arith.cmpi ne, %rem3A_89, %ne3A_90 : i32
    %and3A_92 = arith.andi %ne3A_88, %ne3A_91 : i1
    %sub3A_93 = arith.constant 1 : i32
    %sub3A_94 = arith.subi %div3A_73, %sub3A_93 : i32
    %select_n3A_95 = arith.select %and3A_92, %sub3A_94, %div3A_73 : i32
    %run_scoped3A_96 = arith.constant 3 : i32
    %run_scoped3A_97 = arith.constant 3 : i32
    "tpu.region"() ({
      %run_scoped3A_255 = tpu.sem_alloc : memref<!tpu.dma_semaphore, #tpu.memory_space<semaphore_mem>>
      %dma_start3A = arith.constant 0 : i32
      %dma_start3A_256 = arith.constant 0 : i32
      %dma_start3A_257 = arith.constant 0 : i32
      %dma_start3A_258 = tpu.memref_slice %arg5[%run_scoped3A_97, %dma_start3A, %dma_start3A_256, %dma_start3A_257] : memref<8x4x8x128xf32, #tpu.memory_space<vmem>> -> memref<1x4x8x128xf32, #tpu.memory_space<vmem>>
      %dma_start3A_259 = tpu.memref_squeeze %dma_start3A_258 : memref<1x4x8x128xf32, #tpu.memory_space<vmem>> -> memref<4x8x128xf32, #tpu.memory_space<vmem>>
      %dma_start3A_260 = arith.constant 0 : i32
      %dma_start3A_261 = arith.constant 0 : i32
      %dma_start3A_262 = tpu.memref_slice %arg2[%run_scoped3A_96, %select_n3A_95, %dma_start3A_260, %dma_start3A_261] : memref<8x128x8x128xf32, #tpu.memory_space<hbm>> -> memref<1x4x8x128xf32, #tpu.memory_space<hbm>>
      %dma_start3A_263 = tpu.memref_squeeze %dma_start3A_262 : memref<1x4x8x128xf32, #tpu.memory_space<hbm>> -> memref<4x8x128xf32, #tpu.memory_space<hbm>>
      %dma_start3A_264 = arith.constant 0 : i32
      %dma_start3A_265 = arith.constant 0 : i32
      %dma_start3A_266 = arith.constant 0 : i32
      %dma_start3A_267 = tpu.memref_slice %arg5[%run_scoped3A_97, %dma_start3A_264, %dma_start3A_265, %dma_start3A_266] : memref<8x4x8x128xf32, #tpu.memory_space<vmem>> -> memref<1x4x8x128xf32, #tpu.memory_space<vmem>>
      %dma_start3A_268 = tpu.memref_squeeze %dma_start3A_267 : memref<1x4x8x128xf32, #tpu.memory_space<vmem>> -> memref<4x8x128xf32, #tpu.memory_space<vmem>>
      %dma_start3A_269 = arith.constant 0 : i32
      %dma_start3A_270 = arith.constant 0 : i32
      %dma_start3A_271 = tpu.memref_slice %arg2[%run_scoped3A_96, %select_n3A_95, %dma_start3A_269, %dma_start3A_270] : memref<8x128x8x128xf32, #tpu.memory_space<hbm>> -> memref<1x4x8x128xf32, #tpu.memory_space<hbm>>
      %dma_start3A_272 = tpu.memref_squeeze %dma_start3A_271 : memref<1x4x8x128xf32, #tpu.memory_space<hbm>> -> memref<4x8x128xf32, #tpu.memory_space<hbm>>
      tpu.enqueue_dma source(%dma_start3A_272 : memref<4x8x128xf32, #tpu.memory_space<hbm>>) target(%dma_start3A_268 : memref<4x8x128xf32, #tpu.memory_space<vmem>>) target_semaphore(%run_scoped3A_255 : memref<!tpu.dma_semaphore, #tpu.memory_space<semaphore_mem>>)
      %dma_wait3A = arith.constant 0 : i32
      %dma_wait3A_273 = arith.constant 0 : i32
      %dma_wait3A_274 = arith.constant 0 : i32
      %dma_wait3A_275 = tpu.memref_slice %arg5[%run_scoped3A_97, %dma_wait3A, %dma_wait3A_273, %dma_wait3A_274] : memref<8x4x8x128xf32, #tpu.memory_space<vmem>> -> memref<1x4x8x128xf32, #tpu.memory_space<vmem>>
      %dma_wait3A_276 = tpu.memref_squeeze %dma_wait3A_275 : memref<1x4x8x128xf32, #tpu.memory_space<vmem>> -> memref<4x8x128xf32, #tpu.memory_space<vmem>>
      %dma_wait3A_277 = arith.constant 0 : i32
      %dma_wait3A_278 = arith.constant 0 : i32
      %dma_wait3A_279 = tpu.memref_slice %arg2[%run_scoped3A_96, %select_n3A_95, %dma_wait3A_277, %dma_wait3A_278] : memref<8x128x8x128xf32, #tpu.memory_space<hbm>> -> memref<1x4x8x128xf32, #tpu.memory_space<hbm>>
      %dma_wait3A_280 = tpu.memref_squeeze %dma_wait3A_279 : memref<1x4x8x128xf32, #tpu.memory_space<hbm>> -> memref<4x8x128xf32, #tpu.memory_space<hbm>>
      %dma_wait3A_281 = arith.constant 0 : i32
      %dma_wait3A_282 = arith.constant 0 : i32
      %dma_wait3A_283 = arith.constant 0 : i32
      %dma_wait3A_284 = tpu.memref_slice %arg5[%run_scoped3A_97, %dma_wait3A_281, %dma_wait3A_282, %dma_wait3A_283] : memref<8x4x8x128xf32, #tpu.memory_space<vmem>> -> memref<1x4x8x128xf32, #tpu.memory_space<vmem>>
      %dma_wait3A_285 = tpu.memref_squeeze %dma_wait3A_284 : memref<1x4x8x128xf32, #tpu.memory_space<vmem>> -> memref<4x8x128xf32, #tpu.memory_space<vmem>>
      %dma_wait3A_286 = arith.constant 0 : i32
      %dma_wait3A_287 = arith.constant 0 : i32
      %dma_wait3A_288 = tpu.memref_slice %arg2[%run_scoped3A_96, %select_n3A_95, %dma_wait3A_286, %dma_wait3A_287] : memref<8x128x8x128xf32, #tpu.memory_space<hbm>> -> memref<1x4x8x128xf32, #tpu.memory_space<hbm>>
      %dma_wait3A_289 = tpu.memref_squeeze %dma_wait3A_288 : memref<1x4x8x128xf32, #tpu.memory_space<hbm>> -> memref<4x8x128xf32, #tpu.memory_space<hbm>>
      tpu.wait_dma2 semaphore(%run_scoped3A_255 : memref<!tpu.dma_semaphore, #tpu.memory_space<semaphore_mem>>) src(%dma_wait3A_289 : memref<4x8x128xf32, #tpu.memory_space<hbm>>) dst(%dma_wait3A_285 : memref<4x8x128xf32, #tpu.memory_space<vmem>>)
      tpu.yield
    }) : () -> ()
    %jit3A_98 = arith.constant 128 : i32
    %div3A_99 = arith.divsi %mul3A_2, %jit3A_98 : i32
    %sign3A_100 = arith.constant 0 : i32
    %sign3A_101 = arith.cmpi sgt, %mul3A_2, %sign3A_100 : i32
    %sign3A_102 = arith.extui %sign3A_101 : i1 to i32
    %sign3A_103 = arith.constant 0 : i32
    %sign3A_104 = arith.cmpi slt, %mul3A_2, %sign3A_103 : i32
    %sign3A_105 = arith.extui %sign3A_104 : i1 to i32
    %sign3A_106 = arith.subi %sign3A_102, %sign3A_105 : i32
    %sign3A_107 = arith.constant 0 : i32
    %sign3A_108 = arith.cmpi sgt, %jit3A_98, %sign3A_107 : i32
    %sign3A_109 = arith.extui %sign3A_108 : i1 to i32
    %sign3A_110 = arith.constant 0 : i32
    %sign3A_111 = arith.cmpi slt, %jit3A_98, %sign3A_110 : i32
    %sign3A_112 = arith.extui %sign3A_111 : i1 to i32
    %sign3A_113 = arith.subi %sign3A_109, %sign3A_112 : i32
    %ne3A_114 = arith.cmpi ne, %sign3A_106, %sign3A_113 : i32
    %rem3A_115 = arith.remsi %mul3A_2, %jit3A_98 : i32
    %ne3A_116 = arith.constant 0 : i32
    %ne3A_117 = arith.cmpi ne, %rem3A_115, %ne3A_116 : i32
    %and3A_118 = arith.andi %ne3A_114, %ne3A_117 : i1
    %sub3A_119 = arith.constant 1 : i32
    %sub3A_120 = arith.subi %div3A_99, %sub3A_119 : i32
    %select_n3A_121 = arith.select %and3A_118, %sub3A_120, %div3A_99 : i32
    %run_scoped3A_122 = arith.constant 4 : i32
    %run_scoped3A_123 = arith.constant 4 : i32
    "tpu.region"() ({
      %run_scoped3A_255 = tpu.sem_alloc : memref<!tpu.dma_semaphore, #tpu.memory_space<semaphore_mem>>
      %dma_start3A = arith.constant 0 : i32
      %dma_start3A_256 = arith.constant 0 : i32
      %dma_start3A_257 = arith.constant 0 : i32
      %dma_start3A_258 = tpu.memref_slice %arg5[%run_scoped3A_123, %dma_start3A, %dma_start3A_256, %dma_start3A_257] : memref<8x4x8x128xf32, #tpu.memory_space<vmem>> -> memref<1x4x8x128xf32, #tpu.memory_space<vmem>>
      %dma_start3A_259 = tpu.memref_squeeze %dma_start3A_258 : memref<1x4x8x128xf32, #tpu.memory_space<vmem>> -> memref<4x8x128xf32, #tpu.memory_space<vmem>>
      %dma_start3A_260 = arith.constant 0 : i32
      %dma_start3A_261 = arith.constant 0 : i32
      %dma_start3A_262 = tpu.memref_slice %arg2[%run_scoped3A_122, %select_n3A_121, %dma_start3A_260, %dma_start3A_261] : memref<8x128x8x128xf32, #tpu.memory_space<hbm>> -> memref<1x4x8x128xf32, #tpu.memory_space<hbm>>
      %dma_start3A_263 = tpu.memref_squeeze %dma_start3A_262 : memref<1x4x8x128xf32, #tpu.memory_space<hbm>> -> memref<4x8x128xf32, #tpu.memory_space<hbm>>
      %dma_start3A_264 = arith.constant 0 : i32
      %dma_start3A_265 = arith.constant 0 : i32
      %dma_start3A_266 = arith.constant 0 : i32
      %dma_start3A_267 = tpu.memref_slice %arg5[%run_scoped3A_123, %dma_start3A_264, %dma_start3A_265, %dma_start3A_266] : memref<8x4x8x128xf32, #tpu.memory_space<vmem>> -> memref<1x4x8x128xf32, #tpu.memory_space<vmem>>
      %dma_start3A_268 = tpu.memref_squeeze %dma_start3A_267 : memref<1x4x8x128xf32, #tpu.memory_space<vmem>> -> memref<4x8x128xf32, #tpu.memory_space<vmem>>
      %dma_start3A_269 = arith.constant 0 : i32
      %dma_start3A_270 = arith.constant 0 : i32
      %dma_start3A_271 = tpu.memref_slice %arg2[%run_scoped3A_122, %select_n3A_121, %dma_start3A_269, %dma_start3A_270] : memref<8x128x8x128xf32, #tpu.memory_space<hbm>> -> memref<1x4x8x128xf32, #tpu.memory_space<hbm>>
      %dma_start3A_272 = tpu.memref_squeeze %dma_start3A_271 : memref<1x4x8x128xf32, #tpu.memory_space<hbm>> -> memref<4x8x128xf32, #tpu.memory_space<hbm>>
      tpu.enqueue_dma source(%dma_start3A_272 : memref<4x8x128xf32, #tpu.memory_space<hbm>>) target(%dma_start3A_268 : memref<4x8x128xf32, #tpu.memory_space<vmem>>) target_semaphore(%run_scoped3A_255 : memref<!tpu.dma_semaphore, #tpu.memory_space<semaphore_mem>>)
      %dma_wait3A = arith.constant 0 : i32
      %dma_wait3A_273 = arith.constant 0 : i32
      %dma_wait3A_274 = arith.constant 0 : i32
      %dma_wait3A_275 = tpu.memref_slice %arg5[%run_scoped3A_123, %dma_wait3A, %dma_wait3A_273, %dma_wait3A_274] : memref<8x4x8x128xf32, #tpu.memory_space<vmem>> -> memref<1x4x8x128xf32, #tpu.memory_space<vmem>>
      %dma_wait3A_276 = tpu.memref_squeeze %dma_wait3A_275 : memref<1x4x8x128xf32, #tpu.memory_space<vmem>> -> memref<4x8x128xf32, #tpu.memory_space<vmem>>
      %dma_wait3A_277 = arith.constant 0 : i32
      %dma_wait3A_278 = arith.constant 0 : i32
      %dma_wait3A_279 = tpu.memref_slice %arg2[%run_scoped3A_122, %select_n3A_121, %dma_wait3A_277, %dma_wait3A_278] : memref<8x128x8x128xf32, #tpu.memory_space<hbm>> -> memref<1x4x8x128xf32, #tpu.memory_space<hbm>>
      %dma_wait3A_280 = tpu.memref_squeeze %dma_wait3A_279 : memref<1x4x8x128xf32, #tpu.memory_space<hbm>> -> memref<4x8x128xf32, #tpu.memory_space<hbm>>
      %dma_wait3A_281 = arith.constant 0 : i32
      %dma_wait3A_282 = arith.constant 0 : i32
      %dma_wait3A_283 = arith.constant 0 : i32
      %dma_wait3A_284 = tpu.memref_slice %arg5[%run_scoped3A_123, %dma_wait3A_281, %dma_wait3A_282, %dma_wait3A_283] : memref<8x4x8x128xf32, #tpu.memory_space<vmem>> -> memref<1x4x8x128xf32, #tpu.memory_space<vmem>>
      %dma_wait3A_285 = tpu.memref_squeeze %dma_wait3A_284 : memref<1x4x8x128xf32, #tpu.memory_space<vmem>> -> memref<4x8x128xf32, #tpu.memory_space<vmem>>
      %dma_wait3A_286 = arith.constant 0 : i32
      %dma_wait3A_287 = arith.constant 0 : i32
      %dma_wait3A_288 = tpu.memref_slice %arg2[%run_scoped3A_122, %select_n3A_121, %dma_wait3A_286, %dma_wait3A_287] : memref<8x128x8x128xf32, #tpu.memory_space<hbm>> -> memref<1x4x8x128xf32, #tpu.memory_space<hbm>>
      %dma_wait3A_289 = tpu.memref_squeeze %dma_wait3A_288 : memref<1x4x8x128xf32, #tpu.memory_space<hbm>> -> memref<4x8x128xf32, #tpu.memory_space<hbm>>
      tpu.wait_dma2 semaphore(%run_scoped3A_255 : memref<!tpu.dma_semaphore, #tpu.memory_space<semaphore_mem>>) src(%dma_wait3A_289 : memref<4x8x128xf32, #tpu.memory_space<hbm>>) dst(%dma_wait3A_285 : memref<4x8x128xf32, #tpu.memory_space<vmem>>)
      tpu.yield
    }) : () -> ()
    %jit3A_124 = arith.constant 128 : i32
    %div3A_125 = arith.divsi %mul3A_2, %jit3A_124 : i32
    %sign3A_126 = arith.constant 0 : i32
    %sign3A_127 = arith.cmpi sgt, %mul3A_2, %sign3A_126 : i32
    %sign3A_128 = arith.extui %sign3A_127 : i1 to i32
    %sign3A_129 = arith.constant 0 : i32
    %sign3A_130 = arith.cmpi slt, %mul3A_2, %sign3A_129 : i32
    %sign3A_131 = arith.extui %sign3A_130 : i1 to i32
    %sign3A_132 = arith.subi %sign3A_128, %sign3A_131 : i32
    %sign3A_133 = arith.constant 0 : i32
    %sign3A_134 = arith.cmpi sgt, %jit3A_124, %sign3A_133 : i32
    %sign3A_135 = arith.extui %sign3A_134 : i1 to i32
    %sign3A_136 = arith.constant 0 : i32
    %sign3A_137 = arith.cmpi slt, %jit3A_124, %sign3A_136 : i32
    %sign3A_138 = arith.extui %sign3A_137 : i1 to i32
    %sign3A_139 = arith.subi %sign3A_135, %sign3A_138 : i32
    %ne3A_140 = arith.cmpi ne, %sign3A_132, %sign3A_139 : i32
    %rem3A_141 = arith.remsi %mul3A_2, %jit3A_124 : i32
    %ne3A_142 = arith.constant 0 : i32
    %ne3A_143 = arith.cmpi ne, %rem3A_141, %ne3A_142 : i32
    %and3A_144 = arith.andi %ne3A_140, %ne3A_143 : i1
    %sub3A_145 = arith.constant 1 : i32
    %sub3A_146 = arith.subi %div3A_125, %sub3A_145 : i32
    %select_n3A_147 = arith.select %and3A_144, %sub3A_146, %div3A_125 : i32
    %run_scoped3A_148 = arith.constant 5 : i32
    %run_scoped3A_149 = arith.constant 5 : i32
    "tpu.region"() ({
      %run_scoped3A_255 = tpu.sem_alloc : memref<!tpu.dma_semaphore, #tpu.memory_space<semaphore_mem>>
      %dma_start3A = arith.constant 0 : i32
      %dma_start3A_256 = arith.constant 0 : i32
      %dma_start3A_257 = arith.constant 0 : i32
      %dma_start3A_258 = tpu.memref_slice %arg5[%run_scoped3A_149, %dma_start3A, %dma_start3A_256, %dma_start3A_257] : memref<8x4x8x128xf32, #tpu.memory_space<vmem>> -> memref<1x4x8x128xf32, #tpu.memory_space<vmem>>
      %dma_start3A_259 = tpu.memref_squeeze %dma_start3A_258 : memref<1x4x8x128xf32, #tpu.memory_space<vmem>> -> memref<4x8x128xf32, #tpu.memory_space<vmem>>
      %dma_start3A_260 = arith.constant 0 : i32
      %dma_start3A_261 = arith.constant 0 : i32
      %dma_start3A_262 = tpu.memref_slice %arg2[%run_scoped3A_148, %select_n3A_147, %dma_start3A_260, %dma_start3A_261] : memref<8x128x8x128xf32, #tpu.memory_space<hbm>> -> memref<1x4x8x128xf32, #tpu.memory_space<hbm>>
      %dma_start3A_263 = tpu.memref_squeeze %dma_start3A_262 : memref<1x4x8x128xf32, #tpu.memory_space<hbm>> -> memref<4x8x128xf32, #tpu.memory_space<hbm>>
      %dma_start3A_264 = arith.constant 0 : i32
      %dma_start3A_265 = arith.constant 0 : i32
      %dma_start3A_266 = arith.constant 0 : i32
      %dma_start3A_267 = tpu.memref_slice %arg5[%run_scoped3A_149, %dma_start3A_264, %dma_start3A_265, %dma_start3A_266] : memref<8x4x8x128xf32, #tpu.memory_space<vmem>> -> memref<1x4x8x128xf32, #tpu.memory_space<vmem>>
      %dma_start3A_268 = tpu.memref_squeeze %dma_start3A_267 : memref<1x4x8x128xf32, #tpu.memory_space<vmem>> -> memref<4x8x128xf32, #tpu.memory_space<vmem>>
      %dma_start3A_269 = arith.constant 0 : i32
      %dma_start3A_270 = arith.constant 0 : i32
      %dma_start3A_271 = tpu.memref_slice %arg2[%run_scoped3A_148, %select_n3A_147, %dma_start3A_269, %dma_start3A_270] : memref<8x128x8x128xf32, #tpu.memory_space<hbm>> -> memref<1x4x8x128xf32, #tpu.memory_space<hbm>>
      %dma_start3A_272 = tpu.memref_squeeze %dma_start3A_271 : memref<1x4x8x128xf32, #tpu.memory_space<hbm>> -> memref<4x8x128xf32, #tpu.memory_space<hbm>>
      tpu.enqueue_dma source(%dma_start3A_272 : memref<4x8x128xf32, #tpu.memory_space<hbm>>) target(%dma_start3A_268 : memref<4x8x128xf32, #tpu.memory_space<vmem>>) target_semaphore(%run_scoped3A_255 : memref<!tpu.dma_semaphore, #tpu.memory_space<semaphore_mem>>)
      %dma_wait3A = arith.constant 0 : i32
      %dma_wait3A_273 = arith.constant 0 : i32
      %dma_wait3A_274 = arith.constant 0 : i32
      %dma_wait3A_275 = tpu.memref_slice %arg5[%run_scoped3A_149, %dma_wait3A, %dma_wait3A_273, %dma_wait3A_274] : memref<8x4x8x128xf32, #tpu.memory_space<vmem>> -> memref<1x4x8x128xf32, #tpu.memory_space<vmem>>
      %dma_wait3A_276 = tpu.memref_squeeze %dma_wait3A_275 : memref<1x4x8x128xf32, #tpu.memory_space<vmem>> -> memref<4x8x128xf32, #tpu.memory_space<vmem>>
      %dma_wait3A_277 = arith.constant 0 : i32
      %dma_wait3A_278 = arith.constant 0 : i32
      %dma_wait3A_279 = tpu.memref_slice %arg2[%run_scoped3A_148, %select_n3A_147, %dma_wait3A_277, %dma_wait3A_278] : memref<8x128x8x128xf32, #tpu.memory_space<hbm>> -> memref<1x4x8x128xf32, #tpu.memory_space<hbm>>
      %dma_wait3A_280 = tpu.memref_squeeze %dma_wait3A_279 : memref<1x4x8x128xf32, #tpu.memory_space<hbm>> -> memref<4x8x128xf32, #tpu.memory_space<hbm>>
      %dma_wait3A_281 = arith.constant 0 : i32
      %dma_wait3A_282 = arith.constant 0 : i32
      %dma_wait3A_283 = arith.constant 0 : i32
      %dma_wait3A_284 = tpu.memref_slice %arg5[%run_scoped3A_149, %dma_wait3A_281, %dma_wait3A_282, %dma_wait3A_283] : memref<8x4x8x128xf32, #tpu.memory_space<vmem>> -> memref<1x4x8x128xf32, #tpu.memory_space<vmem>>
      %dma_wait3A_285 = tpu.memref_squeeze %dma_wait3A_284 : memref<1x4x8x128xf32, #tpu.memory_space<vmem>> -> memref<4x8x128xf32, #tpu.memory_space<vmem>>
      %dma_wait3A_286 = arith.constant 0 : i32
      %dma_wait3A_287 = arith.constant 0 : i32
      %dma_wait3A_288 = tpu.memref_slice %arg2[%run_scoped3A_148, %select_n3A_147, %dma_wait3A_286, %dma_wait3A_287] : memref<8x128x8x128xf32, #tpu.memory_space<hbm>> -> memref<1x4x8x128xf32, #tpu.memory_space<hbm>>
      %dma_wait3A_289 = tpu.memref_squeeze %dma_wait3A_288 : memref<1x4x8x128xf32, #tpu.memory_space<hbm>> -> memref<4x8x128xf32, #tpu.memory_space<hbm>>
      tpu.wait_dma2 semaphore(%run_scoped3A_255 : memref<!tpu.dma_semaphore, #tpu.memory_space<semaphore_mem>>) src(%dma_wait3A_289 : memref<4x8x128xf32, #tpu.memory_space<hbm>>) dst(%dma_wait3A_285 : memref<4x8x128xf32, #tpu.memory_space<vmem>>)
      tpu.yield
    }) : () -> ()
    %jit3A_150 = arith.constant 128 : i32
    %div3A_151 = arith.divsi %mul3A_2, %jit3A_150 : i32
    %sign3A_152 = arith.constant 0 : i32
    %sign3A_153 = arith.cmpi sgt, %mul3A_2, %sign3A_152 : i32
    %sign3A_154 = arith.extui %sign3A_153 : i1 to i32
    %sign3A_155 = arith.constant 0 : i32
    %sign3A_156 = arith.cmpi slt, %mul3A_2, %sign3A_155 : i32
    %sign3A_157 = arith.extui %sign3A_156 : i1 to i32
    %sign3A_158 = arith.subi %sign3A_154, %sign3A_157 : i32
    %sign3A_159 = arith.constant 0 : i32
    %sign3A_160 = arith.cmpi sgt, %jit3A_150, %sign3A_159 : i32
    %sign3A_161 = arith.extui %sign3A_160 : i1 to i32
    %sign3A_162 = arith.constant 0 : i32
    %sign3A_163 = arith.cmpi slt, %jit3A_150, %sign3A_162 : i32
    %sign3A_164 = arith.extui %sign3A_163 : i1 to i32
    %sign3A_165 = arith.subi %sign3A_161, %sign3A_164 : i32
    %ne3A_166 = arith.cmpi ne, %sign3A_158, %sign3A_165 : i32
    %rem3A_167 = arith.remsi %mul3A_2, %jit3A_150 : i32
    %ne3A_168 = arith.constant 0 : i32
    %ne3A_169 = arith.cmpi ne, %rem3A_167, %ne3A_168 : i32
    %and3A_170 = arith.andi %ne3A_166, %ne3A_169 : i1
    %sub3A_171 = arith.constant 1 : i32
    %sub3A_172 = arith.subi %div3A_151, %sub3A_171 : i32
    %select_n3A_173 = arith.select %and3A_170, %sub3A_172, %div3A_151 : i32
    %run_scoped3A_174 = arith.constant 6 : i32
    %run_scoped3A_175 = arith.constant 6 : i32
    "tpu.region"() ({
      %run_scoped3A_255 = tpu.sem_alloc : memref<!tpu.dma_semaphore, #tpu.memory_space<semaphore_mem>>
      %dma_start3A = arith.constant 0 : i32
      %dma_start3A_256 = arith.constant 0 : i32
      %dma_start3A_257 = arith.constant 0 : i32
      %dma_start3A_258 = tpu.memref_slice %arg5[%run_scoped3A_175, %dma_start3A, %dma_start3A_256, %dma_start3A_257] : memref<8x4x8x128xf32, #tpu.memory_space<vmem>> -> memref<1x4x8x128xf32, #tpu.memory_space<vmem>>
      %dma_start3A_259 = tpu.memref_squeeze %dma_start3A_258 : memref<1x4x8x128xf32, #tpu.memory_space<vmem>> -> memref<4x8x128xf32, #tpu.memory_space<vmem>>
      %dma_start3A_260 = arith.constant 0 : i32
      %dma_start3A_261 = arith.constant 0 : i32
      %dma_start3A_262 = tpu.memref_slice %arg2[%run_scoped3A_174, %select_n3A_173, %dma_start3A_260, %dma_start3A_261] : memref<8x128x8x128xf32, #tpu.memory_space<hbm>> -> memref<1x4x8x128xf32, #tpu.memory_space<hbm>>
      %dma_start3A_263 = tpu.memref_squeeze %dma_start3A_262 : memref<1x4x8x128xf32, #tpu.memory_space<hbm>> -> memref<4x8x128xf32, #tpu.memory_space<hbm>>
      %dma_start3A_264 = arith.constant 0 : i32
      %dma_start3A_265 = arith.constant 0 : i32
      %dma_start3A_266 = arith.constant 0 : i32
      %dma_start3A_267 = tpu.memref_slice %arg5[%run_scoped3A_175, %dma_start3A_264, %dma_start3A_265, %dma_start3A_266] : memref<8x4x8x128xf32, #tpu.memory_space<vmem>> -> memref<1x4x8x128xf32, #tpu.memory_space<vmem>>
      %dma_start3A_268 = tpu.memref_squeeze %dma_start3A_267 : memref<1x4x8x128xf32, #tpu.memory_space<vmem>> -> memref<4x8x128xf32, #tpu.memory_space<vmem>>
      %dma_start3A_269 = arith.constant 0 : i32
      %dma_start3A_270 = arith.constant 0 : i32
      %dma_start3A_271 = tpu.memref_slice %arg2[%run_scoped3A_174, %select_n3A_173, %dma_start3A_269, %dma_start3A_270] : memref<8x128x8x128xf32, #tpu.memory_space<hbm>> -> memref<1x4x8x128xf32, #tpu.memory_space<hbm>>
      %dma_start3A_272 = tpu.memref_squeeze %dma_start3A_271 : memref<1x4x8x128xf32, #tpu.memory_space<hbm>> -> memref<4x8x128xf32, #tpu.memory_space<hbm>>
      tpu.enqueue_dma source(%dma_start3A_272 : memref<4x8x128xf32, #tpu.memory_space<hbm>>) target(%dma_start3A_268 : memref<4x8x128xf32, #tpu.memory_space<vmem>>) target_semaphore(%run_scoped3A_255 : memref<!tpu.dma_semaphore, #tpu.memory_space<semaphore_mem>>)
      %dma_wait3A = arith.constant 0 : i32
      %dma_wait3A_273 = arith.constant 0 : i32
      %dma_wait3A_274 = arith.constant 0 : i32
      %dma_wait3A_275 = tpu.memref_slice %arg5[%run_scoped3A_175, %dma_wait3A, %dma_wait3A_273, %dma_wait3A_274] : memref<8x4x8x128xf32, #tpu.memory_space<vmem>> -> memref<1x4x8x128xf32, #tpu.memory_space<vmem>>
      %dma_wait3A_276 = tpu.memref_squeeze %dma_wait3A_275 : memref<1x4x8x128xf32, #tpu.memory_space<vmem>> -> memref<4x8x128xf32, #tpu.memory_space<vmem>>
      %dma_wait3A_277 = arith.constant 0 : i32
      %dma_wait3A_278 = arith.constant 0 : i32
      %dma_wait3A_279 = tpu.memref_slice %arg2[%run_scoped3A_174, %select_n3A_173, %dma_wait3A_277, %dma_wait3A_278] : memref<8x128x8x128xf32, #tpu.memory_space<hbm>> -> memref<1x4x8x128xf32, #tpu.memory_space<hbm>>
      %dma_wait3A_280 = tpu.memref_squeeze %dma_wait3A_279 : memref<1x4x8x128xf32, #tpu.memory_space<hbm>> -> memref<4x8x128xf32, #tpu.memory_space<hbm>>
      %dma_wait3A_281 = arith.constant 0 : i32
      %dma_wait3A_282 = arith.constant 0 : i32
      %dma_wait3A_283 = arith.constant 0 : i32
      %dma_wait3A_284 = tpu.memref_slice %arg5[%run_scoped3A_175, %dma_wait3A_281, %dma_wait3A_282, %dma_wait3A_283] : memref<8x4x8x128xf32, #tpu.memory_space<vmem>> -> memref<1x4x8x128xf32, #tpu.memory_space<vmem>>
      %dma_wait3A_285 = tpu.memref_squeeze %dma_wait3A_284 : memref<1x4x8x128xf32, #tpu.memory_space<vmem>> -> memref<4x8x128xf32, #tpu.memory_space<vmem>>
      %dma_wait3A_286 = arith.constant 0 : i32
      %dma_wait3A_287 = arith.constant 0 : i32
      %dma_wait3A_288 = tpu.memref_slice %arg2[%run_scoped3A_174, %select_n3A_173, %dma_wait3A_286, %dma_wait3A_287] : memref<8x128x8x128xf32, #tpu.memory_space<hbm>> -> memref<1x4x8x128xf32, #tpu.memory_space<hbm>>
      %dma_wait3A_289 = tpu.memref_squeeze %dma_wait3A_288 : memref<1x4x8x128xf32, #tpu.memory_space<hbm>> -> memref<4x8x128xf32, #tpu.memory_space<hbm>>
      tpu.wait_dma2 semaphore(%run_scoped3A_255 : memref<!tpu.dma_semaphore, #tpu.memory_space<semaphore_mem>>) src(%dma_wait3A_289 : memref<4x8x128xf32, #tpu.memory_space<hbm>>) dst(%dma_wait3A_285 : memref<4x8x128xf32, #tpu.memory_space<vmem>>)
      tpu.yield
    }) : () -> ()
    %jit3A_176 = arith.constant 128 : i32
    %div3A_177 = arith.divsi %mul3A_2, %jit3A_176 : i32
    %sign3A_178 = arith.constant 0 : i32
    %sign3A_179 = arith.cmpi sgt, %mul3A_2, %sign3A_178 : i32
    %sign3A_180 = arith.extui %sign3A_179 : i1 to i32
    %sign3A_181 = arith.constant 0 : i32
    %sign3A_182 = arith.cmpi slt, %mul3A_2, %sign3A_181 : i32
    %sign3A_183 = arith.extui %sign3A_182 : i1 to i32
    %sign3A_184 = arith.subi %sign3A_180, %sign3A_183 : i32
    %sign3A_185 = arith.constant 0 : i32
    %sign3A_186 = arith.cmpi sgt, %jit3A_176, %sign3A_185 : i32
    %sign3A_187 = arith.extui %sign3A_186 : i1 to i32
    %sign3A_188 = arith.constant 0 : i32
    %sign3A_189 = arith.cmpi slt, %jit3A_176, %sign3A_188 : i32
    %sign3A_190 = arith.extui %sign3A_189 : i1 to i32
    %sign3A_191 = arith.subi %sign3A_187, %sign3A_190 : i32
    %ne3A_192 = arith.cmpi ne, %sign3A_184, %sign3A_191 : i32
    %rem3A_193 = arith.remsi %mul3A_2, %jit3A_176 : i32
    %ne3A_194 = arith.constant 0 : i32
    %ne3A_195 = arith.cmpi ne, %rem3A_193, %ne3A_194 : i32
    %and3A_196 = arith.andi %ne3A_192, %ne3A_195 : i1
    %sub3A_197 = arith.constant 1 : i32
    %sub3A_198 = arith.subi %div3A_177, %sub3A_197 : i32
    %select_n3A_199 = arith.select %and3A_196, %sub3A_198, %div3A_177 : i32
    %run_scoped3A_200 = arith.constant 7 : i32
    %run_scoped3A_201 = arith.constant 7 : i32
    "tpu.region"() ({
      %run_scoped3A_255 = tpu.sem_alloc : memref<!tpu.dma_semaphore, #tpu.memory_space<semaphore_mem>>
      %dma_start3A = arith.constant 0 : i32
      %dma_start3A_256 = arith.constant 0 : i32
      %dma_start3A_257 = arith.constant 0 : i32
      %dma_start3A_258 = tpu.memref_slice %arg5[%run_scoped3A_201, %dma_start3A, %dma_start3A_256, %dma_start3A_257] : memref<8x4x8x128xf32, #tpu.memory_space<vmem>> -> memref<1x4x8x128xf32, #tpu.memory_space<vmem>>
      %dma_start3A_259 = tpu.memref_squeeze %dma_start3A_258 : memref<1x4x8x128xf32, #tpu.memory_space<vmem>> -> memref<4x8x128xf32, #tpu.memory_space<vmem>>
      %dma_start3A_260 = arith.constant 0 : i32
      %dma_start3A_261 = arith.constant 0 : i32
      %dma_start3A_262 = tpu.memref_slice %arg2[%run_scoped3A_200, %select_n3A_199, %dma_start3A_260, %dma_start3A_261] : memref<8x128x8x128xf32, #tpu.memory_space<hbm>> -> memref<1x4x8x128xf32, #tpu.memory_space<hbm>>
      %dma_start3A_263 = tpu.memref_squeeze %dma_start3A_262 : memref<1x4x8x128xf32, #tpu.memory_space<hbm>> -> memref<4x8x128xf32, #tpu.memory_space<hbm>>
      %dma_start3A_264 = arith.constant 0 : i32
      %dma_start3A_265 = arith.constant 0 : i32
      %dma_start3A_266 = arith.constant 0 : i32
      %dma_start3A_267 = tpu.memref_slice %arg5[%run_scoped3A_201, %dma_start3A_264, %dma_start3A_265, %dma_start3A_266] : memref<8x4x8x128xf32, #tpu.memory_space<vmem>> -> memref<1x4x8x128xf32, #tpu.memory_space<vmem>>
      %dma_start3A_268 = tpu.memref_squeeze %dma_start3A_267 : memref<1x4x8x128xf32, #tpu.memory_space<vmem>> -> memref<4x8x128xf32, #tpu.memory_space<vmem>>
      %dma_start3A_269 = arith.constant 0 : i32
      %dma_start3A_270 = arith.constant 0 : i32
      %dma_start3A_271 = tpu.memref_slice %arg2[%run_scoped3A_200, %select_n3A_199, %dma_start3A_269, %dma_start3A_270] : memref<8x128x8x128xf32, #tpu.memory_space<hbm>> -> memref<1x4x8x128xf32, #tpu.memory_space<hbm>>
      %dma_start3A_272 = tpu.memref_squeeze %dma_start3A_271 : memref<1x4x8x128xf32, #tpu.memory_space<hbm>> -> memref<4x8x128xf32, #tpu.memory_space<hbm>>
      tpu.enqueue_dma source(%dma_start3A_272 : memref<4x8x128xf32, #tpu.memory_space<hbm>>) target(%dma_start3A_268 : memref<4x8x128xf32, #tpu.memory_space<vmem>>) target_semaphore(%run_scoped3A_255 : memref<!tpu.dma_semaphore, #tpu.memory_space<semaphore_mem>>)
      %dma_wait3A = arith.constant 0 : i32
      %dma_wait3A_273 = arith.constant 0 : i32
      %dma_wait3A_274 = arith.constant 0 : i32
      %dma_wait3A_275 = tpu.memref_slice %arg5[%run_scoped3A_201, %dma_wait3A, %dma_wait3A_273, %dma_wait3A_274] : memref<8x4x8x128xf32, #tpu.memory_space<vmem>> -> memref<1x4x8x128xf32, #tpu.memory_space<vmem>>
      %dma_wait3A_276 = tpu.memref_squeeze %dma_wait3A_275 : memref<1x4x8x128xf32, #tpu.memory_space<vmem>> -> memref<4x8x128xf32, #tpu.memory_space<vmem>>
      %dma_wait3A_277 = arith.constant 0 : i32
      %dma_wait3A_278 = arith.constant 0 : i32
      %dma_wait3A_279 = tpu.memref_slice %arg2[%run_scoped3A_200, %select_n3A_199, %dma_wait3A_277, %dma_wait3A_278] : memref<8x128x8x128xf32, #tpu.memory_space<hbm>> -> memref<1x4x8x128xf32, #tpu.memory_space<hbm>>
      %dma_wait3A_280 = tpu.memref_squeeze %dma_wait3A_279 : memref<1x4x8x128xf32, #tpu.memory_space<hbm>> -> memref<4x8x128xf32, #tpu.memory_space<hbm>>
      %dma_wait3A_281 = arith.constant 0 : i32
      %dma_wait3A_282 = arith.constant 0 : i32
      %dma_wait3A_283 = arith.constant 0 : i32
      %dma_wait3A_284 = tpu.memref_slice %arg5[%run_scoped3A_201, %dma_wait3A_281, %dma_wait3A_282, %dma_wait3A_283] : memref<8x4x8x128xf32, #tpu.memory_space<vmem>> -> memref<1x4x8x128xf32, #tpu.memory_space<vmem>>
      %dma_wait3A_285 = tpu.memref_squeeze %dma_wait3A_284 : memref<1x4x8x128xf32, #tpu.memory_space<vmem>> -> memref<4x8x128xf32, #tpu.memory_space<vmem>>
      %dma_wait3A_286 = arith.constant 0 : i32
      %dma_wait3A_287 = arith.constant 0 : i32
      %dma_wait3A_288 = tpu.memref_slice %arg2[%run_scoped3A_200, %select_n3A_199, %dma_wait3A_286, %dma_wait3A_287] : memref<8x128x8x128xf32, #tpu.memory_space<hbm>> -> memref<1x4x8x128xf32, #tpu.memory_space<hbm>>
      %dma_wait3A_289 = tpu.memref_squeeze %dma_wait3A_288 : memref<1x4x8x128xf32, #tpu.memory_space<hbm>> -> memref<4x8x128xf32, #tpu.memory_space<hbm>>
      tpu.wait_dma2 semaphore(%run_scoped3A_255 : memref<!tpu.dma_semaphore, #tpu.memory_space<semaphore_mem>>) src(%dma_wait3A_289 : memref<4x8x128xf32, #tpu.memory_space<hbm>>) dst(%dma_wait3A_285 : memref<4x8x128xf32, #tpu.memory_space<vmem>>)
      tpu.yield
    }) : () -> ()
    %scan3A = arith.constant 0 : i32
    %scan3A_202 = arith.constant 0 : i32
    %scan3A_203 = arith.constant 32 : i32
    %scan3A_204 = arith.addi %scan3A_202, %scan3A_203 : i32
    %scan3A_205 = arith.constant 1 : i32
    scf.for %scan3A_255 = %scan3A_202 to %scan3A_204 step %scan3A_205  : i32 {
      %jit3A_256 = arith.constant 8 : i32
      %div3A_257 = arith.divsi %scan3A_255, %jit3A_256 : i32
      %sign3A_258 = arith.constant 0 : i32
      %sign3A_259 = arith.cmpi sgt, %scan3A_255, %sign3A_258 : i32
      %sign3A_260 = arith.extui %sign3A_259 : i1 to i32
      %sign3A_261 = arith.constant 0 : i32
      %sign3A_262 = arith.cmpi slt, %scan3A_255, %sign3A_261 : i32
      %sign3A_263 = arith.extui %sign3A_262 : i1 to i32
      %sign3A_264 = arith.subi %sign3A_260, %sign3A_263 : i32
      %sign3A_265 = arith.constant 0 : i32
      %sign3A_266 = arith.cmpi sgt, %jit3A_256, %sign3A_265 : i32
      %sign3A_267 = arith.extui %sign3A_266 : i1 to i32
      %sign3A_268 = arith.constant 0 : i32
      %sign3A_269 = arith.cmpi slt, %jit3A_256, %sign3A_268 : i32
      %sign3A_270 = arith.extui %sign3A_269 : i1 to i32
      %sign3A_271 = arith.subi %sign3A_267, %sign3A_270 : i32
      %ne3A_272 = arith.cmpi ne, %sign3A_264, %sign3A_271 : i32
      %rem3A_273 = arith.remsi %scan3A_255, %jit3A_256 : i32
      %ne3A_274 = arith.constant 0 : i32
      %ne3A_275 = arith.cmpi ne, %rem3A_273, %ne3A_274 : i32
      %and3A_276 = arith.andi %ne3A_272, %ne3A_275 : i1
      %sub3A_277 = arith.constant 1 : i32
      %sub3A_278 = arith.subi %div3A_257, %sub3A_277 : i32
      %select_n3A_279 = arith.select %and3A_276, %sub3A_278, %div3A_257 : i32
      %jit3A_280 = arith.constant 8 : i32
      %eq3A = arith.constant 0 : i32
      %eq3A_281 = arith.cmpi eq, %jit3A_280, %eq3A : i32
      %jit3A_282 = arith.constant 1 : i32
      %select_n3A_283 = arith.select %eq3A_281, %jit3A_282, %jit3A_280 : i32
      %rem3A_284 = arith.remsi %scan3A_255, %select_n3A_283 : i32
      %ne3A_285 = arith.constant 0 : i32
      %ne3A_286 = arith.cmpi ne, %rem3A_284, %ne3A_285 : i32
      %lt3A = arith.constant 0 : i32
      %lt3A_287 = arith.cmpi slt, %rem3A_284, %lt3A : i32
      %lt3A_288 = arith.constant 0 : i32
      %lt3A_289 = arith.cmpi slt, %select_n3A_283, %lt3A_288 : i32
      %ne3A_290 = arith.xori %lt3A_287, %lt3A_289 : i1
      %and3A_291 = arith.andi %ne3A_290, %ne3A_286 : i1
      %add3A_292 = arith.addi %rem3A_284, %select_n3A_283 : i32
      %select_n3A_293 = arith.select %and3A_291, %add3A_292, %rem3A_284 : i32
      %mul3A_294 = arith.constant 16 : i32
      %mul3A_295 = arith.muli %select_n3A_293, %mul3A_294 : i32
      %iota3A = tpu.iota {dimensions = array<i32: 0>} : vector<16xi32>
      %add3A_296 = vector.broadcast %mul3A_295 : i32 to vector<16xi32>
      %add3A_297 = arith.addi %add3A_296, %iota3A : vector<16xi32>
      %broadcast_in_dim3A = arith.constant 0 : i32
      %broadcast_in_dim3A_298 = vector.broadcast %broadcast_in_dim3A : i32 to vector<16xi32>
      %add3A_299 = vector.broadcast %select_n3A_279 : i32 to vector<16xi32>
      %add3A_300 = arith.addi %broadcast_in_dim3A_298, %add3A_299 : vector<16xi32>
      %get3A = arith.constant 0 : i32
      %get3A_301 = arith.constant 0 : i32
      %get3A_302 = arith.index_cast %get3A : i32 to index
      %get3A_303 = arith.index_cast %select_n3A_279 : i32 to index
      %get3A_304 = arith.index_cast %get3A_301 : i32 to index
      %get3A_305 = arith.index_cast %mul3A_295 : i32 to index
      %get3A_306 = tpu.vector_load %arg5[%get3A_302, %get3A_303, %get3A_304, %get3A_305] {strides = array<i32>} : memref<8x4x8x128xf32, #tpu.memory_space<vmem>>, vector<16xf32>,
      %get3A_307 = arith.constant 0 : i32
      %get3A_308 = arith.constant 1 : i32
      %get3A_309 = arith.index_cast %get3A_307 : i32 to index
      %get3A_310 = arith.index_cast %select_n3A_279 : i32 to index
      %get3A_311 = arith.index_cast %get3A_308 : i32 to index
      %get3A_312 = arith.index_cast %mul3A_295 : i32 to index
      %get3A_313 = tpu.vector_load %arg5[%get3A_309, %get3A_310, %get3A_311, %get3A_312] {strides = array<i32>} : memref<8x4x8x128xf32, #tpu.memory_space<vmem>>, vector<16xf32>,
      %get3A_314 = arith.constant 0 : i32
      %get3A_315 = arith.constant 2 : i32
      %get3A_316 = arith.index_cast %get3A_314 : i32 to index
      %get3A_317 = arith.index_cast %select_n3A_279 : i32 to index
      %get3A_318 = arith.index_cast %get3A_315 : i32 to index
      %get3A_319 = arith.index_cast %mul3A_295 : i32 to index
      %get3A_320 = tpu.vector_load %arg5[%get3A_316, %get3A_317, %get3A_318, %get3A_319] {strides = array<i32>} : memref<8x4x8x128xf32, #tpu.memory_space<vmem>>, vector<16xf32>,
      %get3A_321 = arith.constant 0 : i32
      %get3A_322 = arith.constant 3 : i32
      %get3A_323 = arith.index_cast %get3A_321 : i32 to index
      %get3A_324 = arith.index_cast %select_n3A_279 : i32 to index
      %get3A_325 = arith.index_cast %get3A_322 : i32 to index
      %get3A_326 = arith.index_cast %mul3A_295 : i32 to index
      %get3A_327 = tpu.vector_load %arg5[%get3A_323, %get3A_324, %get3A_325, %get3A_326] {strides = array<i32>} : memref<8x4x8x128xf32, #tpu.memory_space<vmem>>, vector<16xf32>,
      %get3A_328 = arith.constant 0 : i32
      %get3A_329 = arith.constant 4 : i32
      %get3A_330 = arith.index_cast %get3A_328 : i32 to index
      %get3A_331 = arith.index_cast %select_n3A_279 : i32 to index
      %get3A_332 = arith.index_cast %get3A_329 : i32 to index
      %get3A_333 = arith.index_cast %mul3A_295 : i32 to index
      %get3A_334 = tpu.vector_load %arg5[%get3A_330, %get3A_331, %get3A_332, %get3A_333] {strides = array<i32>} : memref<8x4x8x128xf32, #tpu.memory_space<vmem>>, vector<16xf32>,
      %get3A_335 = arith.constant 0 : i32
      %get3A_336 = arith.constant 5 : i32
      %get3A_337 = arith.index_cast %get3A_335 : i32 to index
      %get3A_338 = arith.index_cast %select_n3A_279 : i32 to index
      %get3A_339 = arith.index_cast %get3A_336 : i32 to index
      %get3A_340 = arith.index_cast %mul3A_295 : i32 to index
      %get3A_341 = tpu.vector_load %arg5[%get3A_337, %get3A_338, %get3A_339, %get3A_340] {strides = array<i32>} : memref<8x4x8x128xf32, #tpu.memory_space<vmem>>, vector<16xf32>,
      %get3A_342 = arith.constant 0 : i32
      %get3A_343 = arith.constant 6 : i32
      %get3A_344 = arith.index_cast %get3A_342 : i32 to index
      %get3A_345 = arith.index_cast %select_n3A_279 : i32 to index
      %get3A_346 = arith.index_cast %get3A_343 : i32 to index
      %get3A_347 = arith.index_cast %mul3A_295 : i32 to index
      %get3A_348 = tpu.vector_load %arg5[%get3A_344, %get3A_345, %get3A_346, %get3A_347] {strides = array<i32>} : memref<8x4x8x128xf32, #tpu.memory_space<vmem>>, vector<16xf32>,
      %get3A_349 = arith.constant 0 : i32
      %get3A_350 = arith.constant 7 : i32
      %get3A_351 = arith.index_cast %get3A_349 : i32 to index
      %get3A_352 = arith.index_cast %select_n3A_279 : i32 to index
      %get3A_353 = arith.index_cast %get3A_350 : i32 to index
      %get3A_354 = arith.index_cast %mul3A_295 : i32 to index
      %get3A_355 = tpu.vector_load %arg5[%get3A_351, %get3A_352, %get3A_353, %get3A_354] {strides = array<i32>} : memref<8x4x8x128xf32, #tpu.memory_space<vmem>>, vector<16xf32>,
      %get3A_356 = arith.constant 1 : i32
      %get3A_357 = arith.constant 0 : i32
      %get3A_358 = arith.index_cast %get3A_356 : i32 to index
      %get3A_359 = arith.index_cast %select_n3A_279 : i32 to index
      %get3A_360 = arith.index_cast %get3A_357 : i32 to index
      %get3A_361 = arith.index_cast %mul3A_295 : i32 to index
      %get3A_362 = tpu.vector_load %arg5[%get3A_358, %get3A_359, %get3A_360, %get3A_361] {strides = array<i32>} : memref<8x4x8x128xf32, #tpu.memory_space<vmem>>, vector<16xf32>,
      %get3A_363 = arith.constant 1 : i32
      %get3A_364 = arith.constant 1 : i32
      %get3A_365 = arith.index_cast %get3A_363 : i32 to index
      %get3A_366 = arith.index_cast %select_n3A_279 : i32 to index
      %get3A_367 = arith.index_cast %get3A_364 : i32 to index
      %get3A_368 = arith.index_cast %mul3A_295 : i32 to index
      %get3A_369 = tpu.vector_load %arg5[%get3A_365, %get3A_366, %get3A_367, %get3A_368] {strides = array<i32>} : memref<8x4x8x128xf32, #tpu.memory_space<vmem>>, vector<16xf32>,
      %get3A_370 = arith.constant 1 : i32
      %get3A_371 = arith.constant 2 : i32
      %get3A_372 = arith.index_cast %get3A_370 : i32 to index
      %get3A_373 = arith.index_cast %select_n3A_279 : i32 to index
      %get3A_374 = arith.index_cast %get3A_371 : i32 to index
      %get3A_375 = arith.index_cast %mul3A_295 : i32 to index
      %get3A_376 = tpu.vector_load %arg5[%get3A_372, %get3A_373, %get3A_374, %get3A_375] {strides = array<i32>} : memref<8x4x8x128xf32, #tpu.memory_space<vmem>>, vector<16xf32>,
      %get3A_377 = arith.constant 1 : i32
      %get3A_378 = arith.constant 3 : i32
      %get3A_379 = arith.index_cast %get3A_377 : i32 to index
      %get3A_380 = arith.index_cast %select_n3A_279 : i32 to index
      %get3A_381 = arith.index_cast %get3A_378 : i32 to index
      %get3A_382 = arith.index_cast %mul3A_295 : i32 to index
      %get3A_383 = tpu.vector_load %arg5[%get3A_379, %get3A_380, %get3A_381, %get3A_382] {strides = array<i32>} : memref<8x4x8x128xf32, #tpu.memory_space<vmem>>, vector<16xf32>,
      %get3A_384 = arith.constant 1 : i32
      %get3A_385 = arith.constant 4 : i32
      %get3A_386 = arith.index_cast %get3A_384 : i32 to index
      %get3A_387 = arith.index_cast %select_n3A_279 : i32 to index
      %get3A_388 = arith.index_cast %get3A_385 : i32 to index
      %get3A_389 = arith.index_cast %mul3A_295 : i32 to index
      %get3A_390 = tpu.vector_load %arg5[%get3A_386, %get3A_387, %get3A_388, %get3A_389] {strides = array<i32>} : memref<8x4x8x128xf32, #tpu.memory_space<vmem>>, vector<16xf32>,
      %get3A_391 = arith.constant 1 : i32
      %get3A_392 = arith.constant 5 : i32
      %get3A_393 = arith.index_cast %get3A_391 : i32 to index
      %get3A_394 = arith.index_cast %select_n3A_279 : i32 to index
      %get3A_395 = arith.index_cast %get3A_392 : i32 to index
      %get3A_396 = arith.index_cast %mul3A_295 : i32 to index
      %get3A_397 = tpu.vector_load %arg5[%get3A_393, %get3A_394, %get3A_395, %get3A_396] {strides = array<i32>} : memref<8x4x8x128xf32, #tpu.memory_space<vmem>>, vector<16xf32>,
      %get3A_398 = arith.constant 1 : i32
      %get3A_399 = arith.constant 6 : i32
      %get3A_400 = arith.index_cast %get3A_398 : i32 to index
      %get3A_401 = arith.index_cast %select_n3A_279 : i32 to index
      %get3A_402 = arith.index_cast %get3A_399 : i32 to index
      %get3A_403 = arith.index_cast %mul3A_295 : i32 to index
      %get3A_404 = tpu.vector_load %arg5[%get3A_400, %get3A_401, %get3A_402, %get3A_403] {strides = array<i32>} : memref<8x4x8x128xf32, #tpu.memory_space<vmem>>, vector<16xf32>,
      %get3A_405 = arith.constant 1 : i32
      %get3A_406 = arith.constant 7 : i32
      %get3A_407 = arith.index_cast %get3A_405 : i32 to index
      %get3A_408 = arith.index_cast %select_n3A_279 : i32 to index
      %get3A_409 = arith.index_cast %get3A_406 : i32 to index
      %get3A_410 = arith.index_cast %mul3A_295 : i32 to index
      %get3A_411 = tpu.vector_load %arg5[%get3A_407, %get3A_408, %get3A_409, %get3A_410] {strides = array<i32>} : memref<8x4x8x128xf32, #tpu.memory_space<vmem>>, vector<16xf32>,
      %get3A_412 = arith.constant 2 : i32
      %get3A_413 = arith.constant 0 : i32
      %get3A_414 = arith.index_cast %get3A_412 : i32 to index
      %get3A_415 = arith.index_cast %select_n3A_279 : i32 to index
      %get3A_416 = arith.index_cast %get3A_413 : i32 to index
      %get3A_417 = arith.index_cast %mul3A_295 : i32 to index
      %get3A_418 = tpu.vector_load %arg5[%get3A_414, %get3A_415, %get3A_416, %get3A_417] {strides = array<i32>} : memref<8x4x8x128xf32, #tpu.memory_space<vmem>>, vector<16xf32>,
      %get3A_419 = arith.constant 2 : i32
      %get3A_420 = arith.constant 1 : i32
      %get3A_421 = arith.index_cast %get3A_419 : i32 to index
      %get3A_422 = arith.index_cast %select_n3A_279 : i32 to index
      %get3A_423 = arith.index_cast %get3A_420 : i32 to index
      %get3A_424 = arith.index_cast %mul3A_295 : i32 to index
      %get3A_425 = tpu.vector_load %arg5[%get3A_421, %get3A_422, %get3A_423, %get3A_424] {strides = array<i32>} : memref<8x4x8x128xf32, #tpu.memory_space<vmem>>, vector<16xf32>,
      %get3A_426 = arith.constant 2 : i32
      %get3A_427 = arith.constant 2 : i32
      %get3A_428 = arith.index_cast %get3A_426 : i32 to index
      %get3A_429 = arith.index_cast %select_n3A_279 : i32 to index
      %get3A_430 = arith.index_cast %get3A_427 : i32 to index
      %get3A_431 = arith.index_cast %mul3A_295 : i32 to index
      %get3A_432 = tpu.vector_load %arg5[%get3A_428, %get3A_429, %get3A_430, %get3A_431] {strides = array<i32>} : memref<8x4x8x128xf32, #tpu.memory_space<vmem>>, vector<16xf32>,
      %get3A_433 = arith.constant 2 : i32
      %get3A_434 = arith.constant 3 : i32
      %get3A_435 = arith.index_cast %get3A_433 : i32 to index
      %get3A_436 = arith.index_cast %select_n3A_279 : i32 to index
      %get3A_437 = arith.index_cast %get3A_434 : i32 to index
      %get3A_438 = arith.index_cast %mul3A_295 : i32 to index
      %get3A_439 = tpu.vector_load %arg5[%get3A_435, %get3A_436, %get3A_437, %get3A_438] {strides = array<i32>} : memref<8x4x8x128xf32, #tpu.memory_space<vmem>>, vector<16xf32>,
      %get3A_440 = arith.constant 2 : i32
      %get3A_441 = arith.constant 4 : i32
      %get3A_442 = arith.index_cast %get3A_440 : i32 to index
      %get3A_443 = arith.index_cast %select_n3A_279 : i32 to index
      %get3A_444 = arith.index_cast %get3A_441 : i32 to index
      %get3A_445 = arith.index_cast %mul3A_295 : i32 to index
      %get3A_446 = tpu.vector_load %arg5[%get3A_442, %get3A_443, %get3A_444, %get3A_445] {strides = array<i32>} : memref<8x4x8x128xf32, #tpu.memory_space<vmem>>, vector<16xf32>,
      %get3A_447 = arith.constant 2 : i32
      %get3A_448 = arith.constant 5 : i32
      %get3A_449 = arith.index_cast %get3A_447 : i32 to index
      %get3A_450 = arith.index_cast %select_n3A_279 : i32 to index
      %get3A_451 = arith.index_cast %get3A_448 : i32 to index
      %get3A_452 = arith.index_cast %mul3A_295 : i32 to index
      %get3A_453 = tpu.vector_load %arg5[%get3A_449, %get3A_450, %get3A_451, %get3A_452] {strides = array<i32>} : memref<8x4x8x128xf32, #tpu.memory_space<vmem>>, vector<16xf32>,
      %get3A_454 = arith.constant 2 : i32
      %get3A_455 = arith.constant 6 : i32
      %get3A_456 = arith.index_cast %get3A_454 : i32 to index
      %get3A_457 = arith.index_cast %select_n3A_279 : i32 to index
      %get3A_458 = arith.index_cast %get3A_455 : i32 to index
      %get3A_459 = arith.index_cast %mul3A_295 : i32 to index
      %get3A_460 = tpu.vector_load %arg5[%get3A_456, %get3A_457, %get3A_458, %get3A_459] {strides = array<i32>} : memref<8x4x8x128xf32, #tpu.memory_space<vmem>>, vector<16xf32>,
      %get3A_461 = arith.constant 2 : i32
      %get3A_462 = arith.constant 7 : i32
      %get3A_463 = arith.index_cast %get3A_461 : i32 to index
      %get3A_464 = arith.index_cast %select_n3A_279 : i32 to index
      %get3A_465 = arith.index_cast %get3A_462 : i32 to index
      %get3A_466 = arith.index_cast %mul3A_295 : i32 to index
      %get3A_467 = tpu.vector_load %arg5[%get3A_463, %get3A_464, %get3A_465, %get3A_466] {strides = array<i32>} : memref<8x4x8x128xf32, #tpu.memory_space<vmem>>, vector<16xf32>,
      %get3A_468 = arith.constant 3 : i32
      %get3A_469 = arith.constant 0 : i32
      %get3A_470 = arith.index_cast %get3A_468 : i32 to index
      %get3A_471 = arith.index_cast %select_n3A_279 : i32 to index
      %get3A_472 = arith.index_cast %get3A_469 : i32 to index
      %get3A_473 = arith.index_cast %mul3A_295 : i32 to index
      %get3A_474 = tpu.vector_load %arg5[%get3A_470, %get3A_471, %get3A_472, %get3A_473] {strides = array<i32>} : memref<8x4x8x128xf32, #tpu.memory_space<vmem>>, vector<16xf32>,
      %get3A_475 = arith.constant 3 : i32
      %get3A_476 = arith.constant 1 : i32
      %get3A_477 = arith.index_cast %get3A_475 : i32 to index
      %get3A_478 = arith.index_cast %select_n3A_279 : i32 to index
      %get3A_479 = arith.index_cast %get3A_476 : i32 to index
      %get3A_480 = arith.index_cast %mul3A_295 : i32 to index
      %get3A_481 = tpu.vector_load %arg5[%get3A_477, %get3A_478, %get3A_479, %get3A_480] {strides = array<i32>} : memref<8x4x8x128xf32, #tpu.memory_space<vmem>>, vector<16xf32>,
      %get3A_482 = arith.constant 3 : i32
      %get3A_483 = arith.constant 2 : i32
      %get3A_484 = arith.index_cast %get3A_482 : i32 to index
      %get3A_485 = arith.index_cast %select_n3A_279 : i32 to index
      %get3A_486 = arith.index_cast %get3A_483 : i32 to index
      %get3A_487 = arith.index_cast %mul3A_295 : i32 to index
      %get3A_488 = tpu.vector_load %arg5[%get3A_484, %get3A_485, %get3A_486, %get3A_487] {strides = array<i32>} : memref<8x4x8x128xf32, #tpu.memory_space<vmem>>, vector<16xf32>,
      %get3A_489 = arith.constant 3 : i32
      %get3A_490 = arith.constant 3 : i32
      %get3A_491 = arith.index_cast %get3A_489 : i32 to index
      %get3A_492 = arith.index_cast %select_n3A_279 : i32 to index
      %get3A_493 = arith.index_cast %get3A_490 : i32 to index
      %get3A_494 = arith.index_cast %mul3A_295 : i32 to index
      %get3A_495 = tpu.vector_load %arg5[%get3A_491, %get3A_492, %get3A_493, %get3A_494] {strides = array<i32>} : memref<8x4x8x128xf32, #tpu.memory_space<vmem>>, vector<16xf32>,
      %get3A_496 = arith.constant 3 : i32
      %get3A_497 = arith.constant 4 : i32
      %get3A_498 = arith.index_cast %get3A_496 : i32 to index
      %get3A_499 = arith.index_cast %select_n3A_279 : i32 to index
      %get3A_500 = arith.index_cast %get3A_497 : i32 to index
      %get3A_501 = arith.index_cast %mul3A_295 : i32 to index
      %get3A_502 = tpu.vector_load %arg5[%get3A_498, %get3A_499, %get3A_500, %get3A_501] {strides = array<i32>} : memref<8x4x8x128xf32, #tpu.memory_space<vmem>>, vector<16xf32>,
      %get3A_503 = arith.constant 3 : i32
      %get3A_504 = arith.constant 5 : i32
      %get3A_505 = arith.index_cast %get3A_503 : i32 to index
      %get3A_506 = arith.index_cast %select_n3A_279 : i32 to index
      %get3A_507 = arith.index_cast %get3A_504 : i32 to index
      %get3A_508 = arith.index_cast %mul3A_295 : i32 to index
      %get3A_509 = tpu.vector_load %arg5[%get3A_505, %get3A_506, %get3A_507, %get3A_508] {strides = array<i32>} : memref<8x4x8x128xf32, #tpu.memory_space<vmem>>, vector<16xf32>,
      %get3A_510 = arith.constant 3 : i32
      %get3A_511 = arith.constant 6 : i32
      %get3A_512 = arith.index_cast %get3A_510 : i32 to index
      %get3A_513 = arith.index_cast %select_n3A_279 : i32 to index
      %get3A_514 = arith.index_cast %get3A_511 : i32 to index
      %get3A_515 = arith.index_cast %mul3A_295 : i32 to index
      %get3A_516 = tpu.vector_load %arg5[%get3A_512, %get3A_513, %get3A_514, %get3A_515] {strides = array<i32>} : memref<8x4x8x128xf32, #tpu.memory_space<vmem>>, vector<16xf32>,
      %get3A_517 = arith.constant 3 : i32
      %get3A_518 = arith.constant 7 : i32
      %get3A_519 = arith.index_cast %get3A_517 : i32 to index
      %get3A_520 = arith.index_cast %select_n3A_279 : i32 to index
      %get3A_521 = arith.index_cast %get3A_518 : i32 to index
      %get3A_522 = arith.index_cast %mul3A_295 : i32 to index
      %get3A_523 = tpu.vector_load %arg5[%get3A_519, %get3A_520, %get3A_521, %get3A_522] {strides = array<i32>} : memref<8x4x8x128xf32, #tpu.memory_space<vmem>>, vector<16xf32>,
      %get3A_524 = arith.constant 4 : i32
      %get3A_525 = arith.constant 0 : i32
      %get3A_526 = arith.index_cast %get3A_524 : i32 to index
      %get3A_527 = arith.index_cast %select_n3A_279 : i32 to index
      %get3A_528 = arith.index_cast %get3A_525 : i32 to index
      %get3A_529 = arith.index_cast %mul3A_295 : i32 to index
      %get3A_530 = tpu.vector_load %arg5[%get3A_526, %get3A_527, %get3A_528, %get3A_529] {strides = array<i32>} : memref<8x4x8x128xf32, #tpu.memory_space<vmem>>, vector<16xf32>,
      %get3A_531 = arith.constant 4 : i32
      %get3A_532 = arith.constant 1 : i32
      %get3A_533 = arith.index_cast %get3A_531 : i32 to index
      %get3A_534 = arith.index_cast %select_n3A_279 : i32 to index
      %get3A_535 = arith.index_cast %get3A_532 : i32 to index
      %get3A_536 = arith.index_cast %mul3A_295 : i32 to index
      %get3A_537 = tpu.vector_load %arg5[%get3A_533, %get3A_534, %get3A_535, %get3A_536] {strides = array<i32>} : memref<8x4x8x128xf32, #tpu.memory_space<vmem>>, vector<16xf32>,
      %get3A_538 = arith.constant 4 : i32
      %get3A_539 = arith.constant 2 : i32
      %get3A_540 = arith.index_cast %get3A_538 : i32 to index
      %get3A_541 = arith.index_cast %select_n3A_279 : i32 to index
      %get3A_542 = arith.index_cast %get3A_539 : i32 to index
      %get3A_543 = arith.index_cast %mul3A_295 : i32 to index
      %get3A_544 = tpu.vector_load %arg5[%get3A_540, %get3A_541, %get3A_542, %get3A_543] {strides = array<i32>} : memref<8x4x8x128xf32, #tpu.memory_space<vmem>>, vector<16xf32>,
      %get3A_545 = arith.constant 4 : i32
      %get3A_546 = arith.constant 3 : i32
      %get3A_547 = arith.index_cast %get3A_545 : i32 to index
      %get3A_548 = arith.index_cast %select_n3A_279 : i32 to index
      %get3A_549 = arith.index_cast %get3A_546 : i32 to index
      %get3A_550 = arith.index_cast %mul3A_295 : i32 to index
      %get3A_551 = tpu.vector_load %arg5[%get3A_547, %get3A_548, %get3A_549, %get3A_550] {strides = array<i32>} : memref<8x4x8x128xf32, #tpu.memory_space<vmem>>, vector<16xf32>,
      %get3A_552 = arith.constant 4 : i32
      %get3A_553 = arith.constant 4 : i32
      %get3A_554 = arith.index_cast %get3A_552 : i32 to index
      %get3A_555 = arith.index_cast %select_n3A_279 : i32 to index
      %get3A_556 = arith.index_cast %get3A_553 : i32 to index
      %get3A_557 = arith.index_cast %mul3A_295 : i32 to index
      %get3A_558 = tpu.vector_load %arg5[%get3A_554, %get3A_555, %get3A_556, %get3A_557] {strides = array<i32>} : memref<8x4x8x128xf32, #tpu.memory_space<vmem>>, vector<16xf32>,
      %get3A_559 = arith.constant 4 : i32
      %get3A_560 = arith.constant 5 : i32
      %get3A_561 = arith.index_cast %get3A_559 : i32 to index
      %get3A_562 = arith.index_cast %select_n3A_279 : i32 to index
      %get3A_563 = arith.index_cast %get3A_560 : i32 to index
      %get3A_564 = arith.index_cast %mul3A_295 : i32 to index
      %get3A_565 = tpu.vector_load %arg5[%get3A_561, %get3A_562, %get3A_563, %get3A_564] {strides = array<i32>} : memref<8x4x8x128xf32, #tpu.memory_space<vmem>>, vector<16xf32>,
      %get3A_566 = arith.constant 4 : i32
      %get3A_567 = arith.constant 6 : i32
      %get3A_568 = arith.index_cast %get3A_566 : i32 to index
      %get3A_569 = arith.index_cast %select_n3A_279 : i32 to index
      %get3A_570 = arith.index_cast %get3A_567 : i32 to index
      %get3A_571 = arith.index_cast %mul3A_295 : i32 to index
      %get3A_572 = tpu.vector_load %arg5[%get3A_568, %get3A_569, %get3A_570, %get3A_571] {strides = array<i32>} : memref<8x4x8x128xf32, #tpu.memory_space<vmem>>, vector<16xf32>,
      %get3A_573 = arith.constant 4 : i32
      %get3A_574 = arith.constant 7 : i32
      %get3A_575 = arith.index_cast %get3A_573 : i32 to index
      %get3A_576 = arith.index_cast %select_n3A_279 : i32 to index
      %get3A_577 = arith.index_cast %get3A_574 : i32 to index
      %get3A_578 = arith.index_cast %mul3A_295 : i32 to index
      %get3A_579 = tpu.vector_load %arg5[%get3A_575, %get3A_576, %get3A_577, %get3A_578] {strides = array<i32>} : memref<8x4x8x128xf32, #tpu.memory_space<vmem>>, vector<16xf32>,
      %get3A_580 = arith.constant 5 : i32
      %get3A_581 = arith.constant 0 : i32
      %get3A_582 = arith.index_cast %get3A_580 : i32 to index
      %get3A_583 = arith.index_cast %select_n3A_279 : i32 to index
      %get3A_584 = arith.index_cast %get3A_581 : i32 to index
      %get3A_585 = arith.index_cast %mul3A_295 : i32 to index
      %get3A_586 = tpu.vector_load %arg5[%get3A_582, %get3A_583, %get3A_584, %get3A_585] {strides = array<i32>} : memref<8x4x8x128xf32, #tpu.memory_space<vmem>>, vector<16xf32>,
      %get3A_587 = arith.constant 5 : i32
      %get3A_588 = arith.constant 1 : i32
      %get3A_589 = arith.index_cast %get3A_587 : i32 to index
      %get3A_590 = arith.index_cast %select_n3A_279 : i32 to index
      %get3A_591 = arith.index_cast %get3A_588 : i32 to index
      %get3A_592 = arith.index_cast %mul3A_295 : i32 to index
      %get3A_593 = tpu.vector_load %arg5[%get3A_589, %get3A_590, %get3A_591, %get3A_592] {strides = array<i32>} : memref<8x4x8x128xf32, #tpu.memory_space<vmem>>, vector<16xf32>,
      %get3A_594 = arith.constant 5 : i32
      %get3A_595 = arith.constant 2 : i32
      %get3A_596 = arith.index_cast %get3A_594 : i32 to index
      %get3A_597 = arith.index_cast %select_n3A_279 : i32 to index
      %get3A_598 = arith.index_cast %get3A_595 : i32 to index
      %get3A_599 = arith.index_cast %mul3A_295 : i32 to index
      %get3A_600 = tpu.vector_load %arg5[%get3A_596, %get3A_597, %get3A_598, %get3A_599] {strides = array<i32>} : memref<8x4x8x128xf32, #tpu.memory_space<vmem>>, vector<16xf32>,
      %get3A_601 = arith.constant 5 : i32
      %get3A_602 = arith.constant 3 : i32
      %get3A_603 = arith.index_cast %get3A_601 : i32 to index
      %get3A_604 = arith.index_cast %select_n3A_279 : i32 to index
      %get3A_605 = arith.index_cast %get3A_602 : i32 to index
      %get3A_606 = arith.index_cast %mul3A_295 : i32 to index
      %get3A_607 = tpu.vector_load %arg5[%get3A_603, %get3A_604, %get3A_605, %get3A_606] {strides = array<i32>} : memref<8x4x8x128xf32, #tpu.memory_space<vmem>>, vector<16xf32>,
      %get3A_608 = arith.constant 5 : i32
      %get3A_609 = arith.constant 4 : i32
      %get3A_610 = arith.index_cast %get3A_608 : i32 to index
      %get3A_611 = arith.index_cast %select_n3A_279 : i32 to index
      %get3A_612 = arith.index_cast %get3A_609 : i32 to index
      %get3A_613 = arith.index_cast %mul3A_295 : i32 to index
      %get3A_614 = tpu.vector_load %arg5[%get3A_610, %get3A_611, %get3A_612, %get3A_613] {strides = array<i32>} : memref<8x4x8x128xf32, #tpu.memory_space<vmem>>, vector<16xf32>,
      %get3A_615 = arith.constant 5 : i32
      %get3A_616 = arith.constant 5 : i32
      %get3A_617 = arith.index_cast %get3A_615 : i32 to index
      %get3A_618 = arith.index_cast %select_n3A_279 : i32 to index
      %get3A_619 = arith.index_cast %get3A_616 : i32 to index
      %get3A_620 = arith.index_cast %mul3A_295 : i32 to index
      %get3A_621 = tpu.vector_load %arg5[%get3A_617, %get3A_618, %get3A_619, %get3A_620] {strides = array<i32>} : memref<8x4x8x128xf32, #tpu.memory_space<vmem>>, vector<16xf32>,
      %get3A_622 = arith.constant 5 : i32
      %get3A_623 = arith.constant 6 : i32
      %get3A_624 = arith.index_cast %get3A_622 : i32 to index
      %get3A_625 = arith.index_cast %select_n3A_279 : i32 to index
      %get3A_626 = arith.index_cast %get3A_623 : i32 to index
      %get3A_627 = arith.index_cast %mul3A_295 : i32 to index
      %get3A_628 = tpu.vector_load %arg5[%get3A_624, %get3A_625, %get3A_626, %get3A_627] {strides = array<i32>} : memref<8x4x8x128xf32, #tpu.memory_space<vmem>>, vector<16xf32>,
      %get3A_629 = arith.constant 5 : i32
      %get3A_630 = arith.constant 7 : i32
      %get3A_631 = arith.index_cast %get3A_629 : i32 to index
      %get3A_632 = arith.index_cast %select_n3A_279 : i32 to index
      %get3A_633 = arith.index_cast %get3A_630 : i32 to index
      %get3A_634 = arith.index_cast %mul3A_295 : i32 to index
      %get3A_635 = tpu.vector_load %arg5[%get3A_631, %get3A_632, %get3A_633, %get3A_634] {strides = array<i32>} : memref<8x4x8x128xf32, #tpu.memory_space<vmem>>, vector<16xf32>,
      %get3A_636 = arith.constant 6 : i32
      %get3A_637 = arith.constant 0 : i32
      %get3A_638 = arith.index_cast %get3A_636 : i32 to index
      %get3A_639 = arith.index_cast %select_n3A_279 : i32 to index
      %get3A_640 = arith.index_cast %get3A_637 : i32 to index
      %get3A_641 = arith.index_cast %mul3A_295 : i32 to index
      %get3A_642 = tpu.vector_load %arg5[%get3A_638, %get3A_639, %get3A_640, %get3A_641] {strides = array<i32>} : memref<8x4x8x128xf32, #tpu.memory_space<vmem>>, vector<16xf32>,
      %get3A_643 = arith.constant 6 : i32
      %get3A_644 = arith.constant 1 : i32
      %get3A_645 = arith.index_cast %get3A_643 : i32 to index
      %get3A_646 = arith.index_cast %select_n3A_279 : i32 to index
      %get3A_647 = arith.index_cast %get3A_644 : i32 to index
      %get3A_648 = arith.index_cast %mul3A_295 : i32 to index
      %get3A_649 = tpu.vector_load %arg5[%get3A_645, %get3A_646, %get3A_647, %get3A_648] {strides = array<i32>} : memref<8x4x8x128xf32, #tpu.memory_space<vmem>>, vector<16xf32>,
      %get3A_650 = arith.constant 6 : i32
      %get3A_651 = arith.constant 2 : i32
      %get3A_652 = arith.index_cast %get3A_650 : i32 to index
      %get3A_653 = arith.index_cast %select_n3A_279 : i32 to index
      %get3A_654 = arith.index_cast %get3A_651 : i32 to index
      %get3A_655 = arith.index_cast %mul3A_295 : i32 to index
      %get3A_656 = tpu.vector_load %arg5[%get3A_652, %get3A_653, %get3A_654, %get3A_655] {strides = array<i32>} : memref<8x4x8x128xf32, #tpu.memory_space<vmem>>, vector<16xf32>,
      %get3A_657 = arith.constant 6 : i32
      %get3A_658 = arith.constant 3 : i32
      %get3A_659 = arith.index_cast %get3A_657 : i32 to index
      %get3A_660 = arith.index_cast %select_n3A_279 : i32 to index
      %get3A_661 = arith.index_cast %get3A_658 : i32 to index
      %get3A_662 = arith.index_cast %mul3A_295 : i32 to index
      %get3A_663 = tpu.vector_load %arg5[%get3A_659, %get3A_660, %get3A_661, %get3A_662] {strides = array<i32>} : memref<8x4x8x128xf32, #tpu.memory_space<vmem>>, vector<16xf32>,
      %get3A_664 = arith.constant 6 : i32
      %get3A_665 = arith.constant 4 : i32
      %get3A_666 = arith.index_cast %get3A_664 : i32 to index
      %get3A_667 = arith.index_cast %select_n3A_279 : i32 to index
      %get3A_668 = arith.index_cast %get3A_665 : i32 to index
      %get3A_669 = arith.index_cast %mul3A_295 : i32 to index
      %get3A_670 = tpu.vector_load %arg5[%get3A_666, %get3A_667, %get3A_668, %get3A_669] {strides = array<i32>} : memref<8x4x8x128xf32, #tpu.memory_space<vmem>>, vector<16xf32>,
      %get3A_671 = arith.constant 6 : i32
      %get3A_672 = arith.constant 5 : i32
      %get3A_673 = arith.index_cast %get3A_671 : i32 to index
      %get3A_674 = arith.index_cast %select_n3A_279 : i32 to index
      %get3A_675 = arith.index_cast %get3A_672 : i32 to index
      %get3A_676 = arith.index_cast %mul3A_295 : i32 to index
      %get3A_677 = tpu.vector_load %arg5[%get3A_673, %get3A_674, %get3A_675, %get3A_676] {strides = array<i32>} : memref<8x4x8x128xf32, #tpu.memory_space<vmem>>, vector<16xf32>,
      %get3A_678 = arith.constant 6 : i32
      %get3A_679 = arith.constant 6 : i32
      %get3A_680 = arith.index_cast %get3A_678 : i32 to index
      %get3A_681 = arith.index_cast %select_n3A_279 : i32 to index
      %get3A_682 = arith.index_cast %get3A_679 : i32 to index
      %get3A_683 = arith.index_cast %mul3A_295 : i32 to index
      %get3A_684 = tpu.vector_load %arg5[%get3A_680, %get3A_681, %get3A_682, %get3A_683] {strides = array<i32>} : memref<8x4x8x128xf32, #tpu.memory_space<vmem>>, vector<16xf32>,
      %get3A_685 = arith.constant 6 : i32
      %get3A_686 = arith.constant 7 : i32
      %get3A_687 = arith.index_cast %get3A_685 : i32 to index
      %get3A_688 = arith.index_cast %select_n3A_279 : i32 to index
      %get3A_689 = arith.index_cast %get3A_686 : i32 to index
      %get3A_690 = arith.index_cast %mul3A_295 : i32 to index
      %get3A_691 = tpu.vector_load %arg5[%get3A_687, %get3A_688, %get3A_689, %get3A_690] {strides = array<i32>} : memref<8x4x8x128xf32, #tpu.memory_space<vmem>>, vector<16xf32>,
      %get3A_692 = arith.constant 7 : i32
      %get3A_693 = arith.constant 0 : i32
      %get3A_694 = arith.index_cast %get3A_692 : i32 to index
      %get3A_695 = arith.index_cast %select_n3A_279 : i32 to index
      %get3A_696 = arith.index_cast %get3A_693 : i32 to index
      %get3A_697 = arith.index_cast %mul3A_295 : i32 to index
      %get3A_698 = tpu.vector_load %arg5[%get3A_694, %get3A_695, %get3A_696, %get3A_697] {strides = array<i32>} : memref<8x4x8x128xf32, #tpu.memory_space<vmem>>, vector<16xf32>,
      %get3A_699 = arith.constant 7 : i32
      %get3A_700 = arith.constant 1 : i32
      %get3A_701 = arith.index_cast %get3A_699 : i32 to index
      %get3A_702 = arith.index_cast %select_n3A_279 : i32 to index
      %get3A_703 = arith.index_cast %get3A_700 : i32 to index
      %get3A_704 = arith.index_cast %mul3A_295 : i32 to index
      %get3A_705 = tpu.vector_load %arg5[%get3A_701, %get3A_702, %get3A_703, %get3A_704] {strides = array<i32>} : memref<8x4x8x128xf32, #tpu.memory_space<vmem>>, vector<16xf32>,
      %get3A_706 = arith.constant 7 : i32
      %get3A_707 = arith.constant 2 : i32
      %get3A_708 = arith.index_cast %get3A_706 : i32 to index
      %get3A_709 = arith.index_cast %select_n3A_279 : i32 to index
      %get3A_710 = arith.index_cast %get3A_707 : i32 to index
      %get3A_711 = arith.index_cast %mul3A_295 : i32 to index
      %get3A_712 = tpu.vector_load %arg5[%get3A_708, %get3A_709, %get3A_710, %get3A_711] {strides = array<i32>} : memref<8x4x8x128xf32, #tpu.memory_space<vmem>>, vector<16xf32>,
      %get3A_713 = arith.constant 7 : i32
      %get3A_714 = arith.constant 3 : i32
      %get3A_715 = arith.index_cast %get3A_713 : i32 to index
      %get3A_716 = arith.index_cast %select_n3A_279 : i32 to index
      %get3A_717 = arith.index_cast %get3A_714 : i32 to index
      %get3A_718 = arith.index_cast %mul3A_295 : i32 to index
      %get3A_719 = tpu.vector_load %arg5[%get3A_715, %get3A_716, %get3A_717, %get3A_718] {strides = array<i32>} : memref<8x4x8x128xf32, #tpu.memory_space<vmem>>, vector<16xf32>,
      %get3A_720 = arith.constant 7 : i32
      %get3A_721 = arith.constant 4 : i32
      %get3A_722 = arith.index_cast %get3A_720 : i32 to index
      %get3A_723 = arith.index_cast %select_n3A_279 : i32 to index
      %get3A_724 = arith.index_cast %get3A_721 : i32 to index
      %get3A_725 = arith.index_cast %mul3A_295 : i32 to index
      %get3A_726 = tpu.vector_load %arg5[%get3A_722, %get3A_723, %get3A_724, %get3A_725] {strides = array<i32>} : memref<8x4x8x128xf32, #tpu.memory_space<vmem>>, vector<16xf32>,
      %get3A_727 = arith.constant 7 : i32
      %get3A_728 = arith.constant 5 : i32
      %get3A_729 = arith.index_cast %get3A_727 : i32 to index
      %get3A_730 = arith.index_cast %select_n3A_279 : i32 to index
      %get3A_731 = arith.index_cast %get3A_728 : i32 to index
      %get3A_732 = arith.index_cast %mul3A_295 : i32 to index
      %get3A_733 = tpu.vector_load %arg5[%get3A_729, %get3A_730, %get3A_731, %get3A_732] {strides = array<i32>} : memref<8x4x8x128xf32, #tpu.memory_space<vmem>>, vector<16xf32>,
      %get3A_734 = arith.constant 7 : i32
      %get3A_735 = arith.constant 6 : i32
      %get3A_736 = arith.index_cast %get3A_734 : i32 to index
      %get3A_737 = arith.index_cast %select_n3A_279 : i32 to index
      %get3A_738 = arith.index_cast %get3A_735 : i32 to index
      %get3A_739 = arith.index_cast %mul3A_295 : i32 to index
      %get3A_740 = tpu.vector_load %arg5[%get3A_736, %get3A_737, %get3A_738, %get3A_739] {strides = array<i32>} : memref<8x4x8x128xf32, #tpu.memory_space<vmem>>, vector<16xf32>,
      %get3A_741 = arith.constant 7 : i32
      %get3A_742 = arith.constant 7 : i32
      %get3A_743 = arith.index_cast %get3A_741 : i32 to index
      %get3A_744 = arith.index_cast %select_n3A_279 : i32 to index
      %get3A_745 = arith.index_cast %get3A_742 : i32 to index
      %get3A_746 = arith.index_cast %mul3A_295 : i32 to index
      %get3A_747 = tpu.vector_load %arg5[%get3A_743, %get3A_744, %get3A_745, %get3A_746] {strides = array<i32>} : memref<8x4x8x128xf32, #tpu.memory_space<vmem>>, vector<16xf32>,
      %max3A = arith.maximumf %get3A_306, %get3A_313 : vector<16xf32>
      %max3A_748 = arith.maximumf %get3A_320, %get3A_327 : vector<16xf32>
      %max3A_749 = arith.maximumf %get3A_334, %get3A_341 : vector<16xf32>
      %max3A_750 = arith.maximumf %get3A_348, %get3A_355 : vector<16xf32>
      %max3A_751 = arith.maximumf %max3A, %max3A_748 : vector<16xf32>
      %max3A_752 = arith.maximumf %max3A_749, %max3A_750 : vector<16xf32>
      %max3A_753 = arith.maximumf %max3A_751, %max3A_752 : vector<16xf32>
      %max3A_754 = arith.maximumf %get3A_362, %get3A_369 : vector<16xf32>
      %max3A_755 = arith.maximumf %get3A_376, %get3A_383 : vector<16xf32>
      %max3A_756 = arith.maximumf %get3A_390, %get3A_397 : vector<16xf32>
      %max3A_757 = arith.maximumf %get3A_404, %get3A_411 : vector<16xf32>
      %max3A_758 = arith.maximumf %max3A_754, %max3A_755 : vector<16xf32>
      %max3A_759 = arith.maximumf %max3A_756, %max3A_757 : vector<16xf32>
      %max3A_760 = arith.maximumf %max3A_758, %max3A_759 : vector<16xf32>
      %max3A_761 = arith.maximumf %get3A_418, %get3A_425 : vector<16xf32>
      %max3A_762 = arith.maximumf %get3A_432, %get3A_439 : vector<16xf32>
      %max3A_763 = arith.maximumf %get3A_446, %get3A_453 : vector<16xf32>
      %max3A_764 = arith.maximumf %get3A_460, %get3A_467 : vector<16xf32>
      %max3A_765 = arith.maximumf %max3A_761, %max3A_762 : vector<16xf32>
      %max3A_766 = arith.maximumf %max3A_763, %max3A_764 : vector<16xf32>
      %max3A_767 = arith.maximumf %max3A_765, %max3A_766 : vector<16xf32>
      %max3A_768 = arith.maximumf %get3A_474, %get3A_481 : vector<16xf32>
      %max3A_769 = arith.maximumf %get3A_488, %get3A_495 : vector<16xf32>
      %max3A_770 = arith.maximumf %get3A_502, %get3A_509 : vector<16xf32>
      %max3A_771 = arith.maximumf %get3A_516, %get3A_523 : vector<16xf32>
      %max3A_772 = arith.maximumf %max3A_768, %max3A_769 : vector<16xf32>
      %max3A_773 = arith.maximumf %max3A_770, %max3A_771 : vector<16xf32>
      %max3A_774 = arith.maximumf %max3A_772, %max3A_773 : vector<16xf32>
      %max3A_775 = arith.maximumf %get3A_530, %get3A_537 : vector<16xf32>
      %max3A_776 = arith.maximumf %get3A_544, %get3A_551 : vector<16xf32>
      %max3A_777 = arith.maximumf %get3A_558, %get3A_565 : vector<16xf32>
      %max3A_778 = arith.maximumf %get3A_572, %get3A_579 : vector<16xf32>
      %max3A_779 = arith.maximumf %max3A_775, %max3A_776 : vector<16xf32>
      %max3A_780 = arith.maximumf %max3A_777, %max3A_778 : vector<16xf32>
      %max3A_781 = arith.maximumf %max3A_779, %max3A_780 : vector<16xf32>
      %max3A_782 = arith.maximumf %get3A_586, %get3A_593 : vector<16xf32>
      %max3A_783 = arith.maximumf %get3A_600, %get3A_607 : vector<16xf32>
      %max3A_784 = arith.maximumf %get3A_614, %get3A_621 : vector<16xf32>
      %max3A_785 = arith.maximumf %get3A_628, %get3A_635 : vector<16xf32>
      %max3A_786 = arith.maximumf %max3A_782, %max3A_783 : vector<16xf32>
      %max3A_787 = arith.maximumf %max3A_784, %max3A_785 : vector<16xf32>
      %max3A_788 = arith.maximumf %max3A_786, %max3A_787 : vector<16xf32>
      %max3A_789 = arith.maximumf %get3A_642, %get3A_649 : vector<16xf32>
      %max3A_790 = arith.maximumf %get3A_656, %get3A_663 : vector<16xf32>
      %max3A_791 = arith.maximumf %get3A_670, %get3A_677 : vector<16xf32>
      %max3A_792 = arith.maximumf %get3A_684, %get3A_691 : vector<16xf32>
      %max3A_793 = arith.maximumf %max3A_789, %max3A_790 : vector<16xf32>
      %max3A_794 = arith.maximumf %max3A_791, %max3A_792 : vector<16xf32>
      %max3A_795 = arith.maximumf %max3A_793, %max3A_794 : vector<16xf32>
      %max3A_796 = arith.maximumf %get3A_698, %get3A_705 : vector<16xf32>
      %max3A_797 = arith.maximumf %get3A_712, %get3A_719 : vector<16xf32>
      %max3A_798 = arith.maximumf %get3A_726, %get3A_733 : vector<16xf32>
      %max3A_799 = arith.maximumf %get3A_740, %get3A_747 : vector<16xf32>
      %max3A_800 = arith.maximumf %max3A_796, %max3A_797 : vector<16xf32>
      %max3A_801 = arith.maximumf %max3A_798, %max3A_799 : vector<16xf32>
      %max3A_802 = arith.maximumf %max3A_800, %max3A_801 : vector<16xf32>
      %broadcast_in_dim3A_803 = arith.constant 0 : i32
      %broadcast_in_dim3A_804 = vector.broadcast %broadcast_in_dim3A_803 : i32 to vector<16xi32>
      %broadcast_in_dim3A_805 = arith.constant 1 : i32
      %broadcast_in_dim3A_806 = vector.broadcast %broadcast_in_dim3A_805 : i32 to vector<16xi32>
      %broadcast_in_dim3A_807 = arith.constant 2 : i32
      %broadcast_in_dim3A_808 = vector.broadcast %broadcast_in_dim3A_807 : i32 to vector<16xi32>
      %broadcast_in_dim3A_809 = arith.constant 3 : i32
      %broadcast_in_dim3A_810 = vector.broadcast %broadcast_in_dim3A_809 : i32 to vector<16xi32>
      %broadcast_in_dim3A_811 = arith.constant 4 : i32
      %broadcast_in_dim3A_812 = vector.broadcast %broadcast_in_dim3A_811 : i32 to vector<16xi32>
      %broadcast_in_dim3A_813 = arith.constant 5 : i32
      %broadcast_in_dim3A_814 = vector.broadcast %broadcast_in_dim3A_813 : i32 to vector<16xi32>
      %broadcast_in_dim3A_815 = arith.constant 6 : i32
      %broadcast_in_dim3A_816 = vector.broadcast %broadcast_in_dim3A_815 : i32 to vector<16xi32>
      %broadcast_in_dim3A_817 = arith.constant 7 : i32
      %broadcast_in_dim3A_818 = vector.broadcast %broadcast_in_dim3A_817 : i32 to vector<16xi32>
      %gt3A = arith.cmpf ogt, %max3A_760, %max3A_753 : vector<16xf32>
      %select_n3A_819 = arith.select %gt3A, %max3A_760, %max3A_753 : vector<16xi1>, vector<16xf32>
      %select_n3A_820 = arith.select %gt3A, %broadcast_in_dim3A_806, %broadcast_in_dim3A_804 : vector<16xi1>, vector<16xi32>
      %gt3A_821 = arith.cmpf ogt, %max3A_774, %max3A_767 : vector<16xf32>
      %select_n3A_822 = arith.select %gt3A_821, %max3A_774, %max3A_767 : vector<16xi1>, vector<16xf32>
      %select_n3A_823 = arith.select %gt3A_821, %broadcast_in_dim3A_810, %broadcast_in_dim3A_808 : vector<16xi1>, vector<16xi32>
      %gt3A_824 = arith.cmpf ogt, %max3A_788, %max3A_781 : vector<16xf32>
      %select_n3A_825 = arith.select %gt3A_824, %max3A_788, %max3A_781 : vector<16xi1>, vector<16xf32>
      %select_n3A_826 = arith.select %gt3A_824, %broadcast_in_dim3A_814, %broadcast_in_dim3A_812 : vector<16xi1>, vector<16xi32>
      %gt3A_827 = arith.cmpf ogt, %max3A_802, %max3A_795 : vector<16xf32>
      %select_n3A_828 = arith.select %gt3A_827, %max3A_802, %max3A_795 : vector<16xi1>, vector<16xf32>
      %select_n3A_829 = arith.select %gt3A_827, %broadcast_in_dim3A_818, %broadcast_in_dim3A_816 : vector<16xi1>, vector<16xi32>
      %gt3A_830 = arith.cmpf ogt, %select_n3A_822, %select_n3A_819 : vector<16xf32>
      %select_n3A_831 = arith.select %gt3A_830, %select_n3A_822, %select_n3A_819 : vector<16xi1>, vector<16xf32>
      %select_n3A_832 = arith.select %gt3A_830, %select_n3A_823, %select_n3A_820 : vector<16xi1>, vector<16xi32>
      %gt3A_833 = arith.cmpf ogt, %select_n3A_828, %select_n3A_825 : vector<16xf32>
      %select_n3A_834 = arith.select %gt3A_833, %select_n3A_828, %select_n3A_825 : vector<16xi1>, vector<16xf32>
      %select_n3A_835 = arith.select %gt3A_833, %select_n3A_829, %select_n3A_826 : vector<16xi1>, vector<16xi32>
      %gt3A_836 = arith.cmpf ogt, %select_n3A_834, %select_n3A_831 : vector<16xf32>
      %select_n3A_837 = arith.select %gt3A_836, %select_n3A_834, %select_n3A_831 : vector<16xi1>, vector<16xf32>
      %select_n3A_838 = arith.select %gt3A_836, %select_n3A_835, %select_n3A_832 : vector<16xi1>, vector<16xi32>
      %eq3A_839 = arith.constant 0 : i32
      %eq3A_840 = vector.broadcast %eq3A_839 : i32 to vector<16xi32>
      %eq3A_841 = arith.cmpi eq, %select_n3A_838, %eq3A_840 : vector<16xi32>
      %jit3A_842 = arith.constant -1.000000e+00 : f32
      %broadcast_in_dim3A_843 = vector.broadcast %jit3A_842 : f32 to vector<16xf32>
      %select_n3A_844 = arith.select %eq3A_841, %broadcast_in_dim3A_843, %max3A_753 : vector<16xi1>, vector<16xf32>
      %eq3A_845 = arith.constant 1 : i32
      %eq3A_846 = vector.broadcast %eq3A_845 : i32 to vector<16xi32>
      %eq3A_847 = arith.cmpi eq, %select_n3A_838, %eq3A_846 : vector<16xi32>
      %jit3A_848 = arith.constant -1.000000e+00 : f32
      %broadcast_in_dim3A_849 = vector.broadcast %jit3A_848 : f32 to vector<16xf32>
      %select_n3A_850 = arith.select %eq3A_847, %broadcast_in_dim3A_849, %max3A_760 : vector<16xi1>, vector<16xf32>
      %eq3A_851 = arith.constant 2 : i32
      %eq3A_852 = vector.broadcast %eq3A_851 : i32 to vector<16xi32>
      %eq3A_853 = arith.cmpi eq, %select_n3A_838, %eq3A_852 : vector<16xi32>
      %jit3A_854 = arith.constant -1.000000e+00 : f32
      %broadcast_in_dim3A_855 = vector.broadcast %jit3A_854 : f32 to vector<16xf32>
      %select_n3A_856 = arith.select %eq3A_853, %broadcast_in_dim3A_855, %max3A_767 : vector<16xi1>, vector<16xf32>
      %eq3A_857 = arith.constant 3 : i32
      %eq3A_858 = vector.broadcast %eq3A_857 : i32 to vector<16xi32>
      %eq3A_859 = arith.cmpi eq, %select_n3A_838, %eq3A_858 : vector<16xi32>
      %jit3A_860 = arith.constant -1.000000e+00 : f32
      %broadcast_in_dim3A_861 = vector.broadcast %jit3A_860 : f32 to vector<16xf32>
      %select_n3A_862 = arith.select %eq3A_859, %broadcast_in_dim3A_861, %max3A_774 : vector<16xi1>, vector<16xf32>
      %eq3A_863 = arith.constant 4 : i32
      %eq3A_864 = vector.broadcast %eq3A_863 : i32 to vector<16xi32>
      %eq3A_865 = arith.cmpi eq, %select_n3A_838, %eq3A_864 : vector<16xi32>
      %jit3A_866 = arith.constant -1.000000e+00 : f32
      %broadcast_in_dim3A_867 = vector.broadcast %jit3A_866 : f32 to vector<16xf32>
      %select_n3A_868 = arith.select %eq3A_865, %broadcast_in_dim3A_867, %max3A_781 : vector<16xi1>, vector<16xf32>
      %eq3A_869 = arith.constant 5 : i32
      %eq3A_870 = vector.broadcast %eq3A_869 : i32 to vector<16xi32>
      %eq3A_871 = arith.cmpi eq, %select_n3A_838, %eq3A_870 : vector<16xi32>
      %jit3A_872 = arith.constant -1.000000e+00 : f32
      %broadcast_in_dim3A_873 = vector.broadcast %jit3A_872 : f32 to vector<16xf32>
      %select_n3A_874 = arith.select %eq3A_871, %broadcast_in_dim3A_873, %max3A_788 : vector<16xi1>, vector<16xf32>
      %eq3A_875 = arith.constant 6 : i32
      %eq3A_876 = vector.broadcast %eq3A_875 : i32 to vector<16xi32>
      %eq3A_877 = arith.cmpi eq, %select_n3A_838, %eq3A_876 : vector<16xi32>
      %jit3A_878 = arith.constant -1.000000e+00 : f32
      %broadcast_in_dim3A_879 = vector.broadcast %jit3A_878 : f32 to vector<16xf32>
      %select_n3A_880 = arith.select %eq3A_877, %broadcast_in_dim3A_879, %max3A_795 : vector<16xi1>, vector<16xf32>
      %eq3A_881 = arith.constant 7 : i32
      %eq3A_882 = vector.broadcast %eq3A_881 : i32 to vector<16xi32>
      %eq3A_883 = arith.cmpi eq, %select_n3A_838, %eq3A_882 : vector<16xi32>
      %jit3A_884 = arith.constant -1.000000e+00 : f32
      %broadcast_in_dim3A_885 = vector.broadcast %jit3A_884 : f32 to vector<16xf32>
      %select_n3A_886 = arith.select %eq3A_883, %broadcast_in_dim3A_885, %max3A_802 : vector<16xi1>, vector<16xf32>
      %gt3A_887 = arith.cmpf ogt, %select_n3A_850, %select_n3A_844 : vector<16xf32>
      %select_n3A_888 = arith.select %gt3A_887, %select_n3A_850, %select_n3A_844 : vector<16xi1>, vector<16xf32>
      %select_n3A_889 = arith.select %gt3A_887, %broadcast_in_dim3A_806, %broadcast_in_dim3A_804 : vector<16xi1>, vector<16xi32>
      %gt3A_890 = arith.cmpf ogt, %select_n3A_862, %select_n3A_856 : vector<16xf32>
      %select_n3A_891 = arith.select %gt3A_890, %select_n3A_862, %select_n3A_856 : vector<16xi1>, vector<16xf32>
      %select_n3A_892 = arith.select %gt3A_890, %broadcast_in_dim3A_810, %broadcast_in_dim3A_808 : vector<16xi1>, vector<16xi32>
      %gt3A_893 = arith.cmpf ogt, %select_n3A_874, %select_n3A_868 : vector<16xf32>
      %select_n3A_894 = arith.select %gt3A_893, %select_n3A_874, %select_n3A_868 : vector<16xi1>, vector<16xf32>
      %select_n3A_895 = arith.select %gt3A_893, %broadcast_in_dim3A_814, %broadcast_in_dim3A_812 : vector<16xi1>, vector<16xi32>
      %gt3A_896 = arith.cmpf ogt, %select_n3A_886, %select_n3A_880 : vector<16xf32>
      %select_n3A_897 = arith.select %gt3A_896, %select_n3A_886, %select_n3A_880 : vector<16xi1>, vector<16xf32>
      %select_n3A_898 = arith.select %gt3A_896, %broadcast_in_dim3A_818, %broadcast_in_dim3A_816 : vector<16xi1>, vector<16xi32>
      %gt3A_899 = arith.cmpf ogt, %select_n3A_891, %select_n3A_888 : vector<16xf32>
      %select_n3A_900 = arith.select %gt3A_899, %select_n3A_891, %select_n3A_888 : vector<16xi1>, vector<16xf32>
      %select_n3A_901 = arith.select %gt3A_899, %select_n3A_892, %select_n3A_889 : vector<16xi1>, vector<16xi32>
      %gt3A_902 = arith.cmpf ogt, %select_n3A_897, %select_n3A_894 : vector<16xf32>
      %select_n3A_903 = arith.select %gt3A_902, %select_n3A_897, %select_n3A_894 : vector<16xi1>, vector<16xf32>
      %select_n3A_904 = arith.select %gt3A_902, %select_n3A_898, %select_n3A_895 : vector<16xi1>, vector<16xi32>
      %gt3A_905 = arith.cmpf ogt, %select_n3A_903, %select_n3A_900 : vector<16xf32>
      %select_n3A_906 = arith.select %gt3A_905, %select_n3A_903, %select_n3A_900 : vector<16xi1>, vector<16xf32>
      %select_n3A_907 = arith.select %gt3A_905, %select_n3A_904, %select_n3A_901 : vector<16xi1>, vector<16xi32>
      %eq3A_908 = arith.constant 0 : i32
      %eq3A_909 = vector.broadcast %eq3A_908 : i32 to vector<16xi32>
      %eq3A_910 = arith.cmpi eq, %select_n3A_907, %eq3A_909 : vector<16xi32>
      %jit3A_911 = arith.constant -1.000000e+00 : f32
      %broadcast_in_dim3A_912 = vector.broadcast %jit3A_911 : f32 to vector<16xf32>
      %select_n3A_913 = arith.select %eq3A_910, %broadcast_in_dim3A_912, %select_n3A_844 : vector<16xi1>, vector<16xf32>
      %eq3A_914 = arith.constant 1 : i32
      %eq3A_915 = vector.broadcast %eq3A_914 : i32 to vector<16xi32>
      %eq3A_916 = arith.cmpi eq, %select_n3A_907, %eq3A_915 : vector<16xi32>
      %jit3A_917 = arith.constant -1.000000e+00 : f32
      %broadcast_in_dim3A_918 = vector.broadcast %jit3A_917 : f32 to vector<16xf32>
      %select_n3A_919 = arith.select %eq3A_916, %broadcast_in_dim3A_918, %select_n3A_850 : vector<16xi1>, vector<16xf32>
      %eq3A_920 = arith.constant 2 : i32
      %eq3A_921 = vector.broadcast %eq3A_920 : i32 to vector<16xi32>
      %eq3A_922 = arith.cmpi eq, %select_n3A_907, %eq3A_921 : vector<16xi32>
      %jit3A_923 = arith.constant -1.000000e+00 : f32
      %broadcast_in_dim3A_924 = vector.broadcast %jit3A_923 : f32 to vector<16xf32>
      %select_n3A_925 = arith.select %eq3A_922, %broadcast_in_dim3A_924, %select_n3A_856 : vector<16xi1>, vector<16xf32>
      %eq3A_926 = arith.constant 3 : i32
      %eq3A_927 = vector.broadcast %eq3A_926 : i32 to vector<16xi32>
      %eq3A_928 = arith.cmpi eq, %select_n3A_907, %eq3A_927 : vector<16xi32>
      %jit3A_929 = arith.constant -1.000000e+00 : f32
      %broadcast_in_dim3A_930 = vector.broadcast %jit3A_929 : f32 to vector<16xf32>
      %select_n3A_931 = arith.select %eq3A_928, %broadcast_in_dim3A_930, %select_n3A_862 : vector<16xi1>, vector<16xf32>
      %eq3A_932 = arith.constant 4 : i32
      %eq3A_933 = vector.broadcast %eq3A_932 : i32 to vector<16xi32>
      %eq3A_934 = arith.cmpi eq, %select_n3A_907, %eq3A_933 : vector<16xi32>
      %jit3A_935 = arith.constant -1.000000e+00 : f32
      %broadcast_in_dim3A_936 = vector.broadcast %jit3A_935 : f32 to vector<16xf32>
      %select_n3A_937 = arith.select %eq3A_934, %broadcast_in_dim3A_936, %select_n3A_868 : vector<16xi1>, vector<16xf32>
      %eq3A_938 = arith.constant 5 : i32
      %eq3A_939 = vector.broadcast %eq3A_938 : i32 to vector<16xi32>
      %eq3A_940 = arith.cmpi eq, %select_n3A_907, %eq3A_939 : vector<16xi32>
      %jit3A_941 = arith.constant -1.000000e+00 : f32
      %broadcast_in_dim3A_942 = vector.broadcast %jit3A_941 : f32 to vector<16xf32>
      %select_n3A_943 = arith.select %eq3A_940, %broadcast_in_dim3A_942, %select_n3A_874 : vector<16xi1>, vector<16xf32>
      %eq3A_944 = arith.constant 6 : i32
      %eq3A_945 = vector.broadcast %eq3A_944 : i32 to vector<16xi32>
      %eq3A_946 = arith.cmpi eq, %select_n3A_907, %eq3A_945 : vector<16xi32>
      %jit3A_947 = arith.constant -1.000000e+00 : f32
      %broadcast_in_dim3A_948 = vector.broadcast %jit3A_947 : f32 to vector<16xf32>
      %select_n3A_949 = arith.select %eq3A_946, %broadcast_in_dim3A_948, %select_n3A_880 : vector<16xi1>, vector<16xf32>
      %eq3A_950 = arith.constant 7 : i32
      %eq3A_951 = vector.broadcast %eq3A_950 : i32 to vector<16xi32>
      %eq3A_952 = arith.cmpi eq, %select_n3A_907, %eq3A_951 : vector<16xi32>
      %jit3A_953 = arith.constant -1.000000e+00 : f32
      %broadcast_in_dim3A_954 = vector.broadcast %jit3A_953 : f32 to vector<16xf32>
      %select_n3A_955 = arith.select %eq3A_952, %broadcast_in_dim3A_954, %select_n3A_886 : vector<16xi1>, vector<16xf32>
      %gt3A_956 = arith.cmpf ogt, %select_n3A_919, %select_n3A_913 : vector<16xf32>
      %select_n3A_957 = arith.select %gt3A_956, %select_n3A_919, %select_n3A_913 : vector<16xi1>, vector<16xf32>
      %select_n3A_958 = arith.select %gt3A_956, %broadcast_in_dim3A_806, %broadcast_in_dim3A_804 : vector<16xi1>, vector<16xi32>
      %gt3A_959 = arith.cmpf ogt, %select_n3A_931, %select_n3A_925 : vector<16xf32>
      %select_n3A_960 = arith.select %gt3A_959, %select_n3A_931, %select_n3A_925 : vector<16xi1>, vector<16xf32>
      %select_n3A_961 = arith.select %gt3A_959, %broadcast_in_dim3A_810, %broadcast_in_dim3A_808 : vector<16xi1>, vector<16xi32>
      %gt3A_962 = arith.cmpf ogt, %select_n3A_943, %select_n3A_937 : vector<16xf32>
      %select_n3A_963 = arith.select %gt3A_962, %select_n3A_943, %select_n3A_937 : vector<16xi1>, vector<16xf32>
      %select_n3A_964 = arith.select %gt3A_962, %broadcast_in_dim3A_814, %broadcast_in_dim3A_812 : vector<16xi1>, vector<16xi32>
      %gt3A_965 = arith.cmpf ogt, %select_n3A_955, %select_n3A_949 : vector<16xf32>
      %select_n3A_966 = arith.select %gt3A_965, %select_n3A_955, %select_n3A_949 : vector<16xi1>, vector<16xf32>
      %select_n3A_967 = arith.select %gt3A_965, %broadcast_in_dim3A_818, %broadcast_in_dim3A_816 : vector<16xi1>, vector<16xi32>
      %gt3A_968 = arith.cmpf ogt, %select_n3A_960, %select_n3A_957 : vector<16xf32>
      %select_n3A_969 = arith.select %gt3A_968, %select_n3A_960, %select_n3A_957 : vector<16xi1>, vector<16xf32>
      %select_n3A_970 = arith.select %gt3A_968, %select_n3A_961, %select_n3A_958 : vector<16xi1>, vector<16xi32>
      %gt3A_971 = arith.cmpf ogt, %select_n3A_966, %select_n3A_963 : vector<16xf32>
      %select_n3A_972 = arith.select %gt3A_971, %select_n3A_966, %select_n3A_963 : vector<16xi1>, vector<16xf32>
      %select_n3A_973 = arith.select %gt3A_971, %select_n3A_967, %select_n3A_964 : vector<16xi1>, vector<16xi32>
      %gt3A_974 = arith.cmpf ogt, %select_n3A_972, %select_n3A_969 : vector<16xf32>
      %select_n3A_975 = arith.select %gt3A_974, %select_n3A_972, %select_n3A_969 : vector<16xi1>, vector<16xf32>
      %select_n3A_976 = arith.select %gt3A_974, %select_n3A_973, %select_n3A_970 : vector<16xi1>, vector<16xi32>
      %eq3A_977 = arith.constant 0 : i32
      %eq3A_978 = vector.broadcast %eq3A_977 : i32 to vector<16xi32>
      %eq3A_979 = arith.cmpi eq, %select_n3A_976, %eq3A_978 : vector<16xi32>
      %jit3A_980 = arith.constant -1.000000e+00 : f32
      %broadcast_in_dim3A_981 = vector.broadcast %jit3A_980 : f32 to vector<16xf32>
      %select_n3A_982 = arith.select %eq3A_979, %broadcast_in_dim3A_981, %select_n3A_913 : vector<16xi1>, vector<16xf32>
      %eq3A_983 = arith.constant 1 : i32
      %eq3A_984 = vector.broadcast %eq3A_983 : i32 to vector<16xi32>
      %eq3A_985 = arith.cmpi eq, %select_n3A_976, %eq3A_984 : vector<16xi32>
      %jit3A_986 = arith.constant -1.000000e+00 : f32
      %broadcast_in_dim3A_987 = vector.broadcast %jit3A_986 : f32 to vector<16xf32>
      %select_n3A_988 = arith.select %eq3A_985, %broadcast_in_dim3A_987, %select_n3A_919 : vector<16xi1>, vector<16xf32>
      %eq3A_989 = arith.constant 2 : i32
      %eq3A_990 = vector.broadcast %eq3A_989 : i32 to vector<16xi32>
      %eq3A_991 = arith.cmpi eq, %select_n3A_976, %eq3A_990 : vector<16xi32>
      %jit3A_992 = arith.constant -1.000000e+00 : f32
      %broadcast_in_dim3A_993 = vector.broadcast %jit3A_992 : f32 to vector<16xf32>
      %select_n3A_994 = arith.select %eq3A_991, %broadcast_in_dim3A_993, %select_n3A_925 : vector<16xi1>, vector<16xf32>
      %eq3A_995 = arith.constant 3 : i32
      %eq3A_996 = vector.broadcast %eq3A_995 : i32 to vector<16xi32>
      %eq3A_997 = arith.cmpi eq, %select_n3A_976, %eq3A_996 : vector<16xi32>
      %jit3A_998 = arith.constant -1.000000e+00 : f32
      %broadcast_in_dim3A_999 = vector.broadcast %jit3A_998 : f32 to vector<16xf32>
      %select_n3A_1000 = arith.select %eq3A_997, %broadcast_in_dim3A_999, %select_n3A_931 : vector<16xi1>, vector<16xf32>
      %eq3A_1001 = arith.constant 4 : i32
      %eq3A_1002 = vector.broadcast %eq3A_1001 : i32 to vector<16xi32>
      %eq3A_1003 = arith.cmpi eq, %select_n3A_976, %eq3A_1002 : vector<16xi32>
      %jit3A_1004 = arith.constant -1.000000e+00 : f32
      %broadcast_in_dim3A_1005 = vector.broadcast %jit3A_1004 : f32 to vector<16xf32>
      %select_n3A_1006 = arith.select %eq3A_1003, %broadcast_in_dim3A_1005, %select_n3A_937 : vector<16xi1>, vector<16xf32>
      %eq3A_1007 = arith.constant 5 : i32
      %eq3A_1008 = vector.broadcast %eq3A_1007 : i32 to vector<16xi32>
      %eq3A_1009 = arith.cmpi eq, %select_n3A_976, %eq3A_1008 : vector<16xi32>
      %jit3A_1010 = arith.constant -1.000000e+00 : f32
      %broadcast_in_dim3A_1011 = vector.broadcast %jit3A_1010 : f32 to vector<16xf32>
      %select_n3A_1012 = arith.select %eq3A_1009, %broadcast_in_dim3A_1011, %select_n3A_943 : vector<16xi1>, vector<16xf32>
      %eq3A_1013 = arith.constant 6 : i32
      %eq3A_1014 = vector.broadcast %eq3A_1013 : i32 to vector<16xi32>
      %eq3A_1015 = arith.cmpi eq, %select_n3A_976, %eq3A_1014 : vector<16xi32>
      %jit3A_1016 = arith.constant -1.000000e+00 : f32
      %broadcast_in_dim3A_1017 = vector.broadcast %jit3A_1016 : f32 to vector<16xf32>
      %select_n3A_1018 = arith.select %eq3A_1015, %broadcast_in_dim3A_1017, %select_n3A_949 : vector<16xi1>, vector<16xf32>
      %eq3A_1019 = arith.constant 7 : i32
      %eq3A_1020 = vector.broadcast %eq3A_1019 : i32 to vector<16xi32>
      %eq3A_1021 = arith.cmpi eq, %select_n3A_976, %eq3A_1020 : vector<16xi32>
      %jit3A_1022 = arith.constant -1.000000e+00 : f32
      %broadcast_in_dim3A_1023 = vector.broadcast %jit3A_1022 : f32 to vector<16xf32>
      %select_n3A_1024 = arith.select %eq3A_1021, %broadcast_in_dim3A_1023, %select_n3A_955 : vector<16xi1>, vector<16xf32>
      %gt3A_1025 = arith.cmpf ogt, %select_n3A_988, %select_n3A_982 : vector<16xf32>
      %select_n3A_1026 = arith.select %gt3A_1025, %select_n3A_988, %select_n3A_982 : vector<16xi1>, vector<16xf32>
      %select_n3A_1027 = arith.select %gt3A_1025, %broadcast_in_dim3A_806, %broadcast_in_dim3A_804 : vector<16xi1>, vector<16xi32>
      %gt3A_1028 = arith.cmpf ogt, %select_n3A_1000, %select_n3A_994 : vector<16xf32>
      %select_n3A_1029 = arith.select %gt3A_1028, %select_n3A_1000, %select_n3A_994 : vector<16xi1>, vector<16xf32>
      %select_n3A_1030 = arith.select %gt3A_1028, %broadcast_in_dim3A_810, %broadcast_in_dim3A_808 : vector<16xi1>, vector<16xi32>
      %gt3A_1031 = arith.cmpf ogt, %select_n3A_1012, %select_n3A_1006 : vector<16xf32>
      %select_n3A_1032 = arith.select %gt3A_1031, %select_n3A_1012, %select_n3A_1006 : vector<16xi1>, vector<16xf32>
      %select_n3A_1033 = arith.select %gt3A_1031, %broadcast_in_dim3A_814, %broadcast_in_dim3A_812 : vector<16xi1>, vector<16xi32>
      %gt3A_1034 = arith.cmpf ogt, %select_n3A_1024, %select_n3A_1018 : vector<16xf32>
      %select_n3A_1035 = arith.select %gt3A_1034, %select_n3A_1024, %select_n3A_1018 : vector<16xi1>, vector<16xf32>
      %select_n3A_1036 = arith.select %gt3A_1034, %broadcast_in_dim3A_818, %broadcast_in_dim3A_816 : vector<16xi1>, vector<16xi32>
      %gt3A_1037 = arith.cmpf ogt, %select_n3A_1029, %select_n3A_1026 : vector<16xf32>
      %select_n3A_1038 = arith.select %gt3A_1037, %select_n3A_1029, %select_n3A_1026 : vector<16xi1>, vector<16xf32>
      %select_n3A_1039 = arith.select %gt3A_1037, %select_n3A_1030, %select_n3A_1027 : vector<16xi1>, vector<16xi32>
      %gt3A_1040 = arith.cmpf ogt, %select_n3A_1035, %select_n3A_1032 : vector<16xf32>
      %select_n3A_1041 = arith.select %gt3A_1040, %select_n3A_1035, %select_n3A_1032 : vector<16xi1>, vector<16xf32>
      %select_n3A_1042 = arith.select %gt3A_1040, %select_n3A_1036, %select_n3A_1033 : vector<16xi1>, vector<16xi32>
      %gt3A_1043 = arith.cmpf ogt, %select_n3A_1041, %select_n3A_1038 : vector<16xf32>
      %select_n3A_1044 = arith.select %gt3A_1043, %select_n3A_1041, %select_n3A_1038 : vector<16xi1>, vector<16xf32>
      %select_n3A_1045 = arith.select %gt3A_1043, %select_n3A_1042, %select_n3A_1039 : vector<16xi1>, vector<16xi32>
      %eq3A_1046 = arith.constant 0 : i32
      %eq3A_1047 = vector.broadcast %eq3A_1046 : i32 to vector<16xi32>
      %eq3A_1048 = arith.cmpi eq, %select_n3A_1045, %eq3A_1047 : vector<16xi32>
      %jit3A_1049 = arith.constant -1.000000e+00 : f32
      %broadcast_in_dim3A_1050 = vector.broadcast %jit3A_1049 : f32 to vector<16xf32>
      %select_n3A_1051 = arith.select %eq3A_1048, %broadcast_in_dim3A_1050, %select_n3A_982 : vector<16xi1>, vector<16xf32>
      %eq3A_1052 = arith.constant 1 : i32
      %eq3A_1053 = vector.broadcast %eq3A_1052 : i32 to vector<16xi32>
      %eq3A_1054 = arith.cmpi eq, %select_n3A_1045, %eq3A_1053 : vector<16xi32>
      %jit3A_1055 = arith.constant -1.000000e+00 : f32
      %broadcast_in_dim3A_1056 = vector.broadcast %jit3A_1055 : f32 to vector<16xf32>
      %select_n3A_1057 = arith.select %eq3A_1054, %broadcast_in_dim3A_1056, %select_n3A_988 : vector<16xi1>, vector<16xf32>
      %eq3A_1058 = arith.constant 2 : i32
      %eq3A_1059 = vector.broadcast %eq3A_1058 : i32 to vector<16xi32>
      %eq3A_1060 = arith.cmpi eq, %select_n3A_1045, %eq3A_1059 : vector<16xi32>
      %jit3A_1061 = arith.constant -1.000000e+00 : f32
      %broadcast_in_dim3A_1062 = vector.broadcast %jit3A_1061 : f32 to vector<16xf32>
      %select_n3A_1063 = arith.select %eq3A_1060, %broadcast_in_dim3A_1062, %select_n3A_994 : vector<16xi1>, vector<16xf32>
      %eq3A_1064 = arith.constant 3 : i32
      %eq3A_1065 = vector.broadcast %eq3A_1064 : i32 to vector<16xi32>
      %eq3A_1066 = arith.cmpi eq, %select_n3A_1045, %eq3A_1065 : vector<16xi32>
      %jit3A_1067 = arith.constant -1.000000e+00 : f32
      %broadcast_in_dim3A_1068 = vector.broadcast %jit3A_1067 : f32 to vector<16xf32>
      %select_n3A_1069 = arith.select %eq3A_1066, %broadcast_in_dim3A_1068, %select_n3A_1000 : vector<16xi1>, vector<16xf32>
      %eq3A_1070 = arith.constant 4 : i32
      %eq3A_1071 = vector.broadcast %eq3A_1070 : i32 to vector<16xi32>
      %eq3A_1072 = arith.cmpi eq, %select_n3A_1045, %eq3A_1071 : vector<16xi32>
      %jit3A_1073 = arith.constant -1.000000e+00 : f32
      %broadcast_in_dim3A_1074 = vector.broadcast %jit3A_1073 : f32 to vector<16xf32>
      %select_n3A_1075 = arith.select %eq3A_1072, %broadcast_in_dim3A_1074, %select_n3A_1006 : vector<16xi1>, vector<16xf32>
      %eq3A_1076 = arith.constant 5 : i32
      %eq3A_1077 = vector.broadcast %eq3A_1076 : i32 to vector<16xi32>
      %eq3A_1078 = arith.cmpi eq, %select_n3A_1045, %eq3A_1077 : vector<16xi32>
      %jit3A_1079 = arith.constant -1.000000e+00 : f32
      %broadcast_in_dim3A_1080 = vector.broadcast %jit3A_1079 : f32 to vector<16xf32>
      %select_n3A_1081 = arith.select %eq3A_1078, %broadcast_in_dim3A_1080, %select_n3A_1012 : vector<16xi1>, vector<16xf32>
      %eq3A_1082 = arith.constant 6 : i32
      %eq3A_1083 = vector.broadcast %eq3A_1082 : i32 to vector<16xi32>
      %eq3A_1084 = arith.cmpi eq, %select_n3A_1045, %eq3A_1083 : vector<16xi32>
      %jit3A_1085 = arith.constant -1.000000e+00 : f32
      %broadcast_in_dim3A_1086 = vector.broadcast %jit3A_1085 : f32 to vector<16xf32>
      %select_n3A_1087 = arith.select %eq3A_1084, %broadcast_in_dim3A_1086, %select_n3A_1018 : vector<16xi1>, vector<16xf32>
      %eq3A_1088 = arith.constant 7 : i32
      %eq3A_1089 = vector.broadcast %eq3A_1088 : i32 to vector<16xi32>
      %eq3A_1090 = arith.cmpi eq, %select_n3A_1045, %eq3A_1089 : vector<16xi32>
      %jit3A_1091 = arith.constant -1.000000e+00 : f32
      %broadcast_in_dim3A_1092 = vector.broadcast %jit3A_1091 : f32 to vector<16xf32>
      %select_n3A_1093 = arith.select %eq3A_1090, %broadcast_in_dim3A_1092, %select_n3A_1024 : vector<16xi1>, vector<16xf32>
      %min3A = arith.minsi %select_n3A_838, %select_n3A_907 : vector<16xi32>
      %max3A_1094 = arith.maxsi %select_n3A_838, %select_n3A_907 : vector<16xi32>
      %min3A_1095 = arith.minsi %select_n3A_976, %select_n3A_1045 : vector<16xi32>
      %max3A_1096 = arith.maxsi %select_n3A_976, %select_n3A_1045 : vector<16xi32>
      %min3A_1097 = arith.minsi %min3A, %min3A_1095 : vector<16xi32>
      %max3A_1098 = arith.maxsi %min3A, %min3A_1095 : vector<16xi32>
      %min3A_1099 = arith.minsi %max3A_1094, %max3A_1096 : vector<16xi32>
      %max3A_1100 = arith.maxsi %max3A_1094, %max3A_1096 : vector<16xi32>
      %min3A_1101 = arith.minsi %min3A_1099, %max3A_1098 : vector<16xi32>
      %max3A_1102 = arith.maxsi %min3A_1099, %max3A_1098 : vector<16xi32>
      %mul3A_1103 = arith.constant 8 : i32
      %mul3A_1104 = vector.broadcast %mul3A_1103 : i32 to vector<16xi32>
      %mul3A_1105 = arith.muli %min3A_1097, %mul3A_1104 : vector<16xi32>
      %mul3A_1106 = arith.constant 8 : i32
      %mul3A_1107 = vector.broadcast %mul3A_1106 : i32 to vector<16xi32>
      %mul3A_1108 = arith.muli %min3A_1101, %mul3A_1107 : vector<16xi32>
      %mul3A_1109 = arith.constant 8 : i32
      %mul3A_1110 = vector.broadcast %mul3A_1109 : i32 to vector<16xi32>
      %mul3A_1111 = arith.muli %max3A_1102, %mul3A_1110 : vector<16xi32>
      %mul3A_1112 = arith.constant 8 : i32
      %mul3A_1113 = vector.broadcast %mul3A_1112 : i32 to vector<16xi32>
      %mul3A_1114 = arith.muli %max3A_1100, %mul3A_1113 : vector<16xi32>
      %broadcast_in_dim3A_1115 = arith.constant 0 : i32
      %broadcast_in_dim3A_1116 = vector.broadcast %broadcast_in_dim3A_1115 : i32 to vector<16xi32>
      %gather3A = tpu.vector_load_idx %arg5[%min3A_1097, %add3A_300, %broadcast_in_dim3A_1116, %add3A_297] : memref<8x4x8x128xf32, #tpu.memory_space<vmem>>[vector<16xi32>, vector<16xi32>, vector<16xi32>, vector<16xi32>], vector<16xf32>,
      %add3A_1117 = arith.constant 0 : i32
      %add3A_1118 = vector.broadcast %add3A_1117 : i32 to vector<16xi32>
      %add3A_1119 = arith.addi %mul3A_1105, %add3A_1118 : vector<16xi32>
      %broadcast_in_dim3A_1120 = arith.constant 1 : i32
      %broadcast_in_dim3A_1121 = vector.broadcast %broadcast_in_dim3A_1120 : i32 to vector<16xi32>
      %gather3A_1122 = tpu.vector_load_idx %arg5[%min3A_1097, %add3A_300, %broadcast_in_dim3A_1121, %add3A_297] : memref<8x4x8x128xf32, #tpu.memory_space<vmem>>[vector<16xi32>, vector<16xi32>, vector<16xi32>, vector<16xi32>], vector<16xf32>,
      %add3A_1123 = arith.constant 1 : i32
      %add3A_1124 = vector.broadcast %add3A_1123 : i32 to vector<16xi32>
      %add3A_1125 = arith.addi %mul3A_1105, %add3A_1124 : vector<16xi32>
      %broadcast_in_dim3A_1126 = arith.constant 2 : i32
      %broadcast_in_dim3A_1127 = vector.broadcast %broadcast_in_dim3A_1126 : i32 to vector<16xi32>
      %gather3A_1128 = tpu.vector_load_idx %arg5[%min3A_1097, %add3A_300, %broadcast_in_dim3A_1127, %add3A_297] : memref<8x4x8x128xf32, #tpu.memory_space<vmem>>[vector<16xi32>, vector<16xi32>, vector<16xi32>, vector<16xi32>], vector<16xf32>,
      %add3A_1129 = arith.constant 2 : i32
      %add3A_1130 = vector.broadcast %add3A_1129 : i32 to vector<16xi32>
      %add3A_1131 = arith.addi %mul3A_1105, %add3A_1130 : vector<16xi32>
      %broadcast_in_dim3A_1132 = arith.constant 3 : i32
      %broadcast_in_dim3A_1133 = vector.broadcast %broadcast_in_dim3A_1132 : i32 to vector<16xi32>
      %gather3A_1134 = tpu.vector_load_idx %arg5[%min3A_1097, %add3A_300, %broadcast_in_dim3A_1133, %add3A_297] : memref<8x4x8x128xf32, #tpu.memory_space<vmem>>[vector<16xi32>, vector<16xi32>, vector<16xi32>, vector<16xi32>], vector<16xf32>,
      %add3A_1135 = arith.constant 3 : i32
      %add3A_1136 = vector.broadcast %add3A_1135 : i32 to vector<16xi32>
      %add3A_1137 = arith.addi %mul3A_1105, %add3A_1136 : vector<16xi32>
      %broadcast_in_dim3A_1138 = arith.constant 4 : i32
      %broadcast_in_dim3A_1139 = vector.broadcast %broadcast_in_dim3A_1138 : i32 to vector<16xi32>
      %gather3A_1140 = tpu.vector_load_idx %arg5[%min3A_1097, %add3A_300, %broadcast_in_dim3A_1139, %add3A_297] : memref<8x4x8x128xf32, #tpu.memory_space<vmem>>[vector<16xi32>, vector<16xi32>, vector<16xi32>, vector<16xi32>], vector<16xf32>,
      %add3A_1141 = arith.constant 4 : i32
      %add3A_1142 = vector.broadcast %add3A_1141 : i32 to vector<16xi32>
      %add3A_1143 = arith.addi %mul3A_1105, %add3A_1142 : vector<16xi32>
      %broadcast_in_dim3A_1144 = arith.constant 5 : i32
      %broadcast_in_dim3A_1145 = vector.broadcast %broadcast_in_dim3A_1144 : i32 to vector<16xi32>
      %gather3A_1146 = tpu.vector_load_idx %arg5[%min3A_1097, %add3A_300, %broadcast_in_dim3A_1145, %add3A_297] : memref<8x4x8x128xf32, #tpu.memory_space<vmem>>[vector<16xi32>, vector<16xi32>, vector<16xi32>, vector<16xi32>], vector<16xf32>,
      %add3A_1147 = arith.constant 5 : i32
      %add3A_1148 = vector.broadcast %add3A_1147 : i32 to vector<16xi32>
      %add3A_1149 = arith.addi %mul3A_1105, %add3A_1148 : vector<16xi32>
      %broadcast_in_dim3A_1150 = arith.constant 6 : i32
      %broadcast_in_dim3A_1151 = vector.broadcast %broadcast_in_dim3A_1150 : i32 to vector<16xi32>
      %gather3A_1152 = tpu.vector_load_idx %arg5[%min3A_1097, %add3A_300, %broadcast_in_dim3A_1151, %add3A_297] : memref<8x4x8x128xf32, #tpu.memory_space<vmem>>[vector<16xi32>, vector<16xi32>, vector<16xi32>, vector<16xi32>], vector<16xf32>,
      %add3A_1153 = arith.constant 6 : i32
      %add3A_1154 = vector.broadcast %add3A_1153 : i32 to vector<16xi32>
      %add3A_1155 = arith.addi %mul3A_1105, %add3A_1154 : vector<16xi32>
      %broadcast_in_dim3A_1156 = arith.constant 7 : i32
      %broadcast_in_dim3A_1157 = vector.broadcast %broadcast_in_dim3A_1156 : i32 to vector<16xi32>
      %gather3A_1158 = tpu.vector_load_idx %arg5[%min3A_1097, %add3A_300, %broadcast_in_dim3A_1157, %add3A_297] : memref<8x4x8x128xf32, #tpu.memory_space<vmem>>[vector<16xi32>, vector<16xi32>, vector<16xi32>, vector<16xi32>], vector<16xf32>,
      %add3A_1159 = arith.constant 7 : i32
      %add3A_1160 = vector.broadcast %add3A_1159 : i32 to vector<16xi32>
      %add3A_1161 = arith.addi %mul3A_1105, %add3A_1160 : vector<16xi32>
      %broadcast_in_dim3A_1162 = arith.constant 0 : i32
      %broadcast_in_dim3A_1163 = vector.broadcast %broadcast_in_dim3A_1162 : i32 to vector<16xi32>
      %gather3A_1164 = tpu.vector_load_idx %arg5[%min3A_1101, %add3A_300, %broadcast_in_dim3A_1163, %add3A_297] : memref<8x4x8x128xf32, #tpu.memory_space<vmem>>[vector<16xi32>, vector<16xi32>, vector<16xi32>, vector<16xi32>], vector<16xf32>,
      %add3A_1165 = arith.constant 0 : i32
      %add3A_1166 = vector.broadcast %add3A_1165 : i32 to vector<16xi32>
      %add3A_1167 = arith.addi %mul3A_1108, %add3A_1166 : vector<16xi32>
      %broadcast_in_dim3A_1168 = arith.constant 1 : i32
      %broadcast_in_dim3A_1169 = vector.broadcast %broadcast_in_dim3A_1168 : i32 to vector<16xi32>
      %gather3A_1170 = tpu.vector_load_idx %arg5[%min3A_1101, %add3A_300, %broadcast_in_dim3A_1169, %add3A_297] : memref<8x4x8x128xf32, #tpu.memory_space<vmem>>[vector<16xi32>, vector<16xi32>, vector<16xi32>, vector<16xi32>], vector<16xf32>,
      %add3A_1171 = arith.constant 1 : i32
      %add3A_1172 = vector.broadcast %add3A_1171 : i32 to vector<16xi32>
      %add3A_1173 = arith.addi %mul3A_1108, %add3A_1172 : vector<16xi32>
      %broadcast_in_dim3A_1174 = arith.constant 2 : i32
      %broadcast_in_dim3A_1175 = vector.broadcast %broadcast_in_dim3A_1174 : i32 to vector<16xi32>
      %gather3A_1176 = tpu.vector_load_idx %arg5[%min3A_1101, %add3A_300, %broadcast_in_dim3A_1175, %add3A_297] : memref<8x4x8x128xf32, #tpu.memory_space<vmem>>[vector<16xi32>, vector<16xi32>, vector<16xi32>, vector<16xi32>], vector<16xf32>,
      %add3A_1177 = arith.constant 2 : i32
      %add3A_1178 = vector.broadcast %add3A_1177 : i32 to vector<16xi32>
      %add3A_1179 = arith.addi %mul3A_1108, %add3A_1178 : vector<16xi32>
      %broadcast_in_dim3A_1180 = arith.constant 3 : i32
      %broadcast_in_dim3A_1181 = vector.broadcast %broadcast_in_dim3A_1180 : i32 to vector<16xi32>
      %gather3A_1182 = tpu.vector_load_idx %arg5[%min3A_1101, %add3A_300, %broadcast_in_dim3A_1181, %add3A_297] : memref<8x4x8x128xf32, #tpu.memory_space<vmem>>[vector<16xi32>, vector<16xi32>, vector<16xi32>, vector<16xi32>], vector<16xf32>,
      %add3A_1183 = arith.constant 3 : i32
      %add3A_1184 = vector.broadcast %add3A_1183 : i32 to vector<16xi32>
      %add3A_1185 = arith.addi %mul3A_1108, %add3A_1184 : vector<16xi32>
      %broadcast_in_dim3A_1186 = arith.constant 4 : i32
      %broadcast_in_dim3A_1187 = vector.broadcast %broadcast_in_dim3A_1186 : i32 to vector<16xi32>
      %gather3A_1188 = tpu.vector_load_idx %arg5[%min3A_1101, %add3A_300, %broadcast_in_dim3A_1187, %add3A_297] : memref<8x4x8x128xf32, #tpu.memory_space<vmem>>[vector<16xi32>, vector<16xi32>, vector<16xi32>, vector<16xi32>], vector<16xf32>,
      %add3A_1189 = arith.constant 4 : i32
      %add3A_1190 = vector.broadcast %add3A_1189 : i32 to vector<16xi32>
      %add3A_1191 = arith.addi %mul3A_1108, %add3A_1190 : vector<16xi32>
      %broadcast_in_dim3A_1192 = arith.constant 5 : i32
      %broadcast_in_dim3A_1193 = vector.broadcast %broadcast_in_dim3A_1192 : i32 to vector<16xi32>
      %gather3A_1194 = tpu.vector_load_idx %arg5[%min3A_1101, %add3A_300, %broadcast_in_dim3A_1193, %add3A_297] : memref<8x4x8x128xf32, #tpu.memory_space<vmem>>[vector<16xi32>, vector<16xi32>, vector<16xi32>, vector<16xi32>], vector<16xf32>,
      %add3A_1195 = arith.constant 5 : i32
      %add3A_1196 = vector.broadcast %add3A_1195 : i32 to vector<16xi32>
      %add3A_1197 = arith.addi %mul3A_1108, %add3A_1196 : vector<16xi32>
      %broadcast_in_dim3A_1198 = arith.constant 6 : i32
      %broadcast_in_dim3A_1199 = vector.broadcast %broadcast_in_dim3A_1198 : i32 to vector<16xi32>
      %gather3A_1200 = tpu.vector_load_idx %arg5[%min3A_1101, %add3A_300, %broadcast_in_dim3A_1199, %add3A_297] : memref<8x4x8x128xf32, #tpu.memory_space<vmem>>[vector<16xi32>, vector<16xi32>, vector<16xi32>, vector<16xi32>], vector<16xf32>,
      %add3A_1201 = arith.constant 6 : i32
      %add3A_1202 = vector.broadcast %add3A_1201 : i32 to vector<16xi32>
      %add3A_1203 = arith.addi %mul3A_1108, %add3A_1202 : vector<16xi32>
      %broadcast_in_dim3A_1204 = arith.constant 7 : i32
      %broadcast_in_dim3A_1205 = vector.broadcast %broadcast_in_dim3A_1204 : i32 to vector<16xi32>
      %gather3A_1206 = tpu.vector_load_idx %arg5[%min3A_1101, %add3A_300, %broadcast_in_dim3A_1205, %add3A_297] : memref<8x4x8x128xf32, #tpu.memory_space<vmem>>[vector<16xi32>, vector<16xi32>, vector<16xi32>, vector<16xi32>], vector<16xf32>,
      %add3A_1207 = arith.constant 7 : i32
      %add3A_1208 = vector.broadcast %add3A_1207 : i32 to vector<16xi32>
      %add3A_1209 = arith.addi %mul3A_1108, %add3A_1208 : vector<16xi32>
      %broadcast_in_dim3A_1210 = arith.constant 0 : i32
      %broadcast_in_dim3A_1211 = vector.broadcast %broadcast_in_dim3A_1210 : i32 to vector<16xi32>
      %gather3A_1212 = tpu.vector_load_idx %arg5[%max3A_1102, %add3A_300, %broadcast_in_dim3A_1211, %add3A_297] : memref<8x4x8x128xf32, #tpu.memory_space<vmem>>[vector<16xi32>, vector<16xi32>, vector<16xi32>, vector<16xi32>], vector<16xf32>,
      %add3A_1213 = arith.constant 0 : i32
      %add3A_1214 = vector.broadcast %add3A_1213 : i32 to vector<16xi32>
      %add3A_1215 = arith.addi %mul3A_1111, %add3A_1214 : vector<16xi32>
      %broadcast_in_dim3A_1216 = arith.constant 1 : i32
      %broadcast_in_dim3A_1217 = vector.broadcast %broadcast_in_dim3A_1216 : i32 to vector<16xi32>
      %gather3A_1218 = tpu.vector_load_idx %arg5[%max3A_1102, %add3A_300, %broadcast_in_dim3A_1217, %add3A_297] : memref<8x4x8x128xf32, #tpu.memory_space<vmem>>[vector<16xi32>, vector<16xi32>, vector<16xi32>, vector<16xi32>], vector<16xf32>,
      %add3A_1219 = arith.constant 1 : i32
      %add3A_1220 = vector.broadcast %add3A_1219 : i32 to vector<16xi32>
      %add3A_1221 = arith.addi %mul3A_1111, %add3A_1220 : vector<16xi32>
      %broadcast_in_dim3A_1222 = arith.constant 2 : i32
      %broadcast_in_dim3A_1223 = vector.broadcast %broadcast_in_dim3A_1222 : i32 to vector<16xi32>
      %gather3A_1224 = tpu.vector_load_idx %arg5[%max3A_1102, %add3A_300, %broadcast_in_dim3A_1223, %add3A_297] : memref<8x4x8x128xf32, #tpu.memory_space<vmem>>[vector<16xi32>, vector<16xi32>, vector<16xi32>, vector<16xi32>], vector<16xf32>,
      %add3A_1225 = arith.constant 2 : i32
      %add3A_1226 = vector.broadcast %add3A_1225 : i32 to vector<16xi32>
      %add3A_1227 = arith.addi %mul3A_1111, %add3A_1226 : vector<16xi32>
      %broadcast_in_dim3A_1228 = arith.constant 3 : i32
      %broadcast_in_dim3A_1229 = vector.broadcast %broadcast_in_dim3A_1228 : i32 to vector<16xi32>
      %gather3A_1230 = tpu.vector_load_idx %arg5[%max3A_1102, %add3A_300, %broadcast_in_dim3A_1229, %add3A_297] : memref<8x4x8x128xf32, #tpu.memory_space<vmem>>[vector<16xi32>, vector<16xi32>, vector<16xi32>, vector<16xi32>], vector<16xf32>,
      %add3A_1231 = arith.constant 3 : i32
      %add3A_1232 = vector.broadcast %add3A_1231 : i32 to vector<16xi32>
      %add3A_1233 = arith.addi %mul3A_1111, %add3A_1232 : vector<16xi32>
      %broadcast_in_dim3A_1234 = arith.constant 4 : i32
      %broadcast_in_dim3A_1235 = vector.broadcast %broadcast_in_dim3A_1234 : i32 to vector<16xi32>
      %gather3A_1236 = tpu.vector_load_idx %arg5[%max3A_1102, %add3A_300, %broadcast_in_dim3A_1235, %add3A_297] : memref<8x4x8x128xf32, #tpu.memory_space<vmem>>[vector<16xi32>, vector<16xi32>, vector<16xi32>, vector<16xi32>], vector<16xf32>,
      %add3A_1237 = arith.constant 4 : i32
      %add3A_1238 = vector.broadcast %add3A_1237 : i32 to vector<16xi32>
      %add3A_1239 = arith.addi %mul3A_1111, %add3A_1238 : vector<16xi32>
      %broadcast_in_dim3A_1240 = arith.constant 5 : i32
      %broadcast_in_dim3A_1241 = vector.broadcast %broadcast_in_dim3A_1240 : i32 to vector<16xi32>
      %gather3A_1242 = tpu.vector_load_idx %arg5[%max3A_1102, %add3A_300, %broadcast_in_dim3A_1241, %add3A_297] : memref<8x4x8x128xf32, #tpu.memory_space<vmem>>[vector<16xi32>, vector<16xi32>, vector<16xi32>, vector<16xi32>], vector<16xf32>,
      %add3A_1243 = arith.constant 5 : i32
      %add3A_1244 = vector.broadcast %add3A_1243 : i32 to vector<16xi32>
      %add3A_1245 = arith.addi %mul3A_1111, %add3A_1244 : vector<16xi32>
      %broadcast_in_dim3A_1246 = arith.constant 6 : i32
      %broadcast_in_dim3A_1247 = vector.broadcast %broadcast_in_dim3A_1246 : i32 to vector<16xi32>
      %gather3A_1248 = tpu.vector_load_idx %arg5[%max3A_1102, %add3A_300, %broadcast_in_dim3A_1247, %add3A_297] : memref<8x4x8x128xf32, #tpu.memory_space<vmem>>[vector<16xi32>, vector<16xi32>, vector<16xi32>, vector<16xi32>], vector<16xf32>,
      %add3A_1249 = arith.constant 6 : i32
      %add3A_1250 = vector.broadcast %add3A_1249 : i32 to vector<16xi32>
      %add3A_1251 = arith.addi %mul3A_1111, %add3A_1250 : vector<16xi32>
      %broadcast_in_dim3A_1252 = arith.constant 7 : i32
      %broadcast_in_dim3A_1253 = vector.broadcast %broadcast_in_dim3A_1252 : i32 to vector<16xi32>
      %gather3A_1254 = tpu.vector_load_idx %arg5[%max3A_1102, %add3A_300, %broadcast_in_dim3A_1253, %add3A_297] : memref<8x4x8x128xf32, #tpu.memory_space<vmem>>[vector<16xi32>, vector<16xi32>, vector<16xi32>, vector<16xi32>], vector<16xf32>,
      %add3A_1255 = arith.constant 7 : i32
      %add3A_1256 = vector.broadcast %add3A_1255 : i32 to vector<16xi32>
      %add3A_1257 = arith.addi %mul3A_1111, %add3A_1256 : vector<16xi32>
      %broadcast_in_dim3A_1258 = arith.constant 0 : i32
      %broadcast_in_dim3A_1259 = vector.broadcast %broadcast_in_dim3A_1258 : i32 to vector<16xi32>
      %gather3A_1260 = tpu.vector_load_idx %arg5[%max3A_1100, %add3A_300, %broadcast_in_dim3A_1259, %add3A_297] : memref<8x4x8x128xf32, #tpu.memory_space<vmem>>[vector<16xi32>, vector<16xi32>, vector<16xi32>, vector<16xi32>], vector<16xf32>,
      %add3A_1261 = arith.constant 0 : i32
      %add3A_1262 = vector.broadcast %add3A_1261 : i32 to vector<16xi32>
      %add3A_1263 = arith.addi %mul3A_1114, %add3A_1262 : vector<16xi32>
      %broadcast_in_dim3A_1264 = arith.constant 1 : i32
      %broadcast_in_dim3A_1265 = vector.broadcast %broadcast_in_dim3A_1264 : i32 to vector<16xi32>
      %gather3A_1266 = tpu.vector_load_idx %arg5[%max3A_1100, %add3A_300, %broadcast_in_dim3A_1265, %add3A_297] : memref<8x4x8x128xf32, #tpu.memory_space<vmem>>[vector<16xi32>, vector<16xi32>, vector<16xi32>, vector<16xi32>], vector<16xf32>,
      %add3A_1267 = arith.constant 1 : i32
      %add3A_1268 = vector.broadcast %add3A_1267 : i32 to vector<16xi32>
      %add3A_1269 = arith.addi %mul3A_1114, %add3A_1268 : vector<16xi32>
      %broadcast_in_dim3A_1270 = arith.constant 2 : i32
      %broadcast_in_dim3A_1271 = vector.broadcast %broadcast_in_dim3A_1270 : i32 to vector<16xi32>
      %gather3A_1272 = tpu.vector_load_idx %arg5[%max3A_1100, %add3A_300, %broadcast_in_dim3A_1271, %add3A_297] : memref<8x4x8x128xf32, #tpu.memory_space<vmem>>[vector<16xi32>, vector<16xi32>, vector<16xi32>, vector<16xi32>], vector<16xf32>,
      %add3A_1273 = arith.constant 2 : i32
      %add3A_1274 = vector.broadcast %add3A_1273 : i32 to vector<16xi32>
      %add3A_1275 = arith.addi %mul3A_1114, %add3A_1274 : vector<16xi32>
      %broadcast_in_dim3A_1276 = arith.constant 3 : i32
      %broadcast_in_dim3A_1277 = vector.broadcast %broadcast_in_dim3A_1276 : i32 to vector<16xi32>
      %gather3A_1278 = tpu.vector_load_idx %arg5[%max3A_1100, %add3A_300, %broadcast_in_dim3A_1277, %add3A_297] : memref<8x4x8x128xf32, #tpu.memory_space<vmem>>[vector<16xi32>, vector<16xi32>, vector<16xi32>, vector<16xi32>], vector<16xf32>,
      %add3A_1279 = arith.constant 3 : i32
      %add3A_1280 = vector.broadcast %add3A_1279 : i32 to vector<16xi32>
      %add3A_1281 = arith.addi %mul3A_1114, %add3A_1280 : vector<16xi32>
      %broadcast_in_dim3A_1282 = arith.constant 4 : i32
      %broadcast_in_dim3A_1283 = vector.broadcast %broadcast_in_dim3A_1282 : i32 to vector<16xi32>
      %gather3A_1284 = tpu.vector_load_idx %arg5[%max3A_1100, %add3A_300, %broadcast_in_dim3A_1283, %add3A_297] : memref<8x4x8x128xf32, #tpu.memory_space<vmem>>[vector<16xi32>, vector<16xi32>, vector<16xi32>, vector<16xi32>], vector<16xf32>,
      %add3A_1285 = arith.constant 4 : i32
      %add3A_1286 = vector.broadcast %add3A_1285 : i32 to vector<16xi32>
      %add3A_1287 = arith.addi %mul3A_1114, %add3A_1286 : vector<16xi32>
      %broadcast_in_dim3A_1288 = arith.constant 5 : i32
      %broadcast_in_dim3A_1289 = vector.broadcast %broadcast_in_dim3A_1288 : i32 to vector<16xi32>
      %gather3A_1290 = tpu.vector_load_idx %arg5[%max3A_1100, %add3A_300, %broadcast_in_dim3A_1289, %add3A_297] : memref<8x4x8x128xf32, #tpu.memory_space<vmem>>[vector<16xi32>, vector<16xi32>, vector<16xi32>, vector<16xi32>], vector<16xf32>,
      %add3A_1291 = arith.constant 5 : i32
      %add3A_1292 = vector.broadcast %add3A_1291 : i32 to vector<16xi32>
      %add3A_1293 = arith.addi %mul3A_1114, %add3A_1292 : vector<16xi32>
      %broadcast_in_dim3A_1294 = arith.constant 6 : i32
      %broadcast_in_dim3A_1295 = vector.broadcast %broadcast_in_dim3A_1294 : i32 to vector<16xi32>
      %gather3A_1296 = tpu.vector_load_idx %arg5[%max3A_1100, %add3A_300, %broadcast_in_dim3A_1295, %add3A_297] : memref<8x4x8x128xf32, #tpu.memory_space<vmem>>[vector<16xi32>, vector<16xi32>, vector<16xi32>, vector<16xi32>], vector<16xf32>,
      %add3A_1297 = arith.constant 6 : i32
      %add3A_1298 = vector.broadcast %add3A_1297 : i32 to vector<16xi32>
      %add3A_1299 = arith.addi %mul3A_1114, %add3A_1298 : vector<16xi32>
      %broadcast_in_dim3A_1300 = arith.constant 7 : i32
      %broadcast_in_dim3A_1301 = vector.broadcast %broadcast_in_dim3A_1300 : i32 to vector<16xi32>
      %gather3A_1302 = tpu.vector_load_idx %arg5[%max3A_1100, %add3A_300, %broadcast_in_dim3A_1301, %add3A_297] : memref<8x4x8x128xf32, #tpu.memory_space<vmem>>[vector<16xi32>, vector<16xi32>, vector<16xi32>, vector<16xi32>], vector<16xf32>,
      %add3A_1303 = arith.constant 7 : i32
      %add3A_1304 = vector.broadcast %add3A_1303 : i32 to vector<16xi32>
      %add3A_1305 = arith.addi %mul3A_1114, %add3A_1304 : vector<16xi32>
      %gt3A_1306 = arith.cmpf ogt, %gather3A_1122, %gather3A : vector<16xf32>
      %select_n3A_1307 = arith.select %gt3A_1306, %gather3A_1122, %gather3A : vector<16xi1>, vector<16xf32>
      %select_n3A_1308 = arith.select %gt3A_1306, %add3A_1125, %add3A_1119 : vector<16xi1>, vector<16xi32>
      %gt3A_1309 = arith.cmpf ogt, %gather3A_1134, %gather3A_1128 : vector<16xf32>
      %select_n3A_1310 = arith.select %gt3A_1309, %gather3A_1134, %gather3A_1128 : vector<16xi1>, vector<16xf32>
      %select_n3A_1311 = arith.select %gt3A_1309, %add3A_1137, %add3A_1131 : vector<16xi1>, vector<16xi32>
      %gt3A_1312 = arith.cmpf ogt, %gather3A_1146, %gather3A_1140 : vector<16xf32>
      %select_n3A_1313 = arith.select %gt3A_1312, %gather3A_1146, %gather3A_1140 : vector<16xi1>, vector<16xf32>
      %select_n3A_1314 = arith.select %gt3A_1312, %add3A_1149, %add3A_1143 : vector<16xi1>, vector<16xi32>
      %gt3A_1315 = arith.cmpf ogt, %gather3A_1158, %gather3A_1152 : vector<16xf32>
      %select_n3A_1316 = arith.select %gt3A_1315, %gather3A_1158, %gather3A_1152 : vector<16xi1>, vector<16xf32>
      %select_n3A_1317 = arith.select %gt3A_1315, %add3A_1161, %add3A_1155 : vector<16xi1>, vector<16xi32>
      %gt3A_1318 = arith.cmpf ogt, %gather3A_1170, %gather3A_1164 : vector<16xf32>
      %select_n3A_1319 = arith.select %gt3A_1318, %gather3A_1170, %gather3A_1164 : vector<16xi1>, vector<16xf32>
      %select_n3A_1320 = arith.select %gt3A_1318, %add3A_1173, %add3A_1167 : vector<16xi1>, vector<16xi32>
      %gt3A_1321 = arith.cmpf ogt, %gather3A_1182, %gather3A_1176 : vector<16xf32>
      %select_n3A_1322 = arith.select %gt3A_1321, %gather3A_1182, %gather3A_1176 : vector<16xi1>, vector<16xf32>
      %select_n3A_1323 = arith.select %gt3A_1321, %add3A_1185, %add3A_1179 : vector<16xi1>, vector<16xi32>
      %gt3A_1324 = arith.cmpf ogt, %gather3A_1194, %gather3A_1188 : vector<16xf32>
      %select_n3A_1325 = arith.select %gt3A_1324, %gather3A_1194, %gather3A_1188 : vector<16xi1>, vector<16xf32>
      %select_n3A_1326 = arith.select %gt3A_1324, %add3A_1197, %add3A_1191 : vector<16xi1>, vector<16xi32>
      %gt3A_1327 = arith.cmpf ogt, %gather3A_1206, %gather3A_1200 : vector<16xf32>
      %select_n3A_1328 = arith.select %gt3A_1327, %gather3A_1206, %gather3A_1200 : vector<16xi1>, vector<16xf32>
      %select_n3A_1329 = arith.select %gt3A_1327, %add3A_1209, %add3A_1203 : vector<16xi1>, vector<16xi32>
      %gt3A_1330 = arith.cmpf ogt, %gather3A_1218, %gather3A_1212 : vector<16xf32>
      %select_n3A_1331 = arith.select %gt3A_1330, %gather3A_1218, %gather3A_1212 : vector<16xi1>, vector<16xf32>
      %select_n3A_1332 = arith.select %gt3A_1330, %add3A_1221, %add3A_1215 : vector<16xi1>, vector<16xi32>
      %gt3A_1333 = arith.cmpf ogt, %gather3A_1230, %gather3A_1224 : vector<16xf32>
      %select_n3A_1334 = arith.select %gt3A_1333, %gather3A_1230, %gather3A_1224 : vector<16xi1>, vector<16xf32>
      %select_n3A_1335 = arith.select %gt3A_1333, %add3A_1233, %add3A_1227 : vector<16xi1>, vector<16xi32>
      %gt3A_1336 = arith.cmpf ogt, %gather3A_1242, %gather3A_1236 : vector<16xf32>
      %select_n3A_1337 = arith.select %gt3A_1336, %gather3A_1242, %gather3A_1236 : vector<16xi1>, vector<16xf32>
      %select_n3A_1338 = arith.select %gt3A_1336, %add3A_1245, %add3A_1239 : vector<16xi1>, vector<16xi32>
      %gt3A_1339 = arith.cmpf ogt, %gather3A_1254, %gather3A_1248 : vector<16xf32>
      %select_n3A_1340 = arith.select %gt3A_1339, %gather3A_1254, %gather3A_1248 : vector<16xi1>, vector<16xf32>
      %select_n3A_1341 = arith.select %gt3A_1339, %add3A_1257, %add3A_1251 : vector<16xi1>, vector<16xi32>
      %gt3A_1342 = arith.cmpf ogt, %gather3A_1266, %gather3A_1260 : vector<16xf32>
      %select_n3A_1343 = arith.select %gt3A_1342, %gather3A_1266, %gather3A_1260 : vector<16xi1>, vector<16xf32>
      %select_n3A_1344 = arith.select %gt3A_1342, %add3A_1269, %add3A_1263 : vector<16xi1>, vector<16xi32>
      %gt3A_1345 = arith.cmpf ogt, %gather3A_1278, %gather3A_1272 : vector<16xf32>
      %select_n3A_1346 = arith.select %gt3A_1345, %gather3A_1278, %gather3A_1272 : vector<16xi1>, vector<16xf32>
      %select_n3A_1347 = arith.select %gt3A_1345, %add3A_1281, %add3A_1275 : vector<16xi1>, vector<16xi32>
      %gt3A_1348 = arith.cmpf ogt, %gather3A_1290, %gather3A_1284 : vector<16xf32>
      %select_n3A_1349 = arith.select %gt3A_1348, %gather3A_1290, %gather3A_1284 : vector<16xi1>, vector<16xf32>
      %select_n3A_1350 = arith.select %gt3A_1348, %add3A_1293, %add3A_1287 : vector<16xi1>, vector<16xi32>
      %gt3A_1351 = arith.cmpf ogt, %gather3A_1302, %gather3A_1296 : vector<16xf32>
      %select_n3A_1352 = arith.select %gt3A_1351, %gather3A_1302, %gather3A_1296 : vector<16xi1>, vector<16xf32>
      %select_n3A_1353 = arith.select %gt3A_1351, %add3A_1305, %add3A_1299 : vector<16xi1>, vector<16xi32>
      %gt3A_1354 = arith.cmpf ogt, %select_n3A_1310, %select_n3A_1307 : vector<16xf32>
      %select_n3A_1355 = arith.select %gt3A_1354, %select_n3A_1310, %select_n3A_1307 : vector<16xi1>, vector<16xf32>
      %select_n3A_1356 = arith.select %gt3A_1354, %select_n3A_1311, %select_n3A_1308 : vector<16xi1>, vector<16xi32>
      %gt3A_1357 = arith.cmpf ogt, %select_n3A_1316, %select_n3A_1313 : vector<16xf32>
      %select_n3A_1358 = arith.select %gt3A_1357, %select_n3A_1316, %select_n3A_1313 : vector<16xi1>, vector<16xf32>
      %select_n3A_1359 = arith.select %gt3A_1357, %select_n3A_1317, %select_n3A_1314 : vector<16xi1>, vector<16xi32>
      %gt3A_1360 = arith.cmpf ogt, %select_n3A_1322, %select_n3A_1319 : vector<16xf32>
      %select_n3A_1361 = arith.select %gt3A_1360, %select_n3A_1322, %select_n3A_1319 : vector<16xi1>, vector<16xf32>
      %select_n3A_1362 = arith.select %gt3A_1360, %select_n3A_1323, %select_n3A_1320 : vector<16xi1>, vector<16xi32>
      %gt3A_1363 = arith.cmpf ogt, %select_n3A_1328, %select_n3A_1325 : vector<16xf32>
      %select_n3A_1364 = arith.select %gt3A_1363, %select_n3A_1328, %select_n3A_1325 : vector<16xi1>, vector<16xf32>
      %select_n3A_1365 = arith.select %gt3A_1363, %select_n3A_1329, %select_n3A_1326 : vector<16xi1>, vector<16xi32>
      %gt3A_1366 = arith.cmpf ogt, %select_n3A_1334, %select_n3A_1331 : vector<16xf32>
      %select_n3A_1367 = arith.select %gt3A_1366, %select_n3A_1334, %select_n3A_1331 : vector<16xi1>, vector<16xf32>
      %select_n3A_1368 = arith.select %gt3A_1366, %select_n3A_1335, %select_n3A_1332 : vector<16xi1>, vector<16xi32>
      %gt3A_1369 = arith.cmpf ogt, %select_n3A_1340, %select_n3A_1337 : vector<16xf32>
      %select_n3A_1370 = arith.select %gt3A_1369, %select_n3A_1340, %select_n3A_1337 : vector<16xi1>, vector<16xf32>
      %select_n3A_1371 = arith.select %gt3A_1369, %select_n3A_1341, %select_n3A_1338 : vector<16xi1>, vector<16xi32>
      %gt3A_1372 = arith.cmpf ogt, %select_n3A_1346, %select_n3A_1343 : vector<16xf32>
      %select_n3A_1373 = arith.select %gt3A_1372, %select_n3A_1346, %select_n3A_1343 : vector<16xi1>, vector<16xf32>
      %select_n3A_1374 = arith.select %gt3A_1372, %select_n3A_1347, %select_n3A_1344 : vector<16xi1>, vector<16xi32>
      %gt3A_1375 = arith.cmpf ogt, %select_n3A_1352, %select_n3A_1349 : vector<16xf32>
      %select_n3A_1376 = arith.select %gt3A_1375, %select_n3A_1352, %select_n3A_1349 : vector<16xi1>, vector<16xf32>
      %select_n3A_1377 = arith.select %gt3A_1375, %select_n3A_1353, %select_n3A_1350 : vector<16xi1>, vector<16xi32>
      %gt3A_1378 = arith.cmpf ogt, %select_n3A_1358, %select_n3A_1355 : vector<16xf32>
      %select_n3A_1379 = arith.select %gt3A_1378, %select_n3A_1358, %select_n3A_1355 : vector<16xi1>, vector<16xf32>
      %select_n3A_1380 = arith.select %gt3A_1378, %select_n3A_1359, %select_n3A_1356 : vector<16xi1>, vector<16xi32>
      %gt3A_1381 = arith.cmpf ogt, %select_n3A_1364, %select_n3A_1361 : vector<16xf32>
      %select_n3A_1382 = arith.select %gt3A_1381, %select_n3A_1364, %select_n3A_1361 : vector<16xi1>, vector<16xf32>
      %select_n3A_1383 = arith.select %gt3A_1381, %select_n3A_1365, %select_n3A_1362 : vector<16xi1>, vector<16xi32>
      %gt3A_1384 = arith.cmpf ogt, %select_n3A_1370, %select_n3A_1367 : vector<16xf32>
      %select_n3A_1385 = arith.select %gt3A_1384, %select_n3A_1370, %select_n3A_1367 : vector<16xi1>, vector<16xf32>
      %select_n3A_1386 = arith.select %gt3A_1384, %select_n3A_1371, %select_n3A_1368 : vector<16xi1>, vector<16xi32>
      %gt3A_1387 = arith.cmpf ogt, %select_n3A_1376, %select_n3A_1373 : vector<16xf32>
      %select_n3A_1388 = arith.select %gt3A_1387, %select_n3A_1376, %select_n3A_1373 : vector<16xi1>, vector<16xf32>
      %select_n3A_1389 = arith.select %gt3A_1387, %select_n3A_1377, %select_n3A_1374 : vector<16xi1>, vector<16xi32>
      %gt3A_1390 = arith.cmpf ogt, %select_n3A_1382, %select_n3A_1379 : vector<16xf32>
      %select_n3A_1391 = arith.select %gt3A_1390, %select_n3A_1382, %select_n3A_1379 : vector<16xi1>, vector<16xf32>
      %select_n3A_1392 = arith.select %gt3A_1390, %select_n3A_1383, %select_n3A_1380 : vector<16xi1>, vector<16xi32>
      %gt3A_1393 = arith.cmpf ogt, %select_n3A_1388, %select_n3A_1385 : vector<16xf32>
      %select_n3A_1394 = arith.select %gt3A_1393, %select_n3A_1388, %select_n3A_1385 : vector<16xi1>, vector<16xf32>
      %select_n3A_1395 = arith.select %gt3A_1393, %select_n3A_1389, %select_n3A_1386 : vector<16xi1>, vector<16xi32>
      %gt3A_1396 = arith.cmpf ogt, %select_n3A_1394, %select_n3A_1391 : vector<16xf32>
      %select_n3A_1397 = arith.select %gt3A_1396, %select_n3A_1394, %select_n3A_1391 : vector<16xi1>, vector<16xf32>
      %select_n3A_1398 = arith.select %gt3A_1396, %select_n3A_1395, %select_n3A_1392 : vector<16xi1>, vector<16xi32>
      %swap3A = arith.constant 0 : i32
      %swap3A_1399 = arith.index_cast %select_n3A_279 : i32 to index
      %swap3A_1400 = arith.index_cast %swap3A : i32 to index
      %swap3A_1401 = arith.index_cast %mul3A_295 : i32 to index
      %swap3A_1402 = tpu.vector_load %arg6[%swap3A_1399, %swap3A_1400, %swap3A_1401] {strides = array<i32>} : memref<4x8x128xi32, #tpu.memory_space<vmem>>, vector<16xi32>,
      tpu.vector_store %arg6[%swap3A_1399, %swap3A_1400, %swap3A_1401], %select_n3A_1398 {strides = array<i32>} : memref<4x8x128xi32, #tpu.memory_space<vmem>>, vector<16xi32>,
      %mul3A_1403 = arith.constant 1.600000e+01 : f32
      %mul3A_1404 = vector.broadcast %mul3A_1403 : f32 to vector<16xf32>
      %mul3A_1405 = arith.mulf %select_n3A_1397, %mul3A_1404 : vector<16xf32>
      %swap3A_1406 = arith.constant 0 : i32
      %swap3A_1407 = arith.index_cast %select_n3A_279 : i32 to index
      %swap3A_1408 = arith.index_cast %swap3A_1406 : i32 to index
      %swap3A_1409 = arith.index_cast %mul3A_295 : i32 to index
      %swap3A_1410 = tpu.vector_load %arg7[%swap3A_1407, %swap3A_1408, %swap3A_1409] {strides = array<i32>} : memref<4x8x128xf32, #tpu.memory_space<vmem>>, vector<16xf32>,
      tpu.vector_store %arg7[%swap3A_1407, %swap3A_1408, %swap3A_1409], %mul3A_1405 {strides = array<i32>} : memref<4x8x128xf32, #tpu.memory_space<vmem>>, vector<16xf32>,
      %eq3A_1411 = arith.cmpi eq, %add3A_1119, %select_n3A_1398 : vector<16xi32>
      %jit3A_1412 = arith.constant -1.000000e+00 : f32
      %broadcast_in_dim3A_1413 = vector.broadcast %jit3A_1412 : f32 to vector<16xf32>
      %select_n3A_1414 = arith.select %eq3A_1411, %broadcast_in_dim3A_1413, %gather3A : vector<16xi1>, vector<16xf32>
      %eq3A_1415 = arith.cmpi eq, %add3A_1125, %select_n3A_1398 : vector<16xi32>
      %jit3A_1416 = arith.constant -1.000000e+00 : f32
      %broadcast_in_dim3A_1417 = vector.broadcast %jit3A_1416 : f32 to vector<16xf32>
      %select_n3A_1418 = arith.select %eq3A_1415, %broadcast_in_dim3A_1417, %gather3A_1122 : vector<16xi1>, vector<16xf32>
      %eq3A_1419 = arith.cmpi eq, %add3A_1131, %select_n3A_1398 : vector<16xi32>
      %jit3A_1420 = arith.constant -1.000000e+00 : f32
      %broadcast_in_dim3A_1421 = vector.broadcast %jit3A_1420 : f32 to vector<16xf32>
      %select_n3A_1422 = arith.select %eq3A_1419, %broadcast_in_dim3A_1421, %gather3A_1128 : vector<16xi1>, vector<16xf32>
      %eq3A_1423 = arith.cmpi eq, %add3A_1137, %select_n3A_1398 : vector<16xi32>
      %jit3A_1424 = arith.constant -1.000000e+00 : f32
      %broadcast_in_dim3A_1425 = vector.broadcast %jit3A_1424 : f32 to vector<16xf32>
      %select_n3A_1426 = arith.select %eq3A_1423, %broadcast_in_dim3A_1425, %gather3A_1134 : vector<16xi1>, vector<16xf32>
      %eq3A_1427 = arith.cmpi eq, %add3A_1143, %select_n3A_1398 : vector<16xi32>
      %jit3A_1428 = arith.constant -1.000000e+00 : f32
      %broadcast_in_dim3A_1429 = vector.broadcast %jit3A_1428 : f32 to vector<16xf32>
      %select_n3A_1430 = arith.select %eq3A_1427, %broadcast_in_dim3A_1429, %gather3A_1140 : vector<16xi1>, vector<16xf32>
      %eq3A_1431 = arith.cmpi eq, %add3A_1149, %select_n3A_1398 : vector<16xi32>
      %jit3A_1432 = arith.constant -1.000000e+00 : f32
      %broadcast_in_dim3A_1433 = vector.broadcast %jit3A_1432 : f32 to vector<16xf32>
      %select_n3A_1434 = arith.select %eq3A_1431, %broadcast_in_dim3A_1433, %gather3A_1146 : vector<16xi1>, vector<16xf32>
      %eq3A_1435 = arith.cmpi eq, %add3A_1155, %select_n3A_1398 : vector<16xi32>
      %jit3A_1436 = arith.constant -1.000000e+00 : f32
      %broadcast_in_dim3A_1437 = vector.broadcast %jit3A_1436 : f32 to vector<16xf32>
      %select_n3A_1438 = arith.select %eq3A_1435, %broadcast_in_dim3A_1437, %gather3A_1152 : vector<16xi1>, vector<16xf32>
      %eq3A_1439 = arith.cmpi eq, %add3A_1161, %select_n3A_1398 : vector<16xi32>
      %jit3A_1440 = arith.constant -1.000000e+00 : f32
      %broadcast_in_dim3A_1441 = vector.broadcast %jit3A_1440 : f32 to vector<16xf32>
      %select_n3A_1442 = arith.select %eq3A_1439, %broadcast_in_dim3A_1441, %gather3A_1158 : vector<16xi1>, vector<16xf32>
      %eq3A_1443 = arith.cmpi eq, %add3A_1167, %select_n3A_1398 : vector<16xi32>
      %jit3A_1444 = arith.constant -1.000000e+00 : f32
      %broadcast_in_dim3A_1445 = vector.broadcast %jit3A_1444 : f32 to vector<16xf32>
      %select_n3A_1446 = arith.select %eq3A_1443, %broadcast_in_dim3A_1445, %gather3A_1164 : vector<16xi1>, vector<16xf32>
      %eq3A_1447 = arith.cmpi eq, %add3A_1173, %select_n3A_1398 : vector<16xi32>
      %jit3A_1448 = arith.constant -1.000000e+00 : f32
      %broadcast_in_dim3A_1449 = vector.broadcast %jit3A_1448 : f32 to vector<16xf32>
      %select_n3A_1450 = arith.select %eq3A_1447, %broadcast_in_dim3A_1449, %gather3A_1170 : vector<16xi1>, vector<16xf32>
      %eq3A_1451 = arith.cmpi eq, %add3A_1179, %select_n3A_1398 : vector<16xi32>
      %jit3A_1452 = arith.constant -1.000000e+00 : f32
      %broadcast_in_dim3A_1453 = vector.broadcast %jit3A_1452 : f32 to vector<16xf32>
      %select_n3A_1454 = arith.select %eq3A_1451, %broadcast_in_dim3A_1453, %gather3A_1176 : vector<16xi1>, vector<16xf32>
      %eq3A_1455 = arith.cmpi eq, %add3A_1185, %select_n3A_1398 : vector<16xi32>
      %jit3A_1456 = arith.constant -1.000000e+00 : f32
      %broadcast_in_dim3A_1457 = vector.broadcast %jit3A_1456 : f32 to vector<16xf32>
      %select_n3A_1458 = arith.select %eq3A_1455, %broadcast_in_dim3A_1457, %gather3A_1182 : vector<16xi1>, vector<16xf32>
      %eq3A_1459 = arith.cmpi eq, %add3A_1191, %select_n3A_1398 : vector<16xi32>
      %jit3A_1460 = arith.constant -1.000000e+00 : f32
      %broadcast_in_dim3A_1461 = vector.broadcast %jit3A_1460 : f32 to vector<16xf32>
      %select_n3A_1462 = arith.select %eq3A_1459, %broadcast_in_dim3A_1461, %gather3A_1188 : vector<16xi1>, vector<16xf32>
      %eq3A_1463 = arith.cmpi eq, %add3A_1197, %select_n3A_1398 : vector<16xi32>
      %jit3A_1464 = arith.constant -1.000000e+00 : f32
      %broadcast_in_dim3A_1465 = vector.broadcast %jit3A_1464 : f32 to vector<16xf32>
      %select_n3A_1466 = arith.select %eq3A_1463, %broadcast_in_dim3A_1465, %gather3A_1194 : vector<16xi1>, vector<16xf32>
      %eq3A_1467 = arith.cmpi eq, %add3A_1203, %select_n3A_1398 : vector<16xi32>
      %jit3A_1468 = arith.constant -1.000000e+00 : f32
      %broadcast_in_dim3A_1469 = vector.broadcast %jit3A_1468 : f32 to vector<16xf32>
      %select_n3A_1470 = arith.select %eq3A_1467, %broadcast_in_dim3A_1469, %gather3A_1200 : vector<16xi1>, vector<16xf32>
      %eq3A_1471 = arith.cmpi eq, %add3A_1209, %select_n3A_1398 : vector<16xi32>
      %jit3A_1472 = arith.constant -1.000000e+00 : f32
      %broadcast_in_dim3A_1473 = vector.broadcast %jit3A_1472 : f32 to vector<16xf32>
      %select_n3A_1474 = arith.select %eq3A_1471, %broadcast_in_dim3A_1473, %gather3A_1206 : vector<16xi1>, vector<16xf32>
      %eq3A_1475 = arith.cmpi eq, %add3A_1215, %select_n3A_1398 : vector<16xi32>
      %jit3A_1476 = arith.constant -1.000000e+00 : f32
      %broadcast_in_dim3A_1477 = vector.broadcast %jit3A_1476 : f32 to vector<16xf32>
      %select_n3A_1478 = arith.select %eq3A_1475, %broadcast_in_dim3A_1477, %gather3A_1212 : vector<16xi1>, vector<16xf32>
      %eq3A_1479 = arith.cmpi eq, %add3A_1221, %select_n3A_1398 : vector<16xi32>
      %jit3A_1480 = arith.constant -1.000000e+00 : f32
      %broadcast_in_dim3A_1481 = vector.broadcast %jit3A_1480 : f32 to vector<16xf32>
      %select_n3A_1482 = arith.select %eq3A_1479, %broadcast_in_dim3A_1481, %gather3A_1218 : vector<16xi1>, vector<16xf32>
      %eq3A_1483 = arith.cmpi eq, %add3A_1227, %select_n3A_1398 : vector<16xi32>
      %jit3A_1484 = arith.constant -1.000000e+00 : f32
      %broadcast_in_dim3A_1485 = vector.broadcast %jit3A_1484 : f32 to vector<16xf32>
      %select_n3A_1486 = arith.select %eq3A_1483, %broadcast_in_dim3A_1485, %gather3A_1224 : vector<16xi1>, vector<16xf32>
      %eq3A_1487 = arith.cmpi eq, %add3A_1233, %select_n3A_1398 : vector<16xi32>
      %jit3A_1488 = arith.constant -1.000000e+00 : f32
      %broadcast_in_dim3A_1489 = vector.broadcast %jit3A_1488 : f32 to vector<16xf32>
      %select_n3A_1490 = arith.select %eq3A_1487, %broadcast_in_dim3A_1489, %gather3A_1230 : vector<16xi1>, vector<16xf32>
      %eq3A_1491 = arith.cmpi eq, %add3A_1239, %select_n3A_1398 : vector<16xi32>
      %jit3A_1492 = arith.constant -1.000000e+00 : f32
      %broadcast_in_dim3A_1493 = vector.broadcast %jit3A_1492 : f32 to vector<16xf32>
      %select_n3A_1494 = arith.select %eq3A_1491, %broadcast_in_dim3A_1493, %gather3A_1236 : vector<16xi1>, vector<16xf32>
      %eq3A_1495 = arith.cmpi eq, %add3A_1245, %select_n3A_1398 : vector<16xi32>
      %jit3A_1496 = arith.constant -1.000000e+00 : f32
      %broadcast_in_dim3A_1497 = vector.broadcast %jit3A_1496 : f32 to vector<16xf32>
      %select_n3A_1498 = arith.select %eq3A_1495, %broadcast_in_dim3A_1497, %gather3A_1242 : vector<16xi1>, vector<16xf32>
      %eq3A_1499 = arith.cmpi eq, %add3A_1251, %select_n3A_1398 : vector<16xi32>
      %jit3A_1500 = arith.constant -1.000000e+00 : f32
      %broadcast_in_dim3A_1501 = vector.broadcast %jit3A_1500 : f32 to vector<16xf32>
      %select_n3A_1502 = arith.select %eq3A_1499, %broadcast_in_dim3A_1501, %gather3A_1248 : vector<16xi1>, vector<16xf32>
      %eq3A_1503 = arith.cmpi eq, %add3A_1257, %select_n3A_1398 : vector<16xi32>
      %jit3A_1504 = arith.constant -1.000000e+00 : f32
      %broadcast_in_dim3A_1505 = vector.broadcast %jit3A_1504 : f32 to vector<16xf32>
      %select_n3A_1506 = arith.select %eq3A_1503, %broadcast_in_dim3A_1505, %gather3A_1254 : vector<16xi1>, vector<16xf32>
      %eq3A_1507 = arith.cmpi eq, %add3A_1263, %select_n3A_1398 : vector<16xi32>
      %jit3A_1508 = arith.constant -1.000000e+00 : f32
      %broadcast_in_dim3A_1509 = vector.broadcast %jit3A_1508 : f32 to vector<16xf32>
      %select_n3A_1510 = arith.select %eq3A_1507, %broadcast_in_dim3A_1509, %gather3A_1260 : vector<16xi1>, vector<16xf32>
      %eq3A_1511 = arith.cmpi eq, %add3A_1269, %select_n3A_1398 : vector<16xi32>
      %jit3A_1512 = arith.constant -1.000000e+00 : f32
      %broadcast_in_dim3A_1513 = vector.broadcast %jit3A_1512 : f32 to vector<16xf32>
      %select_n3A_1514 = arith.select %eq3A_1511, %broadcast_in_dim3A_1513, %gather3A_1266 : vector<16xi1>, vector<16xf32>
      %eq3A_1515 = arith.cmpi eq, %add3A_1275, %select_n3A_1398 : vector<16xi32>
      %jit3A_1516 = arith.constant -1.000000e+00 : f32
      %broadcast_in_dim3A_1517 = vector.broadcast %jit3A_1516 : f32 to vector<16xf32>
      %select_n3A_1518 = arith.select %eq3A_1515, %broadcast_in_dim3A_1517, %gather3A_1272 : vector<16xi1>, vector<16xf32>
      %eq3A_1519 = arith.cmpi eq, %add3A_1281, %select_n3A_1398 : vector<16xi32>
      %jit3A_1520 = arith.constant -1.000000e+00 : f32
      %broadcast_in_dim3A_1521 = vector.broadcast %jit3A_1520 : f32 to vector<16xf32>
      %select_n3A_1522 = arith.select %eq3A_1519, %broadcast_in_dim3A_1521, %gather3A_1278 : vector<16xi1>, vector<16xf32>
      %eq3A_1523 = arith.cmpi eq, %add3A_1287, %select_n3A_1398 : vector<16xi32>
      %jit3A_1524 = arith.constant -1.000000e+00 : f32
      %broadcast_in_dim3A_1525 = vector.broadcast %jit3A_1524 : f32 to vector<16xf32>
      %select_n3A_1526 = arith.select %eq3A_1523, %broadcast_in_dim3A_1525, %gather3A_1284 : vector<16xi1>, vector<16xf32>
      %eq3A_1527 = arith.cmpi eq, %add3A_1293, %select_n3A_1398 : vector<16xi32>
      %jit3A_1528 = arith.constant -1.000000e+00 : f32
      %broadcast_in_dim3A_1529 = vector.broadcast %jit3A_1528 : f32 to vector<16xf32>
      %select_n3A_1530 = arith.select %eq3A_1527, %broadcast_in_dim3A_1529, %gather3A_1290 : vector<16xi1>, vector<16xf32>
      %eq3A_1531 = arith.cmpi eq, %add3A_1299, %select_n3A_1398 : vector<16xi32>
      %jit3A_1532 = arith.constant -1.000000e+00 : f32
      %broadcast_in_dim3A_1533 = vector.broadcast %jit3A_1532 : f32 to vector<16xf32>
      %select_n3A_1534 = arith.select %eq3A_1531, %broadcast_in_dim3A_1533, %gather3A_1296 : vector<16xi1>, vector<16xf32>
      %eq3A_1535 = arith.cmpi eq, %add3A_1305, %select_n3A_1398 : vector<16xi32>
      %jit3A_1536 = arith.constant -1.000000e+00 : f32
      %broadcast_in_dim3A_1537 = vector.broadcast %jit3A_1536 : f32 to vector<16xf32>
      %select_n3A_1538 = arith.select %eq3A_1535, %broadcast_in_dim3A_1537, %gather3A_1302 : vector<16xi1>, vector<16xf32>
      %gt3A_1539 = arith.cmpf ogt, %select_n3A_1418, %select_n3A_1414 : vector<16xf32>
      %select_n3A_1540 = arith.select %gt3A_1539, %select_n3A_1418, %select_n3A_1414 : vector<16xi1>, vector<16xf32>
      %select_n3A_1541 = arith.select %gt3A_1539, %add3A_1125, %add3A_1119 : vector<16xi1>, vector<16xi32>
      %gt3A_1542 = arith.cmpf ogt, %select_n3A_1426, %select_n3A_1422 : vector<16xf32>
      %select_n3A_1543 = arith.select %gt3A_1542, %select_n3A_1426, %select_n3A_1422 : vector<16xi1>, vector<16xf32>
      %select_n3A_1544 = arith.select %gt3A_1542, %add3A_1137, %add3A_1131 : vector<16xi1>, vector<16xi32>
      %gt3A_1545 = arith.cmpf ogt, %select_n3A_1434, %select_n3A_1430 : vector<16xf32>
      %select_n3A_1546 = arith.select %gt3A_1545, %select_n3A_1434, %select_n3A_1430 : vector<16xi1>, vector<16xf32>
      %select_n3A_1547 = arith.select %gt3A_1545, %add3A_1149, %add3A_1143 : vector<16xi1>, vector<16xi32>
      %gt3A_1548 = arith.cmpf ogt, %select_n3A_1442, %select_n3A_1438 : vector<16xf32>
      %select_n3A_1549 = arith.select %gt3A_1548, %select_n3A_1442, %select_n3A_1438 : vector<16xi1>, vector<16xf32>
      %select_n3A_1550 = arith.select %gt3A_1548, %add3A_1161, %add3A_1155 : vector<16xi1>, vector<16xi32>
      %gt3A_1551 = arith.cmpf ogt, %select_n3A_1450, %select_n3A_1446 : vector<16xf32>
      %select_n3A_1552 = arith.select %gt3A_1551, %select_n3A_1450, %select_n3A_1446 : vector<16xi1>, vector<16xf32>
      %select_n3A_1553 = arith.select %gt3A_1551, %add3A_1173, %add3A_1167 : vector<16xi1>, vector<16xi32>
      %gt3A_1554 = arith.cmpf ogt, %select_n3A_1458, %select_n3A_1454 : vector<16xf32>
      %select_n3A_1555 = arith.select %gt3A_1554, %select_n3A_1458, %select_n3A_1454 : vector<16xi1>, vector<16xf32>
      %select_n3A_1556 = arith.select %gt3A_1554, %add3A_1185, %add3A_1179 : vector<16xi1>, vector<16xi32>
      %gt3A_1557 = arith.cmpf ogt, %select_n3A_1466, %select_n3A_1462 : vector<16xf32>
      %select_n3A_1558 = arith.select %gt3A_1557, %select_n3A_1466, %select_n3A_1462 : vector<16xi1>, vector<16xf32>
      %select_n3A_1559 = arith.select %gt3A_1557, %add3A_1197, %add3A_1191 : vector<16xi1>, vector<16xi32>
      %gt3A_1560 = arith.cmpf ogt, %select_n3A_1474, %select_n3A_1470 : vector<16xf32>
      %select_n3A_1561 = arith.select %gt3A_1560, %select_n3A_1474, %select_n3A_1470 : vector<16xi1>, vector<16xf32>
      %select_n3A_1562 = arith.select %gt3A_1560, %add3A_1209, %add3A_1203 : vector<16xi1>, vector<16xi32>
      %gt3A_1563 = arith.cmpf ogt, %select_n3A_1482, %select_n3A_1478 : vector<16xf32>
      %select_n3A_1564 = arith.select %gt3A_1563, %select_n3A_1482, %select_n3A_1478 : vector<16xi1>, vector<16xf32>
      %select_n3A_1565 = arith.select %gt3A_1563, %add3A_1221, %add3A_1215 : vector<16xi1>, vector<16xi32>
      %gt3A_1566 = arith.cmpf ogt, %select_n3A_1490, %select_n3A_1486 : vector<16xf32>
      %select_n3A_1567 = arith.select %gt3A_1566, %select_n3A_1490, %select_n3A_1486 : vector<16xi1>, vector<16xf32>
      %select_n3A_1568 = arith.select %gt3A_1566, %add3A_1233, %add3A_1227 : vector<16xi1>, vector<16xi32>
      %gt3A_1569 = arith.cmpf ogt, %select_n3A_1498, %select_n3A_1494 : vector<16xf32>
      %select_n3A_1570 = arith.select %gt3A_1569, %select_n3A_1498, %select_n3A_1494 : vector<16xi1>, vector<16xf32>
      %select_n3A_1571 = arith.select %gt3A_1569, %add3A_1245, %add3A_1239 : vector<16xi1>, vector<16xi32>
      %gt3A_1572 = arith.cmpf ogt, %select_n3A_1506, %select_n3A_1502 : vector<16xf32>
      %select_n3A_1573 = arith.select %gt3A_1572, %select_n3A_1506, %select_n3A_1502 : vector<16xi1>, vector<16xf32>
      %select_n3A_1574 = arith.select %gt3A_1572, %add3A_1257, %add3A_1251 : vector<16xi1>, vector<16xi32>
      %gt3A_1575 = arith.cmpf ogt, %select_n3A_1514, %select_n3A_1510 : vector<16xf32>
      %select_n3A_1576 = arith.select %gt3A_1575, %select_n3A_1514, %select_n3A_1510 : vector<16xi1>, vector<16xf32>
      %select_n3A_1577 = arith.select %gt3A_1575, %add3A_1269, %add3A_1263 : vector<16xi1>, vector<16xi32>
      %gt3A_1578 = arith.cmpf ogt, %select_n3A_1522, %select_n3A_1518 : vector<16xf32>
      %select_n3A_1579 = arith.select %gt3A_1578, %select_n3A_1522, %select_n3A_1518 : vector<16xi1>, vector<16xf32>
      %select_n3A_1580 = arith.select %gt3A_1578, %add3A_1281, %add3A_1275 : vector<16xi1>, vector<16xi32>
      %gt3A_1581 = arith.cmpf ogt, %select_n3A_1530, %select_n3A_1526 : vector<16xf32>
      %select_n3A_1582 = arith.select %gt3A_1581, %select_n3A_1530, %select_n3A_1526 : vector<16xi1>, vector<16xf32>
      %select_n3A_1583 = arith.select %gt3A_1581, %add3A_1293, %add3A_1287 : vector<16xi1>, vector<16xi32>
      %gt3A_1584 = arith.cmpf ogt, %select_n3A_1538, %select_n3A_1534 : vector<16xf32>
      %select_n3A_1585 = arith.select %gt3A_1584, %select_n3A_1538, %select_n3A_1534 : vector<16xi1>, vector<16xf32>
      %select_n3A_1586 = arith.select %gt3A_1584, %add3A_1305, %add3A_1299 : vector<16xi1>, vector<16xi32>
      %gt3A_1587 = arith.cmpf ogt, %select_n3A_1543, %select_n3A_1540 : vector<16xf32>
      %select_n3A_1588 = arith.select %gt3A_1587, %select_n3A_1543, %select_n3A_1540 : vector<16xi1>, vector<16xf32>
      %select_n3A_1589 = arith.select %gt3A_1587, %select_n3A_1544, %select_n3A_1541 : vector<16xi1>, vector<16xi32>
      %gt3A_1590 = arith.cmpf ogt, %select_n3A_1549, %select_n3A_1546 : vector<16xf32>
      %select_n3A_1591 = arith.select %gt3A_1590, %select_n3A_1549, %select_n3A_1546 : vector<16xi1>, vector<16xf32>
      %select_n3A_1592 = arith.select %gt3A_1590, %select_n3A_1550, %select_n3A_1547 : vector<16xi1>, vector<16xi32>
      %gt3A_1593 = arith.cmpf ogt, %select_n3A_1555, %select_n3A_1552 : vector<16xf32>
      %select_n3A_1594 = arith.select %gt3A_1593, %select_n3A_1555, %select_n3A_1552 : vector<16xi1>, vector<16xf32>
      %select_n3A_1595 = arith.select %gt3A_1593, %select_n3A_1556, %select_n3A_1553 : vector<16xi1>, vector<16xi32>
      %gt3A_1596 = arith.cmpf ogt, %select_n3A_1561, %select_n3A_1558 : vector<16xf32>
      %select_n3A_1597 = arith.select %gt3A_1596, %select_n3A_1561, %select_n3A_1558 : vector<16xi1>, vector<16xf32>
      %select_n3A_1598 = arith.select %gt3A_1596, %select_n3A_1562, %select_n3A_1559 : vector<16xi1>, vector<16xi32>
      %gt3A_1599 = arith.cmpf ogt, %select_n3A_1567, %select_n3A_1564 : vector<16xf32>
      %select_n3A_1600 = arith.select %gt3A_1599, %select_n3A_1567, %select_n3A_1564 : vector<16xi1>, vector<16xf32>
      %select_n3A_1601 = arith.select %gt3A_1599, %select_n3A_1568, %select_n3A_1565 : vector<16xi1>, vector<16xi32>
      %gt3A_1602 = arith.cmpf ogt, %select_n3A_1573, %select_n3A_1570 : vector<16xf32>
      %select_n3A_1603 = arith.select %gt3A_1602, %select_n3A_1573, %select_n3A_1570 : vector<16xi1>, vector<16xf32>
      %select_n3A_1604 = arith.select %gt3A_1602, %select_n3A_1574, %select_n3A_1571 : vector<16xi1>, vector<16xi32>
      %gt3A_1605 = arith.cmpf ogt, %select_n3A_1579, %select_n3A_1576 : vector<16xf32>
      %select_n3A_1606 = arith.select %gt3A_1605, %select_n3A_1579, %select_n3A_1576 : vector<16xi1>, vector<16xf32>
      %select_n3A_1607 = arith.select %gt3A_1605, %select_n3A_1580, %select_n3A_1577 : vector<16xi1>, vector<16xi32>
      %gt3A_1608 = arith.cmpf ogt, %select_n3A_1585, %select_n3A_1582 : vector<16xf32>
      %select_n3A_1609 = arith.select %gt3A_1608, %select_n3A_1585, %select_n3A_1582 : vector<16xi1>, vector<16xf32>
      %select_n3A_1610 = arith.select %gt3A_1608, %select_n3A_1586, %select_n3A_1583 : vector<16xi1>, vector<16xi32>
      %gt3A_1611 = arith.cmpf ogt, %select_n3A_1591, %select_n3A_1588 : vector<16xf32>
      %select_n3A_1612 = arith.select %gt3A_1611, %select_n3A_1591, %select_n3A_1588 : vector<16xi1>, vector<16xf32>
      %select_n3A_1613 = arith.select %gt3A_1611, %select_n3A_1592, %select_n3A_1589 : vector<16xi1>, vector<16xi32>
      %gt3A_1614 = arith.cmpf ogt, %select_n3A_1597, %select_n3A_1594 : vector<16xf32>
      %select_n3A_1615 = arith.select %gt3A_1614, %select_n3A_1597, %select_n3A_1594 : vector<16xi1>, vector<16xf32>
      %select_n3A_1616 = arith.select %gt3A_1614, %select_n3A_1598, %select_n3A_1595 : vector<16xi1>, vector<16xi32>
      %gt3A_1617 = arith.cmpf ogt, %select_n3A_1603, %select_n3A_1600 : vector<16xf32>
      %select_n3A_1618 = arith.select %gt3A_1617, %select_n3A_1603, %select_n3A_1600 : vector<16xi1>, vector<16xf32>
      %select_n3A_1619 = arith.select %gt3A_1617, %select_n3A_1604, %select_n3A_1601 : vector<16xi1>, vector<16xi32>
      %gt3A_1620 = arith.cmpf ogt, %select_n3A_1609, %select_n3A_1606 : vector<16xf32>
      %select_n3A_1621 = arith.select %gt3A_1620, %select_n3A_1609, %select_n3A_1606 : vector<16xi1>, vector<16xf32>
      %select_n3A_1622 = arith.select %gt3A_1620, %select_n3A_1610, %select_n3A_1607 : vector<16xi1>, vector<16xi32>
      %gt3A_1623 = arith.cmpf ogt, %select_n3A_1615, %select_n3A_1612 : vector<16xf32>
      %select_n3A_1624 = arith.select %gt3A_1623, %select_n3A_1615, %select_n3A_1612 : vector<16xi1>, vector<16xf32>
      %select_n3A_1625 = arith.select %gt3A_1623, %select_n3A_1616, %select_n3A_1613 : vector<16xi1>, vector<16xi32>
      %gt3A_1626 = arith.cmpf ogt, %select_n3A_1621, %select_n3A_1618 : vector<16xf32>
      %select_n3A_1627 = arith.select %gt3A_1626, %select_n3A_1621, %select_n3A_1618 : vector<16xi1>, vector<16xf32>
      %select_n3A_1628 = arith.select %gt3A_1626, %select_n3A_1622, %select_n3A_1619 : vector<16xi1>, vector<16xi32>
      %gt3A_1629 = arith.cmpf ogt, %select_n3A_1627, %select_n3A_1624 : vector<16xf32>
      %select_n3A_1630 = arith.select %gt3A_1629, %select_n3A_1627, %select_n3A_1624 : vector<16xi1>, vector<16xf32>
      %select_n3A_1631 = arith.select %gt3A_1629, %select_n3A_1628, %select_n3A_1625 : vector<16xi1>, vector<16xi32>
      %swap3A_1632 = arith.constant 1 : i32
      %swap3A_1633 = arith.index_cast %select_n3A_279 : i32 to index
      %swap3A_1634 = arith.index_cast %swap3A_1632 : i32 to index
      %swap3A_1635 = arith.index_cast %mul3A_295 : i32 to index
      %swap3A_1636 = tpu.vector_load %arg6[%swap3A_1633, %swap3A_1634, %swap3A_1635] {strides = array<i32>} : memref<4x8x128xi32, #tpu.memory_space<vmem>>, vector<16xi32>,
      tpu.vector_store %arg6[%swap3A_1633, %swap3A_1634, %swap3A_1635], %select_n3A_1631 {strides = array<i32>} : memref<4x8x128xi32, #tpu.memory_space<vmem>>, vector<16xi32>,
      %mul3A_1637 = arith.constant 1.600000e+01 : f32
      %mul3A_1638 = vector.broadcast %mul3A_1637 : f32 to vector<16xf32>
      %mul3A_1639 = arith.mulf %select_n3A_1630, %mul3A_1638 : vector<16xf32>
      %swap3A_1640 = arith.constant 1 : i32
      %swap3A_1641 = arith.index_cast %select_n3A_279 : i32 to index
      %swap3A_1642 = arith.index_cast %swap3A_1640 : i32 to index
      %swap3A_1643 = arith.index_cast %mul3A_295 : i32 to index
      %swap3A_1644 = tpu.vector_load %arg7[%swap3A_1641, %swap3A_1642, %swap3A_1643] {strides = array<i32>} : memref<4x8x128xf32, #tpu.memory_space<vmem>>, vector<16xf32>,
      tpu.vector_store %arg7[%swap3A_1641, %swap3A_1642, %swap3A_1643], %mul3A_1639 {strides = array<i32>} : memref<4x8x128xf32, #tpu.memory_space<vmem>>, vector<16xf32>,
      %eq3A_1645 = arith.cmpi eq, %add3A_1119, %select_n3A_1631 : vector<16xi32>
      %jit3A_1646 = arith.constant -1.000000e+00 : f32
      %broadcast_in_dim3A_1647 = vector.broadcast %jit3A_1646 : f32 to vector<16xf32>
      %select_n3A_1648 = arith.select %eq3A_1645, %broadcast_in_dim3A_1647, %select_n3A_1414 : vector<16xi1>, vector<16xf32>
      %eq3A_1649 = arith.cmpi eq, %add3A_1125, %select_n3A_1631 : vector<16xi32>
      %jit3A_1650 = arith.constant -1.000000e+00 : f32
      %broadcast_in_dim3A_1651 = vector.broadcast %jit3A_1650 : f32 to vector<16xf32>
      %select_n3A_1652 = arith.select %eq3A_1649, %broadcast_in_dim3A_1651, %select_n3A_1418 : vector<16xi1>, vector<16xf32>
      %eq3A_1653 = arith.cmpi eq, %add3A_1131, %select_n3A_1631 : vector<16xi32>
      %jit3A_1654 = arith.constant -1.000000e+00 : f32
      %broadcast_in_dim3A_1655 = vector.broadcast %jit3A_1654 : f32 to vector<16xf32>
      %select_n3A_1656 = arith.select %eq3A_1653, %broadcast_in_dim3A_1655, %select_n3A_1422 : vector<16xi1>, vector<16xf32>
      %eq3A_1657 = arith.cmpi eq, %add3A_1137, %select_n3A_1631 : vector<16xi32>
      %jit3A_1658 = arith.constant -1.000000e+00 : f32
      %broadcast_in_dim3A_1659 = vector.broadcast %jit3A_1658 : f32 to vector<16xf32>
      %select_n3A_1660 = arith.select %eq3A_1657, %broadcast_in_dim3A_1659, %select_n3A_1426 : vector<16xi1>, vector<16xf32>
      %eq3A_1661 = arith.cmpi eq, %add3A_1143, %select_n3A_1631 : vector<16xi32>
      %jit3A_1662 = arith.constant -1.000000e+00 : f32
      %broadcast_in_dim3A_1663 = vector.broadcast %jit3A_1662 : f32 to vector<16xf32>
      %select_n3A_1664 = arith.select %eq3A_1661, %broadcast_in_dim3A_1663, %select_n3A_1430 : vector<16xi1>, vector<16xf32>
      %eq3A_1665 = arith.cmpi eq, %add3A_1149, %select_n3A_1631 : vector<16xi32>
      %jit3A_1666 = arith.constant -1.000000e+00 : f32
      %broadcast_in_dim3A_1667 = vector.broadcast %jit3A_1666 : f32 to vector<16xf32>
      %select_n3A_1668 = arith.select %eq3A_1665, %broadcast_in_dim3A_1667, %select_n3A_1434 : vector<16xi1>, vector<16xf32>
      %eq3A_1669 = arith.cmpi eq, %add3A_1155, %select_n3A_1631 : vector<16xi32>
      %jit3A_1670 = arith.constant -1.000000e+00 : f32
      %broadcast_in_dim3A_1671 = vector.broadcast %jit3A_1670 : f32 to vector<16xf32>
      %select_n3A_1672 = arith.select %eq3A_1669, %broadcast_in_dim3A_1671, %select_n3A_1438 : vector<16xi1>, vector<16xf32>
      %eq3A_1673 = arith.cmpi eq, %add3A_1161, %select_n3A_1631 : vector<16xi32>
      %jit3A_1674 = arith.constant -1.000000e+00 : f32
      %broadcast_in_dim3A_1675 = vector.broadcast %jit3A_1674 : f32 to vector<16xf32>
      %select_n3A_1676 = arith.select %eq3A_1673, %broadcast_in_dim3A_1675, %select_n3A_1442 : vector<16xi1>, vector<16xf32>
      %eq3A_1677 = arith.cmpi eq, %add3A_1167, %select_n3A_1631 : vector<16xi32>
      %jit3A_1678 = arith.constant -1.000000e+00 : f32
      %broadcast_in_dim3A_1679 = vector.broadcast %jit3A_1678 : f32 to vector<16xf32>
      %select_n3A_1680 = arith.select %eq3A_1677, %broadcast_in_dim3A_1679, %select_n3A_1446 : vector<16xi1>, vector<16xf32>
      %eq3A_1681 = arith.cmpi eq, %add3A_1173, %select_n3A_1631 : vector<16xi32>
      %jit3A_1682 = arith.constant -1.000000e+00 : f32
      %broadcast_in_dim3A_1683 = vector.broadcast %jit3A_1682 : f32 to vector<16xf32>
      %select_n3A_1684 = arith.select %eq3A_1681, %broadcast_in_dim3A_1683, %select_n3A_1450 : vector<16xi1>, vector<16xf32>
      %eq3A_1685 = arith.cmpi eq, %add3A_1179, %select_n3A_1631 : vector<16xi32>
      %jit3A_1686 = arith.constant -1.000000e+00 : f32
      %broadcast_in_dim3A_1687 = vector.broadcast %jit3A_1686 : f32 to vector<16xf32>
      %select_n3A_1688 = arith.select %eq3A_1685, %broadcast_in_dim3A_1687, %select_n3A_1454 : vector<16xi1>, vector<16xf32>
      %eq3A_1689 = arith.cmpi eq, %add3A_1185, %select_n3A_1631 : vector<16xi32>
      %jit3A_1690 = arith.constant -1.000000e+00 : f32
      %broadcast_in_dim3A_1691 = vector.broadcast %jit3A_1690 : f32 to vector<16xf32>
      %select_n3A_1692 = arith.select %eq3A_1689, %broadcast_in_dim3A_1691, %select_n3A_1458 : vector<16xi1>, vector<16xf32>
      %eq3A_1693 = arith.cmpi eq, %add3A_1191, %select_n3A_1631 : vector<16xi32>
      %jit3A_1694 = arith.constant -1.000000e+00 : f32
      %broadcast_in_dim3A_1695 = vector.broadcast %jit3A_1694 : f32 to vector<16xf32>
      %select_n3A_1696 = arith.select %eq3A_1693, %broadcast_in_dim3A_1695, %select_n3A_1462 : vector<16xi1>, vector<16xf32>
      %eq3A_1697 = arith.cmpi eq, %add3A_1197, %select_n3A_1631 : vector<16xi32>
      %jit3A_1698 = arith.constant -1.000000e+00 : f32
      %broadcast_in_dim3A_1699 = vector.broadcast %jit3A_1698 : f32 to vector<16xf32>
      %select_n3A_1700 = arith.select %eq3A_1697, %broadcast_in_dim3A_1699, %select_n3A_1466 : vector<16xi1>, vector<16xf32>
      %eq3A_1701 = arith.cmpi eq, %add3A_1203, %select_n3A_1631 : vector<16xi32>
      %jit3A_1702 = arith.constant -1.000000e+00 : f32
      %broadcast_in_dim3A_1703 = vector.broadcast %jit3A_1702 : f32 to vector<16xf32>
      %select_n3A_1704 = arith.select %eq3A_1701, %broadcast_in_dim3A_1703, %select_n3A_1470 : vector<16xi1>, vector<16xf32>
      %eq3A_1705 = arith.cmpi eq, %add3A_1209, %select_n3A_1631 : vector<16xi32>
      %jit3A_1706 = arith.constant -1.000000e+00 : f32
      %broadcast_in_dim3A_1707 = vector.broadcast %jit3A_1706 : f32 to vector<16xf32>
      %select_n3A_1708 = arith.select %eq3A_1705, %broadcast_in_dim3A_1707, %select_n3A_1474 : vector<16xi1>, vector<16xf32>
      %eq3A_1709 = arith.cmpi eq, %add3A_1215, %select_n3A_1631 : vector<16xi32>
      %jit3A_1710 = arith.constant -1.000000e+00 : f32
      %broadcast_in_dim3A_1711 = vector.broadcast %jit3A_1710 : f32 to vector<16xf32>
      %select_n3A_1712 = arith.select %eq3A_1709, %broadcast_in_dim3A_1711, %select_n3A_1478 : vector<16xi1>, vector<16xf32>
      %eq3A_1713 = arith.cmpi eq, %add3A_1221, %select_n3A_1631 : vector<16xi32>
      %jit3A_1714 = arith.constant -1.000000e+00 : f32
      %broadcast_in_dim3A_1715 = vector.broadcast %jit3A_1714 : f32 to vector<16xf32>
      %select_n3A_1716 = arith.select %eq3A_1713, %broadcast_in_dim3A_1715, %select_n3A_1482 : vector<16xi1>, vector<16xf32>
      %eq3A_1717 = arith.cmpi eq, %add3A_1227, %select_n3A_1631 : vector<16xi32>
      %jit3A_1718 = arith.constant -1.000000e+00 : f32
      %broadcast_in_dim3A_1719 = vector.broadcast %jit3A_1718 : f32 to vector<16xf32>
      %select_n3A_1720 = arith.select %eq3A_1717, %broadcast_in_dim3A_1719, %select_n3A_1486 : vector<16xi1>, vector<16xf32>
      %eq3A_1721 = arith.cmpi eq, %add3A_1233, %select_n3A_1631 : vector<16xi32>
      %jit3A_1722 = arith.constant -1.000000e+00 : f32
      %broadcast_in_dim3A_1723 = vector.broadcast %jit3A_1722 : f32 to vector<16xf32>
      %select_n3A_1724 = arith.select %eq3A_1721, %broadcast_in_dim3A_1723, %select_n3A_1490 : vector<16xi1>, vector<16xf32>
      %eq3A_1725 = arith.cmpi eq, %add3A_1239, %select_n3A_1631 : vector<16xi32>
      %jit3A_1726 = arith.constant -1.000000e+00 : f32
      %broadcast_in_dim3A_1727 = vector.broadcast %jit3A_1726 : f32 to vector<16xf32>
      %select_n3A_1728 = arith.select %eq3A_1725, %broadcast_in_dim3A_1727, %select_n3A_1494 : vector<16xi1>, vector<16xf32>
      %eq3A_1729 = arith.cmpi eq, %add3A_1245, %select_n3A_1631 : vector<16xi32>
      %jit3A_1730 = arith.constant -1.000000e+00 : f32
      %broadcast_in_dim3A_1731 = vector.broadcast %jit3A_1730 : f32 to vector<16xf32>
      %select_n3A_1732 = arith.select %eq3A_1729, %broadcast_in_dim3A_1731, %select_n3A_1498 : vector<16xi1>, vector<16xf32>
      %eq3A_1733 = arith.cmpi eq, %add3A_1251, %select_n3A_1631 : vector<16xi32>
      %jit3A_1734 = arith.constant -1.000000e+00 : f32
      %broadcast_in_dim3A_1735 = vector.broadcast %jit3A_1734 : f32 to vector<16xf32>
      %select_n3A_1736 = arith.select %eq3A_1733, %broadcast_in_dim3A_1735, %select_n3A_1502 : vector<16xi1>, vector<16xf32>
      %eq3A_1737 = arith.cmpi eq, %add3A_1257, %select_n3A_1631 : vector<16xi32>
      %jit3A_1738 = arith.constant -1.000000e+00 : f32
      %broadcast_in_dim3A_1739 = vector.broadcast %jit3A_1738 : f32 to vector<16xf32>
      %select_n3A_1740 = arith.select %eq3A_1737, %broadcast_in_dim3A_1739, %select_n3A_1506 : vector<16xi1>, vector<16xf32>
      %eq3A_1741 = arith.cmpi eq, %add3A_1263, %select_n3A_1631 : vector<16xi32>
      %jit3A_1742 = arith.constant -1.000000e+00 : f32
      %broadcast_in_dim3A_1743 = vector.broadcast %jit3A_1742 : f32 to vector<16xf32>
      %select_n3A_1744 = arith.select %eq3A_1741, %broadcast_in_dim3A_1743, %select_n3A_1510 : vector<16xi1>, vector<16xf32>
      %eq3A_1745 = arith.cmpi eq, %add3A_1269, %select_n3A_1631 : vector<16xi32>
      %jit3A_1746 = arith.constant -1.000000e+00 : f32
      %broadcast_in_dim3A_1747 = vector.broadcast %jit3A_1746 : f32 to vector<16xf32>
      %select_n3A_1748 = arith.select %eq3A_1745, %broadcast_in_dim3A_1747, %select_n3A_1514 : vector<16xi1>, vector<16xf32>
      %eq3A_1749 = arith.cmpi eq, %add3A_1275, %select_n3A_1631 : vector<16xi32>
      %jit3A_1750 = arith.constant -1.000000e+00 : f32
      %broadcast_in_dim3A_1751 = vector.broadcast %jit3A_1750 : f32 to vector<16xf32>
      %select_n3A_1752 = arith.select %eq3A_1749, %broadcast_in_dim3A_1751, %select_n3A_1518 : vector<16xi1>, vector<16xf32>
      %eq3A_1753 = arith.cmpi eq, %add3A_1281, %select_n3A_1631 : vector<16xi32>
      %jit3A_1754 = arith.constant -1.000000e+00 : f32
      %broadcast_in_dim3A_1755 = vector.broadcast %jit3A_1754 : f32 to vector<16xf32>
      %select_n3A_1756 = arith.select %eq3A_1753, %broadcast_in_dim3A_1755, %select_n3A_1522 : vector<16xi1>, vector<16xf32>
      %eq3A_1757 = arith.cmpi eq, %add3A_1287, %select_n3A_1631 : vector<16xi32>
      %jit3A_1758 = arith.constant -1.000000e+00 : f32
      %broadcast_in_dim3A_1759 = vector.broadcast %jit3A_1758 : f32 to vector<16xf32>
      %select_n3A_1760 = arith.select %eq3A_1757, %broadcast_in_dim3A_1759, %select_n3A_1526 : vector<16xi1>, vector<16xf32>
      %eq3A_1761 = arith.cmpi eq, %add3A_1293, %select_n3A_1631 : vector<16xi32>
      %jit3A_1762 = arith.constant -1.000000e+00 : f32
      %broadcast_in_dim3A_1763 = vector.broadcast %jit3A_1762 : f32 to vector<16xf32>
      %select_n3A_1764 = arith.select %eq3A_1761, %broadcast_in_dim3A_1763, %select_n3A_1530 : vector<16xi1>, vector<16xf32>
      %eq3A_1765 = arith.cmpi eq, %add3A_1299, %select_n3A_1631 : vector<16xi32>
      %jit3A_1766 = arith.constant -1.000000e+00 : f32
      %broadcast_in_dim3A_1767 = vector.broadcast %jit3A_1766 : f32 to vector<16xf32>
      %select_n3A_1768 = arith.select %eq3A_1765, %broadcast_in_dim3A_1767, %select_n3A_1534 : vector<16xi1>, vector<16xf32>
      %eq3A_1769 = arith.cmpi eq, %add3A_1305, %select_n3A_1631 : vector<16xi32>
      %jit3A_1770 = arith.constant -1.000000e+00 : f32
      %broadcast_in_dim3A_1771 = vector.broadcast %jit3A_1770 : f32 to vector<16xf32>
      %select_n3A_1772 = arith.select %eq3A_1769, %broadcast_in_dim3A_1771, %select_n3A_1538 : vector<16xi1>, vector<16xf32>
      %gt3A_1773 = arith.cmpf ogt, %select_n3A_1652, %select_n3A_1648 : vector<16xf32>
      %select_n3A_1774 = arith.select %gt3A_1773, %select_n3A_1652, %select_n3A_1648 : vector<16xi1>, vector<16xf32>
      %select_n3A_1775 = arith.select %gt3A_1773, %add3A_1125, %add3A_1119 : vector<16xi1>, vector<16xi32>
      %gt3A_1776 = arith.cmpf ogt, %select_n3A_1660, %select_n3A_1656 : vector<16xf32>
      %select_n3A_1777 = arith.select %gt3A_1776, %select_n3A_1660, %select_n3A_1656 : vector<16xi1>, vector<16xf32>
      %select_n3A_1778 = arith.select %gt3A_1776, %add3A_1137, %add3A_1131 : vector<16xi1>, vector<16xi32>
      %gt3A_1779 = arith.cmpf ogt, %select_n3A_1668, %select_n3A_1664 : vector<16xf32>
      %select_n3A_1780 = arith.select %gt3A_1779, %select_n3A_1668, %select_n3A_1664 : vector<16xi1>, vector<16xf32>
      %select_n3A_1781 = arith.select %gt3A_1779, %add3A_1149, %add3A_1143 : vector<16xi1>, vector<16xi32>
      %gt3A_1782 = arith.cmpf ogt, %select_n3A_1676, %select_n3A_1672 : vector<16xf32>
      %select_n3A_1783 = arith.select %gt3A_1782, %select_n3A_1676, %select_n3A_1672 : vector<16xi1>, vector<16xf32>
      %select_n3A_1784 = arith.select %gt3A_1782, %add3A_1161, %add3A_1155 : vector<16xi1>, vector<16xi32>
      %gt3A_1785 = arith.cmpf ogt, %select_n3A_1684, %select_n3A_1680 : vector<16xf32>
      %select_n3A_1786 = arith.select %gt3A_1785, %select_n3A_1684, %select_n3A_1680 : vector<16xi1>, vector<16xf32>
      %select_n3A_1787 = arith.select %gt3A_1785, %add3A_1173, %add3A_1167 : vector<16xi1>, vector<16xi32>
      %gt3A_1788 = arith.cmpf ogt, %select_n3A_1692, %select_n3A_1688 : vector<16xf32>
      %select_n3A_1789 = arith.select %gt3A_1788, %select_n3A_1692, %select_n3A_1688 : vector<16xi1>, vector<16xf32>
      %select_n3A_1790 = arith.select %gt3A_1788, %add3A_1185, %add3A_1179 : vector<16xi1>, vector<16xi32>
      %gt3A_1791 = arith.cmpf ogt, %select_n3A_1700, %select_n3A_1696 : vector<16xf32>
      %select_n3A_1792 = arith.select %gt3A_1791, %select_n3A_1700, %select_n3A_1696 : vector<16xi1>, vector<16xf32>
      %select_n3A_1793 = arith.select %gt3A_1791, %add3A_1197, %add3A_1191 : vector<16xi1>, vector<16xi32>
      %gt3A_1794 = arith.cmpf ogt, %select_n3A_1708, %select_n3A_1704 : vector<16xf32>
      %select_n3A_1795 = arith.select %gt3A_1794, %select_n3A_1708, %select_n3A_1704 : vector<16xi1>, vector<16xf32>
      %select_n3A_1796 = arith.select %gt3A_1794, %add3A_1209, %add3A_1203 : vector<16xi1>, vector<16xi32>
      %gt3A_1797 = arith.cmpf ogt, %select_n3A_1716, %select_n3A_1712 : vector<16xf32>
      %select_n3A_1798 = arith.select %gt3A_1797, %select_n3A_1716, %select_n3A_1712 : vector<16xi1>, vector<16xf32>
      %select_n3A_1799 = arith.select %gt3A_1797, %add3A_1221, %add3A_1215 : vector<16xi1>, vector<16xi32>
      %gt3A_1800 = arith.cmpf ogt, %select_n3A_1724, %select_n3A_1720 : vector<16xf32>
      %select_n3A_1801 = arith.select %gt3A_1800, %select_n3A_1724, %select_n3A_1720 : vector<16xi1>, vector<16xf32>
      %select_n3A_1802 = arith.select %gt3A_1800, %add3A_1233, %add3A_1227 : vector<16xi1>, vector<16xi32>
      %gt3A_1803 = arith.cmpf ogt, %select_n3A_1732, %select_n3A_1728 : vector<16xf32>
      %select_n3A_1804 = arith.select %gt3A_1803, %select_n3A_1732, %select_n3A_1728 : vector<16xi1>, vector<16xf32>
      %select_n3A_1805 = arith.select %gt3A_1803, %add3A_1245, %add3A_1239 : vector<16xi1>, vector<16xi32>
      %gt3A_1806 = arith.cmpf ogt, %select_n3A_1740, %select_n3A_1736 : vector<16xf32>
      %select_n3A_1807 = arith.select %gt3A_1806, %select_n3A_1740, %select_n3A_1736 : vector<16xi1>, vector<16xf32>
      %select_n3A_1808 = arith.select %gt3A_1806, %add3A_1257, %add3A_1251 : vector<16xi1>, vector<16xi32>
      %gt3A_1809 = arith.cmpf ogt, %select_n3A_1748, %select_n3A_1744 : vector<16xf32>
      %select_n3A_1810 = arith.select %gt3A_1809, %select_n3A_1748, %select_n3A_1744 : vector<16xi1>, vector<16xf32>
      %select_n3A_1811 = arith.select %gt3A_1809, %add3A_1269, %add3A_1263 : vector<16xi1>, vector<16xi32>
      %gt3A_1812 = arith.cmpf ogt, %select_n3A_1756, %select_n3A_1752 : vector<16xf32>
      %select_n3A_1813 = arith.select %gt3A_1812, %select_n3A_1756, %select_n3A_1752 : vector<16xi1>, vector<16xf32>
      %select_n3A_1814 = arith.select %gt3A_1812, %add3A_1281, %add3A_1275 : vector<16xi1>, vector<16xi32>
      %gt3A_1815 = arith.cmpf ogt, %select_n3A_1764, %select_n3A_1760 : vector<16xf32>
      %select_n3A_1816 = arith.select %gt3A_1815, %select_n3A_1764, %select_n3A_1760 : vector<16xi1>, vector<16xf32>
      %select_n3A_1817 = arith.select %gt3A_1815, %add3A_1293, %add3A_1287 : vector<16xi1>, vector<16xi32>
      %gt3A_1818 = arith.cmpf ogt, %select_n3A_1772, %select_n3A_1768 : vector<16xf32>
      %select_n3A_1819 = arith.select %gt3A_1818, %select_n3A_1772, %select_n3A_1768 : vector<16xi1>, vector<16xf32>
      %select_n3A_1820 = arith.select %gt3A_1818, %add3A_1305, %add3A_1299 : vector<16xi1>, vector<16xi32>
      %gt3A_1821 = arith.cmpf ogt, %select_n3A_1777, %select_n3A_1774 : vector<16xf32>
      %select_n3A_1822 = arith.select %gt3A_1821, %select_n3A_1777, %select_n3A_1774 : vector<16xi1>, vector<16xf32>
      %select_n3A_1823 = arith.select %gt3A_1821, %select_n3A_1778, %select_n3A_1775 : vector<16xi1>, vector<16xi32>
      %gt3A_1824 = arith.cmpf ogt, %select_n3A_1783, %select_n3A_1780 : vector<16xf32>
      %select_n3A_1825 = arith.select %gt3A_1824, %select_n3A_1783, %select_n3A_1780 : vector<16xi1>, vector<16xf32>
      %select_n3A_1826 = arith.select %gt3A_1824, %select_n3A_1784, %select_n3A_1781 : vector<16xi1>, vector<16xi32>
      %gt3A_1827 = arith.cmpf ogt, %select_n3A_1789, %select_n3A_1786 : vector<16xf32>
      %select_n3A_1828 = arith.select %gt3A_1827, %select_n3A_1789, %select_n3A_1786 : vector<16xi1>, vector<16xf32>
      %select_n3A_1829 = arith.select %gt3A_1827, %select_n3A_1790, %select_n3A_1787 : vector<16xi1>, vector<16xi32>
      %gt3A_1830 = arith.cmpf ogt, %select_n3A_1795, %select_n3A_1792 : vector<16xf32>
      %select_n3A_1831 = arith.select %gt3A_1830, %select_n3A_1795, %select_n3A_1792 : vector<16xi1>, vector<16xf32>
      %select_n3A_1832 = arith.select %gt3A_1830, %select_n3A_1796, %select_n3A_1793 : vector<16xi1>, vector<16xi32>
      %gt3A_1833 = arith.cmpf ogt, %select_n3A_1801, %select_n3A_1798 : vector<16xf32>
      %select_n3A_1834 = arith.select %gt3A_1833, %select_n3A_1801, %select_n3A_1798 : vector<16xi1>, vector<16xf32>
      %select_n3A_1835 = arith.select %gt3A_1833, %select_n3A_1802, %select_n3A_1799 : vector<16xi1>, vector<16xi32>
      %gt3A_1836 = arith.cmpf ogt, %select_n3A_1807, %select_n3A_1804 : vector<16xf32>
      %select_n3A_1837 = arith.select %gt3A_1836, %select_n3A_1807, %select_n3A_1804 : vector<16xi1>, vector<16xf32>
      %select_n3A_1838 = arith.select %gt3A_1836, %select_n3A_1808, %select_n3A_1805 : vector<16xi1>, vector<16xi32>
      %gt3A_1839 = arith.cmpf ogt, %select_n3A_1813, %select_n3A_1810 : vector<16xf32>
      %select_n3A_1840 = arith.select %gt3A_1839, %select_n3A_1813, %select_n3A_1810 : vector<16xi1>, vector<16xf32>
      %select_n3A_1841 = arith.select %gt3A_1839, %select_n3A_1814, %select_n3A_1811 : vector<16xi1>, vector<16xi32>
      %gt3A_1842 = arith.cmpf ogt, %select_n3A_1819, %select_n3A_1816 : vector<16xf32>
      %select_n3A_1843 = arith.select %gt3A_1842, %select_n3A_1819, %select_n3A_1816 : vector<16xi1>, vector<16xf32>
      %select_n3A_1844 = arith.select %gt3A_1842, %select_n3A_1820, %select_n3A_1817 : vector<16xi1>, vector<16xi32>
      %gt3A_1845 = arith.cmpf ogt, %select_n3A_1825, %select_n3A_1822 : vector<16xf32>
      %select_n3A_1846 = arith.select %gt3A_1845, %select_n3A_1825, %select_n3A_1822 : vector<16xi1>, vector<16xf32>
      %select_n3A_1847 = arith.select %gt3A_1845, %select_n3A_1826, %select_n3A_1823 : vector<16xi1>, vector<16xi32>
      %gt3A_1848 = arith.cmpf ogt, %select_n3A_1831, %select_n3A_1828 : vector<16xf32>
      %select_n3A_1849 = arith.select %gt3A_1848, %select_n3A_1831, %select_n3A_1828 : vector<16xi1>, vector<16xf32>
      %select_n3A_1850 = arith.select %gt3A_1848, %select_n3A_1832, %select_n3A_1829 : vector<16xi1>, vector<16xi32>
      %gt3A_1851 = arith.cmpf ogt, %select_n3A_1837, %select_n3A_1834 : vector<16xf32>
      %select_n3A_1852 = arith.select %gt3A_1851, %select_n3A_1837, %select_n3A_1834 : vector<16xi1>, vector<16xf32>
      %select_n3A_1853 = arith.select %gt3A_1851, %select_n3A_1838, %select_n3A_1835 : vector<16xi1>, vector<16xi32>
      %gt3A_1854 = arith.cmpf ogt, %select_n3A_1843, %select_n3A_1840 : vector<16xf32>
      %select_n3A_1855 = arith.select %gt3A_1854, %select_n3A_1843, %select_n3A_1840 : vector<16xi1>, vector<16xf32>
      %select_n3A_1856 = arith.select %gt3A_1854, %select_n3A_1844, %select_n3A_1841 : vector<16xi1>, vector<16xi32>
      %gt3A_1857 = arith.cmpf ogt, %select_n3A_1849, %select_n3A_1846 : vector<16xf32>
      %select_n3A_1858 = arith.select %gt3A_1857, %select_n3A_1849, %select_n3A_1846 : vector<16xi1>, vector<16xf32>
      %select_n3A_1859 = arith.select %gt3A_1857, %select_n3A_1850, %select_n3A_1847 : vector<16xi1>, vector<16xi32>
      %gt3A_1860 = arith.cmpf ogt, %select_n3A_1855, %select_n3A_1852 : vector<16xf32>
      %select_n3A_1861 = arith.select %gt3A_1860, %select_n3A_1855, %select_n3A_1852 : vector<16xi1>, vector<16xf32>
      %select_n3A_1862 = arith.select %gt3A_1860, %select_n3A_1856, %select_n3A_1853 : vector<16xi1>, vector<16xi32>
      %gt3A_1863 = arith.cmpf ogt, %select_n3A_1861, %select_n3A_1858 : vector<16xf32>
      %select_n3A_1864 = arith.select %gt3A_1863, %select_n3A_1861, %select_n3A_1858 : vector<16xi1>, vector<16xf32>
      %select_n3A_1865 = arith.select %gt3A_1863, %select_n3A_1862, %select_n3A_1859 : vector<16xi1>, vector<16xi32>
      %swap3A_1866 = arith.constant 2 : i32
      %swap3A_1867 = arith.index_cast %select_n3A_279 : i32 to index
      %swap3A_1868 = arith.index_cast %swap3A_1866 : i32 to index
      %swap3A_1869 = arith.index_cast %mul3A_295 : i32 to index
      %swap3A_1870 = tpu.vector_load %arg6[%swap3A_1867, %swap3A_1868, %swap3A_1869] {strides = array<i32>} : memref<4x8x128xi32, #tpu.memory_space<vmem>>, vector<16xi32>,
      tpu.vector_store %arg6[%swap3A_1867, %swap3A_1868, %swap3A_1869], %select_n3A_1865 {strides = array<i32>} : memref<4x8x128xi32, #tpu.memory_space<vmem>>, vector<16xi32>,
      %mul3A_1871 = arith.constant 1.600000e+01 : f32
      %mul3A_1872 = vector.broadcast %mul3A_1871 : f32 to vector<16xf32>
      %mul3A_1873 = arith.mulf %select_n3A_1864, %mul3A_1872 : vector<16xf32>
      %swap3A_1874 = arith.constant 2 : i32
      %swap3A_1875 = arith.index_cast %select_n3A_279 : i32 to index
      %swap3A_1876 = arith.index_cast %swap3A_1874 : i32 to index
      %swap3A_1877 = arith.index_cast %mul3A_295 : i32 to index
      %swap3A_1878 = tpu.vector_load %arg7[%swap3A_1875, %swap3A_1876, %swap3A_1877] {strides = array<i32>} : memref<4x8x128xf32, #tpu.memory_space<vmem>>, vector<16xf32>,
      tpu.vector_store %arg7[%swap3A_1875, %swap3A_1876, %swap3A_1877], %mul3A_1873 {strides = array<i32>} : memref<4x8x128xf32, #tpu.memory_space<vmem>>, vector<16xf32>,
      %eq3A_1879 = arith.cmpi eq, %add3A_1119, %select_n3A_1865 : vector<16xi32>
      %jit3A_1880 = arith.constant -1.000000e+00 : f32
      %broadcast_in_dim3A_1881 = vector.broadcast %jit3A_1880 : f32 to vector<16xf32>
      %select_n3A_1882 = arith.select %eq3A_1879, %broadcast_in_dim3A_1881, %select_n3A_1648 : vector<16xi1>, vector<16xf32>
      %eq3A_1883 = arith.cmpi eq, %add3A_1125, %select_n3A_1865 : vector<16xi32>
      %jit3A_1884 = arith.constant -1.000000e+00 : f32
      %broadcast_in_dim3A_1885 = vector.broadcast %jit3A_1884 : f32 to vector<16xf32>
      %select_n3A_1886 = arith.select %eq3A_1883, %broadcast_in_dim3A_1885, %select_n3A_1652 : vector<16xi1>, vector<16xf32>
      %eq3A_1887 = arith.cmpi eq, %add3A_1131, %select_n3A_1865 : vector<16xi32>
      %jit3A_1888 = arith.constant -1.000000e+00 : f32
      %broadcast_in_dim3A_1889 = vector.broadcast %jit3A_1888 : f32 to vector<16xf32>
      %select_n3A_1890 = arith.select %eq3A_1887, %broadcast_in_dim3A_1889, %select_n3A_1656 : vector<16xi1>, vector<16xf32>
      %eq3A_1891 = arith.cmpi eq, %add3A_1137, %select_n3A_1865 : vector<16xi32>
      %jit3A_1892 = arith.constant -1.000000e+00 : f32
      %broadcast_in_dim3A_1893 = vector.broadcast %jit3A_1892 : f32 to vector<16xf32>
      %select_n3A_1894 = arith.select %eq3A_1891, %broadcast_in_dim3A_1893, %select_n3A_1660 : vector<16xi1>, vector<16xf32>
      %eq3A_1895 = arith.cmpi eq, %add3A_1143, %select_n3A_1865 : vector<16xi32>
      %jit3A_1896 = arith.constant -1.000000e+00 : f32
      %broadcast_in_dim3A_1897 = vector.broadcast %jit3A_1896 : f32 to vector<16xf32>
      %select_n3A_1898 = arith.select %eq3A_1895, %broadcast_in_dim3A_1897, %select_n3A_1664 : vector<16xi1>, vector<16xf32>
      %eq3A_1899 = arith.cmpi eq, %add3A_1149, %select_n3A_1865 : vector<16xi32>
      %jit3A_1900 = arith.constant -1.000000e+00 : f32
      %broadcast_in_dim3A_1901 = vector.broadcast %jit3A_1900 : f32 to vector<16xf32>
      %select_n3A_1902 = arith.select %eq3A_1899, %broadcast_in_dim3A_1901, %select_n3A_1668 : vector<16xi1>, vector<16xf32>
      %eq3A_1903 = arith.cmpi eq, %add3A_1155, %select_n3A_1865 : vector<16xi32>
      %jit3A_1904 = arith.constant -1.000000e+00 : f32
      %broadcast_in_dim3A_1905 = vector.broadcast %jit3A_1904 : f32 to vector<16xf32>
      %select_n3A_1906 = arith.select %eq3A_1903, %broadcast_in_dim3A_1905, %select_n3A_1672 : vector<16xi1>, vector<16xf32>
      %eq3A_1907 = arith.cmpi eq, %add3A_1161, %select_n3A_1865 : vector<16xi32>
      %jit3A_1908 = arith.constant -1.000000e+00 : f32
      %broadcast_in_dim3A_1909 = vector.broadcast %jit3A_1908 : f32 to vector<16xf32>
      %select_n3A_1910 = arith.select %eq3A_1907, %broadcast_in_dim3A_1909, %select_n3A_1676 : vector<16xi1>, vector<16xf32>
      %eq3A_1911 = arith.cmpi eq, %add3A_1167, %select_n3A_1865 : vector<16xi32>
      %jit3A_1912 = arith.constant -1.000000e+00 : f32
      %broadcast_in_dim3A_1913 = vector.broadcast %jit3A_1912 : f32 to vector<16xf32>
      %select_n3A_1914 = arith.select %eq3A_1911, %broadcast_in_dim3A_1913, %select_n3A_1680 : vector<16xi1>, vector<16xf32>
      %eq3A_1915 = arith.cmpi eq, %add3A_1173, %select_n3A_1865 : vector<16xi32>
      %jit3A_1916 = arith.constant -1.000000e+00 : f32
      %broadcast_in_dim3A_1917 = vector.broadcast %jit3A_1916 : f32 to vector<16xf32>
      %select_n3A_1918 = arith.select %eq3A_1915, %broadcast_in_dim3A_1917, %select_n3A_1684 : vector<16xi1>, vector<16xf32>
      %eq3A_1919 = arith.cmpi eq, %add3A_1179, %select_n3A_1865 : vector<16xi32>
      %jit3A_1920 = arith.constant -1.000000e+00 : f32
      %broadcast_in_dim3A_1921 = vector.broadcast %jit3A_1920 : f32 to vector<16xf32>
      %select_n3A_1922 = arith.select %eq3A_1919, %broadcast_in_dim3A_1921, %select_n3A_1688 : vector<16xi1>, vector<16xf32>
      %eq3A_1923 = arith.cmpi eq, %add3A_1185, %select_n3A_1865 : vector<16xi32>
      %jit3A_1924 = arith.constant -1.000000e+00 : f32
      %broadcast_in_dim3A_1925 = vector.broadcast %jit3A_1924 : f32 to vector<16xf32>
      %select_n3A_1926 = arith.select %eq3A_1923, %broadcast_in_dim3A_1925, %select_n3A_1692 : vector<16xi1>, vector<16xf32>
      %eq3A_1927 = arith.cmpi eq, %add3A_1191, %select_n3A_1865 : vector<16xi32>
      %jit3A_1928 = arith.constant -1.000000e+00 : f32
      %broadcast_in_dim3A_1929 = vector.broadcast %jit3A_1928 : f32 to vector<16xf32>
      %select_n3A_1930 = arith.select %eq3A_1927, %broadcast_in_dim3A_1929, %select_n3A_1696 : vector<16xi1>, vector<16xf32>
      %eq3A_1931 = arith.cmpi eq, %add3A_1197, %select_n3A_1865 : vector<16xi32>
      %jit3A_1932 = arith.constant -1.000000e+00 : f32
      %broadcast_in_dim3A_1933 = vector.broadcast %jit3A_1932 : f32 to vector<16xf32>
      %select_n3A_1934 = arith.select %eq3A_1931, %broadcast_in_dim3A_1933, %select_n3A_1700 : vector<16xi1>, vector<16xf32>
      %eq3A_1935 = arith.cmpi eq, %add3A_1203, %select_n3A_1865 : vector<16xi32>
      %jit3A_1936 = arith.constant -1.000000e+00 : f32
      %broadcast_in_dim3A_1937 = vector.broadcast %jit3A_1936 : f32 to vector<16xf32>
      %select_n3A_1938 = arith.select %eq3A_1935, %broadcast_in_dim3A_1937, %select_n3A_1704 : vector<16xi1>, vector<16xf32>
      %eq3A_1939 = arith.cmpi eq, %add3A_1209, %select_n3A_1865 : vector<16xi32>
      %jit3A_1940 = arith.constant -1.000000e+00 : f32
      %broadcast_in_dim3A_1941 = vector.broadcast %jit3A_1940 : f32 to vector<16xf32>
      %select_n3A_1942 = arith.select %eq3A_1939, %broadcast_in_dim3A_1941, %select_n3A_1708 : vector<16xi1>, vector<16xf32>
      %eq3A_1943 = arith.cmpi eq, %add3A_1215, %select_n3A_1865 : vector<16xi32>
      %jit3A_1944 = arith.constant -1.000000e+00 : f32
      %broadcast_in_dim3A_1945 = vector.broadcast %jit3A_1944 : f32 to vector<16xf32>
      %select_n3A_1946 = arith.select %eq3A_1943, %broadcast_in_dim3A_1945, %select_n3A_1712 : vector<16xi1>, vector<16xf32>
      %eq3A_1947 = arith.cmpi eq, %add3A_1221, %select_n3A_1865 : vector<16xi32>
      %jit3A_1948 = arith.constant -1.000000e+00 : f32
      %broadcast_in_dim3A_1949 = vector.broadcast %jit3A_1948 : f32 to vector<16xf32>
      %select_n3A_1950 = arith.select %eq3A_1947, %broadcast_in_dim3A_1949, %select_n3A_1716 : vector<16xi1>, vector<16xf32>
      %eq3A_1951 = arith.cmpi eq, %add3A_1227, %select_n3A_1865 : vector<16xi32>
      %jit3A_1952 = arith.constant -1.000000e+00 : f32
      %broadcast_in_dim3A_1953 = vector.broadcast %jit3A_1952 : f32 to vector<16xf32>
      %select_n3A_1954 = arith.select %eq3A_1951, %broadcast_in_dim3A_1953, %select_n3A_1720 : vector<16xi1>, vector<16xf32>
      %eq3A_1955 = arith.cmpi eq, %add3A_1233, %select_n3A_1865 : vector<16xi32>
      %jit3A_1956 = arith.constant -1.000000e+00 : f32
      %broadcast_in_dim3A_1957 = vector.broadcast %jit3A_1956 : f32 to vector<16xf32>
      %select_n3A_1958 = arith.select %eq3A_1955, %broadcast_in_dim3A_1957, %select_n3A_1724 : vector<16xi1>, vector<16xf32>
      %eq3A_1959 = arith.cmpi eq, %add3A_1239, %select_n3A_1865 : vector<16xi32>
      %jit3A_1960 = arith.constant -1.000000e+00 : f32
      %broadcast_in_dim3A_1961 = vector.broadcast %jit3A_1960 : f32 to vector<16xf32>
      %select_n3A_1962 = arith.select %eq3A_1959, %broadcast_in_dim3A_1961, %select_n3A_1728 : vector<16xi1>, vector<16xf32>
      %eq3A_1963 = arith.cmpi eq, %add3A_1245, %select_n3A_1865 : vector<16xi32>
      %jit3A_1964 = arith.constant -1.000000e+00 : f32
      %broadcast_in_dim3A_1965 = vector.broadcast %jit3A_1964 : f32 to vector<16xf32>
      %select_n3A_1966 = arith.select %eq3A_1963, %broadcast_in_dim3A_1965, %select_n3A_1732 : vector<16xi1>, vector<16xf32>
      %eq3A_1967 = arith.cmpi eq, %add3A_1251, %select_n3A_1865 : vector<16xi32>
      %jit3A_1968 = arith.constant -1.000000e+00 : f32
      %broadcast_in_dim3A_1969 = vector.broadcast %jit3A_1968 : f32 to vector<16xf32>
      %select_n3A_1970 = arith.select %eq3A_1967, %broadcast_in_dim3A_1969, %select_n3A_1736 : vector<16xi1>, vector<16xf32>
      %eq3A_1971 = arith.cmpi eq, %add3A_1257, %select_n3A_1865 : vector<16xi32>
      %jit3A_1972 = arith.constant -1.000000e+00 : f32
      %broadcast_in_dim3A_1973 = vector.broadcast %jit3A_1972 : f32 to vector<16xf32>
      %select_n3A_1974 = arith.select %eq3A_1971, %broadcast_in_dim3A_1973, %select_n3A_1740 : vector<16xi1>, vector<16xf32>
      %eq3A_1975 = arith.cmpi eq, %add3A_1263, %select_n3A_1865 : vector<16xi32>
      %jit3A_1976 = arith.constant -1.000000e+00 : f32
      %broadcast_in_dim3A_1977 = vector.broadcast %jit3A_1976 : f32 to vector<16xf32>
      %select_n3A_1978 = arith.select %eq3A_1975, %broadcast_in_dim3A_1977, %select_n3A_1744 : vector<16xi1>, vector<16xf32>
      %eq3A_1979 = arith.cmpi eq, %add3A_1269, %select_n3A_1865 : vector<16xi32>
      %jit3A_1980 = arith.constant -1.000000e+00 : f32
      %broadcast_in_dim3A_1981 = vector.broadcast %jit3A_1980 : f32 to vector<16xf32>
      %select_n3A_1982 = arith.select %eq3A_1979, %broadcast_in_dim3A_1981, %select_n3A_1748 : vector<16xi1>, vector<16xf32>
      %eq3A_1983 = arith.cmpi eq, %add3A_1275, %select_n3A_1865 : vector<16xi32>
      %jit3A_1984 = arith.constant -1.000000e+00 : f32
      %broadcast_in_dim3A_1985 = vector.broadcast %jit3A_1984 : f32 to vector<16xf32>
      %select_n3A_1986 = arith.select %eq3A_1983, %broadcast_in_dim3A_1985, %select_n3A_1752 : vector<16xi1>, vector<16xf32>
      %eq3A_1987 = arith.cmpi eq, %add3A_1281, %select_n3A_1865 : vector<16xi32>
      %jit3A_1988 = arith.constant -1.000000e+00 : f32
      %broadcast_in_dim3A_1989 = vector.broadcast %jit3A_1988 : f32 to vector<16xf32>
      %select_n3A_1990 = arith.select %eq3A_1987, %broadcast_in_dim3A_1989, %select_n3A_1756 : vector<16xi1>, vector<16xf32>
      %eq3A_1991 = arith.cmpi eq, %add3A_1287, %select_n3A_1865 : vector<16xi32>
      %jit3A_1992 = arith.constant -1.000000e+00 : f32
      %broadcast_in_dim3A_1993 = vector.broadcast %jit3A_1992 : f32 to vector<16xf32>
      %select_n3A_1994 = arith.select %eq3A_1991, %broadcast_in_dim3A_1993, %select_n3A_1760 : vector<16xi1>, vector<16xf32>
      %eq3A_1995 = arith.cmpi eq, %add3A_1293, %select_n3A_1865 : vector<16xi32>
      %jit3A_1996 = arith.constant -1.000000e+00 : f32
      %broadcast_in_dim3A_1997 = vector.broadcast %jit3A_1996 : f32 to vector<16xf32>
      %select_n3A_1998 = arith.select %eq3A_1995, %broadcast_in_dim3A_1997, %select_n3A_1764 : vector<16xi1>, vector<16xf32>
      %eq3A_1999 = arith.cmpi eq, %add3A_1299, %select_n3A_1865 : vector<16xi32>
      %jit3A_2000 = arith.constant -1.000000e+00 : f32
      %broadcast_in_dim3A_2001 = vector.broadcast %jit3A_2000 : f32 to vector<16xf32>
      %select_n3A_2002 = arith.select %eq3A_1999, %broadcast_in_dim3A_2001, %select_n3A_1768 : vector<16xi1>, vector<16xf32>
      %eq3A_2003 = arith.cmpi eq, %add3A_1305, %select_n3A_1865 : vector<16xi32>
      %jit3A_2004 = arith.constant -1.000000e+00 : f32
      %broadcast_in_dim3A_2005 = vector.broadcast %jit3A_2004 : f32 to vector<16xf32>
      %select_n3A_2006 = arith.select %eq3A_2003, %broadcast_in_dim3A_2005, %select_n3A_1772 : vector<16xi1>, vector<16xf32>
      %gt3A_2007 = arith.cmpf ogt, %select_n3A_1886, %select_n3A_1882 : vector<16xf32>
      %select_n3A_2008 = arith.select %gt3A_2007, %select_n3A_1886, %select_n3A_1882 : vector<16xi1>, vector<16xf32>
      %select_n3A_2009 = arith.select %gt3A_2007, %add3A_1125, %add3A_1119 : vector<16xi1>, vector<16xi32>
      %gt3A_2010 = arith.cmpf ogt, %select_n3A_1894, %select_n3A_1890 : vector<16xf32>
      %select_n3A_2011 = arith.select %gt3A_2010, %select_n3A_1894, %select_n3A_1890 : vector<16xi1>, vector<16xf32>
      %select_n3A_2012 = arith.select %gt3A_2010, %add3A_1137, %add3A_1131 : vector<16xi1>, vector<16xi32>
      %gt3A_2013 = arith.cmpf ogt, %select_n3A_1902, %select_n3A_1898 : vector<16xf32>
      %select_n3A_2014 = arith.select %gt3A_2013, %select_n3A_1902, %select_n3A_1898 : vector<16xi1>, vector<16xf32>
      %select_n3A_2015 = arith.select %gt3A_2013, %add3A_1149, %add3A_1143 : vector<16xi1>, vector<16xi32>
      %gt3A_2016 = arith.cmpf ogt, %select_n3A_1910, %select_n3A_1906 : vector<16xf32>
      %select_n3A_2017 = arith.select %gt3A_2016, %select_n3A_1910, %select_n3A_1906 : vector<16xi1>, vector<16xf32>
      %select_n3A_2018 = arith.select %gt3A_2016, %add3A_1161, %add3A_1155 : vector<16xi1>, vector<16xi32>
      %gt3A_2019 = arith.cmpf ogt, %select_n3A_1918, %select_n3A_1914 : vector<16xf32>
      %select_n3A_2020 = arith.select %gt3A_2019, %select_n3A_1918, %select_n3A_1914 : vector<16xi1>, vector<16xf32>
      %select_n3A_2021 = arith.select %gt3A_2019, %add3A_1173, %add3A_1167 : vector<16xi1>, vector<16xi32>
      %gt3A_2022 = arith.cmpf ogt, %select_n3A_1926, %select_n3A_1922 : vector<16xf32>
      %select_n3A_2023 = arith.select %gt3A_2022, %select_n3A_1926, %select_n3A_1922 : vector<16xi1>, vector<16xf32>
      %select_n3A_2024 = arith.select %gt3A_2022, %add3A_1185, %add3A_1179 : vector<16xi1>, vector<16xi32>
      %gt3A_2025 = arith.cmpf ogt, %select_n3A_1934, %select_n3A_1930 : vector<16xf32>
      %select_n3A_2026 = arith.select %gt3A_2025, %select_n3A_1934, %select_n3A_1930 : vector<16xi1>, vector<16xf32>
      %select_n3A_2027 = arith.select %gt3A_2025, %add3A_1197, %add3A_1191 : vector<16xi1>, vector<16xi32>
      %gt3A_2028 = arith.cmpf ogt, %select_n3A_1942, %select_n3A_1938 : vector<16xf32>
      %select_n3A_2029 = arith.select %gt3A_2028, %select_n3A_1942, %select_n3A_1938 : vector<16xi1>, vector<16xf32>
      %select_n3A_2030 = arith.select %gt3A_2028, %add3A_1209, %add3A_1203 : vector<16xi1>, vector<16xi32>
      %gt3A_2031 = arith.cmpf ogt, %select_n3A_1950, %select_n3A_1946 : vector<16xf32>
      %select_n3A_2032 = arith.select %gt3A_2031, %select_n3A_1950, %select_n3A_1946 : vector<16xi1>, vector<16xf32>
      %select_n3A_2033 = arith.select %gt3A_2031, %add3A_1221, %add3A_1215 : vector<16xi1>, vector<16xi32>
      %gt3A_2034 = arith.cmpf ogt, %select_n3A_1958, %select_n3A_1954 : vector<16xf32>
      %select_n3A_2035 = arith.select %gt3A_2034, %select_n3A_1958, %select_n3A_1954 : vector<16xi1>, vector<16xf32>
      %select_n3A_2036 = arith.select %gt3A_2034, %add3A_1233, %add3A_1227 : vector<16xi1>, vector<16xi32>
      %gt3A_2037 = arith.cmpf ogt, %select_n3A_1966, %select_n3A_1962 : vector<16xf32>
      %select_n3A_2038 = arith.select %gt3A_2037, %select_n3A_1966, %select_n3A_1962 : vector<16xi1>, vector<16xf32>
      %select_n3A_2039 = arith.select %gt3A_2037, %add3A_1245, %add3A_1239 : vector<16xi1>, vector<16xi32>
      %gt3A_2040 = arith.cmpf ogt, %select_n3A_1974, %select_n3A_1970 : vector<16xf32>
      %select_n3A_2041 = arith.select %gt3A_2040, %select_n3A_1974, %select_n3A_1970 : vector<16xi1>, vector<16xf32>
      %select_n3A_2042 = arith.select %gt3A_2040, %add3A_1257, %add3A_1251 : vector<16xi1>, vector<16xi32>
      %gt3A_2043 = arith.cmpf ogt, %select_n3A_1982, %select_n3A_1978 : vector<16xf32>
      %select_n3A_2044 = arith.select %gt3A_2043, %select_n3A_1982, %select_n3A_1978 : vector<16xi1>, vector<16xf32>
      %select_n3A_2045 = arith.select %gt3A_2043, %add3A_1269, %add3A_1263 : vector<16xi1>, vector<16xi32>
      %gt3A_2046 = arith.cmpf ogt, %select_n3A_1990, %select_n3A_1986 : vector<16xf32>
      %select_n3A_2047 = arith.select %gt3A_2046, %select_n3A_1990, %select_n3A_1986 : vector<16xi1>, vector<16xf32>
      %select_n3A_2048 = arith.select %gt3A_2046, %add3A_1281, %add3A_1275 : vector<16xi1>, vector<16xi32>
      %gt3A_2049 = arith.cmpf ogt, %select_n3A_1998, %select_n3A_1994 : vector<16xf32>
      %select_n3A_2050 = arith.select %gt3A_2049, %select_n3A_1998, %select_n3A_1994 : vector<16xi1>, vector<16xf32>
      %select_n3A_2051 = arith.select %gt3A_2049, %add3A_1293, %add3A_1287 : vector<16xi1>, vector<16xi32>
      %gt3A_2052 = arith.cmpf ogt, %select_n3A_2006, %select_n3A_2002 : vector<16xf32>
      %select_n3A_2053 = arith.select %gt3A_2052, %select_n3A_2006, %select_n3A_2002 : vector<16xi1>, vector<16xf32>
      %select_n3A_2054 = arith.select %gt3A_2052, %add3A_1305, %add3A_1299 : vector<16xi1>, vector<16xi32>
      %gt3A_2055 = arith.cmpf ogt, %select_n3A_2011, %select_n3A_2008 : vector<16xf32>
      %select_n3A_2056 = arith.select %gt3A_2055, %select_n3A_2011, %select_n3A_2008 : vector<16xi1>, vector<16xf32>
      %select_n3A_2057 = arith.select %gt3A_2055, %select_n3A_2012, %select_n3A_2009 : vector<16xi1>, vector<16xi32>
      %gt3A_2058 = arith.cmpf ogt, %select_n3A_2017, %select_n3A_2014 : vector<16xf32>
      %select_n3A_2059 = arith.select %gt3A_2058, %select_n3A_2017, %select_n3A_2014 : vector<16xi1>, vector<16xf32>
      %select_n3A_2060 = arith.select %gt3A_2058, %select_n3A_2018, %select_n3A_2015 : vector<16xi1>, vector<16xi32>
      %gt3A_2061 = arith.cmpf ogt, %select_n3A_2023, %select_n3A_2020 : vector<16xf32>
      %select_n3A_2062 = arith.select %gt3A_2061, %select_n3A_2023, %select_n3A_2020 : vector<16xi1>, vector<16xf32>
      %select_n3A_2063 = arith.select %gt3A_2061, %select_n3A_2024, %select_n3A_2021 : vector<16xi1>, vector<16xi32>
      %gt3A_2064 = arith.cmpf ogt, %select_n3A_2029, %select_n3A_2026 : vector<16xf32>
      %select_n3A_2065 = arith.select %gt3A_2064, %select_n3A_2029, %select_n3A_2026 : vector<16xi1>, vector<16xf32>
      %select_n3A_2066 = arith.select %gt3A_2064, %select_n3A_2030, %select_n3A_2027 : vector<16xi1>, vector<16xi32>
      %gt3A_2067 = arith.cmpf ogt, %select_n3A_2035, %select_n3A_2032 : vector<16xf32>
      %select_n3A_2068 = arith.select %gt3A_2067, %select_n3A_2035, %select_n3A_2032 : vector<16xi1>, vector<16xf32>
      %select_n3A_2069 = arith.select %gt3A_2067, %select_n3A_2036, %select_n3A_2033 : vector<16xi1>, vector<16xi32>
      %gt3A_2070 = arith.cmpf ogt, %select_n3A_2041, %select_n3A_2038 : vector<16xf32>
      %select_n3A_2071 = arith.select %gt3A_2070, %select_n3A_2041, %select_n3A_2038 : vector<16xi1>, vector<16xf32>
      %select_n3A_2072 = arith.select %gt3A_2070, %select_n3A_2042, %select_n3A_2039 : vector<16xi1>, vector<16xi32>
      %gt3A_2073 = arith.cmpf ogt, %select_n3A_2047, %select_n3A_2044 : vector<16xf32>
      %select_n3A_2074 = arith.select %gt3A_2073, %select_n3A_2047, %select_n3A_2044 : vector<16xi1>, vector<16xf32>
      %select_n3A_2075 = arith.select %gt3A_2073, %select_n3A_2048, %select_n3A_2045 : vector<16xi1>, vector<16xi32>
      %gt3A_2076 = arith.cmpf ogt, %select_n3A_2053, %select_n3A_2050 : vector<16xf32>
      %select_n3A_2077 = arith.select %gt3A_2076, %select_n3A_2053, %select_n3A_2050 : vector<16xi1>, vector<16xf32>
      %select_n3A_2078 = arith.select %gt3A_2076, %select_n3A_2054, %select_n3A_2051 : vector<16xi1>, vector<16xi32>
      %gt3A_2079 = arith.cmpf ogt, %select_n3A_2059, %select_n3A_2056 : vector<16xf32>
      %select_n3A_2080 = arith.select %gt3A_2079, %select_n3A_2059, %select_n3A_2056 : vector<16xi1>, vector<16xf32>
      %select_n3A_2081 = arith.select %gt3A_2079, %select_n3A_2060, %select_n3A_2057 : vector<16xi1>, vector<16xi32>
      %gt3A_2082 = arith.cmpf ogt, %select_n3A_2065, %select_n3A_2062 : vector<16xf32>
      %select_n3A_2083 = arith.select %gt3A_2082, %select_n3A_2065, %select_n3A_2062 : vector<16xi1>, vector<16xf32>
      %select_n3A_2084 = arith.select %gt3A_2082, %select_n3A_2066, %select_n3A_2063 : vector<16xi1>, vector<16xi32>
      %gt3A_2085 = arith.cmpf ogt, %select_n3A_2071, %select_n3A_2068 : vector<16xf32>
      %select_n3A_2086 = arith.select %gt3A_2085, %select_n3A_2071, %select_n3A_2068 : vector<16xi1>, vector<16xf32>
      %select_n3A_2087 = arith.select %gt3A_2085, %select_n3A_2072, %select_n3A_2069 : vector<16xi1>, vector<16xi32>
      %gt3A_2088 = arith.cmpf ogt, %select_n3A_2077, %select_n3A_2074 : vector<16xf32>
      %select_n3A_2089 = arith.select %gt3A_2088, %select_n3A_2077, %select_n3A_2074 : vector<16xi1>, vector<16xf32>
      %select_n3A_2090 = arith.select %gt3A_2088, %select_n3A_2078, %select_n3A_2075 : vector<16xi1>, vector<16xi32>
      %gt3A_2091 = arith.cmpf ogt, %select_n3A_2083, %select_n3A_2080 : vector<16xf32>
      %select_n3A_2092 = arith.select %gt3A_2091, %select_n3A_2083, %select_n3A_2080 : vector<16xi1>, vector<16xf32>
      %select_n3A_2093 = arith.select %gt3A_2091, %select_n3A_2084, %select_n3A_2081 : vector<16xi1>, vector<16xi32>
      %gt3A_2094 = arith.cmpf ogt, %select_n3A_2089, %select_n3A_2086 : vector<16xf32>
      %select_n3A_2095 = arith.select %gt3A_2094, %select_n3A_2089, %select_n3A_2086 : vector<16xi1>, vector<16xf32>
      %select_n3A_2096 = arith.select %gt3A_2094, %select_n3A_2090, %select_n3A_2087 : vector<16xi1>, vector<16xi32>
      %gt3A_2097 = arith.cmpf ogt, %select_n3A_2095, %select_n3A_2092 : vector<16xf32>
      %select_n3A_2098 = arith.select %gt3A_2097, %select_n3A_2095, %select_n3A_2092 : vector<16xi1>, vector<16xf32>
      %select_n3A_2099 = arith.select %gt3A_2097, %select_n3A_2096, %select_n3A_2093 : vector<16xi1>, vector<16xi32>
      %swap3A_2100 = arith.constant 3 : i32
      %swap3A_2101 = arith.index_cast %select_n3A_279 : i32 to index
      %swap3A_2102 = arith.index_cast %swap3A_2100 : i32 to index
      %swap3A_2103 = arith.index_cast %mul3A_295 : i32 to index
      %swap3A_2104 = tpu.vector_load %arg6[%swap3A_2101, %swap3A_2102, %swap3A_2103] {strides = array<i32>} : memref<4x8x128xi32, #tpu.memory_space<vmem>>, vector<16xi32>,
      tpu.vector_store %arg6[%swap3A_2101, %swap3A_2102, %swap3A_2103], %select_n3A_2099 {strides = array<i32>} : memref<4x8x128xi32, #tpu.memory_space<vmem>>, vector<16xi32>,
      %mul3A_2105 = arith.constant 1.600000e+01 : f32
      %mul3A_2106 = vector.broadcast %mul3A_2105 : f32 to vector<16xf32>
      %mul3A_2107 = arith.mulf %select_n3A_2098, %mul3A_2106 : vector<16xf32>
      %swap3A_2108 = arith.constant 3 : i32
      %swap3A_2109 = arith.index_cast %select_n3A_279 : i32 to index
      %swap3A_2110 = arith.index_cast %swap3A_2108 : i32 to index
      %swap3A_2111 = arith.index_cast %mul3A_295 : i32 to index
      %swap3A_2112 = tpu.vector_load %arg7[%swap3A_2109, %swap3A_2110, %swap3A_2111] {strides = array<i32>} : memref<4x8x128xf32, #tpu.memory_space<vmem>>, vector<16xf32>,
      tpu.vector_store %arg7[%swap3A_2109, %swap3A_2110, %swap3A_2111], %mul3A_2107 {strides = array<i32>} : memref<4x8x128xf32, #tpu.memory_space<vmem>>, vector<16xf32>,
      %eq3A_2113 = arith.cmpi eq, %add3A_1119, %select_n3A_2099 : vector<16xi32>
      %jit3A_2114 = arith.constant -1.000000e+00 : f32
      %broadcast_in_dim3A_2115 = vector.broadcast %jit3A_2114 : f32 to vector<16xf32>
      %select_n3A_2116 = arith.select %eq3A_2113, %broadcast_in_dim3A_2115, %select_n3A_1882 : vector<16xi1>, vector<16xf32>
      %eq3A_2117 = arith.cmpi eq, %add3A_1125, %select_n3A_2099 : vector<16xi32>
      %jit3A_2118 = arith.constant -1.000000e+00 : f32
      %broadcast_in_dim3A_2119 = vector.broadcast %jit3A_2118 : f32 to vector<16xf32>
      %select_n3A_2120 = arith.select %eq3A_2117, %broadcast_in_dim3A_2119, %select_n3A_1886 : vector<16xi1>, vector<16xf32>
      %eq3A_2121 = arith.cmpi eq, %add3A_1131, %select_n3A_2099 : vector<16xi32>
      %jit3A_2122 = arith.constant -1.000000e+00 : f32
      %broadcast_in_dim3A_2123 = vector.broadcast %jit3A_2122 : f32 to vector<16xf32>
      %select_n3A_2124 = arith.select %eq3A_2121, %broadcast_in_dim3A_2123, %select_n3A_1890 : vector<16xi1>, vector<16xf32>
      %eq3A_2125 = arith.cmpi eq, %add3A_1137, %select_n3A_2099 : vector<16xi32>
      %jit3A_2126 = arith.constant -1.000000e+00 : f32
      %broadcast_in_dim3A_2127 = vector.broadcast %jit3A_2126 : f32 to vector<16xf32>
      %select_n3A_2128 = arith.select %eq3A_2125, %broadcast_in_dim3A_2127, %select_n3A_1894 : vector<16xi1>, vector<16xf32>
      %eq3A_2129 = arith.cmpi eq, %add3A_1143, %select_n3A_2099 : vector<16xi32>
      %jit3A_2130 = arith.constant -1.000000e+00 : f32
      %broadcast_in_dim3A_2131 = vector.broadcast %jit3A_2130 : f32 to vector<16xf32>
      %select_n3A_2132 = arith.select %eq3A_2129, %broadcast_in_dim3A_2131, %select_n3A_1898 : vector<16xi1>, vector<16xf32>
      %eq3A_2133 = arith.cmpi eq, %add3A_1149, %select_n3A_2099 : vector<16xi32>
      %jit3A_2134 = arith.constant -1.000000e+00 : f32
      %broadcast_in_dim3A_2135 = vector.broadcast %jit3A_2134 : f32 to vector<16xf32>
      %select_n3A_2136 = arith.select %eq3A_2133, %broadcast_in_dim3A_2135, %select_n3A_1902 : vector<16xi1>, vector<16xf32>
      %eq3A_2137 = arith.cmpi eq, %add3A_1155, %select_n3A_2099 : vector<16xi32>
      %jit3A_2138 = arith.constant -1.000000e+00 : f32
      %broadcast_in_dim3A_2139 = vector.broadcast %jit3A_2138 : f32 to vector<16xf32>
      %select_n3A_2140 = arith.select %eq3A_2137, %broadcast_in_dim3A_2139, %select_n3A_1906 : vector<16xi1>, vector<16xf32>
      %eq3A_2141 = arith.cmpi eq, %add3A_1161, %select_n3A_2099 : vector<16xi32>
      %jit3A_2142 = arith.constant -1.000000e+00 : f32
      %broadcast_in_dim3A_2143 = vector.broadcast %jit3A_2142 : f32 to vector<16xf32>
      %select_n3A_2144 = arith.select %eq3A_2141, %broadcast_in_dim3A_2143, %select_n3A_1910 : vector<16xi1>, vector<16xf32>
      %eq3A_2145 = arith.cmpi eq, %add3A_1167, %select_n3A_2099 : vector<16xi32>
      %jit3A_2146 = arith.constant -1.000000e+00 : f32
      %broadcast_in_dim3A_2147 = vector.broadcast %jit3A_2146 : f32 to vector<16xf32>
      %select_n3A_2148 = arith.select %eq3A_2145, %broadcast_in_dim3A_2147, %select_n3A_1914 : vector<16xi1>, vector<16xf32>
      %eq3A_2149 = arith.cmpi eq, %add3A_1173, %select_n3A_2099 : vector<16xi32>
      %jit3A_2150 = arith.constant -1.000000e+00 : f32
      %broadcast_in_dim3A_2151 = vector.broadcast %jit3A_2150 : f32 to vector<16xf32>
      %select_n3A_2152 = arith.select %eq3A_2149, %broadcast_in_dim3A_2151, %select_n3A_1918 : vector<16xi1>, vector<16xf32>
      %eq3A_2153 = arith.cmpi eq, %add3A_1179, %select_n3A_2099 : vector<16xi32>
      %jit3A_2154 = arith.constant -1.000000e+00 : f32
      %broadcast_in_dim3A_2155 = vector.broadcast %jit3A_2154 : f32 to vector<16xf32>
      %select_n3A_2156 = arith.select %eq3A_2153, %broadcast_in_dim3A_2155, %select_n3A_1922 : vector<16xi1>, vector<16xf32>
      %eq3A_2157 = arith.cmpi eq, %add3A_1185, %select_n3A_2099 : vector<16xi32>
      %jit3A_2158 = arith.constant -1.000000e+00 : f32
      %broadcast_in_dim3A_2159 = vector.broadcast %jit3A_2158 : f32 to vector<16xf32>
      %select_n3A_2160 = arith.select %eq3A_2157, %broadcast_in_dim3A_2159, %select_n3A_1926 : vector<16xi1>, vector<16xf32>
      %eq3A_2161 = arith.cmpi eq, %add3A_1191, %select_n3A_2099 : vector<16xi32>
      %jit3A_2162 = arith.constant -1.000000e+00 : f32
      %broadcast_in_dim3A_2163 = vector.broadcast %jit3A_2162 : f32 to vector<16xf32>
      %select_n3A_2164 = arith.select %eq3A_2161, %broadcast_in_dim3A_2163, %select_n3A_1930 : vector<16xi1>, vector<16xf32>
      %eq3A_2165 = arith.cmpi eq, %add3A_1197, %select_n3A_2099 : vector<16xi32>
      %jit3A_2166 = arith.constant -1.000000e+00 : f32
      %broadcast_in_dim3A_2167 = vector.broadcast %jit3A_2166 : f32 to vector<16xf32>
      %select_n3A_2168 = arith.select %eq3A_2165, %broadcast_in_dim3A_2167, %select_n3A_1934 : vector<16xi1>, vector<16xf32>
      %eq3A_2169 = arith.cmpi eq, %add3A_1203, %select_n3A_2099 : vector<16xi32>
      %jit3A_2170 = arith.constant -1.000000e+00 : f32
      %broadcast_in_dim3A_2171 = vector.broadcast %jit3A_2170 : f32 to vector<16xf32>
      %select_n3A_2172 = arith.select %eq3A_2169, %broadcast_in_dim3A_2171, %select_n3A_1938 : vector<16xi1>, vector<16xf32>
      %eq3A_2173 = arith.cmpi eq, %add3A_1209, %select_n3A_2099 : vector<16xi32>
      %jit3A_2174 = arith.constant -1.000000e+00 : f32
      %broadcast_in_dim3A_2175 = vector.broadcast %jit3A_2174 : f32 to vector<16xf32>
      %select_n3A_2176 = arith.select %eq3A_2173, %broadcast_in_dim3A_2175, %select_n3A_1942 : vector<16xi1>, vector<16xf32>
      %eq3A_2177 = arith.cmpi eq, %add3A_1215, %select_n3A_2099 : vector<16xi32>
      %jit3A_2178 = arith.constant -1.000000e+00 : f32
      %broadcast_in_dim3A_2179 = vector.broadcast %jit3A_2178 : f32 to vector<16xf32>
      %select_n3A_2180 = arith.select %eq3A_2177, %broadcast_in_dim3A_2179, %select_n3A_1946 : vector<16xi1>, vector<16xf32>
      %eq3A_2181 = arith.cmpi eq, %add3A_1221, %select_n3A_2099 : vector<16xi32>
      %jit3A_2182 = arith.constant -1.000000e+00 : f32
      %broadcast_in_dim3A_2183 = vector.broadcast %jit3A_2182 : f32 to vector<16xf32>
      %select_n3A_2184 = arith.select %eq3A_2181, %broadcast_in_dim3A_2183, %select_n3A_1950 : vector<16xi1>, vector<16xf32>
      %eq3A_2185 = arith.cmpi eq, %add3A_1227, %select_n3A_2099 : vector<16xi32>
      %jit3A_2186 = arith.constant -1.000000e+00 : f32
      %broadcast_in_dim3A_2187 = vector.broadcast %jit3A_2186 : f32 to vector<16xf32>
      %select_n3A_2188 = arith.select %eq3A_2185, %broadcast_in_dim3A_2187, %select_n3A_1954 : vector<16xi1>, vector<16xf32>
      %eq3A_2189 = arith.cmpi eq, %add3A_1233, %select_n3A_2099 : vector<16xi32>
      %jit3A_2190 = arith.constant -1.000000e+00 : f32
      %broadcast_in_dim3A_2191 = vector.broadcast %jit3A_2190 : f32 to vector<16xf32>
      %select_n3A_2192 = arith.select %eq3A_2189, %broadcast_in_dim3A_2191, %select_n3A_1958 : vector<16xi1>, vector<16xf32>
      %eq3A_2193 = arith.cmpi eq, %add3A_1239, %select_n3A_2099 : vector<16xi32>
      %jit3A_2194 = arith.constant -1.000000e+00 : f32
      %broadcast_in_dim3A_2195 = vector.broadcast %jit3A_2194 : f32 to vector<16xf32>
      %select_n3A_2196 = arith.select %eq3A_2193, %broadcast_in_dim3A_2195, %select_n3A_1962 : vector<16xi1>, vector<16xf32>
      %eq3A_2197 = arith.cmpi eq, %add3A_1245, %select_n3A_2099 : vector<16xi32>
      %jit3A_2198 = arith.constant -1.000000e+00 : f32
      %broadcast_in_dim3A_2199 = vector.broadcast %jit3A_2198 : f32 to vector<16xf32>
      %select_n3A_2200 = arith.select %eq3A_2197, %broadcast_in_dim3A_2199, %select_n3A_1966 : vector<16xi1>, vector<16xf32>
      %eq3A_2201 = arith.cmpi eq, %add3A_1251, %select_n3A_2099 : vector<16xi32>
      %jit3A_2202 = arith.constant -1.000000e+00 : f32
      %broadcast_in_dim3A_2203 = vector.broadcast %jit3A_2202 : f32 to vector<16xf32>
      %select_n3A_2204 = arith.select %eq3A_2201, %broadcast_in_dim3A_2203, %select_n3A_1970 : vector<16xi1>, vector<16xf32>
      %eq3A_2205 = arith.cmpi eq, %add3A_1257, %select_n3A_2099 : vector<16xi32>
      %jit3A_2206 = arith.constant -1.000000e+00 : f32
      %broadcast_in_dim3A_2207 = vector.broadcast %jit3A_2206 : f32 to vector<16xf32>
      %select_n3A_2208 = arith.select %eq3A_2205, %broadcast_in_dim3A_2207, %select_n3A_1974 : vector<16xi1>, vector<16xf32>
      %eq3A_2209 = arith.cmpi eq, %add3A_1263, %select_n3A_2099 : vector<16xi32>
      %jit3A_2210 = arith.constant -1.000000e+00 : f32
      %broadcast_in_dim3A_2211 = vector.broadcast %jit3A_2210 : f32 to vector<16xf32>
      %select_n3A_2212 = arith.select %eq3A_2209, %broadcast_in_dim3A_2211, %select_n3A_1978 : vector<16xi1>, vector<16xf32>
      %eq3A_2213 = arith.cmpi eq, %add3A_1269, %select_n3A_2099 : vector<16xi32>
      %jit3A_2214 = arith.constant -1.000000e+00 : f32
      %broadcast_in_dim3A_2215 = vector.broadcast %jit3A_2214 : f32 to vector<16xf32>
      %select_n3A_2216 = arith.select %eq3A_2213, %broadcast_in_dim3A_2215, %select_n3A_1982 : vector<16xi1>, vector<16xf32>
      %eq3A_2217 = arith.cmpi eq, %add3A_1275, %select_n3A_2099 : vector<16xi32>
      %jit3A_2218 = arith.constant -1.000000e+00 : f32
      %broadcast_in_dim3A_2219 = vector.broadcast %jit3A_2218 : f32 to vector<16xf32>
      %select_n3A_2220 = arith.select %eq3A_2217, %broadcast_in_dim3A_2219, %select_n3A_1986 : vector<16xi1>, vector<16xf32>
      %eq3A_2221 = arith.cmpi eq, %add3A_1281, %select_n3A_2099 : vector<16xi32>
      %jit3A_2222 = arith.constant -1.000000e+00 : f32
      %broadcast_in_dim3A_2223 = vector.broadcast %jit3A_2222 : f32 to vector<16xf32>
      %select_n3A_2224 = arith.select %eq3A_2221, %broadcast_in_dim3A_2223, %select_n3A_1990 : vector<16xi1>, vector<16xf32>
      %eq3A_2225 = arith.cmpi eq, %add3A_1287, %select_n3A_2099 : vector<16xi32>
      %jit3A_2226 = arith.constant -1.000000e+00 : f32
      %broadcast_in_dim3A_2227 = vector.broadcast %jit3A_2226 : f32 to vector<16xf32>
      %select_n3A_2228 = arith.select %eq3A_2225, %broadcast_in_dim3A_2227, %select_n3A_1994 : vector<16xi1>, vector<16xf32>
      %eq3A_2229 = arith.cmpi eq, %add3A_1293, %select_n3A_2099 : vector<16xi32>
      %jit3A_2230 = arith.constant -1.000000e+00 : f32
      %broadcast_in_dim3A_2231 = vector.broadcast %jit3A_2230 : f32 to vector<16xf32>
      %select_n3A_2232 = arith.select %eq3A_2229, %broadcast_in_dim3A_2231, %select_n3A_1998 : vector<16xi1>, vector<16xf32>
      %eq3A_2233 = arith.cmpi eq, %add3A_1299, %select_n3A_2099 : vector<16xi32>
      %jit3A_2234 = arith.constant -1.000000e+00 : f32
      %broadcast_in_dim3A_2235 = vector.broadcast %jit3A_2234 : f32 to vector<16xf32>
      %select_n3A_2236 = arith.select %eq3A_2233, %broadcast_in_dim3A_2235, %select_n3A_2002 : vector<16xi1>, vector<16xf32>
      %eq3A_2237 = arith.cmpi eq, %add3A_1305, %select_n3A_2099 : vector<16xi32>
      %jit3A_2238 = arith.constant -1.000000e+00 : f32
      %broadcast_in_dim3A_2239 = vector.broadcast %jit3A_2238 : f32 to vector<16xf32>
      %select_n3A_2240 = arith.select %eq3A_2237, %broadcast_in_dim3A_2239, %select_n3A_2006 : vector<16xi1>, vector<16xf32>
      %gt3A_2241 = arith.cmpf ogt, %select_n3A_2120, %select_n3A_2116 : vector<16xf32>
      %select_n3A_2242 = arith.select %gt3A_2241, %select_n3A_2120, %select_n3A_2116 : vector<16xi1>, vector<16xf32>
      %select_n3A_2243 = arith.select %gt3A_2241, %add3A_1125, %add3A_1119 : vector<16xi1>, vector<16xi32>
      %gt3A_2244 = arith.cmpf ogt, %select_n3A_2128, %select_n3A_2124 : vector<16xf32>
      %select_n3A_2245 = arith.select %gt3A_2244, %select_n3A_2128, %select_n3A_2124 : vector<16xi1>, vector<16xf32>
      %select_n3A_2246 = arith.select %gt3A_2244, %add3A_1137, %add3A_1131 : vector<16xi1>, vector<16xi32>
      %gt3A_2247 = arith.cmpf ogt, %select_n3A_2136, %select_n3A_2132 : vector<16xf32>
      %select_n3A_2248 = arith.select %gt3A_2247, %select_n3A_2136, %select_n3A_2132 : vector<16xi1>, vector<16xf32>
      %select_n3A_2249 = arith.select %gt3A_2247, %add3A_1149, %add3A_1143 : vector<16xi1>, vector<16xi32>
      %gt3A_2250 = arith.cmpf ogt, %select_n3A_2144, %select_n3A_2140 : vector<16xf32>
      %select_n3A_2251 = arith.select %gt3A_2250, %select_n3A_2144, %select_n3A_2140 : vector<16xi1>, vector<16xf32>
      %select_n3A_2252 = arith.select %gt3A_2250, %add3A_1161, %add3A_1155 : vector<16xi1>, vector<16xi32>
      %gt3A_2253 = arith.cmpf ogt, %select_n3A_2152, %select_n3A_2148 : vector<16xf32>
      %select_n3A_2254 = arith.select %gt3A_2253, %select_n3A_2152, %select_n3A_2148 : vector<16xi1>, vector<16xf32>
      %select_n3A_2255 = arith.select %gt3A_2253, %add3A_1173, %add3A_1167 : vector<16xi1>, vector<16xi32>
      %gt3A_2256 = arith.cmpf ogt, %select_n3A_2160, %select_n3A_2156 : vector<16xf32>
      %select_n3A_2257 = arith.select %gt3A_2256, %select_n3A_2160, %select_n3A_2156 : vector<16xi1>, vector<16xf32>
      %select_n3A_2258 = arith.select %gt3A_2256, %add3A_1185, %add3A_1179 : vector<16xi1>, vector<16xi32>
      %gt3A_2259 = arith.cmpf ogt, %select_n3A_2168, %select_n3A_2164 : vector<16xf32>
      %select_n3A_2260 = arith.select %gt3A_2259, %select_n3A_2168, %select_n3A_2164 : vector<16xi1>, vector<16xf32>
      %select_n3A_2261 = arith.select %gt3A_2259, %add3A_1197, %add3A_1191 : vector<16xi1>, vector<16xi32>
      %gt3A_2262 = arith.cmpf ogt, %select_n3A_2176, %select_n3A_2172 : vector<16xf32>
      %select_n3A_2263 = arith.select %gt3A_2262, %select_n3A_2176, %select_n3A_2172 : vector<16xi1>, vector<16xf32>
      %select_n3A_2264 = arith.select %gt3A_2262, %add3A_1209, %add3A_1203 : vector<16xi1>, vector<16xi32>
      %gt3A_2265 = arith.cmpf ogt, %select_n3A_2184, %select_n3A_2180 : vector<16xf32>
      %select_n3A_2266 = arith.select %gt3A_2265, %select_n3A_2184, %select_n3A_2180 : vector<16xi1>, vector<16xf32>
      %select_n3A_2267 = arith.select %gt3A_2265, %add3A_1221, %add3A_1215 : vector<16xi1>, vector<16xi32>
      %gt3A_2268 = arith.cmpf ogt, %select_n3A_2192, %select_n3A_2188 : vector<16xf32>
      %select_n3A_2269 = arith.select %gt3A_2268, %select_n3A_2192, %select_n3A_2188 : vector<16xi1>, vector<16xf32>
      %select_n3A_2270 = arith.select %gt3A_2268, %add3A_1233, %add3A_1227 : vector<16xi1>, vector<16xi32>
      %gt3A_2271 = arith.cmpf ogt, %select_n3A_2200, %select_n3A_2196 : vector<16xf32>
      %select_n3A_2272 = arith.select %gt3A_2271, %select_n3A_2200, %select_n3A_2196 : vector<16xi1>, vector<16xf32>
      %select_n3A_2273 = arith.select %gt3A_2271, %add3A_1245, %add3A_1239 : vector<16xi1>, vector<16xi32>
      %gt3A_2274 = arith.cmpf ogt, %select_n3A_2208, %select_n3A_2204 : vector<16xf32>
      %select_n3A_2275 = arith.select %gt3A_2274, %select_n3A_2208, %select_n3A_2204 : vector<16xi1>, vector<16xf32>
      %select_n3A_2276 = arith.select %gt3A_2274, %add3A_1257, %add3A_1251 : vector<16xi1>, vector<16xi32>
      %gt3A_2277 = arith.cmpf ogt, %select_n3A_2216, %select_n3A_2212 : vector<16xf32>
      %select_n3A_2278 = arith.select %gt3A_2277, %select_n3A_2216, %select_n3A_2212 : vector<16xi1>, vector<16xf32>
      %select_n3A_2279 = arith.select %gt3A_2277, %add3A_1269, %add3A_1263 : vector<16xi1>, vector<16xi32>
      %gt3A_2280 = arith.cmpf ogt, %select_n3A_2224, %select_n3A_2220 : vector<16xf32>
      %select_n3A_2281 = arith.select %gt3A_2280, %select_n3A_2224, %select_n3A_2220 : vector<16xi1>, vector<16xf32>
      %select_n3A_2282 = arith.select %gt3A_2280, %add3A_1281, %add3A_1275 : vector<16xi1>, vector<16xi32>
      %gt3A_2283 = arith.cmpf ogt, %select_n3A_2232, %select_n3A_2228 : vector<16xf32>
      %select_n3A_2284 = arith.select %gt3A_2283, %select_n3A_2232, %select_n3A_2228 : vector<16xi1>, vector<16xf32>
      %select_n3A_2285 = arith.select %gt3A_2283, %add3A_1293, %add3A_1287 : vector<16xi1>, vector<16xi32>
      %gt3A_2286 = arith.cmpf ogt, %select_n3A_2240, %select_n3A_2236 : vector<16xf32>
      %select_n3A_2287 = arith.select %gt3A_2286, %select_n3A_2240, %select_n3A_2236 : vector<16xi1>, vector<16xf32>
      %select_n3A_2288 = arith.select %gt3A_2286, %add3A_1305, %add3A_1299 : vector<16xi1>, vector<16xi32>
      %gt3A_2289 = arith.cmpf ogt, %select_n3A_2245, %select_n3A_2242 : vector<16xf32>
      %select_n3A_2290 = arith.select %gt3A_2289, %select_n3A_2245, %select_n3A_2242 : vector<16xi1>, vector<16xf32>
      %select_n3A_2291 = arith.select %gt3A_2289, %select_n3A_2246, %select_n3A_2243 : vector<16xi1>, vector<16xi32>
      %gt3A_2292 = arith.cmpf ogt, %select_n3A_2251, %select_n3A_2248 : vector<16xf32>
      %select_n3A_2293 = arith.select %gt3A_2292, %select_n3A_2251, %select_n3A_2248 : vector<16xi1>, vector<16xf32>
      %select_n3A_2294 = arith.select %gt3A_2292, %select_n3A_2252, %select_n3A_2249 : vector<16xi1>, vector<16xi32>
      %gt3A_2295 = arith.cmpf ogt, %select_n3A_2257, %select_n3A_2254 : vector<16xf32>
      %select_n3A_2296 = arith.select %gt3A_2295, %select_n3A_2257, %select_n3A_2254 : vector<16xi1>, vector<16xf32>
      %select_n3A_2297 = arith.select %gt3A_2295, %select_n3A_2258, %select_n3A_2255 : vector<16xi1>, vector<16xi32>
      %gt3A_2298 = arith.cmpf ogt, %select_n3A_2263, %select_n3A_2260 : vector<16xf32>
      %select_n3A_2299 = arith.select %gt3A_2298, %select_n3A_2263, %select_n3A_2260 : vector<16xi1>, vector<16xf32>
      %select_n3A_2300 = arith.select %gt3A_2298, %select_n3A_2264, %select_n3A_2261 : vector<16xi1>, vector<16xi32>
      %gt3A_2301 = arith.cmpf ogt, %select_n3A_2269, %select_n3A_2266 : vector<16xf32>
      %select_n3A_2302 = arith.select %gt3A_2301, %select_n3A_2269, %select_n3A_2266 : vector<16xi1>, vector<16xf32>
      %select_n3A_2303 = arith.select %gt3A_2301, %select_n3A_2270, %select_n3A_2267 : vector<16xi1>, vector<16xi32>
      %gt3A_2304 = arith.cmpf ogt, %select_n3A_2275, %select_n3A_2272 : vector<16xf32>
      %select_n3A_2305 = arith.select %gt3A_2304, %select_n3A_2275, %select_n3A_2272 : vector<16xi1>, vector<16xf32>
      %select_n3A_2306 = arith.select %gt3A_2304, %select_n3A_2276, %select_n3A_2273 : vector<16xi1>, vector<16xi32>
      %gt3A_2307 = arith.cmpf ogt, %select_n3A_2281, %select_n3A_2278 : vector<16xf32>
      %select_n3A_2308 = arith.select %gt3A_2307, %select_n3A_2281, %select_n3A_2278 : vector<16xi1>, vector<16xf32>
      %select_n3A_2309 = arith.select %gt3A_2307, %select_n3A_2282, %select_n3A_2279 : vector<16xi1>, vector<16xi32>
      %gt3A_2310 = arith.cmpf ogt, %select_n3A_2287, %select_n3A_2284 : vector<16xf32>
      %select_n3A_2311 = arith.select %gt3A_2310, %select_n3A_2287, %select_n3A_2284 : vector<16xi1>, vector<16xf32>
      %select_n3A_2312 = arith.select %gt3A_2310, %select_n3A_2288, %select_n3A_2285 : vector<16xi1>, vector<16xi32>
      %gt3A_2313 = arith.cmpf ogt, %select_n3A_2293, %select_n3A_2290 : vector<16xf32>
      %select_n3A_2314 = arith.select %gt3A_2313, %select_n3A_2293, %select_n3A_2290 : vector<16xi1>, vector<16xf32>
      %select_n3A_2315 = arith.select %gt3A_2313, %select_n3A_2294, %select_n3A_2291 : vector<16xi1>, vector<16xi32>
      %gt3A_2316 = arith.cmpf ogt, %select_n3A_2299, %select_n3A_2296 : vector<16xf32>
      %select_n3A_2317 = arith.select %gt3A_2316, %select_n3A_2299, %select_n3A_2296 : vector<16xi1>, vector<16xf32>
      %select_n3A_2318 = arith.select %gt3A_2316, %select_n3A_2300, %select_n3A_2297 : vector<16xi1>, vector<16xi32>
      %gt3A_2319 = arith.cmpf ogt, %select_n3A_2305, %select_n3A_2302 : vector<16xf32>
      %select_n3A_2320 = arith.select %gt3A_2319, %select_n3A_2305, %select_n3A_2302 : vector<16xi1>, vector<16xf32>
      %select_n3A_2321 = arith.select %gt3A_2319, %select_n3A_2306, %select_n3A_2303 : vector<16xi1>, vector<16xi32>
      %gt3A_2322 = arith.cmpf ogt, %select_n3A_2311, %select_n3A_2308 : vector<16xf32>
      %select_n3A_2323 = arith.select %gt3A_2322, %select_n3A_2311, %select_n3A_2308 : vector<16xi1>, vector<16xf32>
      %select_n3A_2324 = arith.select %gt3A_2322, %select_n3A_2312, %select_n3A_2309 : vector<16xi1>, vector<16xi32>
      %gt3A_2325 = arith.cmpf ogt, %select_n3A_2317, %select_n3A_2314 : vector<16xf32>
      %select_n3A_2326 = arith.select %gt3A_2325, %select_n3A_2317, %select_n3A_2314 : vector<16xi1>, vector<16xf32>
      %select_n3A_2327 = arith.select %gt3A_2325, %select_n3A_2318, %select_n3A_2315 : vector<16xi1>, vector<16xi32>
      %gt3A_2328 = arith.cmpf ogt, %select_n3A_2323, %select_n3A_2320 : vector<16xf32>
      %select_n3A_2329 = arith.select %gt3A_2328, %select_n3A_2323, %select_n3A_2320 : vector<16xi1>, vector<16xf32>
      %select_n3A_2330 = arith.select %gt3A_2328, %select_n3A_2324, %select_n3A_2321 : vector<16xi1>, vector<16xi32>
      %gt3A_2331 = arith.cmpf ogt, %select_n3A_2329, %select_n3A_2326 : vector<16xf32>
      %select_n3A_2332 = arith.select %gt3A_2331, %select_n3A_2329, %select_n3A_2326 : vector<16xi1>, vector<16xf32>
      %select_n3A_2333 = arith.select %gt3A_2331, %select_n3A_2330, %select_n3A_2327 : vector<16xi1>, vector<16xi32>
      %swap3A_2334 = arith.constant 4 : i32
      %swap3A_2335 = arith.index_cast %select_n3A_279 : i32 to index
      %swap3A_2336 = arith.index_cast %swap3A_2334 : i32 to index
      %swap3A_2337 = arith.index_cast %mul3A_295 : i32 to index
      %swap3A_2338 = tpu.vector_load %arg6[%swap3A_2335, %swap3A_2336, %swap3A_2337] {strides = array<i32>} : memref<4x8x128xi32, #tpu.memory_space<vmem>>, vector<16xi32>,
      tpu.vector_store %arg6[%swap3A_2335, %swap3A_2336, %swap3A_2337], %select_n3A_2333 {strides = array<i32>} : memref<4x8x128xi32, #tpu.memory_space<vmem>>, vector<16xi32>,
      %mul3A_2339 = arith.constant 1.600000e+01 : f32
      %mul3A_2340 = vector.broadcast %mul3A_2339 : f32 to vector<16xf32>
      %mul3A_2341 = arith.mulf %select_n3A_2332, %mul3A_2340 : vector<16xf32>
      %swap3A_2342 = arith.constant 4 : i32
      %swap3A_2343 = arith.index_cast %select_n3A_279 : i32 to index
      %swap3A_2344 = arith.index_cast %swap3A_2342 : i32 to index
      %swap3A_2345 = arith.index_cast %mul3A_295 : i32 to index
      %swap3A_2346 = tpu.vector_load %arg7[%swap3A_2343, %swap3A_2344, %swap3A_2345] {strides = array<i32>} : memref<4x8x128xf32, #tpu.memory_space<vmem>>, vector<16xf32>,
      tpu.vector_store %arg7[%swap3A_2343, %swap3A_2344, %swap3A_2345], %mul3A_2341 {strides = array<i32>} : memref<4x8x128xf32, #tpu.memory_space<vmem>>, vector<16xf32>,
      %eq3A_2347 = arith.cmpi eq, %add3A_1119, %select_n3A_2333 : vector<16xi32>
      %jit3A_2348 = arith.constant -1.000000e+00 : f32
      %broadcast_in_dim3A_2349 = vector.broadcast %jit3A_2348 : f32 to vector<16xf32>
      %select_n3A_2350 = arith.select %eq3A_2347, %broadcast_in_dim3A_2349, %select_n3A_2116 : vector<16xi1>, vector<16xf32>
      %eq3A_2351 = arith.cmpi eq, %add3A_1125, %select_n3A_2333 : vector<16xi32>
      %jit3A_2352 = arith.constant -1.000000e+00 : f32
      %broadcast_in_dim3A_2353 = vector.broadcast %jit3A_2352 : f32 to vector<16xf32>
      %select_n3A_2354 = arith.select %eq3A_2351, %broadcast_in_dim3A_2353, %select_n3A_2120 : vector<16xi1>, vector<16xf32>
      %eq3A_2355 = arith.cmpi eq, %add3A_1131, %select_n3A_2333 : vector<16xi32>
      %jit3A_2356 = arith.constant -1.000000e+00 : f32
      %broadcast_in_dim3A_2357 = vector.broadcast %jit3A_2356 : f32 to vector<16xf32>
      %select_n3A_2358 = arith.select %eq3A_2355, %broadcast_in_dim3A_2357, %select_n3A_2124 : vector<16xi1>, vector<16xf32>
      %eq3A_2359 = arith.cmpi eq, %add3A_1137, %select_n3A_2333 : vector<16xi32>
      %jit3A_2360 = arith.constant -1.000000e+00 : f32
      %broadcast_in_dim3A_2361 = vector.broadcast %jit3A_2360 : f32 to vector<16xf32>
      %select_n3A_2362 = arith.select %eq3A_2359, %broadcast_in_dim3A_2361, %select_n3A_2128 : vector<16xi1>, vector<16xf32>
      %eq3A_2363 = arith.cmpi eq, %add3A_1143, %select_n3A_2333 : vector<16xi32>
      %jit3A_2364 = arith.constant -1.000000e+00 : f32
      %broadcast_in_dim3A_2365 = vector.broadcast %jit3A_2364 : f32 to vector<16xf32>
      %select_n3A_2366 = arith.select %eq3A_2363, %broadcast_in_dim3A_2365, %select_n3A_2132 : vector<16xi1>, vector<16xf32>
      %eq3A_2367 = arith.cmpi eq, %add3A_1149, %select_n3A_2333 : vector<16xi32>
      %jit3A_2368 = arith.constant -1.000000e+00 : f32
      %broadcast_in_dim3A_2369 = vector.broadcast %jit3A_2368 : f32 to vector<16xf32>
      %select_n3A_2370 = arith.select %eq3A_2367, %broadcast_in_dim3A_2369, %select_n3A_2136 : vector<16xi1>, vector<16xf32>
      %eq3A_2371 = arith.cmpi eq, %add3A_1155, %select_n3A_2333 : vector<16xi32>
      %jit3A_2372 = arith.constant -1.000000e+00 : f32
      %broadcast_in_dim3A_2373 = vector.broadcast %jit3A_2372 : f32 to vector<16xf32>
      %select_n3A_2374 = arith.select %eq3A_2371, %broadcast_in_dim3A_2373, %select_n3A_2140 : vector<16xi1>, vector<16xf32>
      %eq3A_2375 = arith.cmpi eq, %add3A_1161, %select_n3A_2333 : vector<16xi32>
      %jit3A_2376 = arith.constant -1.000000e+00 : f32
      %broadcast_in_dim3A_2377 = vector.broadcast %jit3A_2376 : f32 to vector<16xf32>
      %select_n3A_2378 = arith.select %eq3A_2375, %broadcast_in_dim3A_2377, %select_n3A_2144 : vector<16xi1>, vector<16xf32>
      %eq3A_2379 = arith.cmpi eq, %add3A_1167, %select_n3A_2333 : vector<16xi32>
      %jit3A_2380 = arith.constant -1.000000e+00 : f32
      %broadcast_in_dim3A_2381 = vector.broadcast %jit3A_2380 : f32 to vector<16xf32>
      %select_n3A_2382 = arith.select %eq3A_2379, %broadcast_in_dim3A_2381, %select_n3A_2148 : vector<16xi1>, vector<16xf32>
      %eq3A_2383 = arith.cmpi eq, %add3A_1173, %select_n3A_2333 : vector<16xi32>
      %jit3A_2384 = arith.constant -1.000000e+00 : f32
      %broadcast_in_dim3A_2385 = vector.broadcast %jit3A_2384 : f32 to vector<16xf32>
      %select_n3A_2386 = arith.select %eq3A_2383, %broadcast_in_dim3A_2385, %select_n3A_2152 : vector<16xi1>, vector<16xf32>
      %eq3A_2387 = arith.cmpi eq, %add3A_1179, %select_n3A_2333 : vector<16xi32>
      %jit3A_2388 = arith.constant -1.000000e+00 : f32
      %broadcast_in_dim3A_2389 = vector.broadcast %jit3A_2388 : f32 to vector<16xf32>
      %select_n3A_2390 = arith.select %eq3A_2387, %broadcast_in_dim3A_2389, %select_n3A_2156 : vector<16xi1>, vector<16xf32>
      %eq3A_2391 = arith.cmpi eq, %add3A_1185, %select_n3A_2333 : vector<16xi32>
      %jit3A_2392 = arith.constant -1.000000e+00 : f32
      %broadcast_in_dim3A_2393 = vector.broadcast %jit3A_2392 : f32 to vector<16xf32>
      %select_n3A_2394 = arith.select %eq3A_2391, %broadcast_in_dim3A_2393, %select_n3A_2160 : vector<16xi1>, vector<16xf32>
      %eq3A_2395 = arith.cmpi eq, %add3A_1191, %select_n3A_2333 : vector<16xi32>
      %jit3A_2396 = arith.constant -1.000000e+00 : f32
      %broadcast_in_dim3A_2397 = vector.broadcast %jit3A_2396 : f32 to vector<16xf32>
      %select_n3A_2398 = arith.select %eq3A_2395, %broadcast_in_dim3A_2397, %select_n3A_2164 : vector<16xi1>, vector<16xf32>
      %eq3A_2399 = arith.cmpi eq, %add3A_1197, %select_n3A_2333 : vector<16xi32>
      %jit3A_2400 = arith.constant -1.000000e+00 : f32
      %broadcast_in_dim3A_2401 = vector.broadcast %jit3A_2400 : f32 to vector<16xf32>
      %select_n3A_2402 = arith.select %eq3A_2399, %broadcast_in_dim3A_2401, %select_n3A_2168 : vector<16xi1>, vector<16xf32>
      %eq3A_2403 = arith.cmpi eq, %add3A_1203, %select_n3A_2333 : vector<16xi32>
      %jit3A_2404 = arith.constant -1.000000e+00 : f32
      %broadcast_in_dim3A_2405 = vector.broadcast %jit3A_2404 : f32 to vector<16xf32>
      %select_n3A_2406 = arith.select %eq3A_2403, %broadcast_in_dim3A_2405, %select_n3A_2172 : vector<16xi1>, vector<16xf32>
      %eq3A_2407 = arith.cmpi eq, %add3A_1209, %select_n3A_2333 : vector<16xi32>
      %jit3A_2408 = arith.constant -1.000000e+00 : f32
      %broadcast_in_dim3A_2409 = vector.broadcast %jit3A_2408 : f32 to vector<16xf32>
      %select_n3A_2410 = arith.select %eq3A_2407, %broadcast_in_dim3A_2409, %select_n3A_2176 : vector<16xi1>, vector<16xf32>
      %eq3A_2411 = arith.cmpi eq, %add3A_1215, %select_n3A_2333 : vector<16xi32>
      %jit3A_2412 = arith.constant -1.000000e+00 : f32
      %broadcast_in_dim3A_2413 = vector.broadcast %jit3A_2412 : f32 to vector<16xf32>
      %select_n3A_2414 = arith.select %eq3A_2411, %broadcast_in_dim3A_2413, %select_n3A_2180 : vector<16xi1>, vector<16xf32>
      %eq3A_2415 = arith.cmpi eq, %add3A_1221, %select_n3A_2333 : vector<16xi32>
      %jit3A_2416 = arith.constant -1.000000e+00 : f32
      %broadcast_in_dim3A_2417 = vector.broadcast %jit3A_2416 : f32 to vector<16xf32>
      %select_n3A_2418 = arith.select %eq3A_2415, %broadcast_in_dim3A_2417, %select_n3A_2184 : vector<16xi1>, vector<16xf32>
      %eq3A_2419 = arith.cmpi eq, %add3A_1227, %select_n3A_2333 : vector<16xi32>
      %jit3A_2420 = arith.constant -1.000000e+00 : f32
      %broadcast_in_dim3A_2421 = vector.broadcast %jit3A_2420 : f32 to vector<16xf32>
      %select_n3A_2422 = arith.select %eq3A_2419, %broadcast_in_dim3A_2421, %select_n3A_2188 : vector<16xi1>, vector<16xf32>
      %eq3A_2423 = arith.cmpi eq, %add3A_1233, %select_n3A_2333 : vector<16xi32>
      %jit3A_2424 = arith.constant -1.000000e+00 : f32
      %broadcast_in_dim3A_2425 = vector.broadcast %jit3A_2424 : f32 to vector<16xf32>
      %select_n3A_2426 = arith.select %eq3A_2423, %broadcast_in_dim3A_2425, %select_n3A_2192 : vector<16xi1>, vector<16xf32>
      %eq3A_2427 = arith.cmpi eq, %add3A_1239, %select_n3A_2333 : vector<16xi32>
      %jit3A_2428 = arith.constant -1.000000e+00 : f32
      %broadcast_in_dim3A_2429 = vector.broadcast %jit3A_2428 : f32 to vector<16xf32>
      %select_n3A_2430 = arith.select %eq3A_2427, %broadcast_in_dim3A_2429, %select_n3A_2196 : vector<16xi1>, vector<16xf32>
      %eq3A_2431 = arith.cmpi eq, %add3A_1245, %select_n3A_2333 : vector<16xi32>
      %jit3A_2432 = arith.constant -1.000000e+00 : f32
      %broadcast_in_dim3A_2433 = vector.broadcast %jit3A_2432 : f32 to vector<16xf32>
      %select_n3A_2434 = arith.select %eq3A_2431, %broadcast_in_dim3A_2433, %select_n3A_2200 : vector<16xi1>, vector<16xf32>
      %eq3A_2435 = arith.cmpi eq, %add3A_1251, %select_n3A_2333 : vector<16xi32>
      %jit3A_2436 = arith.constant -1.000000e+00 : f32
      %broadcast_in_dim3A_2437 = vector.broadcast %jit3A_2436 : f32 to vector<16xf32>
      %select_n3A_2438 = arith.select %eq3A_2435, %broadcast_in_dim3A_2437, %select_n3A_2204 : vector<16xi1>, vector<16xf32>
      %eq3A_2439 = arith.cmpi eq, %add3A_1257, %select_n3A_2333 : vector<16xi32>
      %jit3A_2440 = arith.constant -1.000000e+00 : f32
      %broadcast_in_dim3A_2441 = vector.broadcast %jit3A_2440 : f32 to vector<16xf32>
      %select_n3A_2442 = arith.select %eq3A_2439, %broadcast_in_dim3A_2441, %select_n3A_2208 : vector<16xi1>, vector<16xf32>
      %eq3A_2443 = arith.cmpi eq, %add3A_1263, %select_n3A_2333 : vector<16xi32>
      %jit3A_2444 = arith.constant -1.000000e+00 : f32
      %broadcast_in_dim3A_2445 = vector.broadcast %jit3A_2444 : f32 to vector<16xf32>
      %select_n3A_2446 = arith.select %eq3A_2443, %broadcast_in_dim3A_2445, %select_n3A_2212 : vector<16xi1>, vector<16xf32>
      %eq3A_2447 = arith.cmpi eq, %add3A_1269, %select_n3A_2333 : vector<16xi32>
      %jit3A_2448 = arith.constant -1.000000e+00 : f32
      %broadcast_in_dim3A_2449 = vector.broadcast %jit3A_2448 : f32 to vector<16xf32>
      %select_n3A_2450 = arith.select %eq3A_2447, %broadcast_in_dim3A_2449, %select_n3A_2216 : vector<16xi1>, vector<16xf32>
      %eq3A_2451 = arith.cmpi eq, %add3A_1275, %select_n3A_2333 : vector<16xi32>
      %jit3A_2452 = arith.constant -1.000000e+00 : f32
      %broadcast_in_dim3A_2453 = vector.broadcast %jit3A_2452 : f32 to vector<16xf32>
      %select_n3A_2454 = arith.select %eq3A_2451, %broadcast_in_dim3A_2453, %select_n3A_2220 : vector<16xi1>, vector<16xf32>
      %eq3A_2455 = arith.cmpi eq, %add3A_1281, %select_n3A_2333 : vector<16xi32>
      %jit3A_2456 = arith.constant -1.000000e+00 : f32
      %broadcast_in_dim3A_2457 = vector.broadcast %jit3A_2456 : f32 to vector<16xf32>
      %select_n3A_2458 = arith.select %eq3A_2455, %broadcast_in_dim3A_2457, %select_n3A_2224 : vector<16xi1>, vector<16xf32>
      %eq3A_2459 = arith.cmpi eq, %add3A_1287, %select_n3A_2333 : vector<16xi32>
      %jit3A_2460 = arith.constant -1.000000e+00 : f32
      %broadcast_in_dim3A_2461 = vector.broadcast %jit3A_2460 : f32 to vector<16xf32>
      %select_n3A_2462 = arith.select %eq3A_2459, %broadcast_in_dim3A_2461, %select_n3A_2228 : vector<16xi1>, vector<16xf32>
      %eq3A_2463 = arith.cmpi eq, %add3A_1293, %select_n3A_2333 : vector<16xi32>
      %jit3A_2464 = arith.constant -1.000000e+00 : f32
      %broadcast_in_dim3A_2465 = vector.broadcast %jit3A_2464 : f32 to vector<16xf32>
      %select_n3A_2466 = arith.select %eq3A_2463, %broadcast_in_dim3A_2465, %select_n3A_2232 : vector<16xi1>, vector<16xf32>
      %eq3A_2467 = arith.cmpi eq, %add3A_1299, %select_n3A_2333 : vector<16xi32>
      %jit3A_2468 = arith.constant -1.000000e+00 : f32
      %broadcast_in_dim3A_2469 = vector.broadcast %jit3A_2468 : f32 to vector<16xf32>
      %select_n3A_2470 = arith.select %eq3A_2467, %broadcast_in_dim3A_2469, %select_n3A_2236 : vector<16xi1>, vector<16xf32>
      %eq3A_2471 = arith.cmpi eq, %add3A_1305, %select_n3A_2333 : vector<16xi32>
      %jit3A_2472 = arith.constant -1.000000e+00 : f32
      %broadcast_in_dim3A_2473 = vector.broadcast %jit3A_2472 : f32 to vector<16xf32>
      %select_n3A_2474 = arith.select %eq3A_2471, %broadcast_in_dim3A_2473, %select_n3A_2240 : vector<16xi1>, vector<16xf32>
      %gt3A_2475 = arith.cmpf ogt, %select_n3A_2354, %select_n3A_2350 : vector<16xf32>
      %select_n3A_2476 = arith.select %gt3A_2475, %select_n3A_2354, %select_n3A_2350 : vector<16xi1>, vector<16xf32>
      %select_n3A_2477 = arith.select %gt3A_2475, %add3A_1125, %add3A_1119 : vector<16xi1>, vector<16xi32>
      %gt3A_2478 = arith.cmpf ogt, %select_n3A_2362, %select_n3A_2358 : vector<16xf32>
      %select_n3A_2479 = arith.select %gt3A_2478, %select_n3A_2362, %select_n3A_2358 : vector<16xi1>, vector<16xf32>
      %select_n3A_2480 = arith.select %gt3A_2478, %add3A_1137, %add3A_1131 : vector<16xi1>, vector<16xi32>
      %gt3A_2481 = arith.cmpf ogt, %select_n3A_2370, %select_n3A_2366 : vector<16xf32>
      %select_n3A_2482 = arith.select %gt3A_2481, %select_n3A_2370, %select_n3A_2366 : vector<16xi1>, vector<16xf32>
      %select_n3A_2483 = arith.select %gt3A_2481, %add3A_1149, %add3A_1143 : vector<16xi1>, vector<16xi32>
      %gt3A_2484 = arith.cmpf ogt, %select_n3A_2378, %select_n3A_2374 : vector<16xf32>
      %select_n3A_2485 = arith.select %gt3A_2484, %select_n3A_2378, %select_n3A_2374 : vector<16xi1>, vector<16xf32>
      %select_n3A_2486 = arith.select %gt3A_2484, %add3A_1161, %add3A_1155 : vector<16xi1>, vector<16xi32>
      %gt3A_2487 = arith.cmpf ogt, %select_n3A_2386, %select_n3A_2382 : vector<16xf32>
      %select_n3A_2488 = arith.select %gt3A_2487, %select_n3A_2386, %select_n3A_2382 : vector<16xi1>, vector<16xf32>
      %select_n3A_2489 = arith.select %gt3A_2487, %add3A_1173, %add3A_1167 : vector<16xi1>, vector<16xi32>
      %gt3A_2490 = arith.cmpf ogt, %select_n3A_2394, %select_n3A_2390 : vector<16xf32>
      %select_n3A_2491 = arith.select %gt3A_2490, %select_n3A_2394, %select_n3A_2390 : vector<16xi1>, vector<16xf32>
      %select_n3A_2492 = arith.select %gt3A_2490, %add3A_1185, %add3A_1179 : vector<16xi1>, vector<16xi32>
      %gt3A_2493 = arith.cmpf ogt, %select_n3A_2402, %select_n3A_2398 : vector<16xf32>
      %select_n3A_2494 = arith.select %gt3A_2493, %select_n3A_2402, %select_n3A_2398 : vector<16xi1>, vector<16xf32>
      %select_n3A_2495 = arith.select %gt3A_2493, %add3A_1197, %add3A_1191 : vector<16xi1>, vector<16xi32>
      %gt3A_2496 = arith.cmpf ogt, %select_n3A_2410, %select_n3A_2406 : vector<16xf32>
      %select_n3A_2497 = arith.select %gt3A_2496, %select_n3A_2410, %select_n3A_2406 : vector<16xi1>, vector<16xf32>
      %select_n3A_2498 = arith.select %gt3A_2496, %add3A_1209, %add3A_1203 : vector<16xi1>, vector<16xi32>
      %gt3A_2499 = arith.cmpf ogt, %select_n3A_2418, %select_n3A_2414 : vector<16xf32>
      %select_n3A_2500 = arith.select %gt3A_2499, %select_n3A_2418, %select_n3A_2414 : vector<16xi1>, vector<16xf32>
      %select_n3A_2501 = arith.select %gt3A_2499, %add3A_1221, %add3A_1215 : vector<16xi1>, vector<16xi32>
      %gt3A_2502 = arith.cmpf ogt, %select_n3A_2426, %select_n3A_2422 : vector<16xf32>
      %select_n3A_2503 = arith.select %gt3A_2502, %select_n3A_2426, %select_n3A_2422 : vector<16xi1>, vector<16xf32>
      %select_n3A_2504 = arith.select %gt3A_2502, %add3A_1233, %add3A_1227 : vector<16xi1>, vector<16xi32>
      %gt3A_2505 = arith.cmpf ogt, %select_n3A_2434, %select_n3A_2430 : vector<16xf32>
      %select_n3A_2506 = arith.select %gt3A_2505, %select_n3A_2434, %select_n3A_2430 : vector<16xi1>, vector<16xf32>
      %select_n3A_2507 = arith.select %gt3A_2505, %add3A_1245, %add3A_1239 : vector<16xi1>, vector<16xi32>
      %gt3A_2508 = arith.cmpf ogt, %select_n3A_2442, %select_n3A_2438 : vector<16xf32>
      %select_n3A_2509 = arith.select %gt3A_2508, %select_n3A_2442, %select_n3A_2438 : vector<16xi1>, vector<16xf32>
      %select_n3A_2510 = arith.select %gt3A_2508, %add3A_1257, %add3A_1251 : vector<16xi1>, vector<16xi32>
      %gt3A_2511 = arith.cmpf ogt, %select_n3A_2450, %select_n3A_2446 : vector<16xf32>
      %select_n3A_2512 = arith.select %gt3A_2511, %select_n3A_2450, %select_n3A_2446 : vector<16xi1>, vector<16xf32>
      %select_n3A_2513 = arith.select %gt3A_2511, %add3A_1269, %add3A_1263 : vector<16xi1>, vector<16xi32>
      %gt3A_2514 = arith.cmpf ogt, %select_n3A_2458, %select_n3A_2454 : vector<16xf32>
      %select_n3A_2515 = arith.select %gt3A_2514, %select_n3A_2458, %select_n3A_2454 : vector<16xi1>, vector<16xf32>
      %select_n3A_2516 = arith.select %gt3A_2514, %add3A_1281, %add3A_1275 : vector<16xi1>, vector<16xi32>
      %gt3A_2517 = arith.cmpf ogt, %select_n3A_2466, %select_n3A_2462 : vector<16xf32>
      %select_n3A_2518 = arith.select %gt3A_2517, %select_n3A_2466, %select_n3A_2462 : vector<16xi1>, vector<16xf32>
      %select_n3A_2519 = arith.select %gt3A_2517, %add3A_1293, %add3A_1287 : vector<16xi1>, vector<16xi32>
      %gt3A_2520 = arith.cmpf ogt, %select_n3A_2474, %select_n3A_2470 : vector<16xf32>
      %select_n3A_2521 = arith.select %gt3A_2520, %select_n3A_2474, %select_n3A_2470 : vector<16xi1>, vector<16xf32>
      %select_n3A_2522 = arith.select %gt3A_2520, %add3A_1305, %add3A_1299 : vector<16xi1>, vector<16xi32>
      %gt3A_2523 = arith.cmpf ogt, %select_n3A_2479, %select_n3A_2476 : vector<16xf32>
      %select_n3A_2524 = arith.select %gt3A_2523, %select_n3A_2479, %select_n3A_2476 : vector<16xi1>, vector<16xf32>
      %select_n3A_2525 = arith.select %gt3A_2523, %select_n3A_2480, %select_n3A_2477 : vector<16xi1>, vector<16xi32>
      %gt3A_2526 = arith.cmpf ogt, %select_n3A_2485, %select_n3A_2482 : vector<16xf32>
      %select_n3A_2527 = arith.select %gt3A_2526, %select_n3A_2485, %select_n3A_2482 : vector<16xi1>, vector<16xf32>
      %select_n3A_2528 = arith.select %gt3A_2526, %select_n3A_2486, %select_n3A_2483 : vector<16xi1>, vector<16xi32>
      %gt3A_2529 = arith.cmpf ogt, %select_n3A_2491, %select_n3A_2488 : vector<16xf32>
      %select_n3A_2530 = arith.select %gt3A_2529, %select_n3A_2491, %select_n3A_2488 : vector<16xi1>, vector<16xf32>
      %select_n3A_2531 = arith.select %gt3A_2529, %select_n3A_2492, %select_n3A_2489 : vector<16xi1>, vector<16xi32>
      %gt3A_2532 = arith.cmpf ogt, %select_n3A_2497, %select_n3A_2494 : vector<16xf32>
      %select_n3A_2533 = arith.select %gt3A_2532, %select_n3A_2497, %select_n3A_2494 : vector<16xi1>, vector<16xf32>
      %select_n3A_2534 = arith.select %gt3A_2532, %select_n3A_2498, %select_n3A_2495 : vector<16xi1>, vector<16xi32>
      %gt3A_2535 = arith.cmpf ogt, %select_n3A_2503, %select_n3A_2500 : vector<16xf32>
      %select_n3A_2536 = arith.select %gt3A_2535, %select_n3A_2503, %select_n3A_2500 : vector<16xi1>, vector<16xf32>
      %select_n3A_2537 = arith.select %gt3A_2535, %select_n3A_2504, %select_n3A_2501 : vector<16xi1>, vector<16xi32>
      %gt3A_2538 = arith.cmpf ogt, %select_n3A_2509, %select_n3A_2506 : vector<16xf32>
      %select_n3A_2539 = arith.select %gt3A_2538, %select_n3A_2509, %select_n3A_2506 : vector<16xi1>, vector<16xf32>
      %select_n3A_2540 = arith.select %gt3A_2538, %select_n3A_2510, %select_n3A_2507 : vector<16xi1>, vector<16xi32>
      %gt3A_2541 = arith.cmpf ogt, %select_n3A_2515, %select_n3A_2512 : vector<16xf32>
      %select_n3A_2542 = arith.select %gt3A_2541, %select_n3A_2515, %select_n3A_2512 : vector<16xi1>, vector<16xf32>
      %select_n3A_2543 = arith.select %gt3A_2541, %select_n3A_2516, %select_n3A_2513 : vector<16xi1>, vector<16xi32>
      %gt3A_2544 = arith.cmpf ogt, %select_n3A_2521, %select_n3A_2518 : vector<16xf32>
      %select_n3A_2545 = arith.select %gt3A_2544, %select_n3A_2521, %select_n3A_2518 : vector<16xi1>, vector<16xf32>
      %select_n3A_2546 = arith.select %gt3A_2544, %select_n3A_2522, %select_n3A_2519 : vector<16xi1>, vector<16xi32>
      %gt3A_2547 = arith.cmpf ogt, %select_n3A_2527, %select_n3A_2524 : vector<16xf32>
      %select_n3A_2548 = arith.select %gt3A_2547, %select_n3A_2527, %select_n3A_2524 : vector<16xi1>, vector<16xf32>
      %select_n3A_2549 = arith.select %gt3A_2547, %select_n3A_2528, %select_n3A_2525 : vector<16xi1>, vector<16xi32>
      %gt3A_2550 = arith.cmpf ogt, %select_n3A_2533, %select_n3A_2530 : vector<16xf32>
      %select_n3A_2551 = arith.select %gt3A_2550, %select_n3A_2533, %select_n3A_2530 : vector<16xi1>, vector<16xf32>
      %select_n3A_2552 = arith.select %gt3A_2550, %select_n3A_2534, %select_n3A_2531 : vector<16xi1>, vector<16xi32>
      %gt3A_2553 = arith.cmpf ogt, %select_n3A_2539, %select_n3A_2536 : vector<16xf32>
      %select_n3A_2554 = arith.select %gt3A_2553, %select_n3A_2539, %select_n3A_2536 : vector<16xi1>, vector<16xf32>
      %select_n3A_2555 = arith.select %gt3A_2553, %select_n3A_2540, %select_n3A_2537 : vector<16xi1>, vector<16xi32>
      %gt3A_2556 = arith.cmpf ogt, %select_n3A_2545, %select_n3A_2542 : vector<16xf32>
      %select_n3A_2557 = arith.select %gt3A_2556, %select_n3A_2545, %select_n3A_2542 : vector<16xi1>, vector<16xf32>
      %select_n3A_2558 = arith.select %gt3A_2556, %select_n3A_2546, %select_n3A_2543 : vector<16xi1>, vector<16xi32>
      %gt3A_2559 = arith.cmpf ogt, %select_n3A_2551, %select_n3A_2548 : vector<16xf32>
      %select_n3A_2560 = arith.select %gt3A_2559, %select_n3A_2551, %select_n3A_2548 : vector<16xi1>, vector<16xf32>
      %select_n3A_2561 = arith.select %gt3A_2559, %select_n3A_2552, %select_n3A_2549 : vector<16xi1>, vector<16xi32>
      %gt3A_2562 = arith.cmpf ogt, %select_n3A_2557, %select_n3A_2554 : vector<16xf32>
      %select_n3A_2563 = arith.select %gt3A_2562, %select_n3A_2557, %select_n3A_2554 : vector<16xi1>, vector<16xf32>
      %select_n3A_2564 = arith.select %gt3A_2562, %select_n3A_2558, %select_n3A_2555 : vector<16xi1>, vector<16xi32>
      %gt3A_2565 = arith.cmpf ogt, %select_n3A_2563, %select_n3A_2560 : vector<16xf32>
      %select_n3A_2566 = arith.select %gt3A_2565, %select_n3A_2563, %select_n3A_2560 : vector<16xi1>, vector<16xf32>
      %select_n3A_2567 = arith.select %gt3A_2565, %select_n3A_2564, %select_n3A_2561 : vector<16xi1>, vector<16xi32>
      %swap3A_2568 = arith.constant 5 : i32
      %swap3A_2569 = arith.index_cast %select_n3A_279 : i32 to index
      %swap3A_2570 = arith.index_cast %swap3A_2568 : i32 to index
      %swap3A_2571 = arith.index_cast %mul3A_295 : i32 to index
      %swap3A_2572 = tpu.vector_load %arg6[%swap3A_2569, %swap3A_2570, %swap3A_2571] {strides = array<i32>} : memref<4x8x128xi32, #tpu.memory_space<vmem>>, vector<16xi32>,
      tpu.vector_store %arg6[%swap3A_2569, %swap3A_2570, %swap3A_2571], %select_n3A_2567 {strides = array<i32>} : memref<4x8x128xi32, #tpu.memory_space<vmem>>, vector<16xi32>,
      %mul3A_2573 = arith.constant 1.600000e+01 : f32
      %mul3A_2574 = vector.broadcast %mul3A_2573 : f32 to vector<16xf32>
      %mul3A_2575 = arith.mulf %select_n3A_2566, %mul3A_2574 : vector<16xf32>
      %swap3A_2576 = arith.constant 5 : i32
      %swap3A_2577 = arith.index_cast %select_n3A_279 : i32 to index
      %swap3A_2578 = arith.index_cast %swap3A_2576 : i32 to index
      %swap3A_2579 = arith.index_cast %mul3A_295 : i32 to index
      %swap3A_2580 = tpu.vector_load %arg7[%swap3A_2577, %swap3A_2578, %swap3A_2579] {strides = array<i32>} : memref<4x8x128xf32, #tpu.memory_space<vmem>>, vector<16xf32>,
      tpu.vector_store %arg7[%swap3A_2577, %swap3A_2578, %swap3A_2579], %mul3A_2575 {strides = array<i32>} : memref<4x8x128xf32, #tpu.memory_space<vmem>>, vector<16xf32>,
      %eq3A_2581 = arith.cmpi eq, %add3A_1119, %select_n3A_2567 : vector<16xi32>
      %jit3A_2582 = arith.constant -1.000000e+00 : f32
      %broadcast_in_dim3A_2583 = vector.broadcast %jit3A_2582 : f32 to vector<16xf32>
      %select_n3A_2584 = arith.select %eq3A_2581, %broadcast_in_dim3A_2583, %select_n3A_2350 : vector<16xi1>, vector<16xf32>
      %eq3A_2585 = arith.cmpi eq, %add3A_1125, %select_n3A_2567 : vector<16xi32>
      %jit3A_2586 = arith.constant -1.000000e+00 : f32
      %broadcast_in_dim3A_2587 = vector.broadcast %jit3A_2586 : f32 to vector<16xf32>
      %select_n3A_2588 = arith.select %eq3A_2585, %broadcast_in_dim3A_2587, %select_n3A_2354 : vector<16xi1>, vector<16xf32>
      %eq3A_2589 = arith.cmpi eq, %add3A_1131, %select_n3A_2567 : vector<16xi32>
      %jit3A_2590 = arith.constant -1.000000e+00 : f32
      %broadcast_in_dim3A_2591 = vector.broadcast %jit3A_2590 : f32 to vector<16xf32>
      %select_n3A_2592 = arith.select %eq3A_2589, %broadcast_in_dim3A_2591, %select_n3A_2358 : vector<16xi1>, vector<16xf32>
      %eq3A_2593 = arith.cmpi eq, %add3A_1137, %select_n3A_2567 : vector<16xi32>
      %jit3A_2594 = arith.constant -1.000000e+00 : f32
      %broadcast_in_dim3A_2595 = vector.broadcast %jit3A_2594 : f32 to vector<16xf32>
      %select_n3A_2596 = arith.select %eq3A_2593, %broadcast_in_dim3A_2595, %select_n3A_2362 : vector<16xi1>, vector<16xf32>
      %eq3A_2597 = arith.cmpi eq, %add3A_1143, %select_n3A_2567 : vector<16xi32>
      %jit3A_2598 = arith.constant -1.000000e+00 : f32
      %broadcast_in_dim3A_2599 = vector.broadcast %jit3A_2598 : f32 to vector<16xf32>
      %select_n3A_2600 = arith.select %eq3A_2597, %broadcast_in_dim3A_2599, %select_n3A_2366 : vector<16xi1>, vector<16xf32>
      %eq3A_2601 = arith.cmpi eq, %add3A_1149, %select_n3A_2567 : vector<16xi32>
      %jit3A_2602 = arith.constant -1.000000e+00 : f32
      %broadcast_in_dim3A_2603 = vector.broadcast %jit3A_2602 : f32 to vector<16xf32>
      %select_n3A_2604 = arith.select %eq3A_2601, %broadcast_in_dim3A_2603, %select_n3A_2370 : vector<16xi1>, vector<16xf32>
      %eq3A_2605 = arith.cmpi eq, %add3A_1155, %select_n3A_2567 : vector<16xi32>
      %jit3A_2606 = arith.constant -1.000000e+00 : f32
      %broadcast_in_dim3A_2607 = vector.broadcast %jit3A_2606 : f32 to vector<16xf32>
      %select_n3A_2608 = arith.select %eq3A_2605, %broadcast_in_dim3A_2607, %select_n3A_2374 : vector<16xi1>, vector<16xf32>
      %eq3A_2609 = arith.cmpi eq, %add3A_1161, %select_n3A_2567 : vector<16xi32>
      %jit3A_2610 = arith.constant -1.000000e+00 : f32
      %broadcast_in_dim3A_2611 = vector.broadcast %jit3A_2610 : f32 to vector<16xf32>
      %select_n3A_2612 = arith.select %eq3A_2609, %broadcast_in_dim3A_2611, %select_n3A_2378 : vector<16xi1>, vector<16xf32>
      %eq3A_2613 = arith.cmpi eq, %add3A_1167, %select_n3A_2567 : vector<16xi32>
      %jit3A_2614 = arith.constant -1.000000e+00 : f32
      %broadcast_in_dim3A_2615 = vector.broadcast %jit3A_2614 : f32 to vector<16xf32>
      %select_n3A_2616 = arith.select %eq3A_2613, %broadcast_in_dim3A_2615, %select_n3A_2382 : vector<16xi1>, vector<16xf32>
      %eq3A_2617 = arith.cmpi eq, %add3A_1173, %select_n3A_2567 : vector<16xi32>
      %jit3A_2618 = arith.constant -1.000000e+00 : f32
      %broadcast_in_dim3A_2619 = vector.broadcast %jit3A_2618 : f32 to vector<16xf32>
      %select_n3A_2620 = arith.select %eq3A_2617, %broadcast_in_dim3A_2619, %select_n3A_2386 : vector<16xi1>, vector<16xf32>
      %eq3A_2621 = arith.cmpi eq, %add3A_1179, %select_n3A_2567 : vector<16xi32>
      %jit3A_2622 = arith.constant -1.000000e+00 : f32
      %broadcast_in_dim3A_2623 = vector.broadcast %jit3A_2622 : f32 to vector<16xf32>
      %select_n3A_2624 = arith.select %eq3A_2621, %broadcast_in_dim3A_2623, %select_n3A_2390 : vector<16xi1>, vector<16xf32>
      %eq3A_2625 = arith.cmpi eq, %add3A_1185, %select_n3A_2567 : vector<16xi32>
      %jit3A_2626 = arith.constant -1.000000e+00 : f32
      %broadcast_in_dim3A_2627 = vector.broadcast %jit3A_2626 : f32 to vector<16xf32>
      %select_n3A_2628 = arith.select %eq3A_2625, %broadcast_in_dim3A_2627, %select_n3A_2394 : vector<16xi1>, vector<16xf32>
      %eq3A_2629 = arith.cmpi eq, %add3A_1191, %select_n3A_2567 : vector<16xi32>
      %jit3A_2630 = arith.constant -1.000000e+00 : f32
      %broadcast_in_dim3A_2631 = vector.broadcast %jit3A_2630 : f32 to vector<16xf32>
      %select_n3A_2632 = arith.select %eq3A_2629, %broadcast_in_dim3A_2631, %select_n3A_2398 : vector<16xi1>, vector<16xf32>
      %eq3A_2633 = arith.cmpi eq, %add3A_1197, %select_n3A_2567 : vector<16xi32>
      %jit3A_2634 = arith.constant -1.000000e+00 : f32
      %broadcast_in_dim3A_2635 = vector.broadcast %jit3A_2634 : f32 to vector<16xf32>
      %select_n3A_2636 = arith.select %eq3A_2633, %broadcast_in_dim3A_2635, %select_n3A_2402 : vector<16xi1>, vector<16xf32>
      %eq3A_2637 = arith.cmpi eq, %add3A_1203, %select_n3A_2567 : vector<16xi32>
      %jit3A_2638 = arith.constant -1.000000e+00 : f32
      %broadcast_in_dim3A_2639 = vector.broadcast %jit3A_2638 : f32 to vector<16xf32>
      %select_n3A_2640 = arith.select %eq3A_2637, %broadcast_in_dim3A_2639, %select_n3A_2406 : vector<16xi1>, vector<16xf32>
      %eq3A_2641 = arith.cmpi eq, %add3A_1209, %select_n3A_2567 : vector<16xi32>
      %jit3A_2642 = arith.constant -1.000000e+00 : f32
      %broadcast_in_dim3A_2643 = vector.broadcast %jit3A_2642 : f32 to vector<16xf32>
      %select_n3A_2644 = arith.select %eq3A_2641, %broadcast_in_dim3A_2643, %select_n3A_2410 : vector<16xi1>, vector<16xf32>
      %eq3A_2645 = arith.cmpi eq, %add3A_1215, %select_n3A_2567 : vector<16xi32>
      %jit3A_2646 = arith.constant -1.000000e+00 : f32
      %broadcast_in_dim3A_2647 = vector.broadcast %jit3A_2646 : f32 to vector<16xf32>
      %select_n3A_2648 = arith.select %eq3A_2645, %broadcast_in_dim3A_2647, %select_n3A_2414 : vector<16xi1>, vector<16xf32>
      %eq3A_2649 = arith.cmpi eq, %add3A_1221, %select_n3A_2567 : vector<16xi32>
      %jit3A_2650 = arith.constant -1.000000e+00 : f32
      %broadcast_in_dim3A_2651 = vector.broadcast %jit3A_2650 : f32 to vector<16xf32>
      %select_n3A_2652 = arith.select %eq3A_2649, %broadcast_in_dim3A_2651, %select_n3A_2418 : vector<16xi1>, vector<16xf32>
      %eq3A_2653 = arith.cmpi eq, %add3A_1227, %select_n3A_2567 : vector<16xi32>
      %jit3A_2654 = arith.constant -1.000000e+00 : f32
      %broadcast_in_dim3A_2655 = vector.broadcast %jit3A_2654 : f32 to vector<16xf32>
      %select_n3A_2656 = arith.select %eq3A_2653, %broadcast_in_dim3A_2655, %select_n3A_2422 : vector<16xi1>, vector<16xf32>
      %eq3A_2657 = arith.cmpi eq, %add3A_1233, %select_n3A_2567 : vector<16xi32>
      %jit3A_2658 = arith.constant -1.000000e+00 : f32
      %broadcast_in_dim3A_2659 = vector.broadcast %jit3A_2658 : f32 to vector<16xf32>
      %select_n3A_2660 = arith.select %eq3A_2657, %broadcast_in_dim3A_2659, %select_n3A_2426 : vector<16xi1>, vector<16xf32>
      %eq3A_2661 = arith.cmpi eq, %add3A_1239, %select_n3A_2567 : vector<16xi32>
      %jit3A_2662 = arith.constant -1.000000e+00 : f32
      %broadcast_in_dim3A_2663 = vector.broadcast %jit3A_2662 : f32 to vector<16xf32>
      %select_n3A_2664 = arith.select %eq3A_2661, %broadcast_in_dim3A_2663, %select_n3A_2430 : vector<16xi1>, vector<16xf32>
      %eq3A_2665 = arith.cmpi eq, %add3A_1245, %select_n3A_2567 : vector<16xi32>
      %jit3A_2666 = arith.constant -1.000000e+00 : f32
      %broadcast_in_dim3A_2667 = vector.broadcast %jit3A_2666 : f32 to vector<16xf32>
      %select_n3A_2668 = arith.select %eq3A_2665, %broadcast_in_dim3A_2667, %select_n3A_2434 : vector<16xi1>, vector<16xf32>
      %eq3A_2669 = arith.cmpi eq, %add3A_1251, %select_n3A_2567 : vector<16xi32>
      %jit3A_2670 = arith.constant -1.000000e+00 : f32
      %broadcast_in_dim3A_2671 = vector.broadcast %jit3A_2670 : f32 to vector<16xf32>
      %select_n3A_2672 = arith.select %eq3A_2669, %broadcast_in_dim3A_2671, %select_n3A_2438 : vector<16xi1>, vector<16xf32>
      %eq3A_2673 = arith.cmpi eq, %add3A_1257, %select_n3A_2567 : vector<16xi32>
      %jit3A_2674 = arith.constant -1.000000e+00 : f32
      %broadcast_in_dim3A_2675 = vector.broadcast %jit3A_2674 : f32 to vector<16xf32>
      %select_n3A_2676 = arith.select %eq3A_2673, %broadcast_in_dim3A_2675, %select_n3A_2442 : vector<16xi1>, vector<16xf32>
      %eq3A_2677 = arith.cmpi eq, %add3A_1263, %select_n3A_2567 : vector<16xi32>
      %jit3A_2678 = arith.constant -1.000000e+00 : f32
      %broadcast_in_dim3A_2679 = vector.broadcast %jit3A_2678 : f32 to vector<16xf32>
      %select_n3A_2680 = arith.select %eq3A_2677, %broadcast_in_dim3A_2679, %select_n3A_2446 : vector<16xi1>, vector<16xf32>
      %eq3A_2681 = arith.cmpi eq, %add3A_1269, %select_n3A_2567 : vector<16xi32>
      %jit3A_2682 = arith.constant -1.000000e+00 : f32
      %broadcast_in_dim3A_2683 = vector.broadcast %jit3A_2682 : f32 to vector<16xf32>
      %select_n3A_2684 = arith.select %eq3A_2681, %broadcast_in_dim3A_2683, %select_n3A_2450 : vector<16xi1>, vector<16xf32>
      %eq3A_2685 = arith.cmpi eq, %add3A_1275, %select_n3A_2567 : vector<16xi32>
      %jit3A_2686 = arith.constant -1.000000e+00 : f32
      %broadcast_in_dim3A_2687 = vector.broadcast %jit3A_2686 : f32 to vector<16xf32>
      %select_n3A_2688 = arith.select %eq3A_2685, %broadcast_in_dim3A_2687, %select_n3A_2454 : vector<16xi1>, vector<16xf32>
      %eq3A_2689 = arith.cmpi eq, %add3A_1281, %select_n3A_2567 : vector<16xi32>
      %jit3A_2690 = arith.constant -1.000000e+00 : f32
      %broadcast_in_dim3A_2691 = vector.broadcast %jit3A_2690 : f32 to vector<16xf32>
      %select_n3A_2692 = arith.select %eq3A_2689, %broadcast_in_dim3A_2691, %select_n3A_2458 : vector<16xi1>, vector<16xf32>
      %eq3A_2693 = arith.cmpi eq, %add3A_1287, %select_n3A_2567 : vector<16xi32>
      %jit3A_2694 = arith.constant -1.000000e+00 : f32
      %broadcast_in_dim3A_2695 = vector.broadcast %jit3A_2694 : f32 to vector<16xf32>
      %select_n3A_2696 = arith.select %eq3A_2693, %broadcast_in_dim3A_2695, %select_n3A_2462 : vector<16xi1>, vector<16xf32>
      %eq3A_2697 = arith.cmpi eq, %add3A_1293, %select_n3A_2567 : vector<16xi32>
      %jit3A_2698 = arith.constant -1.000000e+00 : f32
      %broadcast_in_dim3A_2699 = vector.broadcast %jit3A_2698 : f32 to vector<16xf32>
      %select_n3A_2700 = arith.select %eq3A_2697, %broadcast_in_dim3A_2699, %select_n3A_2466 : vector<16xi1>, vector<16xf32>
      %eq3A_2701 = arith.cmpi eq, %add3A_1299, %select_n3A_2567 : vector<16xi32>
      %jit3A_2702 = arith.constant -1.000000e+00 : f32
      %broadcast_in_dim3A_2703 = vector.broadcast %jit3A_2702 : f32 to vector<16xf32>
      %select_n3A_2704 = arith.select %eq3A_2701, %broadcast_in_dim3A_2703, %select_n3A_2470 : vector<16xi1>, vector<16xf32>
      %eq3A_2705 = arith.cmpi eq, %add3A_1305, %select_n3A_2567 : vector<16xi32>
      %jit3A_2706 = arith.constant -1.000000e+00 : f32
      %broadcast_in_dim3A_2707 = vector.broadcast %jit3A_2706 : f32 to vector<16xf32>
      %select_n3A_2708 = arith.select %eq3A_2705, %broadcast_in_dim3A_2707, %select_n3A_2474 : vector<16xi1>, vector<16xf32>
      %gt3A_2709 = arith.cmpf ogt, %select_n3A_2588, %select_n3A_2584 : vector<16xf32>
      %select_n3A_2710 = arith.select %gt3A_2709, %select_n3A_2588, %select_n3A_2584 : vector<16xi1>, vector<16xf32>
      %select_n3A_2711 = arith.select %gt3A_2709, %add3A_1125, %add3A_1119 : vector<16xi1>, vector<16xi32>
      %gt3A_2712 = arith.cmpf ogt, %select_n3A_2596, %select_n3A_2592 : vector<16xf32>
      %select_n3A_2713 = arith.select %gt3A_2712, %select_n3A_2596, %select_n3A_2592 : vector<16xi1>, vector<16xf32>
      %select_n3A_2714 = arith.select %gt3A_2712, %add3A_1137, %add3A_1131 : vector<16xi1>, vector<16xi32>
      %gt3A_2715 = arith.cmpf ogt, %select_n3A_2604, %select_n3A_2600 : vector<16xf32>
      %select_n3A_2716 = arith.select %gt3A_2715, %select_n3A_2604, %select_n3A_2600 : vector<16xi1>, vector<16xf32>
      %select_n3A_2717 = arith.select %gt3A_2715, %add3A_1149, %add3A_1143 : vector<16xi1>, vector<16xi32>
      %gt3A_2718 = arith.cmpf ogt, %select_n3A_2612, %select_n3A_2608 : vector<16xf32>
      %select_n3A_2719 = arith.select %gt3A_2718, %select_n3A_2612, %select_n3A_2608 : vector<16xi1>, vector<16xf32>
      %select_n3A_2720 = arith.select %gt3A_2718, %add3A_1161, %add3A_1155 : vector<16xi1>, vector<16xi32>
      %gt3A_2721 = arith.cmpf ogt, %select_n3A_2620, %select_n3A_2616 : vector<16xf32>
      %select_n3A_2722 = arith.select %gt3A_2721, %select_n3A_2620, %select_n3A_2616 : vector<16xi1>, vector<16xf32>
      %select_n3A_2723 = arith.select %gt3A_2721, %add3A_1173, %add3A_1167 : vector<16xi1>, vector<16xi32>
      %gt3A_2724 = arith.cmpf ogt, %select_n3A_2628, %select_n3A_2624 : vector<16xf32>
      %select_n3A_2725 = arith.select %gt3A_2724, %select_n3A_2628, %select_n3A_2624 : vector<16xi1>, vector<16xf32>
      %select_n3A_2726 = arith.select %gt3A_2724, %add3A_1185, %add3A_1179 : vector<16xi1>, vector<16xi32>
      %gt3A_2727 = arith.cmpf ogt, %select_n3A_2636, %select_n3A_2632 : vector<16xf32>
      %select_n3A_2728 = arith.select %gt3A_2727, %select_n3A_2636, %select_n3A_2632 : vector<16xi1>, vector<16xf32>
      %select_n3A_2729 = arith.select %gt3A_2727, %add3A_1197, %add3A_1191 : vector<16xi1>, vector<16xi32>
      %gt3A_2730 = arith.cmpf ogt, %select_n3A_2644, %select_n3A_2640 : vector<16xf32>
      %select_n3A_2731 = arith.select %gt3A_2730, %select_n3A_2644, %select_n3A_2640 : vector<16xi1>, vector<16xf32>
      %select_n3A_2732 = arith.select %gt3A_2730, %add3A_1209, %add3A_1203 : vector<16xi1>, vector<16xi32>
      %gt3A_2733 = arith.cmpf ogt, %select_n3A_2652, %select_n3A_2648 : vector<16xf32>
      %select_n3A_2734 = arith.select %gt3A_2733, %select_n3A_2652, %select_n3A_2648 : vector<16xi1>, vector<16xf32>
      %select_n3A_2735 = arith.select %gt3A_2733, %add3A_1221, %add3A_1215 : vector<16xi1>, vector<16xi32>
      %gt3A_2736 = arith.cmpf ogt, %select_n3A_2660, %select_n3A_2656 : vector<16xf32>
      %select_n3A_2737 = arith.select %gt3A_2736, %select_n3A_2660, %select_n3A_2656 : vector<16xi1>, vector<16xf32>
      %select_n3A_2738 = arith.select %gt3A_2736, %add3A_1233, %add3A_1227 : vector<16xi1>, vector<16xi32>
      %gt3A_2739 = arith.cmpf ogt, %select_n3A_2668, %select_n3A_2664 : vector<16xf32>
      %select_n3A_2740 = arith.select %gt3A_2739, %select_n3A_2668, %select_n3A_2664 : vector<16xi1>, vector<16xf32>
      %select_n3A_2741 = arith.select %gt3A_2739, %add3A_1245, %add3A_1239 : vector<16xi1>, vector<16xi32>
      %gt3A_2742 = arith.cmpf ogt, %select_n3A_2676, %select_n3A_2672 : vector<16xf32>
      %select_n3A_2743 = arith.select %gt3A_2742, %select_n3A_2676, %select_n3A_2672 : vector<16xi1>, vector<16xf32>
      %select_n3A_2744 = arith.select %gt3A_2742, %add3A_1257, %add3A_1251 : vector<16xi1>, vector<16xi32>
      %gt3A_2745 = arith.cmpf ogt, %select_n3A_2684, %select_n3A_2680 : vector<16xf32>
      %select_n3A_2746 = arith.select %gt3A_2745, %select_n3A_2684, %select_n3A_2680 : vector<16xi1>, vector<16xf32>
      %select_n3A_2747 = arith.select %gt3A_2745, %add3A_1269, %add3A_1263 : vector<16xi1>, vector<16xi32>
      %gt3A_2748 = arith.cmpf ogt, %select_n3A_2692, %select_n3A_2688 : vector<16xf32>
      %select_n3A_2749 = arith.select %gt3A_2748, %select_n3A_2692, %select_n3A_2688 : vector<16xi1>, vector<16xf32>
      %select_n3A_2750 = arith.select %gt3A_2748, %add3A_1281, %add3A_1275 : vector<16xi1>, vector<16xi32>
      %gt3A_2751 = arith.cmpf ogt, %select_n3A_2700, %select_n3A_2696 : vector<16xf32>
      %select_n3A_2752 = arith.select %gt3A_2751, %select_n3A_2700, %select_n3A_2696 : vector<16xi1>, vector<16xf32>
      %select_n3A_2753 = arith.select %gt3A_2751, %add3A_1293, %add3A_1287 : vector<16xi1>, vector<16xi32>
      %gt3A_2754 = arith.cmpf ogt, %select_n3A_2708, %select_n3A_2704 : vector<16xf32>
      %select_n3A_2755 = arith.select %gt3A_2754, %select_n3A_2708, %select_n3A_2704 : vector<16xi1>, vector<16xf32>
      %select_n3A_2756 = arith.select %gt3A_2754, %add3A_1305, %add3A_1299 : vector<16xi1>, vector<16xi32>
      %gt3A_2757 = arith.cmpf ogt, %select_n3A_2713, %select_n3A_2710 : vector<16xf32>
      %select_n3A_2758 = arith.select %gt3A_2757, %select_n3A_2713, %select_n3A_2710 : vector<16xi1>, vector<16xf32>
      %select_n3A_2759 = arith.select %gt3A_2757, %select_n3A_2714, %select_n3A_2711 : vector<16xi1>, vector<16xi32>
      %gt3A_2760 = arith.cmpf ogt, %select_n3A_2719, %select_n3A_2716 : vector<16xf32>
      %select_n3A_2761 = arith.select %gt3A_2760, %select_n3A_2719, %select_n3A_2716 : vector<16xi1>, vector<16xf32>
      %select_n3A_2762 = arith.select %gt3A_2760, %select_n3A_2720, %select_n3A_2717 : vector<16xi1>, vector<16xi32>
      %gt3A_2763 = arith.cmpf ogt, %select_n3A_2725, %select_n3A_2722 : vector<16xf32>
      %select_n3A_2764 = arith.select %gt3A_2763, %select_n3A_2725, %select_n3A_2722 : vector<16xi1>, vector<16xf32>
      %select_n3A_2765 = arith.select %gt3A_2763, %select_n3A_2726, %select_n3A_2723 : vector<16xi1>, vector<16xi32>
      %gt3A_2766 = arith.cmpf ogt, %select_n3A_2731, %select_n3A_2728 : vector<16xf32>
      %select_n3A_2767 = arith.select %gt3A_2766, %select_n3A_2731, %select_n3A_2728 : vector<16xi1>, vector<16xf32>
      %select_n3A_2768 = arith.select %gt3A_2766, %select_n3A_2732, %select_n3A_2729 : vector<16xi1>, vector<16xi32>
      %gt3A_2769 = arith.cmpf ogt, %select_n3A_2737, %select_n3A_2734 : vector<16xf32>
      %select_n3A_2770 = arith.select %gt3A_2769, %select_n3A_2737, %select_n3A_2734 : vector<16xi1>, vector<16xf32>
      %select_n3A_2771 = arith.select %gt3A_2769, %select_n3A_2738, %select_n3A_2735 : vector<16xi1>, vector<16xi32>
      %gt3A_2772 = arith.cmpf ogt, %select_n3A_2743, %select_n3A_2740 : vector<16xf32>
      %select_n3A_2773 = arith.select %gt3A_2772, %select_n3A_2743, %select_n3A_2740 : vector<16xi1>, vector<16xf32>
      %select_n3A_2774 = arith.select %gt3A_2772, %select_n3A_2744, %select_n3A_2741 : vector<16xi1>, vector<16xi32>
      %gt3A_2775 = arith.cmpf ogt, %select_n3A_2749, %select_n3A_2746 : vector<16xf32>
      %select_n3A_2776 = arith.select %gt3A_2775, %select_n3A_2749, %select_n3A_2746 : vector<16xi1>, vector<16xf32>
      %select_n3A_2777 = arith.select %gt3A_2775, %select_n3A_2750, %select_n3A_2747 : vector<16xi1>, vector<16xi32>
      %gt3A_2778 = arith.cmpf ogt, %select_n3A_2755, %select_n3A_2752 : vector<16xf32>
      %select_n3A_2779 = arith.select %gt3A_2778, %select_n3A_2755, %select_n3A_2752 : vector<16xi1>, vector<16xf32>
      %select_n3A_2780 = arith.select %gt3A_2778, %select_n3A_2756, %select_n3A_2753 : vector<16xi1>, vector<16xi32>
      %gt3A_2781 = arith.cmpf ogt, %select_n3A_2761, %select_n3A_2758 : vector<16xf32>
      %select_n3A_2782 = arith.select %gt3A_2781, %select_n3A_2761, %select_n3A_2758 : vector<16xi1>, vector<16xf32>
      %select_n3A_2783 = arith.select %gt3A_2781, %select_n3A_2762, %select_n3A_2759 : vector<16xi1>, vector<16xi32>
      %gt3A_2784 = arith.cmpf ogt, %select_n3A_2767, %select_n3A_2764 : vector<16xf32>
      %select_n3A_2785 = arith.select %gt3A_2784, %select_n3A_2767, %select_n3A_2764 : vector<16xi1>, vector<16xf32>
      %select_n3A_2786 = arith.select %gt3A_2784, %select_n3A_2768, %select_n3A_2765 : vector<16xi1>, vector<16xi32>
      %gt3A_2787 = arith.cmpf ogt, %select_n3A_2773, %select_n3A_2770 : vector<16xf32>
      %select_n3A_2788 = arith.select %gt3A_2787, %select_n3A_2773, %select_n3A_2770 : vector<16xi1>, vector<16xf32>
      %select_n3A_2789 = arith.select %gt3A_2787, %select_n3A_2774, %select_n3A_2771 : vector<16xi1>, vector<16xi32>
      %gt3A_2790 = arith.cmpf ogt, %select_n3A_2779, %select_n3A_2776 : vector<16xf32>
      %select_n3A_2791 = arith.select %gt3A_2790, %select_n3A_2779, %select_n3A_2776 : vector<16xi1>, vector<16xf32>
      %select_n3A_2792 = arith.select %gt3A_2790, %select_n3A_2780, %select_n3A_2777 : vector<16xi1>, vector<16xi32>
      %gt3A_2793 = arith.cmpf ogt, %select_n3A_2785, %select_n3A_2782 : vector<16xf32>
      %select_n3A_2794 = arith.select %gt3A_2793, %select_n3A_2785, %select_n3A_2782 : vector<16xi1>, vector<16xf32>
      %select_n3A_2795 = arith.select %gt3A_2793, %select_n3A_2786, %select_n3A_2783 : vector<16xi1>, vector<16xi32>
      %gt3A_2796 = arith.cmpf ogt, %select_n3A_2791, %select_n3A_2788 : vector<16xf32>
      %select_n3A_2797 = arith.select %gt3A_2796, %select_n3A_2791, %select_n3A_2788 : vector<16xi1>, vector<16xf32>
      %select_n3A_2798 = arith.select %gt3A_2796, %select_n3A_2792, %select_n3A_2789 : vector<16xi1>, vector<16xi32>
      %gt3A_2799 = arith.cmpf ogt, %select_n3A_2797, %select_n3A_2794 : vector<16xf32>
      %select_n3A_2800 = arith.select %gt3A_2799, %select_n3A_2797, %select_n3A_2794 : vector<16xi1>, vector<16xf32>
      %select_n3A_2801 = arith.select %gt3A_2799, %select_n3A_2798, %select_n3A_2795 : vector<16xi1>, vector<16xi32>
      %swap3A_2802 = arith.constant 6 : i32
      %swap3A_2803 = arith.index_cast %select_n3A_279 : i32 to index
      %swap3A_2804 = arith.index_cast %swap3A_2802 : i32 to index
      %swap3A_2805 = arith.index_cast %mul3A_295 : i32 to index
      %swap3A_2806 = tpu.vector_load %arg6[%swap3A_2803, %swap3A_2804, %swap3A_2805] {strides = array<i32>} : memref<4x8x128xi32, #tpu.memory_space<vmem>>, vector<16xi32>,
      tpu.vector_store %arg6[%swap3A_2803, %swap3A_2804, %swap3A_2805], %select_n3A_2801 {strides = array<i32>} : memref<4x8x128xi32, #tpu.memory_space<vmem>>, vector<16xi32>,
      %mul3A_2807 = arith.constant 1.600000e+01 : f32
      %mul3A_2808 = vector.broadcast %mul3A_2807 : f32 to vector<16xf32>
      %mul3A_2809 = arith.mulf %select_n3A_2800, %mul3A_2808 : vector<16xf32>
      %swap3A_2810 = arith.constant 6 : i32
      %swap3A_2811 = arith.index_cast %select_n3A_279 : i32 to index
      %swap3A_2812 = arith.index_cast %swap3A_2810 : i32 to index
      %swap3A_2813 = arith.index_cast %mul3A_295 : i32 to index
      %swap3A_2814 = tpu.vector_load %arg7[%swap3A_2811, %swap3A_2812, %swap3A_2813] {strides = array<i32>} : memref<4x8x128xf32, #tpu.memory_space<vmem>>, vector<16xf32>,
      tpu.vector_store %arg7[%swap3A_2811, %swap3A_2812, %swap3A_2813], %mul3A_2809 {strides = array<i32>} : memref<4x8x128xf32, #tpu.memory_space<vmem>>, vector<16xf32>,
      %eq3A_2815 = arith.cmpi eq, %add3A_1119, %select_n3A_2801 : vector<16xi32>
      %jit3A_2816 = arith.constant -1.000000e+00 : f32
      %broadcast_in_dim3A_2817 = vector.broadcast %jit3A_2816 : f32 to vector<16xf32>
      %select_n3A_2818 = arith.select %eq3A_2815, %broadcast_in_dim3A_2817, %select_n3A_2584 : vector<16xi1>, vector<16xf32>
      %eq3A_2819 = arith.cmpi eq, %add3A_1125, %select_n3A_2801 : vector<16xi32>
      %jit3A_2820 = arith.constant -1.000000e+00 : f32
      %broadcast_in_dim3A_2821 = vector.broadcast %jit3A_2820 : f32 to vector<16xf32>
      %select_n3A_2822 = arith.select %eq3A_2819, %broadcast_in_dim3A_2821, %select_n3A_2588 : vector<16xi1>, vector<16xf32>
      %eq3A_2823 = arith.cmpi eq, %add3A_1131, %select_n3A_2801 : vector<16xi32>
      %jit3A_2824 = arith.constant -1.000000e+00 : f32
      %broadcast_in_dim3A_2825 = vector.broadcast %jit3A_2824 : f32 to vector<16xf32>
      %select_n3A_2826 = arith.select %eq3A_2823, %broadcast_in_dim3A_2825, %select_n3A_2592 : vector<16xi1>, vector<16xf32>
      %eq3A_2827 = arith.cmpi eq, %add3A_1137, %select_n3A_2801 : vector<16xi32>
      %jit3A_2828 = arith.constant -1.000000e+00 : f32
      %broadcast_in_dim3A_2829 = vector.broadcast %jit3A_2828 : f32 to vector<16xf32>
      %select_n3A_2830 = arith.select %eq3A_2827, %broadcast_in_dim3A_2829, %select_n3A_2596 : vector<16xi1>, vector<16xf32>
      %eq3A_2831 = arith.cmpi eq, %add3A_1143, %select_n3A_2801 : vector<16xi32>
      %jit3A_2832 = arith.constant -1.000000e+00 : f32
      %broadcast_in_dim3A_2833 = vector.broadcast %jit3A_2832 : f32 to vector<16xf32>
      %select_n3A_2834 = arith.select %eq3A_2831, %broadcast_in_dim3A_2833, %select_n3A_2600 : vector<16xi1>, vector<16xf32>
      %eq3A_2835 = arith.cmpi eq, %add3A_1149, %select_n3A_2801 : vector<16xi32>
      %jit3A_2836 = arith.constant -1.000000e+00 : f32
      %broadcast_in_dim3A_2837 = vector.broadcast %jit3A_2836 : f32 to vector<16xf32>
      %select_n3A_2838 = arith.select %eq3A_2835, %broadcast_in_dim3A_2837, %select_n3A_2604 : vector<16xi1>, vector<16xf32>
      %eq3A_2839 = arith.cmpi eq, %add3A_1155, %select_n3A_2801 : vector<16xi32>
      %jit3A_2840 = arith.constant -1.000000e+00 : f32
      %broadcast_in_dim3A_2841 = vector.broadcast %jit3A_2840 : f32 to vector<16xf32>
      %select_n3A_2842 = arith.select %eq3A_2839, %broadcast_in_dim3A_2841, %select_n3A_2608 : vector<16xi1>, vector<16xf32>
      %eq3A_2843 = arith.cmpi eq, %add3A_1161, %select_n3A_2801 : vector<16xi32>
      %jit3A_2844 = arith.constant -1.000000e+00 : f32
      %broadcast_in_dim3A_2845 = vector.broadcast %jit3A_2844 : f32 to vector<16xf32>
      %select_n3A_2846 = arith.select %eq3A_2843, %broadcast_in_dim3A_2845, %select_n3A_2612 : vector<16xi1>, vector<16xf32>
      %eq3A_2847 = arith.cmpi eq, %add3A_1167, %select_n3A_2801 : vector<16xi32>
      %jit3A_2848 = arith.constant -1.000000e+00 : f32
      %broadcast_in_dim3A_2849 = vector.broadcast %jit3A_2848 : f32 to vector<16xf32>
      %select_n3A_2850 = arith.select %eq3A_2847, %broadcast_in_dim3A_2849, %select_n3A_2616 : vector<16xi1>, vector<16xf32>
      %eq3A_2851 = arith.cmpi eq, %add3A_1173, %select_n3A_2801 : vector<16xi32>
      %jit3A_2852 = arith.constant -1.000000e+00 : f32
      %broadcast_in_dim3A_2853 = vector.broadcast %jit3A_2852 : f32 to vector<16xf32>
      %select_n3A_2854 = arith.select %eq3A_2851, %broadcast_in_dim3A_2853, %select_n3A_2620 : vector<16xi1>, vector<16xf32>
      %eq3A_2855 = arith.cmpi eq, %add3A_1179, %select_n3A_2801 : vector<16xi32>
      %jit3A_2856 = arith.constant -1.000000e+00 : f32
      %broadcast_in_dim3A_2857 = vector.broadcast %jit3A_2856 : f32 to vector<16xf32>
      %select_n3A_2858 = arith.select %eq3A_2855, %broadcast_in_dim3A_2857, %select_n3A_2624 : vector<16xi1>, vector<16xf32>
      %eq3A_2859 = arith.cmpi eq, %add3A_1185, %select_n3A_2801 : vector<16xi32>
      %jit3A_2860 = arith.constant -1.000000e+00 : f32
      %broadcast_in_dim3A_2861 = vector.broadcast %jit3A_2860 : f32 to vector<16xf32>
      %select_n3A_2862 = arith.select %eq3A_2859, %broadcast_in_dim3A_2861, %select_n3A_2628 : vector<16xi1>, vector<16xf32>
      %eq3A_2863 = arith.cmpi eq, %add3A_1191, %select_n3A_2801 : vector<16xi32>
      %jit3A_2864 = arith.constant -1.000000e+00 : f32
      %broadcast_in_dim3A_2865 = vector.broadcast %jit3A_2864 : f32 to vector<16xf32>
      %select_n3A_2866 = arith.select %eq3A_2863, %broadcast_in_dim3A_2865, %select_n3A_2632 : vector<16xi1>, vector<16xf32>
      %eq3A_2867 = arith.cmpi eq, %add3A_1197, %select_n3A_2801 : vector<16xi32>
      %jit3A_2868 = arith.constant -1.000000e+00 : f32
      %broadcast_in_dim3A_2869 = vector.broadcast %jit3A_2868 : f32 to vector<16xf32>
      %select_n3A_2870 = arith.select %eq3A_2867, %broadcast_in_dim3A_2869, %select_n3A_2636 : vector<16xi1>, vector<16xf32>
      %eq3A_2871 = arith.cmpi eq, %add3A_1203, %select_n3A_2801 : vector<16xi32>
      %jit3A_2872 = arith.constant -1.000000e+00 : f32
      %broadcast_in_dim3A_2873 = vector.broadcast %jit3A_2872 : f32 to vector<16xf32>
      %select_n3A_2874 = arith.select %eq3A_2871, %broadcast_in_dim3A_2873, %select_n3A_2640 : vector<16xi1>, vector<16xf32>
      %eq3A_2875 = arith.cmpi eq, %add3A_1209, %select_n3A_2801 : vector<16xi32>
      %jit3A_2876 = arith.constant -1.000000e+00 : f32
      %broadcast_in_dim3A_2877 = vector.broadcast %jit3A_2876 : f32 to vector<16xf32>
      %select_n3A_2878 = arith.select %eq3A_2875, %broadcast_in_dim3A_2877, %select_n3A_2644 : vector<16xi1>, vector<16xf32>
      %eq3A_2879 = arith.cmpi eq, %add3A_1215, %select_n3A_2801 : vector<16xi32>
      %jit3A_2880 = arith.constant -1.000000e+00 : f32
      %broadcast_in_dim3A_2881 = vector.broadcast %jit3A_2880 : f32 to vector<16xf32>
      %select_n3A_2882 = arith.select %eq3A_2879, %broadcast_in_dim3A_2881, %select_n3A_2648 : vector<16xi1>, vector<16xf32>
      %eq3A_2883 = arith.cmpi eq, %add3A_1221, %select_n3A_2801 : vector<16xi32>
      %jit3A_2884 = arith.constant -1.000000e+00 : f32
      %broadcast_in_dim3A_2885 = vector.broadcast %jit3A_2884 : f32 to vector<16xf32>
      %select_n3A_2886 = arith.select %eq3A_2883, %broadcast_in_dim3A_2885, %select_n3A_2652 : vector<16xi1>, vector<16xf32>
      %eq3A_2887 = arith.cmpi eq, %add3A_1227, %select_n3A_2801 : vector<16xi32>
      %jit3A_2888 = arith.constant -1.000000e+00 : f32
      %broadcast_in_dim3A_2889 = vector.broadcast %jit3A_2888 : f32 to vector<16xf32>
      %select_n3A_2890 = arith.select %eq3A_2887, %broadcast_in_dim3A_2889, %select_n3A_2656 : vector<16xi1>, vector<16xf32>
      %eq3A_2891 = arith.cmpi eq, %add3A_1233, %select_n3A_2801 : vector<16xi32>
      %jit3A_2892 = arith.constant -1.000000e+00 : f32
      %broadcast_in_dim3A_2893 = vector.broadcast %jit3A_2892 : f32 to vector<16xf32>
      %select_n3A_2894 = arith.select %eq3A_2891, %broadcast_in_dim3A_2893, %select_n3A_2660 : vector<16xi1>, vector<16xf32>
      %eq3A_2895 = arith.cmpi eq, %add3A_1239, %select_n3A_2801 : vector<16xi32>
      %jit3A_2896 = arith.constant -1.000000e+00 : f32
      %broadcast_in_dim3A_2897 = vector.broadcast %jit3A_2896 : f32 to vector<16xf32>
      %select_n3A_2898 = arith.select %eq3A_2895, %broadcast_in_dim3A_2897, %select_n3A_2664 : vector<16xi1>, vector<16xf32>
      %eq3A_2899 = arith.cmpi eq, %add3A_1245, %select_n3A_2801 : vector<16xi32>
      %jit3A_2900 = arith.constant -1.000000e+00 : f32
      %broadcast_in_dim3A_2901 = vector.broadcast %jit3A_2900 : f32 to vector<16xf32>
      %select_n3A_2902 = arith.select %eq3A_2899, %broadcast_in_dim3A_2901, %select_n3A_2668 : vector<16xi1>, vector<16xf32>
      %eq3A_2903 = arith.cmpi eq, %add3A_1251, %select_n3A_2801 : vector<16xi32>
      %jit3A_2904 = arith.constant -1.000000e+00 : f32
      %broadcast_in_dim3A_2905 = vector.broadcast %jit3A_2904 : f32 to vector<16xf32>
      %select_n3A_2906 = arith.select %eq3A_2903, %broadcast_in_dim3A_2905, %select_n3A_2672 : vector<16xi1>, vector<16xf32>
      %eq3A_2907 = arith.cmpi eq, %add3A_1257, %select_n3A_2801 : vector<16xi32>
      %jit3A_2908 = arith.constant -1.000000e+00 : f32
      %broadcast_in_dim3A_2909 = vector.broadcast %jit3A_2908 : f32 to vector<16xf32>
      %select_n3A_2910 = arith.select %eq3A_2907, %broadcast_in_dim3A_2909, %select_n3A_2676 : vector<16xi1>, vector<16xf32>
      %eq3A_2911 = arith.cmpi eq, %add3A_1263, %select_n3A_2801 : vector<16xi32>
      %jit3A_2912 = arith.constant -1.000000e+00 : f32
      %broadcast_in_dim3A_2913 = vector.broadcast %jit3A_2912 : f32 to vector<16xf32>
      %select_n3A_2914 = arith.select %eq3A_2911, %broadcast_in_dim3A_2913, %select_n3A_2680 : vector<16xi1>, vector<16xf32>
      %eq3A_2915 = arith.cmpi eq, %add3A_1269, %select_n3A_2801 : vector<16xi32>
      %jit3A_2916 = arith.constant -1.000000e+00 : f32
      %broadcast_in_dim3A_2917 = vector.broadcast %jit3A_2916 : f32 to vector<16xf32>
      %select_n3A_2918 = arith.select %eq3A_2915, %broadcast_in_dim3A_2917, %select_n3A_2684 : vector<16xi1>, vector<16xf32>
      %eq3A_2919 = arith.cmpi eq, %add3A_1275, %select_n3A_2801 : vector<16xi32>
      %jit3A_2920 = arith.constant -1.000000e+00 : f32
      %broadcast_in_dim3A_2921 = vector.broadcast %jit3A_2920 : f32 to vector<16xf32>
      %select_n3A_2922 = arith.select %eq3A_2919, %broadcast_in_dim3A_2921, %select_n3A_2688 : vector<16xi1>, vector<16xf32>
      %eq3A_2923 = arith.cmpi eq, %add3A_1281, %select_n3A_2801 : vector<16xi32>
      %jit3A_2924 = arith.constant -1.000000e+00 : f32
      %broadcast_in_dim3A_2925 = vector.broadcast %jit3A_2924 : f32 to vector<16xf32>
      %select_n3A_2926 = arith.select %eq3A_2923, %broadcast_in_dim3A_2925, %select_n3A_2692 : vector<16xi1>, vector<16xf32>
      %eq3A_2927 = arith.cmpi eq, %add3A_1287, %select_n3A_2801 : vector<16xi32>
      %jit3A_2928 = arith.constant -1.000000e+00 : f32
      %broadcast_in_dim3A_2929 = vector.broadcast %jit3A_2928 : f32 to vector<16xf32>
      %select_n3A_2930 = arith.select %eq3A_2927, %broadcast_in_dim3A_2929, %select_n3A_2696 : vector<16xi1>, vector<16xf32>
      %eq3A_2931 = arith.cmpi eq, %add3A_1293, %select_n3A_2801 : vector<16xi32>
      %jit3A_2932 = arith.constant -1.000000e+00 : f32
      %broadcast_in_dim3A_2933 = vector.broadcast %jit3A_2932 : f32 to vector<16xf32>
      %select_n3A_2934 = arith.select %eq3A_2931, %broadcast_in_dim3A_2933, %select_n3A_2700 : vector<16xi1>, vector<16xf32>
      %eq3A_2935 = arith.cmpi eq, %add3A_1299, %select_n3A_2801 : vector<16xi32>
      %jit3A_2936 = arith.constant -1.000000e+00 : f32
      %broadcast_in_dim3A_2937 = vector.broadcast %jit3A_2936 : f32 to vector<16xf32>
      %select_n3A_2938 = arith.select %eq3A_2935, %broadcast_in_dim3A_2937, %select_n3A_2704 : vector<16xi1>, vector<16xf32>
      %eq3A_2939 = arith.cmpi eq, %add3A_1305, %select_n3A_2801 : vector<16xi32>
      %jit3A_2940 = arith.constant -1.000000e+00 : f32
      %broadcast_in_dim3A_2941 = vector.broadcast %jit3A_2940 : f32 to vector<16xf32>
      %select_n3A_2942 = arith.select %eq3A_2939, %broadcast_in_dim3A_2941, %select_n3A_2708 : vector<16xi1>, vector<16xf32>
      %gt3A_2943 = arith.cmpf ogt, %select_n3A_2822, %select_n3A_2818 : vector<16xf32>
      %select_n3A_2944 = arith.select %gt3A_2943, %select_n3A_2822, %select_n3A_2818 : vector<16xi1>, vector<16xf32>
      %select_n3A_2945 = arith.select %gt3A_2943, %add3A_1125, %add3A_1119 : vector<16xi1>, vector<16xi32>
      %gt3A_2946 = arith.cmpf ogt, %select_n3A_2830, %select_n3A_2826 : vector<16xf32>
      %select_n3A_2947 = arith.select %gt3A_2946, %select_n3A_2830, %select_n3A_2826 : vector<16xi1>, vector<16xf32>
      %select_n3A_2948 = arith.select %gt3A_2946, %add3A_1137, %add3A_1131 : vector<16xi1>, vector<16xi32>
      %gt3A_2949 = arith.cmpf ogt, %select_n3A_2838, %select_n3A_2834 : vector<16xf32>
      %select_n3A_2950 = arith.select %gt3A_2949, %select_n3A_2838, %select_n3A_2834 : vector<16xi1>, vector<16xf32>
      %select_n3A_2951 = arith.select %gt3A_2949, %add3A_1149, %add3A_1143 : vector<16xi1>, vector<16xi32>
      %gt3A_2952 = arith.cmpf ogt, %select_n3A_2846, %select_n3A_2842 : vector<16xf32>
      %select_n3A_2953 = arith.select %gt3A_2952, %select_n3A_2846, %select_n3A_2842 : vector<16xi1>, vector<16xf32>
      %select_n3A_2954 = arith.select %gt3A_2952, %add3A_1161, %add3A_1155 : vector<16xi1>, vector<16xi32>
      %gt3A_2955 = arith.cmpf ogt, %select_n3A_2854, %select_n3A_2850 : vector<16xf32>
      %select_n3A_2956 = arith.select %gt3A_2955, %select_n3A_2854, %select_n3A_2850 : vector<16xi1>, vector<16xf32>
      %select_n3A_2957 = arith.select %gt3A_2955, %add3A_1173, %add3A_1167 : vector<16xi1>, vector<16xi32>
      %gt3A_2958 = arith.cmpf ogt, %select_n3A_2862, %select_n3A_2858 : vector<16xf32>
      %select_n3A_2959 = arith.select %gt3A_2958, %select_n3A_2862, %select_n3A_2858 : vector<16xi1>, vector<16xf32>
      %select_n3A_2960 = arith.select %gt3A_2958, %add3A_1185, %add3A_1179 : vector<16xi1>, vector<16xi32>
      %gt3A_2961 = arith.cmpf ogt, %select_n3A_2870, %select_n3A_2866 : vector<16xf32>
      %select_n3A_2962 = arith.select %gt3A_2961, %select_n3A_2870, %select_n3A_2866 : vector<16xi1>, vector<16xf32>
      %select_n3A_2963 = arith.select %gt3A_2961, %add3A_1197, %add3A_1191 : vector<16xi1>, vector<16xi32>
      %gt3A_2964 = arith.cmpf ogt, %select_n3A_2878, %select_n3A_2874 : vector<16xf32>
      %select_n3A_2965 = arith.select %gt3A_2964, %select_n3A_2878, %select_n3A_2874 : vector<16xi1>, vector<16xf32>
      %select_n3A_2966 = arith.select %gt3A_2964, %add3A_1209, %add3A_1203 : vector<16xi1>, vector<16xi32>
      %gt3A_2967 = arith.cmpf ogt, %select_n3A_2886, %select_n3A_2882 : vector<16xf32>
      %select_n3A_2968 = arith.select %gt3A_2967, %select_n3A_2886, %select_n3A_2882 : vector<16xi1>, vector<16xf32>
      %select_n3A_2969 = arith.select %gt3A_2967, %add3A_1221, %add3A_1215 : vector<16xi1>, vector<16xi32>
      %gt3A_2970 = arith.cmpf ogt, %select_n3A_2894, %select_n3A_2890 : vector<16xf32>
      %select_n3A_2971 = arith.select %gt3A_2970, %select_n3A_2894, %select_n3A_2890 : vector<16xi1>, vector<16xf32>
      %select_n3A_2972 = arith.select %gt3A_2970, %add3A_1233, %add3A_1227 : vector<16xi1>, vector<16xi32>
      %gt3A_2973 = arith.cmpf ogt, %select_n3A_2902, %select_n3A_2898 : vector<16xf32>
      %select_n3A_2974 = arith.select %gt3A_2973, %select_n3A_2902, %select_n3A_2898 : vector<16xi1>, vector<16xf32>
      %select_n3A_2975 = arith.select %gt3A_2973, %add3A_1245, %add3A_1239 : vector<16xi1>, vector<16xi32>
      %gt3A_2976 = arith.cmpf ogt, %select_n3A_2910, %select_n3A_2906 : vector<16xf32>
      %select_n3A_2977 = arith.select %gt3A_2976, %select_n3A_2910, %select_n3A_2906 : vector<16xi1>, vector<16xf32>
      %select_n3A_2978 = arith.select %gt3A_2976, %add3A_1257, %add3A_1251 : vector<16xi1>, vector<16xi32>
      %gt3A_2979 = arith.cmpf ogt, %select_n3A_2918, %select_n3A_2914 : vector<16xf32>
      %select_n3A_2980 = arith.select %gt3A_2979, %select_n3A_2918, %select_n3A_2914 : vector<16xi1>, vector<16xf32>
      %select_n3A_2981 = arith.select %gt3A_2979, %add3A_1269, %add3A_1263 : vector<16xi1>, vector<16xi32>
      %gt3A_2982 = arith.cmpf ogt, %select_n3A_2926, %select_n3A_2922 : vector<16xf32>
      %select_n3A_2983 = arith.select %gt3A_2982, %select_n3A_2926, %select_n3A_2922 : vector<16xi1>, vector<16xf32>
      %select_n3A_2984 = arith.select %gt3A_2982, %add3A_1281, %add3A_1275 : vector<16xi1>, vector<16xi32>
      %gt3A_2985 = arith.cmpf ogt, %select_n3A_2934, %select_n3A_2930 : vector<16xf32>
      %select_n3A_2986 = arith.select %gt3A_2985, %select_n3A_2934, %select_n3A_2930 : vector<16xi1>, vector<16xf32>
      %select_n3A_2987 = arith.select %gt3A_2985, %add3A_1293, %add3A_1287 : vector<16xi1>, vector<16xi32>
      %gt3A_2988 = arith.cmpf ogt, %select_n3A_2942, %select_n3A_2938 : vector<16xf32>
      %select_n3A_2989 = arith.select %gt3A_2988, %select_n3A_2942, %select_n3A_2938 : vector<16xi1>, vector<16xf32>
      %select_n3A_2990 = arith.select %gt3A_2988, %add3A_1305, %add3A_1299 : vector<16xi1>, vector<16xi32>
      %gt3A_2991 = arith.cmpf ogt, %select_n3A_2947, %select_n3A_2944 : vector<16xf32>
      %select_n3A_2992 = arith.select %gt3A_2991, %select_n3A_2947, %select_n3A_2944 : vector<16xi1>, vector<16xf32>
      %select_n3A_2993 = arith.select %gt3A_2991, %select_n3A_2948, %select_n3A_2945 : vector<16xi1>, vector<16xi32>
      %gt3A_2994 = arith.cmpf ogt, %select_n3A_2953, %select_n3A_2950 : vector<16xf32>
      %select_n3A_2995 = arith.select %gt3A_2994, %select_n3A_2953, %select_n3A_2950 : vector<16xi1>, vector<16xf32>
      %select_n3A_2996 = arith.select %gt3A_2994, %select_n3A_2954, %select_n3A_2951 : vector<16xi1>, vector<16xi32>
      %gt3A_2997 = arith.cmpf ogt, %select_n3A_2959, %select_n3A_2956 : vector<16xf32>
      %select_n3A_2998 = arith.select %gt3A_2997, %select_n3A_2959, %select_n3A_2956 : vector<16xi1>, vector<16xf32>
      %select_n3A_2999 = arith.select %gt3A_2997, %select_n3A_2960, %select_n3A_2957 : vector<16xi1>, vector<16xi32>
      %gt3A_3000 = arith.cmpf ogt, %select_n3A_2965, %select_n3A_2962 : vector<16xf32>
      %select_n3A_3001 = arith.select %gt3A_3000, %select_n3A_2965, %select_n3A_2962 : vector<16xi1>, vector<16xf32>
      %select_n3A_3002 = arith.select %gt3A_3000, %select_n3A_2966, %select_n3A_2963 : vector<16xi1>, vector<16xi32>
      %gt3A_3003 = arith.cmpf ogt, %select_n3A_2971, %select_n3A_2968 : vector<16xf32>
      %select_n3A_3004 = arith.select %gt3A_3003, %select_n3A_2971, %select_n3A_2968 : vector<16xi1>, vector<16xf32>
      %select_n3A_3005 = arith.select %gt3A_3003, %select_n3A_2972, %select_n3A_2969 : vector<16xi1>, vector<16xi32>
      %gt3A_3006 = arith.cmpf ogt, %select_n3A_2977, %select_n3A_2974 : vector<16xf32>
      %select_n3A_3007 = arith.select %gt3A_3006, %select_n3A_2977, %select_n3A_2974 : vector<16xi1>, vector<16xf32>
      %select_n3A_3008 = arith.select %gt3A_3006, %select_n3A_2978, %select_n3A_2975 : vector<16xi1>, vector<16xi32>
      %gt3A_3009 = arith.cmpf ogt, %select_n3A_2983, %select_n3A_2980 : vector<16xf32>
      %select_n3A_3010 = arith.select %gt3A_3009, %select_n3A_2983, %select_n3A_2980 : vector<16xi1>, vector<16xf32>
      %select_n3A_3011 = arith.select %gt3A_3009, %select_n3A_2984, %select_n3A_2981 : vector<16xi1>, vector<16xi32>
      %gt3A_3012 = arith.cmpf ogt, %select_n3A_2989, %select_n3A_2986 : vector<16xf32>
      %select_n3A_3013 = arith.select %gt3A_3012, %select_n3A_2989, %select_n3A_2986 : vector<16xi1>, vector<16xf32>
      %select_n3A_3014 = arith.select %gt3A_3012, %select_n3A_2990, %select_n3A_2987 : vector<16xi1>, vector<16xi32>
      %gt3A_3015 = arith.cmpf ogt, %select_n3A_2995, %select_n3A_2992 : vector<16xf32>
      %select_n3A_3016 = arith.select %gt3A_3015, %select_n3A_2995, %select_n3A_2992 : vector<16xi1>, vector<16xf32>
      %select_n3A_3017 = arith.select %gt3A_3015, %select_n3A_2996, %select_n3A_2993 : vector<16xi1>, vector<16xi32>
      %gt3A_3018 = arith.cmpf ogt, %select_n3A_3001, %select_n3A_2998 : vector<16xf32>
      %select_n3A_3019 = arith.select %gt3A_3018, %select_n3A_3001, %select_n3A_2998 : vector<16xi1>, vector<16xf32>
      %select_n3A_3020 = arith.select %gt3A_3018, %select_n3A_3002, %select_n3A_2999 : vector<16xi1>, vector<16xi32>
      %gt3A_3021 = arith.cmpf ogt, %select_n3A_3007, %select_n3A_3004 : vector<16xf32>
      %select_n3A_3022 = arith.select %gt3A_3021, %select_n3A_3007, %select_n3A_3004 : vector<16xi1>, vector<16xf32>
      %select_n3A_3023 = arith.select %gt3A_3021, %select_n3A_3008, %select_n3A_3005 : vector<16xi1>, vector<16xi32>
      %gt3A_3024 = arith.cmpf ogt, %select_n3A_3013, %select_n3A_3010 : vector<16xf32>
      %select_n3A_3025 = arith.select %gt3A_3024, %select_n3A_3013, %select_n3A_3010 : vector<16xi1>, vector<16xf32>
      %select_n3A_3026 = arith.select %gt3A_3024, %select_n3A_3014, %select_n3A_3011 : vector<16xi1>, vector<16xi32>
      %gt3A_3027 = arith.cmpf ogt, %select_n3A_3019, %select_n3A_3016 : vector<16xf32>
      %select_n3A_3028 = arith.select %gt3A_3027, %select_n3A_3019, %select_n3A_3016 : vector<16xi1>, vector<16xf32>
      %select_n3A_3029 = arith.select %gt3A_3027, %select_n3A_3020, %select_n3A_3017 : vector<16xi1>, vector<16xi32>
      %gt3A_3030 = arith.cmpf ogt, %select_n3A_3025, %select_n3A_3022 : vector<16xf32>
      %select_n3A_3031 = arith.select %gt3A_3030, %select_n3A_3025, %select_n3A_3022 : vector<16xi1>, vector<16xf32>
      %select_n3A_3032 = arith.select %gt3A_3030, %select_n3A_3026, %select_n3A_3023 : vector<16xi1>, vector<16xi32>
      %gt3A_3033 = arith.cmpf ogt, %select_n3A_3031, %select_n3A_3028 : vector<16xf32>
      %select_n3A_3034 = arith.select %gt3A_3033, %select_n3A_3031, %select_n3A_3028 : vector<16xi1>, vector<16xf32>
      %select_n3A_3035 = arith.select %gt3A_3033, %select_n3A_3032, %select_n3A_3029 : vector<16xi1>, vector<16xi32>
      %swap3A_3036 = arith.constant 7 : i32
      %swap3A_3037 = arith.index_cast %select_n3A_279 : i32 to index
      %swap3A_3038 = arith.index_cast %swap3A_3036 : i32 to index
      %swap3A_3039 = arith.index_cast %mul3A_295 : i32 to index
      %swap3A_3040 = tpu.vector_load %arg6[%swap3A_3037, %swap3A_3038, %swap3A_3039] {strides = array<i32>} : memref<4x8x128xi32, #tpu.memory_space<vmem>>, vector<16xi32>,
      tpu.vector_store %arg6[%swap3A_3037, %swap3A_3038, %swap3A_3039], %select_n3A_3035 {strides = array<i32>} : memref<4x8x128xi32, #tpu.memory_space<vmem>>, vector<16xi32>,
      %mul3A_3041 = arith.constant 1.600000e+01 : f32
      %mul3A_3042 = vector.broadcast %mul3A_3041 : f32 to vector<16xf32>
      %mul3A_3043 = arith.mulf %select_n3A_3034, %mul3A_3042 : vector<16xf32>
      %swap3A_3044 = arith.constant 7 : i32
      %swap3A_3045 = arith.index_cast %select_n3A_279 : i32 to index
      %swap3A_3046 = arith.index_cast %swap3A_3044 : i32 to index
      %swap3A_3047 = arith.index_cast %mul3A_295 : i32 to index
      %swap3A_3048 = tpu.vector_load %arg7[%swap3A_3045, %swap3A_3046, %swap3A_3047] {strides = array<i32>} : memref<4x8x128xf32, #tpu.memory_space<vmem>>, vector<16xf32>,
      tpu.vector_store %arg7[%swap3A_3045, %swap3A_3046, %swap3A_3047], %mul3A_3043 {strides = array<i32>} : memref<4x8x128xf32, #tpu.memory_space<vmem>>, vector<16xf32>,
    }
    %scan3A_206 = arith.constant 32 : i32
    %jit3A_207 = arith.constant 128 : i32
    %div3A_208 = arith.divsi %mul3A_2, %jit3A_207 : i32
    %sign3A_209 = arith.constant 0 : i32
    %sign3A_210 = arith.cmpi sgt, %mul3A_2, %sign3A_209 : i32
    %sign3A_211 = arith.extui %sign3A_210 : i1 to i32
    %sign3A_212 = arith.constant 0 : i32
    %sign3A_213 = arith.cmpi slt, %mul3A_2, %sign3A_212 : i32
    %sign3A_214 = arith.extui %sign3A_213 : i1 to i32
    %sign3A_215 = arith.subi %sign3A_211, %sign3A_214 : i32
    %sign3A_216 = arith.constant 0 : i32
    %sign3A_217 = arith.cmpi sgt, %jit3A_207, %sign3A_216 : i32
    %sign3A_218 = arith.extui %sign3A_217 : i1 to i32
    %sign3A_219 = arith.constant 0 : i32
    %sign3A_220 = arith.cmpi slt, %jit3A_207, %sign3A_219 : i32
    %sign3A_221 = arith.extui %sign3A_220 : i1 to i32
    %sign3A_222 = arith.subi %sign3A_218, %sign3A_221 : i32
    %ne3A_223 = arith.cmpi ne, %sign3A_215, %sign3A_222 : i32
    %rem3A_224 = arith.remsi %mul3A_2, %jit3A_207 : i32
    %ne3A_225 = arith.constant 0 : i32
    %ne3A_226 = arith.cmpi ne, %rem3A_224, %ne3A_225 : i32
    %and3A_227 = arith.andi %ne3A_223, %ne3A_226 : i1
    %sub3A_228 = arith.constant 1 : i32
    %sub3A_229 = arith.subi %div3A_208, %sub3A_228 : i32
    %select_n3A_230 = arith.select %and3A_227, %sub3A_229, %div3A_208 : i32
    "tpu.region"() ({
      %run_scoped3A_255 = tpu.sem_alloc : memref<!tpu.dma_semaphore, #tpu.memory_space<semaphore_mem>>
      %dma_start3A = arith.constant 0 : i32
      %dma_start3A_256 = arith.constant 0 : i32
      %dma_start3A_257 = tpu.memref_slice %arg3[%select_n3A_230, %dma_start3A, %dma_start3A_256] : memref<128x8x128xi32, #tpu.memory_space<hbm>> -> memref<4x8x128xi32, #tpu.memory_space<hbm>>
      %dma_start3A_258 = arith.constant 0 : i32
      %dma_start3A_259 = arith.constant 0 : i32
      %dma_start3A_260 = tpu.memref_slice %arg3[%select_n3A_230, %dma_start3A_258, %dma_start3A_259] : memref<128x8x128xi32, #tpu.memory_space<hbm>> -> memref<4x8x128xi32, #tpu.memory_space<hbm>>
      tpu.enqueue_dma source(%arg6 : memref<4x8x128xi32, #tpu.memory_space<vmem>>) target(%dma_start3A_260 : memref<4x8x128xi32, #tpu.memory_space<hbm>>) target_semaphore(%run_scoped3A_255 : memref<!tpu.dma_semaphore, #tpu.memory_space<semaphore_mem>>)
      %dma_wait3A = arith.constant 0 : i32
      %dma_wait3A_261 = arith.constant 0 : i32
      %dma_wait3A_262 = tpu.memref_slice %arg3[%select_n3A_230, %dma_wait3A, %dma_wait3A_261] : memref<128x8x128xi32, #tpu.memory_space<hbm>> -> memref<4x8x128xi32, #tpu.memory_space<hbm>>
      %dma_wait3A_263 = arith.constant 0 : i32
      %dma_wait3A_264 = arith.constant 0 : i32
      %dma_wait3A_265 = tpu.memref_slice %arg3[%select_n3A_230, %dma_wait3A_263, %dma_wait3A_264] : memref<128x8x128xi32, #tpu.memory_space<hbm>> -> memref<4x8x128xi32, #tpu.memory_space<hbm>>
      tpu.wait_dma2 semaphore(%run_scoped3A_255 : memref<!tpu.dma_semaphore, #tpu.memory_space<semaphore_mem>>) src(%arg6 : memref<4x8x128xi32, #tpu.memory_space<vmem>>) dst(%dma_wait3A_265 : memref<4x8x128xi32, #tpu.memory_space<hbm>>)
      tpu.yield
    }) : () -> ()
    %jit3A_231 = arith.constant 128 : i32
    %div3A_232 = arith.divsi %mul3A_2, %jit3A_231 : i32
    %sign3A_233 = arith.constant 0 : i32
    %sign3A_234 = arith.cmpi sgt, %mul3A_2, %sign3A_233 : i32
    %sign3A_235 = arith.extui %sign3A_234 : i1 to i32
    %sign3A_236 = arith.constant 0 : i32
    %sign3A_237 = arith.cmpi slt, %mul3A_2, %sign3A_236 : i32
    %sign3A_238 = arith.extui %sign3A_237 : i1 to i32
    %sign3A_239 = arith.subi %sign3A_235, %sign3A_238 : i32
    %sign3A_240 = arith.constant 0 : i32
    %sign3A_241 = arith.cmpi sgt, %jit3A_231, %sign3A_240 : i32
    %sign3A_242 = arith.extui %sign3A_241 : i1 to i32
    %sign3A_243 = arith.constant 0 : i32
    %sign3A_244 = arith.cmpi slt, %jit3A_231, %sign3A_243 : i32
    %sign3A_245 = arith.extui %sign3A_244 : i1 to i32
    %sign3A_246 = arith.subi %sign3A_242, %sign3A_245 : i32
    %ne3A_247 = arith.cmpi ne, %sign3A_239, %sign3A_246 : i32
    %rem3A_248 = arith.remsi %mul3A_2, %jit3A_231 : i32
    %ne3A_249 = arith.constant 0 : i32
    %ne3A_250 = arith.cmpi ne, %rem3A_248, %ne3A_249 : i32
    %and3A_251 = arith.andi %ne3A_247, %ne3A_250 : i1
    %sub3A_252 = arith.constant 1 : i32
    %sub3A_253 = arith.subi %div3A_232, %sub3A_252 : i32
    %select_n3A_254 = arith.select %and3A_251, %sub3A_253, %div3A_232 : i32
    "tpu.region"() ({
      %run_scoped3A_255 = tpu.sem_alloc : memref<!tpu.dma_semaphore, #tpu.memory_space<semaphore_mem>>
      %dma_start3A = arith.constant 0 : i32
      %dma_start3A_256 = arith.constant 0 : i32
      %dma_start3A_257 = tpu.memref_slice %arg4[%select_n3A_254, %dma_start3A, %dma_start3A_256] : memref<128x8x128xf32, #tpu.memory_space<hbm>> -> memref<4x8x128xf32, #tpu.memory_space<hbm>>
      %dma_start3A_258 = arith.constant 0 : i32
      %dma_start3A_259 = arith.constant 0 : i32
      %dma_start3A_260 = tpu.memref_slice %arg4[%select_n3A_254, %dma_start3A_258, %dma_start3A_259] : memref<128x8x128xf32, #tpu.memory_space<hbm>> -> memref<4x8x128xf32, #tpu.memory_space<hbm>>
      tpu.enqueue_dma source(%arg7 : memref<4x8x128xf32, #tpu.memory_space<vmem>>) target(%dma_start3A_260 : memref<4x8x128xf32, #tpu.memory_space<hbm>>) target_semaphore(%run_scoped3A_255 : memref<!tpu.dma_semaphore, #tpu.memory_space<semaphore_mem>>)
      %dma_wait3A = arith.constant 0 : i32
      %dma_wait3A_261 = arith.constant 0 : i32
      %dma_wait3A_262 = tpu.memref_slice %arg4[%select_n3A_254, %dma_wait3A, %dma_wait3A_261] : memref<128x8x128xf32, #tpu.memory_space<hbm>> -> memref<4x8x128xf32, #tpu.memory_space<hbm>>
      %dma_wait3A_263 = arith.constant 0 : i32
      %dma_wait3A_264 = arith.constant 0 : i32
      %dma_wait3A_265 = tpu.memref_slice %arg4[%select_n3A_254, %dma_wait3A_263, %dma_wait3A_264] : memref<128x8x128xf32, #tpu.memory_space<hbm>> -> memref<4x8x128xf32, #tpu.memory_space<hbm>>
      tpu.wait_dma2 semaphore(%run_scoped3A_255 : memref<!tpu.dma_semaphore, #tpu.memory_space<semaphore_mem>>) src(%arg7 : memref<4x8x128xf32, #tpu.memory_space<vmem>>) dst(%dma_wait3A_265 : memref<4x8x128xf32, #tpu.memory_space<hbm>>)
      tpu.yield
    }) : () -> ()
    return
  }
}

module attributes {stable_mosaic.version = 14 : i64} {
  func.func @_scores_block(%arg0: i32, %arg1: memref<512x4096xf32, #tpu.memory_space<vmem>>, %arg2: memref<64x4096xf32, #tpu.memory_space<vmem>>, %arg3: memref<8x4x8x128xf32, #tpu.memory_space<vmem>>) attributes {dimension_semantics = [#tpu.dimension_semantics<arbitrary>], iteration_bounds = array<i64: 32>, scalar_prefetch = 0 : i64, scratch_operands = 0 : i64, tpu.core_type = #tpu.core_type<tc>, window_params = [{transform_indices = @transform_0, window_bounds = array<i64: 512, 4096>}, {pipeline_mode = #tpu.pipeline_mode<synchronous>, transform_indices = @transform_1, window_bounds = array<i64: 64, 4096>}, {transform_indices = @transform_2, window_bounds = array<i64: 8, 4, 8, 128>}]} {
    %get3A = arith.constant 0 : index
    %get3A_0 = arith.constant 0 : index
    %get3A_1 = vector.load %arg1[%get3A, %get3A_0] : memref<512x4096xf32, #tpu.memory_space<vmem>>, vector<512x4096xf32>
    %get3A_2 = arith.constant 0 : index
    %get3A_3 = arith.constant 0 : index
    %get3A_4 = vector.load %arg2[%get3A_2, %get3A_3] : memref<64x4096xf32, #tpu.memory_space<vmem>>, vector<64x4096xf32>
    %dot_general3A = arith.constant dense<0.000000e+00> : vector<512x64xf32>
    %dot_general3A_5 = tpu.matmul %get3A_1, %get3A_4, %dot_general3A {dimension_numbers = #tpu.dot_dimension_numbers<[1], [1], [0], [0], [0, 0, 1, 0], [], []>, transpose_lhs_hint = false} : vector<512x4096xf32>, vector<64x4096xf32>, vector<512x64xf32> -> vector<512x64xf32>
    %transpose3A = tpu.transpose %dot_general3A_5, [1, 0] : vector<512x64xf32> -> vector<64x512xf32>
    %reduce_max3A = arith.constant dense<0xFF800000> : vector<512xf32>
    %reduce_max3A_6 = vector.multi_reduction <maximumf>, %transpose3A, %reduce_max3A [0] : vector<64x512xf32> to vector<512xf32>
    %broadcast_in_dim3A = vector.shape_cast %reduce_max3A_6 : vector<512xf32> to vector<1x512xf32>
    %sub3A = vector.broadcast %broadcast_in_dim3A : vector<1x512xf32> to vector<64x512xf32>
    %sub3A_7 = arith.subf %transpose3A, %sub3A : vector<64x512xf32>
    %exp3A = math.exp %sub3A_7 : vector<64x512xf32>
    %reduce_sum3A = arith.constant dense<0.000000e+00> : vector<512xf32>
    %reduce_sum3A_8 = vector.multi_reduction <add>, %exp3A, %reduce_sum3A [0] : vector<64x512xf32> to vector<512xf32>
    %broadcast_in_dim3A_9 = vector.shape_cast %reduce_sum3A_8 : vector<512xf32> to vector<1x512xf32>
    %div3A = vector.broadcast %broadcast_in_dim3A_9 : vector<1x512xf32> to vector<64x512xf32>
    %div3A_10 = arith.divf %exp3A, %div3A : vector<64x512xf32>
    %slice3A = vector.extract_strided_slice %div3A_10 {offsets = [0, 0], sizes = [64, 128], strides = [1, 1]} : vector<64x512xf32> to vector<64x128xf32>
    %reshape3A = vector.shape_cast %slice3A : vector<64x128xf32> to vector<8x8x128xf32>
    %swap3A = arith.constant 0 : index
    %swap3A_11 = arith.constant 0 : index
    %swap3A_12 = arith.constant 0 : index
    %swap3A_13 = arith.constant 0 : index
    %swap3A_14 = vector.load %arg3[%swap3A, %swap3A_11, %swap3A_12, %swap3A_13] : memref<8x4x8x128xf32, #tpu.memory_space<vmem>>, vector<8x1x8x128xf32>
    %swap3A_15 = vector.shape_cast %swap3A_14 : vector<8x1x8x128xf32> to vector<8x8x128xf32>
    %swap3A_16 = vector.shape_cast %reshape3A : vector<8x8x128xf32> to vector<8x1x8x128xf32>
    tpu.vector_store %arg3[%swap3A, %swap3A_11, %swap3A_12, %swap3A_13], %swap3A_16 {strides = array<i32>} : memref<8x4x8x128xf32, #tpu.memory_space<vmem>>, vector<8x1x8x128xf32>,
    %slice3A_17 = vector.extract_strided_slice %div3A_10 {offsets = [0, 128], sizes = [64, 128], strides = [1, 1]} : vector<64x512xf32> to vector<64x128xf32>
    %reshape3A_18 = vector.shape_cast %slice3A_17 : vector<64x128xf32> to vector<8x8x128xf32>
    %swap3A_19 = arith.constant 0 : index
    %swap3A_20 = arith.constant 1 : index
    %swap3A_21 = arith.constant 0 : index
    %swap3A_22 = arith.constant 0 : index
    %swap3A_23 = vector.load %arg3[%swap3A_19, %swap3A_20, %swap3A_21, %swap3A_22] : memref<8x4x8x128xf32, #tpu.memory_space<vmem>>, vector<8x1x8x128xf32>
    %swap3A_24 = vector.shape_cast %swap3A_23 : vector<8x1x8x128xf32> to vector<8x8x128xf32>
    %swap3A_25 = vector.shape_cast %reshape3A_18 : vector<8x8x128xf32> to vector<8x1x8x128xf32>
    tpu.vector_store %arg3[%swap3A_19, %swap3A_20, %swap3A_21, %swap3A_22], %swap3A_25 {strides = array<i32>} : memref<8x4x8x128xf32, #tpu.memory_space<vmem>>, vector<8x1x8x128xf32>,
    %slice3A_26 = vector.extract_strided_slice %div3A_10 {offsets = [0, 256], sizes = [64, 128], strides = [1, 1]} : vector<64x512xf32> to vector<64x128xf32>
    %reshape3A_27 = vector.shape_cast %slice3A_26 : vector<64x128xf32> to vector<8x8x128xf32>
    %swap3A_28 = arith.constant 0 : index
    %swap3A_29 = arith.constant 2 : index
    %swap3A_30 = arith.constant 0 : index
    %swap3A_31 = arith.constant 0 : index
    %swap3A_32 = vector.load %arg3[%swap3A_28, %swap3A_29, %swap3A_30, %swap3A_31] : memref<8x4x8x128xf32, #tpu.memory_space<vmem>>, vector<8x1x8x128xf32>
    %swap3A_33 = vector.shape_cast %swap3A_32 : vector<8x1x8x128xf32> to vector<8x8x128xf32>
    %swap3A_34 = vector.shape_cast %reshape3A_27 : vector<8x8x128xf32> to vector<8x1x8x128xf32>
    tpu.vector_store %arg3[%swap3A_28, %swap3A_29, %swap3A_30, %swap3A_31], %swap3A_34 {strides = array<i32>} : memref<8x4x8x128xf32, #tpu.memory_space<vmem>>, vector<8x1x8x128xf32>,
    %slice3A_35 = vector.extract_strided_slice %div3A_10 {offsets = [0, 384], sizes = [64, 128], strides = [1, 1]} : vector<64x512xf32> to vector<64x128xf32>
    %reshape3A_36 = vector.shape_cast %slice3A_35 : vector<64x128xf32> to vector<8x8x128xf32>
    %swap3A_37 = arith.constant 0 : index
    %swap3A_38 = arith.constant 3 : index
    %swap3A_39 = arith.constant 0 : index
    %swap3A_40 = arith.constant 0 : index
    %swap3A_41 = vector.load %arg3[%swap3A_37, %swap3A_38, %swap3A_39, %swap3A_40] : memref<8x4x8x128xf32, #tpu.memory_space<vmem>>, vector<8x1x8x128xf32>
    %swap3A_42 = vector.shape_cast %swap3A_41 : vector<8x1x8x128xf32> to vector<8x8x128xf32>
    %swap3A_43 = vector.shape_cast %reshape3A_36 : vector<8x8x128xf32> to vector<8x1x8x128xf32>
    tpu.vector_store %arg3[%swap3A_37, %swap3A_38, %swap3A_39, %swap3A_40], %swap3A_43 {strides = array<i32>} : memref<8x4x8x128xf32, #tpu.memory_space<vmem>>, vector<8x1x8x128xf32>,
    return
  }
  func.func @transform_0(%arg0: i32) -> (i32, i32) {
    %c0_i32 = arith.constant 0 : i32
    %c0_i32_0 = arith.constant 0 : i32
    return %arg0, %c0_i32 : i32, i32
  }
  func.func @transform_1(%arg0: i32) -> (i32, i32) {
    %c0_i32 = arith.constant 0 : i32
    %c0_i32_0 = arith.constant 0 : i32
    %c0_i32_1 = arith.constant 0 : i32
    return %c0_i32, %c0_i32_0 : i32, i32
  }
  func.func @transform_2(%arg0: i32) -> (i32, i32, i32, i32) {
    %c0_i32 = arith.constant 0 : i32
    %c0_i32_0 = arith.constant 0 : i32
    %c0_i32_1 = arith.constant 0 : i32
    %c0_i32_2 = arith.constant 0 : i32
    return %c0_i32, %arg0, %c0_i32_0, %c0_i32_1 : i32, i32, i32, i32
  }
}

</mosaic_0001>

<sc_bundles>
// kernel: kernel.4.cloned.1.call-start
scs
__scs_entry_jumppad:
0x0: {  	(pc) =	sbr.rel $0x88, $3  }
0x1: {  	(tag) =	ssettag $0x0;
	lr =	simm.s32 $0x1  }
0x2: {  	[smem:$0x3F9F] =	sst lr;
	_ =	strace $0xD0000000  }
0x3: {  	_ = 	snop  }
0x4: {  	_ = 	snop  }
0x5: {  	_ = 	snop  }
0x6: {  	_ = 	snop  }
0x7: {  	_ = 	snop  }
__scs_overlays_trampoline_lowered:
0x8: {  	[smem:$0x3FAE] =	sst s0  }
0x9: {  	[smem:$0x3FAF] =	sst s1  }
0xa: {  	[smem:$0x3FB0] =	sst s2  }
0xb: {  	[smem:$0x3FB1] =	sst s3  }
0xc: {  	[smem:$0x3FB2] =	sst s4  }
0xd: {  	[smem:$0x3FB3] =	sst s5  }
0xe: {  	[smem:$0x3FB4] =	sst s6  }
0xf: {  	[smem:$0x3FB5] =	sst s7  }
0x10: {  	[smem:$0x3FB6] =	sst s8  }
0x11: {  	[smem:$0x3FB7] =	sst s9;
	s0 =	simm.s32 @!p0 $0x0  }
0x12: {  	s1 =	sld [smem:$0x3F9D];
	s0 =	simm.s32 @p0 $0x1  }
0x13: {  	[smem:$0x3FB8] =	sst s0;
	s0 =	simm.s32 @!p1 $0x0  }
0x14: {  	s2 =	sld [smem:$0x3F9C];
	s0 =	simm.s32 @p1 $0x1  }
0x15: {  	[smem:$0x3FB9] =	sst s0;
	s0 =	simm.s32 @!p2 $0x0  }
0x16: {  	s3 =	sld [smem:$0x3FDB];
	s0 =	simm.s32 @p2 $0x1  }
0x17: {  	s4 =	simm.s32 $0x1BF5;
	[smem:$0x3FBB] =	sst s0  }
0x18: {  	s0 =	sld [smem:$0x3F9E];
	_ =	swait.ge [sflag:s4], $0x0  }
0x19: {  	s7 =	sld [smem:$0x3F9F]  }
0x1a: {  	s8 =	sadd.s32 $0xFFFFE003, lr  }
0x1b: {  	s9 =	sadd.s32 $0xFFFFFEF7, lr;
	s5 =	simm.s32 $0xFFFFFFFF;
	p2 =	slt.u32 s8, $0xFFFFF086  }
0x1c: {  	p1 =	slt.u32 s9, $0xF7A;
	s5 =	simm.s32 @!p2 $0x0  }
0x1d: {  	s5 =	simm.s32 @p1 $0x1;
	p0 =	seq.s32 s7, s2  }
0x1e: {  	s7 =	smul.u32 @!p0 $0xF7A, s2;
	p2 =	seq.s32 @!p0 s5, $0x0  }
0x1f: {  	s9 =	smul.u32 $0xF7A, s1;
	s8 =	simm.s32 @!p0 $0x1BF5;
	p2 =	por !p2, p0  }
0x20: {  	[sflag:s8] =	ssyncset.s32 @!p0 $0xFFFFF086;
	s6 =	sadd.s32 @!p0 s3, s7;
	s7 =	simm.s32 @!p0 $0x108  }
0x21: {  	s3 =	sadd.s32 s3, s9;
	s6 =	sadd.s32 @!p0 $0x88, s6;
	s7 =	simm.s32 @p2 $0x1082  }
0x22: {  	[simem:s7], [sflag:s8] =	dma.local @!p0 [hbm:s6], $0xF7A  }
0x23: {  	s9 =	sor.u32 $0xD0000000, s2;
	s6 =	simm.s32 $0x108;
	_ =	swait.ge @!p0 [sflag:s8], $0x0  }
0x24: {  	s3 =	sadd.s32 $0x88, s3;
	s6 =	simm.s32 @!p1 $0x1082;
	[sflag:s4] =	ssyncset.s32 $0xFFFFF086  }
0x25: {  	[simem:s6], [sflag:s4] =	dma.local [hbm:s3], $0xF7A  }
0x26: {  	[smem:$0x3F9F] =	sst s1;
	(tag) =	ssettag s2;
	_ =	strace s9  }
0x27: {  	s1 =	sld [smem:$0x3FAF]  }
0x28: {  	s2 =	sld [smem:$0x3FB0]  }
0x29: {  	s4 =	sld [smem:$0x3FB2]  }
0x2a: {  	p0 =	seq.s32 s5, $0x0;
	s5 =	sld [smem:$0x3FB3]  }
0x2b: {  	s6 =	sld [smem:$0x3FB4]  }
0x2c: {  	s7 =	sld [smem:$0x3FB5]  }
0x2d: {  	s3 =	simm.s32 $0x108;
	s8 =	sld [smem:$0x3FB6]  }
0x2e: {  	s3 =	simm.s32 @!p0 $0x1082;
	s9 =	sld [smem:$0x3FB7]  }
0x2f: {  	lr =	sadd.s32 s0, s3;
	s0 =	sld [smem:$0x3FAE]  }
0x30: {  	s3 =	sld [smem:$0x3FB1]  }
0x31: {  	[smem:$0x3FBA] =	sst s10  }
0x32: {  	s10 =	sld [smem:$0x3FB8];
	_ =	sdelay $0x3  }
0x33: {  	p0 =	seq.s32 s10, $0x1;
	s10 =	sld [smem:$0x3FBA];
	_ =	sdelay $0x3  }
0x34: {  	[smem:$0x3FBA] =	sst s10  }
0x35: {  	s10 =	sld [smem:$0x3FB9];
	_ =	sdelay $0x3  }
0x36: {  	p1 =	seq.s32 s10, $0x1;
	s10 =	sld [smem:$0x3FBA];
	_ =	sdelay $0x3  }
0x37: {  	[smem:$0x3FBA] =	sst s10  }
0x38: {  	s10 =	sld [smem:$0x3FBB]  }
0x39: {  	_ = 	snop;
	(pc) =	sbr.ind lr, $3  }
0x3a: {  	_ = 	snop  }
0x3b: {  	_ = 	snop  }
0x3c: {  	p2 =	seq.s32 s10, $0x1;
	s10 =	sld [smem:$0x3FBA]  }
0x3d: {  	_ =	shalt  }
0x3e: {  	_ =	shalt  }
0x3f: {  	_ =	shalt  }
0x40: {  	_ =	shalt  }
0x41: {  	_ =	shalt  }
0x42: {  	_ =	shalt  }
0x43: {  	_ =	shalt  }
0x44: {  	_ =	shalt  }
0x45: {  	_ =	shalt  }
0x46: {  	_ =	shalt  }
0x47: {  	_ =	shalt  }
0x48: {  	_ =	shalt  }
0x49: {  	_ =	shalt  }
0x4a: {  	_ =	shalt  }
0x4b: {  	_ =	shalt  }
0x4c: {  	_ =	shalt  }
0x4d: {  	_ =	shalt  }
0x4e: {  	_ =	shalt  }
0x4f: {  	_ =	shalt  }
0x50: {  	_ =	shalt  }
0x51: {  	_ =	shalt  }
0x52: {  	_ =	shalt  }
0x53: {  	_ =	shalt  }
0x54: {  	_ =	shalt  }
0x55: {  	_ =	shalt  }
0x56: {  	_ =	shalt  }
0x57: {  	_ =	shalt  }
0x58: {  	_ =	shalt  }
0x59: {  	_ =	shalt  }
0x5a: {  	_ =	shalt  }
0x5b: {  	_ =	shalt  }
0x5c: {  	_ =	shalt  }
0x5d: {  	_ =	shalt  }
0x5e: {  	_ =	shalt  }
0x5f: {  	_ =	shalt  }
0x60: {  	_ =	shalt  }
0x61: {  	_ =	shalt  }
0x62: {  	_ =	shalt  }
0x63: {  	_ =	shalt  }
0x64: {  	_ =	shalt  }
0x65: {  	_ =	shalt  }
0x66: {  	_ =	shalt  }
0x67: {  	_ =	shalt  }
0x68: {  	_ =	shalt  }
0x69: {  	_ =	shalt  }
0x6a: {  	_ =	shalt  }
0x6b: {  	_ =	shalt  }
0x6c: {  	_ =	shalt  }
0x6d: {  	_ =	shalt  }
0x6e: {  	_ =	shalt  }
0x6f: {  	_ =	shalt  }
0x70: {  	_ =	shalt  }
0x71: {  	_ =	shalt  }
0x72: {  	_ =	shalt  }
0x73: {  	_ =	shalt  }
0x74: {  	_ =	shalt  }
0x75: {  	_ =	shalt  }
0x76: {  	_ =	shalt  }
0x77: {  	_ =	shalt  }
0x78: {  	_ =	shalt  }
0x79: {  	_ =	shalt  }
0x7a: {  	_ =	shalt  }
0x7b: {  	_ =	shalt  }
0x7c: {  	_ =	shalt  }
0x7d: {  	_ =	shalt  }
0x7e: {  	_ =	shalt  }
0x7f: {  	_ =	shalt  }
0x80: {  	_ =	shalt  }
0x81: {  	_ =	shalt  }
0x82: {  	_ =	shalt  }
0x83: {  	_ =	shalt  }
0x84: {  	_ =	shalt  }
0x85: {  	_ =	shalt  }
0x86: {  	_ =	shalt  }
0x87: {  	_ =	shalt  }
.Lfunc_end0:
.L_simem_size_0:
called_computation_lowered:
.L_overlay_start_0:
0x88: {  	s2 =	sld [smem:$0x3FD9]  }
0x89: {  	s3 =	sld [smem:$0x3FFE];
	_ =	sdelay $0x1  }
0x8a: {  	s1 =	srdreg.scid  }
0x8b: {  	s0 =	sand.u32 $0x1, s1  }
0x8c: {  	s14 =	sshll.u32 s0, $0xA;
	s2 =	sadd.s32 s3, s2  }
0x8d: {  	s2 =	sadd.s32 s2, s14  }
0x8e: {  	[smem:$0x3FC6] =	sst s2  }
0x8f: {  	_ = 	snop  }
0x90: {  	s2 =	sld [smem:$0x3FD0];
	_ =	sdelay $0x2  }
0x91: {  	s15 =	simm.s32 $0xA;
	s4 =	simm.s32 $0x10  }
0x92: {  	[smem:s4], [sflag:s15] =	dma.local [hbm:s2], $0x1  }
0x93: {  	_ =	swait.eq [sflag:s15], $0x1  }
0x94: {  	[sflag:s15] =	ssyncset.done $0x0  }
0x95: {  	s16 =	sld [smem:$0x10];
	[sflag:s15] =	ssyncadd.s32 $0xFFFFFFFF  }
0x96: {  	s17 =	sld [smem:$0x11];
	(tm) =	ssettm $0x1  }
0x97: {  	s18 =	sld [smem:$0x3FFB];
	_ =	sdelay $0x3  }
0x98: {  	_ =	strace s18  }
0x99: {  	s4 =	sld [smem:$0x3FFC];
	_ =	sdelay $0x3  }
0x9a: {  	_ =	strace s4  }
0x9b: {  	s4 =	sld [smem:$0x3FFD];
	_ =	sdelay $0x3  }
0x9c: {  	_ =	strace s4  }
0x9d: {  	_ =	strace $0x8FFFFFFF  }
0x9e: {  	s19 =	sld [smem:$0x3FDB];
	_ =	sdelay $0x1  }
0x9f: {  	s5 =	simm.s32 $_scs_section_size  }
0xa0: {  	s6 =	simm.s32 $_size__tile_overlayer_lowered;
	s7 =	simm.s32 $_tile_overlayer_lowered  }
0xa1: {  	s22 =	simm.s32 $0x1BFF;
	s21 =	sshll.u32 s7, $0x1;
	s4 =	sadd.s32 s5, s19  }
0xa2: {  	s8 =	simm.s32 $0x0;
	s20 =	sshll.u32 s6, $0x1;
	s6 =	sadd.s32 s21, s4  }
0xa3: {  	[timem:s8], [sflag:s22] =	dma.local [hbm:s6], s20  }
0xa4: {  	_ =	swait.ge [sflag:s22], s20  }
0xa5: {  	s5 =	ssub.s32 $0x0, s20;
	[sflag:s22] =	ssyncset.done $0x0  }
0xa6: {  	[sflag:s22] =	ssyncadd.s32 s5;
	_ =	sdelay $0x1  }
0xa7: {  	s23 =	simm.s32 $0x1B8B  }
0xa8: {  	_ =	swait.ge [sflag:s23], $0x1  }
0xa9: {  	[sflag:s23] =	ssyncset.done $0x0  }
0xaa: {  	s25 =	simm.s32 $0x1B8E;
	s24 =	sld [smem:$0x3FFE];
	[sflag:s23] =	ssyncadd.s32 $0xFFFFFFFF  }
0xab: {  	s26 =	simm.s32 $execute0_lowered;
	[smem:$0x3FD2] =	sst s25  }
0xac: {  	s6 =	sshll.u32 s26, $0x1;
	_ =	strace $0x80000046;
	[dreg:$0x1] =	wrdreg $0xFFFFFFFF  }
0xad: {  	s28 =	simm.s32 $_size_execute0_lowered;
	s4 =	sadd.s32 s4, s6;
	[dreg:$0x0] =	wrdreg $0x0  }
0xae: {  	s6 =	sshll.u32 s28, $0x1;
	[dreg:$0x2] =	wrdreg s4  }
0xaf: {  	[dreg:$0x3] =	wrdreg s6  }
0xb0: {  	[dreg:$0x4] =	wrdreg $0xC0  }
0xb1: {  	_ =	task [dreg:s8], $0x5FFFF  }
0xb2: {  	[dreg:$0x1] =	wrdreg $0xFFFFFFFF  }
0xb3: {  	[dreg:$0x0] =	wrdreg $0x60  }
0xb4: {  	[dreg:$0x2] =	wrdreg s24  }
0xb5: {  	[dreg:$0x3] =	wrdreg s16  }
0xb6: {  	[dreg:$0x4] =	wrdreg s17  }
0xb7: {  	[dreg:$0x5] =	wrdreg $0x9  }
0xb8: {  	_ =	task.clear_ibuf [dreg:s8], $0x6FFFF;
	_ =	strace $0x90000046  }
0xb9: {  	s29 =	simm.s32 $0x9;
	_ =	strace $0x80000048  }
0xba: {  	_ =	swait.ge [sflag:s29], $0x1  }
0xbb: {  	[sflag:s29] =	ssyncadd.s32 $0xFFFFFFFF  }
0xbc: {  	_ =	strace $0x90000048  }
0xbd: {  	_ =	sfence  }
0xbe: {  	s30 =	sld [smem:$0x0];
	_ =	sdelay $0x2  }
0xbf: {  	s31 =	sshll.u32 s1, $0xD;
	s1 =	sshrl.u32 s1, $0x2  }
0xc0: {  	s3 =	sand.u32 $0x4000, s31;
	s1 =	sadd.s32 s1, s30  }
0xc1: {  	s0 =	sor.u32 s3, s0;
	s1 =	sshll.u32 s1, $0x11  }
0xc2: {  	s0 =	sor.u32 s1, s0  }
0xc3: {  	s0 =	sadd.s32 $0x8F2B, s0  }
0xc4: {  	[sflag:s0] =	ssyncadd.remote.s32 $0x1  }
0xc5: {  	_ =	sfence.sel $0xFFFF  }
0xc6: {  	[dreg:$0x0] =	wrdreg $0xFFFFFFFF;
	(pc) =	sbr.abs _section_cstart, $3  }
0xc7: {  	[dreg:$0x1] =	wrdreg $0xFFFFFFFF  }
0xc8: {  	_ =	task.clear_ibuf [dreg:s8], $0x2FFFF;
	_ =	strace $0x9FFFFFFF  }
0xc9: {  	(tm) =	ssettm $0x7FFFFFFF  }
tec
execute0_lowered:
.L_overlay_start_1:
0x0: {  	(tag) =	ssettag $0x1  }
0x1: {  	s0 =	rddreg [dreg:$0x0]  }
0x2: {  	s11 =	rddreg [dreg:$0x1];
	s2 =	srdreg.scid  }
0x3: {  	s12 =	rddreg [dreg:$0x2];
	s1 =	stileid.u32  }
0x4: {  	s15 =	simm.s32 $0x1000;
	s16 =	simm.s32 $0x2000;
	s17 =	simm.s32 $0x3000  }
0x5: {  	s18 =	simm.s32 $0x4000;
	s19 =	simm.s32 $0x5000;
	s20 =	simm.s32 $0x6000  }
0x6: {  	v55 =	vlaneseq.u32;
	s21 =	simm.s32 $0x7000;
	s3 =	sand.u32 $0x1, s2;
	s2 =	simm.s32 $0x0  }
0x7: {  	s22 =	simm.s32 $0x8000;
	s4 =	sshll.u32 s1, $0xA;
	v0 =	vor.u32 $0x380, v55;
	[smem:$0x7FF] =	sst s2  }
0x8: {  	v42 =	vor.u32 $0x80, v55;
	s5 =	sshll.u32 s3, $0x9;
	s3 =	ssub.s32 $0x2, s3;
	_ =	strace $0x80000047;
	[tilespmem:$0x1FF90] =	vst v0  }
0x9: {  	s23 =	simm.s32 $0x9000;
	v37 =	vor.u32 $0x100, v55;
	s13 =	sor.u32 s5, s4;
	s31 =	sshrl.u32 s3, $0x1;
	[tilespmem:$0x1FFA0] =	vst v42  }
0xa: {  	s24 =	simm.s32 $0x0;
	v60 =	vor.u32 $0x180, v55;
	[tilespmem:$0x1FFB0] =	vst v37;
	s0 =	sadd.s32 s13, s0;
	s14 =	ssub.s32 s3, s31  }
0xb: {  	v61 =	vor.u32 $0x200, v55;
	[tilespmem:$0x1FFC0] =	vst v60;
	s11 =	sadd.s32 s11, s13;
	s12 =	sadd.s32 s12, s13;
	s3 =	sadd.s32 $0xC00, s0  }
0xc: {  	v62 =	vor.u32 $0x280, v55;
	[tilespmem:$0x1FFD0] =	vst v61;
	s4 =	sadd.s32 $0x4C00, s0;
	s5 =	sadd.s32 $0x8C00, s0;
	s6 =	sadd.s32 $0xCC00, s0  }
0xd: {  	v47 =	vor.u32 $0x300, v55;
	[tilespmem:$0x1FFE0] =	vst v62;
	s7 =	sadd.s32 $0x10C00, s0;
	s8 =	sadd.s32 $0x14C00, s0;
	s9 =	sadd.s32 $0x18C00, s0  }
0xe: {  	v53 =	vimm.s32 $0x0;
	v63 =	vimm.s32 $0x2;
	v57 =	vimm.s32 $0x6;
	[tilespmem:$0x1FFF0] =	vst v47;
	s10 =	sadd.s32 $0x1CC00, s0;
	s13 =	smax.u32 s14, $0x1;
	s14 =	simm.s32 $0x1  }
.LBB2_1:
0xf: {  	[tilespmem:s2], [sflag:$0x1] =	stream.linear.gather [hbm4b:s3+s2], $0x1000, $0x38;
	[tilespmem:$0xA000] =	vst v63  }
0x10: {  	_ =	swait.ge [sflag:s14], $0x1000  }
0x11: {  	[sflag:s14] =	ssyncset.done $0x0  }
0x12: {  	[sflag:s14] =	ssyncadd.s32 $0xFFFFF000  }
0x13: {  	[tilespmem:s15], [sflag:$0x1] =	stream.linear.gather [hbm4b:s4+s2], $0x1000, $0x38;
	[tilespmem:$0xA000] =	vst v63  }
0x14: {  	_ =	swait.ge [sflag:s14], $0x1000  }
0x15: {  	[sflag:s14] =	ssyncset.done $0x0  }
0x16: {  	[sflag:s14] =	ssyncadd.s32 $0xFFFFF000  }
0x17: {  	[tilespmem:s16], [sflag:$0x1] =	stream.linear.gather [hbm4b:s5+s2], $0x1000, $0x38;
	[tilespmem:$0xA000] =	vst v63  }
0x18: {  	_ =	swait.ge [sflag:s14], $0x1000  }
0x19: {  	[sflag:s14] =	ssyncset.done $0x0  }
0x1a: {  	[sflag:s14] =	ssyncadd.s32 $0xFFFFF000  }
0x1b: {  	[tilespmem:s17], [sflag:$0x1] =	stream.linear.gather [hbm4b:s6+s2], $0x1000, $0x38;
	[tilespmem:$0xA000] =	vst v63  }
0x1c: {  	_ =	swait.ge [sflag:s14], $0x1000  }
0x1d: {  	[sflag:s14] =	ssyncset.done $0x0  }
0x1e: {  	[sflag:s14] =	ssyncadd.s32 $0xFFFFF000  }
0x1f: {  	[tilespmem:s18], [sflag:$0x1] =	stream.linear.gather [hbm4b:s7+s2], $0x1000, $0x38;
	[tilespmem:$0xA000] =	vst v63  }
0x20: {  	_ =	swait.ge [sflag:s14], $0x1000  }
0x21: {  	[sflag:s14] =	ssyncset.done $0x0  }
0x22: {  	[sflag:s14] =	ssyncadd.s32 $0xFFFFF000  }
0x23: {  	[tilespmem:s19], [sflag:$0x1] =	stream.linear.gather [hbm4b:s8+s2], $0x1000, $0x38;
	[tilespmem:$0xA000] =	vst v63  }
0x24: {  	_ =	swait.ge [sflag:s14], $0x1000  }
0x25: {  	[sflag:s14] =	ssyncset.done $0x0  }
0x26: {  	[sflag:s14] =	ssyncadd.s32 $0xFFFFF000  }
0x27: {  	[tilespmem:s20], [sflag:$0x1] =	stream.linear.gather [hbm4b:s9+s2], $0x1000, $0x38;
	[tilespmem:$0xA000] =	vst v63  }
0x28: {  	_ =	swait.ge [sflag:s14], $0x1000  }
0x29: {  	[sflag:s14] =	ssyncset.done $0x0  }
0x2a: {  	[sflag:s14] =	ssyncadd.s32 $0xFFFFF000  }
0x2b: {  	[tilespmem:s21], [sflag:$0x1] =	stream.linear.gather [hbm4b:s10+s2], $0x1000, $0x38;
	[tilespmem:$0xA000] =	vst v63  }
0x2c: {  	_ =	swait.ge [sflag:s14], $0x1000  }
0x2d: {  	[sflag:s14] =	ssyncset.done $0x0  }
0x2e: {  	s25 =	simm.s32 $0x0;
	s26 =	simm.s32 $0x0;
	[sflag:s14] =	ssyncadd.s32 $0xFFFFF000  }
.LBB2_2:
0x2f: {  	s0 =	sshll.u32 s26, $0x7  }
0x30: {  	s31 =	sand.u32 $0xFFFFFC00, s0;
	s0 =	sand.u32 $0x70, s25  }
0x31: {  	s28 =	sor.u32 s0, s31  }
0x32: {  	v0 =	vld [tilespmem:s28+$0x0]  }
0x33: {  	v1 =	vld [tilespmem:s28+$0x80]  }
0x34: {  	v2 =	vld [tilespmem:s28+$0x100]  }
0x35: {  	v4 =	vld [tilespmem:s28+$0x200]  }
0x36: {  	v5 =	vld [tilespmem:s28+$0x280]  }
0x37: {  	v6 =	vld [tilespmem:s28+$0x300]  }
0x38: {  	v8 =	vld [tilespmem:s28+$0x1000]  }
0x39: {  	v9 =	vld [tilespmem:s28+$0x1080]  }
0x3a: {  	v10 =	vld [tilespmem:s28+$0x1100]  }
0x3b: {  	v11 =	vld [tilespmem:s28+$0x1180]  }
0x3c: {  	v12 =	vld [tilespmem:s28+$0x1200]  }
0x3d: {  	v13 =	vld [tilespmem:s28+$0x1280]  }
0x3e: {  	v14 =	vld [tilespmem:s28+$0x1300]  }
0x3f: {  	v15 =	vld [tilespmem:s28+$0x1380]  }
0x40: {  	v16 =	vld [tilespmem:s28+$0x2000]  }
0x41: {  	v17 =	vld [tilespmem:s28+$0x2080]  }
0x42: {  	v18 =	vld [tilespmem:s28+$0x2100]  }
0x43: {  	v19 =	vld [tilespmem:s28+$0x2180]  }
0x44: {  	v20 =	vld [tilespmem:s28+$0x2200]  }
0x45: {  	v21 =	vld [tilespmem:s28+$0x2280]  }
0x46: {  	v22 =	vld [tilespmem:s28+$0x2300]  }
0x47: {  	v23 =	vld [tilespmem:s28+$0x2380]  }
0x48: {  	v24 =	vld [tilespmem:s28+$0x3000]  }
0x49: {  	v25 =	vld [tilespmem:s28+$0x3080]  }
0x4a: {  	v26 =	vld [tilespmem:s28+$0x3100]  }
0x4b: {  	v27 =	vld [tilespmem:s28+$0x3180]  }
0x4c: {  	v28 =	vld [tilespmem:s28+$0x3200]  }
0x4d: {  	v29 =	vld [tilespmem:s28+$0x3280]  }
0x4e: {  	v30 =	vld [tilespmem:s28+$0x3300]  }
0x4f: {  	v31 =	vld [tilespmem:s28+$0x3380]  }
0x50: {  	v32 =	vld [tilespmem:s28+$0x4000]  }
0x51: {  	v33 =	vld [tilespmem:s28+$0x4080]  }
0x52: {  	v34 =	vld [tilespmem:s28+$0x4100]  }
0x53: {  	v35 =	vld [tilespmem:s28+$0x4180]  }
0x54: {  	v36 =	vld [tilespmem:s28+$0x4200]  }
0x55: {  	v38 =	vld [tilespmem:s28+$0x4300]  }
0x56: {  	v39 =	vld [tilespmem:s28+$0x4380]  }
0x57: {  	v40 =	vld [tilespmem:s28+$0x5000]  }
0x58: {  	v41 =	vld [tilespmem:s28+$0x5080]  }
0x59: {  	v43 =	vld [tilespmem:s28+$0x5180]  }
0x5a: {  	v44 =	vld [tilespmem:s28+$0x5200]  }
0x5b: {  	v45 =	vld [tilespmem:s28+$0x5280]  }
0x5c: {  	v46 =	vld [tilespmem:s28+$0x5300]  }
0x5d: {  	v48 =	vld [tilespmem:s28+$0x6000]  }
0x5e: {  	v49 =	vld [tilespmem:s28+$0x6080]  }
0x5f: {  	v50 =	vld [tilespmem:s28+$0x6100]  }
0x60: {  	s29 =	sadd.s32 s31, s25;
	v51 =	vld [tilespmem:s28+$0x6180]  }
0x61: {  	s30 =	sor.u32 $0x180, s29;
	v52 =	vld [tilespmem:s28+$0x6200]  }
0x62: {  	s29 =	sor.u32 $0x380, s29;
	v3 =	vld [tilespmem:s30+$0x0]  }
0x63: {  	v7 =	vld [tilespmem:s29+$0x0]  }
0x64: {  	v56 =	vmov v37;
	v37 =	vld [tilespmem:s28+$0x4280];
	v0 =	vmax.f32 v0, v1  }
0x65: {  	v58 =	vmovc v42;
	v42 =	vld [tilespmem:s28+$0x5100];
	v1 =	vmax.f32 v8, v9;
	v13 =	vmax.f32 v12, v13;
	v14 =	vmax.f32 v14, v15  }
0x66: {  	v54 =	vmovc v47;
	v47 =	vld [tilespmem:s28+$0x5380];
	v17 =	vmax.f32 v16, v17;
	v19 =	vmax.f32 v18, v19;
	v21 =	vmax.f32 v20, v21  }
0x67: {  	v9 =	vld [tilespmem:s28+$0x6380];
	v22 =	vmax.f32 v22, v23;
	v25 =	vmax.f32 v24, v25;
	v27 =	vmax.f32 v26, v27  }
0x68: {  	v29 =	vmax.f32 v28, v29;
	v31 =	vmax.f32 v30, v31;
	v26 =	vld [tilespmem:s28+$0x7280];
	v28 =	vmax.f32 v34, v35  }
0x69: {  	v30 =	vld [tilespmem:s28+$0x7300];
	v35 =	vmax.f32 v44, v45;
	v59 =	vmax.f32 v2, v3;
	v2 =	vmax.f32 v4, v5  }
0x6a: {  	v3 =	vld [tilespmem:s28+$0x6280];
	v4 =	vmax.f32 v6, v7;
	v15 =	vmax.f32 v13, v14;
	v23 =	vmax.f32 v21, v22  }
0x6b: {  	v5 =	vld [tilespmem:s28+$0x6300];
	v24 =	vmax.f32 v25, v27;
	v25 =	vmax.f32 v29, v31;
	v27 =	vmax.f32 v32, v33  }
0x6c: {  	v6 =	vld [tilespmem:s28+$0x7000];
	v29 =	vmax.f32 v36, v37;
	v31 =	vmax.f32 v38, v39;
	v32 =	vmax.f32 v40, v41  }
0x6d: {  	v33 =	vld [tilespmem:s28+$0x7380];
	v34 =	vmax.f32 v42, v43;
	v36 =	vmax.f32 v46, v47;
	v40 =	vmax.f32 v48, v49  }
0x6e: {  	v41 =	vmax.f32 v50, v51;
	v0 =	vmax.f32 v0, v59;
	v2 =	vmax.f32 v2, v4;
	v4 =	vld [tilespmem:s28+$0x7080]  }
0x6f: {  	v59 =	vmax.f32 v10, v11;
	v11 =	vld [tilespmem:s28+$0x7100];
	v13 =	vmax.f32 v27, v28;
	v16 =	vmax.f32 v29, v31  }
0x70: {  	v10 =	vld [tilespmem:s28+$0x7180];
	v14 =	vmax.f32 v32, v34;
	v37 =	vmax.f32 v35, v36;
	v7 =	vmax.f32 v24, v25  }
0x71: {  	v42 =	vmax.f32 v40, v41;
	v1 =	vmax.f32 v1, v59;
	v0 =	vmax.f32 v0, v2;
	v59 =	vld [tilespmem:s28+$0x7200]  }
0x72: {  	v2 =	vmax.f32 v17, v19;
	v38 =	vmax.f32 v13, v16;
	v39 =	vmax.f32 v14, v37  }
0x73: {  	v1 =	vmax.f32 v1, v15;
	v2 =	vmax.f32 v2, v23;
	vm1 =	vgt.f32 v39, v38  }
0x74: {  	vm0 =	vgt.f32 v1, v0;
	vm14 =	vgt.f32 v7, v2;
	v51 =	vsel vm1, v39, v38  }
0x75: {  	v3 =	vmax.f32 v52, v3;
	v5 =	vmax.f32 v5, v9;
	v45 =	vmax.f32 v30, v33  }
0x76: {  	v4 =	vmax.f32 v6, v4;
	v43 =	vmax.f32 v11, v10;
	v44 =	vmax.f32 v59, v26  }
0x77: {  	v3 =	vmax.f32 v3, v5;
	v4 =	vmax.f32 v4, v43;
	v46 =	vmax.f32 v44, v45  }
0x78: {  	v47 =	vsel vm0, v1, v0;
	v3 =	vmax.f32 v42, v3;
	v4 =	vmax.f32 v4, v46  }
0x79: {  	v48 =	vsel vm0, $0x1, v53;
	v49 =	vsel vm14, v7, v2;
	vm2 =	vgt.f32 v4, v3  }
0x7a: {  	v50 =	vsel vm14, $0x3, v63;
	vm15 =	vgt.f32 v49, v47;
	v52 =	vsel vm2, v4, v3  }
0x7b: {  	v59 =	vimm.s32 $0x4;
	v5 =	vsel vm15, v49, v47;
	vm4 =	vgt.f32 v52, v51  }
0x7c: {  	v20 =	vsel vm1, $0x5, v59;
	v21 =	vsel vm2, $0x7, v57;
	v22 =	vsel vm4, v52, v51  }
0x7d: {  	v6 =	vsel vm15, v50, v48;
	v23 =	vsel vm4, v21, v20;
	vm5 =	vgt.f32 v22, v5  }
0x7e: {  	v5 =	vsel vm5, v23, v6  }
0x7f: {  	vm0 =	veq.s32 v5, $0x0;
	vm6 =	veq.s32 v5, $0x1  }
0x80: {  	vm7 =	veq.s32 v5, $0x2;
	vm8 =	veq.s32 v5, $0x3;
	vm9 =	veq.s32 v5, $0x4  }
0x81: {  	vm10 =	veq.s32 v5, $0x5;
	vm11 =	veq.s32 v5, $0x6;
	vm12 =	veq.s32 v5, $0x7  }
0x82: {  	v0 =	vsel vm0, $0xBF800000, v0;
	v1 =	vsel vm6, $0xBF800000, v1;
	v2 =	vsel vm7, $0xBF800000, v2  }
0x83: {  	v24 =	vsel vm8, $0xBF800000, v7;
	v25 =	vsel vm9, $0xBF800000, v38;
	v26 =	vsel vm10, $0xBF800000, v39  }
0x84: {  	v3 =	vsel vm11, $0xBF800000, v3;
	v4 =	vsel vm12, $0xBF800000, v4;
	vm13 =	vgt.f32 v1, v0  }
0x85: {  	vm14 =	vgt.f32 v24, v2;
	vm15 =	vgt.f32 v26, v25;
	vm4 =	vgt.f32 v4, v3  }
0x86: {  	v27 =	vsel vm13, v1, v0;
	v28 =	vsel vm13, $0x1, v53;
	v29 =	vsel vm14, v24, v2  }
0x87: {  	v30 =	vsel vm14, $0x3, v63;
	v13 =	vsel vm15, v26, v25;
	v31 =	vsel vm4, v4, v3  }
0x88: {  	v32 =	vsel vm15, $0x5, v59;
	vm5 =	vgt.f32 v29, v27;
	vm6 =	vgt.f32 v31, v13  }
0x89: {  	v33 =	vsel vm4, $0x7, v57;
	v9 =	vsel vm5, v29, v27;
	v34 =	vsel vm6, v31, v13  }
0x8a: {  	v10 =	vsel vm5, v30, v28;
	v35 =	vsel vm6, v33, v32;
	vm7 =	vgt.f32 v34, v9  }
0x8b: {  	v9 =	vsel vm7, v35, v10  }
0x8c: {  	vm0 =	veq.s32 v9, $0x0;
	vm8 =	veq.s32 v9, $0x1  }
0x8d: {  	vm9 =	veq.s32 v9, $0x2;
	vm10 =	veq.s32 v9, $0x3;
	vm11 =	veq.s32 v9, $0x4  }
0x8e: {  	vm12 =	veq.s32 v9, $0x5;
	vm13 =	veq.s32 v9, $0x6;
	vm14 =	veq.s32 v9, $0x7  }
0x8f: {  	v0 =	vsel vm0, $0xBF800000, v0;
	v1 =	vsel vm8, $0xBF800000, v1;
	v2 =	vsel vm9, $0xBF800000, v2  }
0x90: {  	v6 =	vsel vm10, $0xBF800000, v24;
	v7 =	vsel vm11, $0xBF800000, v25;
	v8 =	vsel vm12, $0xBF800000, v26  }
0x91: {  	v3 =	vsel vm13, $0xBF800000, v3;
	v4 =	vsel vm14, $0xBF800000, v4;
	vm15 =	vgt.f32 v1, v0  }
0x92: {  	vm4 =	vgt.f32 v6, v2;
	vm5 =	vgt.f32 v8, v7;
	vm6 =	vgt.f32 v4, v3  }
0x93: {  	v36 =	vsel vm15, v1, v0;
	v37 =	vsel vm15, $0x1, v53;
	v38 =	vsel vm4, v6, v2  }
0x94: {  	v39 =	vsel vm4, $0x3, v63;
	v40 =	vsel vm5, v8, v7;
	v41 =	vsel vm6, v4, v3  }
0x95: {  	v42 =	vsel vm5, $0x5, v59;
	vm7 =	vgt.f32 v38, v36;
	vm8 =	vgt.f32 v41, v40  }
0x96: {  	v43 =	vsel vm6, $0x7, v57;
	v10 =	vsel vm7, v38, v36;
	v44 =	vsel vm8, v41, v40  }
0x97: {  	v11 =	vsel vm7, v39, v37;
	v45 =	vsel vm8, v43, v42;
	vm9 =	vgt.f32 v44, v10  }
0x98: {  	v10 =	vsel vm9, v45, v11  }
0x99: {  	vm0 =	veq.s32 v10, $0x0;
	vm10 =	veq.s32 v10, $0x1  }
0x9a: {  	vm11 =	veq.s32 v10, $0x2;
	vm12 =	veq.s32 v10, $0x3;
	vm13 =	veq.s32 v10, $0x4  }
0x9b: {  	vm14 =	veq.s32 v10, $0x5;
	vm15 =	veq.s32 v10, $0x6;
	vm4 =	veq.s32 v10, $0x7  }
0x9c: {  	v0 =	vsel vm0, $0xBF800000, v0;
	v1 =	vsel vm10, $0xBF800000, v1;
	v2 =	vsel vm11, $0xBF800000, v2  }
0x9d: {  	v6 =	vsel vm12, $0xBF800000, v6;
	v7 =	vsel vm13, $0xBF800000, v7;
	v8 =	vsel vm14, $0xBF800000, v8  }
0x9e: {  	v3 =	vsel vm15, $0xBF800000, v3;
	v4 =	vsel vm4, $0xBF800000, v4;
	vm5 =	vgt.f32 v1, v0  }
0x9f: {  	vm6 =	vgt.f32 v6, v2;
	vm7 =	vgt.f32 v8, v7;
	vm8 =	vgt.f32 v4, v3  }
0xa0: {  	v0 =	vsel vm5, v1, v0;
	v46 =	vsel vm5, $0x1, v53;
	v2 =	vsel vm6, v6, v2  }
0xa1: {  	v47 =	vsel vm6, $0x3, v63;
	v7 =	vsel vm7, v8, v7;
	v3 =	vsel vm8, v4, v3  }
0xa2: {  	v48 =	vsel vm7, $0x5, v59;
	vm9 =	vgt.f32 v2, v0;
	vm10 =	vgt.f32 v3, v7  }
0xa3: {  	v49 =	vsel vm8, $0x7, v57;
	v0 =	vsel vm9, v2, v0;
	v50 =	vsel vm10, v3, v7  }
0xa4: {  	v1 =	vsel vm9, v47, v46;
	v51 =	vsel vm10, v49, v48;
	vm11 =	vgt.f32 v50, v0  }
0xa5: {  	v0 =	vsel vm11, v51, v1  }
0xa6: {  	v52 =	vmin.u32 v5, v9;
	v3 =	vmin.u32 v10, v0  }
0xa7: {  	v57 =	vmin.u32 v52, v3  }
0xa8: {  	v53 =	vmax.u32 v5, v9;
	v20 =	vshll.u32 v57, $0xC  }
0xa9: {  	v4 =	vor.u32 s0, v55;
	v5 =	vor.u32 s0, v58;
	v2 =	vadd.s32 s31, v20  }
0xaa: {  	v9 =	vor.u32 s0, v56;
	v0 =	vmax.u32 v10, v0;
	v21 =	vor.u32 v2, v4  }
0xab: {  	v59 =	vmin.u32 v53, v0;
	v32 =	vmax.u32 v53, v0;
	v53 =	vld [tilespmem:$0x1FF90];
	v22 =	vor.u32 v2, v5  }
0xac: {  	v10 =	vor.u32 s0, v60;
	v23 =	vor.u32 v2, v9  }
0xad: {  	v11 =	vor.u32 s0, v61;
	v1 =	vmax.u32 v52, v3;
	v24 =	vor.u32 v2, v10  }
0xae: {  	v13 =	vor.u32 s0, v62;
	v63 =	vmin.u32 v59, v1;
	v25 =	vor.u32 v2, v11  }
0xaf: {  	v14 =	vor.u32 s0, v54;
	v0 =	vshll.u32 v63, $0xC;
	v26 =	vor.u32 v2, v13;
	v52 =	vld.idx.msk [tilespmem:v21+s2+$0x0], $0xffff  }
0xb0: {  	v38 =	vor.u32 v2, v14;
	v54 =	vadd.s32 s31, v0;
	v17 =	vor.u32 s0, v53;
	v53 =	vld.idx.msk [tilespmem:v22+s2+$0x0], $0xffff  }
0xb1: {  	v1 =	vmax.u32 v59, v1;
	v46 =	vshll.u32 v57, $0x3;
	v55 =	vor.u32 v54, v4;
	v60 =	vld.idx.msk [tilespmem:v23+s2+$0x0], $0xffff  }
0xb2: {  	v37 =	vshll.u32 v1, $0x3;
	v1 =	vshll.u32 v1, $0xC;
	v62 =	vor.u32 v54, v9;
	v6 =	vld.idx.msk [tilespmem:v24+s2+$0x0], $0xffff  }
0xb3: {  	v57 =	vshll.u32 v32, $0xC;
	v31 =	vadd.s32 s31, v1;
	v28 =	vor.u32 v54, v11;
	v7 =	vld.idx.msk [tilespmem:v25+s2+$0x0], $0xffff  }
0xb4: {  	v43 =	vshll.u32 v63, $0x3;
	v33 =	vor.u32 $0x1, v46;
	v45 =	vor.u32 v31, v4;
	v3 =	vld.idx.msk [tilespmem:v26+s2+$0x0], $0xffff  }
0xb5: {  	v34 =	vor.u32 $0x2, v46;
	v36 =	vor.u32 $0x3, v46;
	v49 =	vor.u32 v31, v5;
	v0 =	vld.idx.msk [tilespmem:v38+s2+$0x0], $0xffff  }
0xb6: {  	v35 =	vor.u32 $0x4, v46;
	v29 =	vor.u32 $0x5, v46;
	v2 =	vor.u32 v2, v17;
	v48 =	vld.idx.msk [tilespmem:v55+s2+$0x0], $0xffff  }
0xb7: {  	v42 =	vor.u32 $0x6, v46;
	v47 =	vor.u32 $0x7, v46;
	v61 =	vor.u32 v54, v5;
	v55 =	vld.idx.msk [tilespmem:v62+s2+$0x0], $0xffff  }
0xb8: {  	v30 =	vor.u32 $0x1, v43;
	v41 =	vor.u32 $0x2, v43;
	v63 =	vor.u32 v54, v10;
	v8 =	vld.idx.msk [tilespmem:v28+s2+$0x0], $0xffff  }
0xb9: {  	v50 =	vor.u32 $0x3, v43;
	v51 =	vor.u32 $0x4, v43;
	v20 =	vor.u32 v31, v10;
	v45 =	vld.idx.msk [tilespmem:v45+s2+$0x0], $0xffff  }
0xba: {  	[tilespmem:$0x1FE30] =	vst v29;
	v44 =	vor.u32 $0x5, v43;
	v58 =	vor.u32 $0x6, v43;
	v15 =	vor.u32 v54, v13;
	v49 =	vld.idx.msk [tilespmem:v49+s2+$0x0], $0xffff  }
0xbb: {  	v59 =	vor.u32 $0x7, v43;
	v39 =	vor.u32 $0x1, v37;
	[tilespmem:$0x1FE70] =	vst v30;
	v16 =	vor.u32 v54, v14;
	v1 =	vld.idx.msk [tilespmem:v2+s2+$0x0], $0xffff  }
0xbc: {  	v40 =	vor.u32 $0x2, v37;
	[tilespmem:$0x1FE80] =	vst v41;
	v23 =	vor.u32 v31, v9;
	v2 =	vor.u32 v54, v17;
	v54 =	vld.idx.msk [tilespmem:v61+s2+$0x0], $0xffff  }
0xbd: {  	[tilespmem:$0x1FE90] =	vst v50;
	v38 =	vor.u32 $0x3, v37;
	v24 =	vor.u32 v31, v11;
	v25 =	vor.u32 v31, v13;
	v61 =	vld.idx.msk [tilespmem:v63+s2+$0x0], $0xffff  }
0xbe: {  	[tilespmem:$0x1FEE0] =	vst v39;
	v21 =	vor.u32 v31, v14;
	v22 =	vor.u32 v31, v17;
	v63 =	vadd.s32 s31, v57;
	v57 =	vld.idx.msk [tilespmem:v20+s2+$0x0], $0xffff  }
0xbf: {  	v12 =	vor.u32 v63, v4;
	v5 =	vor.u32 v63, v5;
	v27 =	vor.u32 v63, v9;
	v9 =	vld.idx.msk [tilespmem:v15+s2+$0x0], $0xffff  }
0xc0: {  	v15 =	vor.u32 v63, v10;
	v28 =	vor.u32 v63, v11;
	v13 =	vor.u32 v63, v13;
	v4 =	vld.idx.msk [tilespmem:v16+s2+$0x0], $0xffff  }
0xc1: {  	v16 =	vor.u32 v63, v14;
	v17 =	vor.u32 v63, v17;
	vm12 =	vgt.f32 v53, v52;
	v56 =	vld.idx.msk [tilespmem:v23+s2+$0x0], $0xffff  }
0xc2: {  	vm13 =	vgt.f32 v6, v60;
	vm14 =	vgt.f32 v3, v7;
	v62 =	vld.idx.msk [tilespmem:v24+s2+$0x0], $0xffff;
	v10 =	vsel vm12, v53, v52  }
0xc3: {  	v63 =	vld.idx.msk [tilespmem:v21+s2+$0x0], $0xffff;
	v11 =	vsel vm12, v33, v46;
	v14 =	vsel vm13, v6, v60;
	v18 =	vsel vm13, v36, v34  }
0xc4: {  	v19 =	vsel vm14, v3, v7;
	vm11 =	vgt.f32 v49, v45;
	vm6 =	vgt.f32 v14, v10;
	v2 =	vld.idx.msk [tilespmem:v2+s2+$0x0], $0xffff  }
0xc5: {  	v26 =	vsel vm14, v29, v35;
	v39 =	vsel vm11, v39, v37;
	v31 =	vsel vm6, v14, v10;
	v10 =	vld.idx.msk [tilespmem:v25+s2+$0x0], $0xffff  }
0xc6: {  	vm15 =	vgt.f32 v1, v0;
	vm5 =	vgt.f32 v61, v55;
	v18 =	vsel vm6, v18, v11;
	v11 =	vld.idx.msk [tilespmem:v22+s2+$0x0], $0xffff  }
0xc7: {  	vm4 =	vgt.f32 v54, v48;
	v23 =	vsel vm15, v1, v0;
	v25 =	vsel vm5, v50, v41;
	v50 =	vld.idx.msk [tilespmem:v12+s2+$0x0], $0xffff  }
0xc8: {  	v29 =	vsel vm15, v47, v42;
	v20 =	vsel vm4, v54, v48;
	v24 =	vsel vm4, v30, v43;
	v12 =	vld.idx.msk [tilespmem:v13+s2+$0x0], $0xffff  }
0xc9: {  	[tilespmem:$0x1FEA0] =	vst v51;
	v30 =	vsel vm5, v61, v55;
	vm7 =	vgt.f32 v9, v8;
	v13 =	vld.idx.msk [tilespmem:v16+s2+$0x0], $0xffff;
	v16 =	vor.u32 $0x5, v37  }
0xca: {  	[tilespmem:$0x1FEB0] =	vst v44;
	vm8 =	vgt.f32 v23, v19;
	v21 =	vsel vm7, v9, v8;
	v22 =	vsel vm7, v44, v51  }
0xcb: {  	vm10 =	vgt.f32 v30, v20;
	v51 =	vld.idx.msk [tilespmem:v5+s2+$0x0], $0xffff;
	vm12 =	vgt.f32 v57, v56;
	v19 =	vsel vm8, v23, v19  }
0xcc: {  	v5 =	vld.idx.msk [tilespmem:v17+s2+$0x0], $0xffff;
	v23 =	vsel vm8, v29, v26;
	v20 =	vsel vm10, v30, v20;
	v24 =	vsel vm10, v25, v24  }
0xcd: {  	[tilespmem:$0x1FEC0] =	vst v58;
	vm9 =	vgt.f32 v2, v4;
	vm3 =	vgt.f32 v10, v62;
	vm4 =	vgt.f32 v11, v63  }
0xce: {  	[tilespmem:$0x1FED0] =	vst v59;
	v41 =	vsel vm9, v2, v4;
	v44 =	vsel vm9, v59, v58;
	v59 =	vsel vm11, v49, v45  }
0xcf: {  	v58 =	vld.idx.msk [tilespmem:v27+s2+$0x0], $0xffff;
	v27 =	vsel vm12, v57, v56;
	v29 =	vsel vm3, v10, v62;
	v30 =	vsel vm4, v11, v63  }
0xd0: {  	vm11 =	vgt.f32 v19, v31;
	vm13 =	vgt.f32 v41, v21;
	vm14 =	vgt.f32 v27, v59  }
0xd1: {  	vm5 =	vgt.f32 v30, v29;
	vm15 =	vgt.f32 v51, v50;
	vm9 =	vgt.f32 v5, v13  }
0xd2: {  	v14 =	vld.idx.msk [tilespmem:v15+s2+$0x0], $0xffff;
	v19 =	vsel vm11, v19, v31;
	v18 =	vsel vm11, v23, v18;
	v15 =	vsel vm13, v41, v21  }
0xd3: {  	v21 =	vsel vm13, v44, v22;
	v22 =	vsel vm14, v27, v59;
	v41 =	vsel vm12, v38, v40  }
0xd4: {  	v59 =	vld.idx.msk [tilespmem:v28+s2+$0x0], $0xffff;
	v26 =	vsel vm5, v30, v29;
	v28 =	vor.u32 $0x4, v37;
	v44 =	vor.u32 $0x6, v37  }
0xd5: {  	v30 =	vor.u32 $0x7, v37;
	v27 =	vsel vm15, v51, v50;
	v29 =	vsel vm9, v5, v13  }
0xd6: {  	[tilespmem:$0x1FF10] =	vst v16;
	v25 =	vsel vm14, v41, v39;
	v16 =	vsel vm3, v16, v28;
	v17 =	vsel vm4, v30, v44  }
0xd7: {  	[tilespmem:$0x1FEF0] =	vst v40;
	v41 =	vshll.u32 v32, $0x3;
	vm12 =	vgt.f32 v15, v20;
	vm13 =	vgt.f32 v26, v22  }
0xd8: {  	[tilespmem:$0x1FF20] =	vst v44;
	v16 =	vsel vm5, v17, v16;
	v32 =	vor.u32 $0x1, v41;
	v44 =	vor.u32 $0x2, v41  }
0xd9: {  	[tilespmem:$0x1FD10] =	vst v38;
	v39 =	vmovc v37;
	v37 =	vor.u32 $0x3, v41;
	v15 =	vsel vm12, v15, v20;
	vm6 =	vgt.f32 v14, v58  }
0xda: {  	[tilespmem:$0x1FF00] =	vst v28;
	v31 =	vsel vm13, v26, v22;
	v16 =	vsel vm13, v16, v25;
	v38 =	vsel vm6, v14, v58  }
0xdb: {  	[tilespmem:$0x1FF50] =	vst v44;
	v40 =	vsel vm6, v37, v44;
	v44 =	vor.u32 $0x4, v41;
	vm8 =	vgt.f32 v12, v59  }
0xdc: {  	[tilespmem:$0x1FD20] =	vst v37;
	v37 =	vor.u32 $0x5, v41;
	vm7 =	vgt.f32 v38, v27;
	v28 =	vsel vm8, v12, v59  }
0xdd: {  	v17 =	vsel vm7, v38, v27;
	v38 =	vsel vm15, v32, v41;
	vm10 =	vgt.f32 v29, v28  }
0xde: {  	[tilespmem:$0x1FF30] =	vst v30;
	v30 =	vsel vm8, v37, v44;
	v27 =	vsel vm7, v40, v38;
	v28 =	vsel vm10, v29, v28  }
0xdf: {  	v40 =	vor.u32 $0x6, v41;
	v38 =	vor.u32 $0x7, v41;
	vm14 =	vgt.f32 v28, v17  }
0xe0: {  	[tilespmem:$0x1FD30] =	vst v44;
	vm15 =	vgt.f32 v15, v19;
	v44 =	vsel vm9, v38, v40;
	v17 =	vsel vm14, v28, v17  }
0xe1: {  	v19 =	vsel vm15, v15, v19;
	v44 =	vsel vm10, v44, v30;
	vm4 =	vgt.f32 v17, v31  }
0xe2: {  	[tilespmem:$0x1FF40] =	vst v32;
	v30 =	vsel vm12, v21, v24;
	v32 =	vsel vm14, v44, v27;
	v17 =	vsel vm4, v17, v31  }
0xe3: {  	v44 =	vsel vm15, v30, v18;
	v16 =	vsel vm4, v32, v16;
	vm0 =	vgt.f32 v17, v19  }
0xe4: {  	v44 =	vsel vm0, v16, v44  }
0xe5: {  	vm5 =	veq.s32 v46, v44;
	vm6 =	veq.s32 v33, v44;
	vm7 =	veq.s32 v34, v44  }
0xe6: {  	vm8 =	veq.s32 v36, v44;
	vm9 =	veq.s32 v35, v44;
	vm11 =	veq.s32 v42, v44  }
0xe7: {  	[tilespmem:$0x1FCA0] =	vst v17;
	vm12 =	veq.s32 v47, v44;
	v15 =	vsel vm5, $0xBF800000, v52;
	v17 =	vsel vm7, $0xBF800000, v60;
	v60 =	vld [tilespmem:$0x1FE30]  }
0xe8: {  	v27 =	vld [tilespmem:$0x1FE80];
	v16 =	vsel vm6, $0xBF800000, v53;
	v6 =	vsel vm8, $0xBF800000, v6;
	v7 =	vsel vm9, $0xBF800000, v7  }
0xe9: {  	v28 =	vld [tilespmem:$0x1FE90];
	v0 =	vsel vm11, $0xBF800000, v0;
	v1 =	vsel vm12, $0xBF800000, v1;
	vm11 =	veq.s32 v43, v44  }
0xea: {  	v52 =	vld [tilespmem:$0x1FE70];
	vm13 =	vgt.f32 v16, v15;
	vm14 =	vgt.f32 v6, v17;
	vm9 =	vgt.f32 v1, v0  }
0xeb: {  	[tilespmem:$0x1FDF0] =	vst v33;
	v53 =	vld [tilespmem:$0x1FED0];
	v18 =	vsel vm11, $0xBF800000, v48;
	v23 =	vsel vm13, v16, v15;
	v24 =	vsel vm14, v6, v17  }
0xec: {  	[tilespmem:$0x1FE00] =	vst v34;
	v32 =	vsel vm9, v1, v0;
	v33 =	vsel vm13, v33, v46;
	vm10 =	veq.s32 v60, v44  }
0xed: {  	[tilespmem:$0x1FE40] =	vst v42;
	v48 =	vld [tilespmem:$0x1FEC0];
	v34 =	vsel vm14, v36, v34;
	v42 =	vsel vm9, v47, v42;
	v3 =	vsel vm10, $0xBF800000, v3  }
0xee: {  	vm13 =	veq.s32 v27, v44;
	vm14 =	veq.s32 v28, v44;
	vm15 =	vgt.f32 v3, v7  }
0xef: {  	v20 =	vsel vm13, $0xBF800000, v55;
	v21 =	vsel vm14, $0xBF800000, v61;
	v25 =	vsel vm15, v3, v7  }
0xf0: {  	[tilespmem:$0x1FE50] =	vst v47;
	v47 =	vld [tilespmem:$0x1FEB0];
	vm12 =	veq.s32 v52, v44;
	vm8 =	veq.s32 v53, v44;
	vm6 =	vgt.f32 v32, v25  }
0xf1: {  	[tilespmem:$0x1FCB0] =	vst v19;
	vm10 =	vgt.f32 v24, v23;
	v19 =	vsel vm12, $0xBF800000, v54;
	v30 =	vsel vm6, v32, v25;
	v32 =	vld [tilespmem:$0x1FEA0]  }
0xf2: {  	vm7 =	veq.s32 v48, v44;
	v2 =	vsel vm8, $0xBF800000, v2;
	v26 =	vsel vm10, v24, v23  }
0xf3: {  	v29 =	vsel vm10, v34, v33;
	vm9 =	vgt.f32 v19, v18;
	vm10 =	vgt.f32 v21, v20  }
0xf4: {  	v4 =	vsel vm7, $0xBF800000, v4;
	v54 =	vsel vm9, v19, v18;
	v55 =	vsel vm10, v21, v20  }
0xf5: {  	[tilespmem:$0x1FE10] =	vst v36;
	v36 =	vsel vm15, v60, v35;
	vm12 =	vgt.f32 v2, v4;
	vm13 =	vgt.f32 v55, v54  }
0xf6: {  	v31 =	vsel vm6, v42, v36;
	vm6 =	veq.s32 v47, v44;
	v36 =	vld [tilespmem:$0x1FF00];
	vm15 =	veq.s32 v32, v44  }
0xf7: {  	v42 =	vsel vm9, v52, v43;
	v9 =	vsel vm6, $0xBF800000, v9;
	v8 =	vsel vm15, $0xBF800000, v8  }
0xf8: {  	[tilespmem:$0x1FE60] =	vst v43;
	v61 =	vsel vm12, v2, v4;
	v43 =	vsel vm10, v28, v27;
	vm11 =	vgt.f32 v9, v8  }
0xf9: {  	[tilespmem:$0x1FE20] =	vst v35;
	v48 =	vsel vm12, v53, v48;
	v35 =	vsel vm13, v43, v42;
	v43 =	vld [tilespmem:$0x1FD10];
	v60 =	vsel vm11, v9, v8  }
0xfa: {  	v42 =	vmovc v39;
	vm15 =	veq.s32 v39, v44;
	v39 =	vld [tilespmem:$0x1FF10];
	v47 =	vsel vm11, v47, v32;
	vm14 =	vgt.f32 v61, v60  }
0xfb: {  	vm9 =	veq.s32 v36, v44;
	v53 =	vsel vm14, v48, v47;
	v47 =	vld [tilespmem:$0x1FEF0]  }
0xfc: {  	v27 =	vsel vm9, $0xBF800000, v62;
	v62 =	vld [tilespmem:$0x1FF20]  }
0xfd: {  	v48 =	vld [tilespmem:$0x1FEE0]  }
0xfe: {  	v34 =	vsel vm13, v55, v54;
	vm8 =	veq.s32 v43, v44  }
0xff: {  	v22 =	vsel vm15, $0xBF800000, v45;
	v25 =	vsel vm8, $0xBF800000, v57;
	vm10 =	veq.s32 v39, v44  }
0x100: {  	v52 =	vsel vm14, v61, v60;
	v10 =	vsel vm10, $0xBF800000, v10;
	vm7 =	veq.s32 v47, v44  }
0x101: {  	vm11 =	veq.s32 v62, v44;
	vm9 =	vgt.f32 v10, v27;
	v24 =	vsel vm7, $0xBF800000, v56;
	v56 =	vld [tilespmem:$0x1FF30]  }
0x102: {  	v61 =	vld [tilespmem:$0x1FF50];
	v28 =	vsel vm11, $0xBF800000, v63;
	v32 =	vsel vm9, v10, v27;
	vm6 =	veq.s32 v48, v44  }
0x103: {  	v60 =	vsel vm9, v39, v36;
	v23 =	vsel vm6, $0xBF800000, v49;
	vm13 =	vgt.f32 v25, v24  }
0x104: {  	vm9 =	veq.s32 v37, v44;
	vm12 =	vgt.f32 v23, v22;
	v57 =	vsel vm13, v43, v47;
	v43 =	vld [tilespmem:$0x1FF40]  }
0x105: {  	vm11 =	veq.s32 v41, v44;
	v63 =	vmovc v42;
	v12 =	vsel vm9, $0xBF800000, v12;
	v48 =	vsel vm12, v48, v42;
	v42 =	vld [tilespmem:$0x1FD20]  }
0x106: {  	v54 =	vsel vm12, v23, v22;
	v55 =	vsel vm13, v25, v24;
	vm14 =	veq.s32 v56, v44  }
0x107: {  	vm13 =	veq.s32 v61, v44;
	vm15 =	vgt.f32 v55, v54;
	v11 =	vsel vm14, $0xBF800000, v11  }
0x108: {  	v45 =	vsel vm15, v55, v54;
	v54 =	vsel vm15, v57, v48;
	vm10 =	vgt.f32 v11, v28  }
0x109: {  	v48 =	vsel vm13, $0xBF800000, v58;
	vm12 =	veq.s32 v43, v44;
	v33 =	vsel vm10, v11, v28  }
0x10a: {  	vm14 =	veq.s32 v42, v44;
	v36 =	vsel vm10, v56, v62;
	vm7 =	vgt.f32 v33, v32  }
0x10b: {  	v55 =	vsel vm7, v33, v32;
	v32 =	vsel vm11, $0xBF800000, v50;
	v50 =	vsel vm7, v36, v60;
	v36 =	vld [tilespmem:$0x1FD30]  }
0x10c: {  	v14 =	vsel vm14, $0xBF800000, v14;
	vm10 =	veq.s32 v40, v44;
	vm14 =	vgt.f32 v30, v26  }
0x10d: {  	vm2 =	vgt.f32 v14, v48;
	v13 =	vsel vm10, $0xBF800000, v13;
	v26 =	vsel vm14, v30, v26  }
0x10e: {  	v29 =	vsel vm14, v31, v29;
	v33 =	vsel vm12, $0xBF800000, v51;
	v47 =	vsel vm2, v14, v48  }
0x10f: {  	vm11 =	veq.s32 v38, v44;
	v42 =	vsel vm2, v42, v61;
	vm1 =	vgt.f32 v33, v32  }
0x110: {  	v5 =	vsel vm11, $0xBF800000, v5;
	vm6 =	vgt.f32 v55, v45;
	vm15 =	veq.s32 v36, v44  }
0x111: {  	v51 =	vsel vm1, v33, v32;
	vm5 =	vgt.f32 v5, v13;
	v49 =	vsel vm15, $0xBF800000, v59  }
0x112: {  	v60 =	vsel vm1, v43, v41;
	vm8 =	vgt.f32 v47, v51;
	vm12 =	vgt.f32 v12, v49  }
0x113: {  	v51 =	vsel vm8, v47, v51;
	v47 =	vsel vm5, v5, v13;
	v43 =	vsel vm12, v12, v49  }
0x114: {  	v56 =	vsel vm8, v42, v60;
	v42 =	vsel vm5, v38, v40;
	vm13 =	vgt.f32 v47, v43  }
0x115: {  	v60 =	vsel vm6, v55, v45;
	vm15 =	vgt.f32 v52, v34;
	v57 =	vsel vm13, v47, v43  }
0x116: {  	v55 =	vld [tilespmem:$0x1FE10];
	v52 =	vsel vm15, v52, v34;
	v36 =	vsel vm12, v37, v36;
	vm7 =	vgt.f32 v57, v51  }
0x117: {  	v59 =	vsel vm15, v53, v35;
	v53 =	vld [tilespmem:$0x1FDF0];
	v43 =	vsel vm13, v42, v36;
	v36 =	vsel vm7, v57, v51  }
0x118: {  	vm8 =	vgt.f32 v52, v26;
	v42 =	vsel vm6, v50, v54;
	v54 =	vld [tilespmem:$0x1FE00];
	vm9 =	vgt.f32 v36, v60  }
0x119: {  	v35 =	vld [tilespmem:$0x1FE30];
	v30 =	vsel vm8, v52, v26;
	v43 =	vsel vm7, v43, v56;
	v34 =	vsel vm9, v36, v60  }
0x11a: {  	v47 =	vsel vm8, v59, v29;
	v51 =	vsel vm9, v43, v42;
	vm1 =	vgt.f32 v34, v30  }
0x11b: {  	v36 =	vld [tilespmem:$0x1FE40];
	v45 =	vsel vm1, v51, v47  }
0x11c: {  	[tilespmem:$0x1FCC0] =	vst v34;
	v34 =	vld [tilespmem:$0x1FE20];
	vm10 =	veq.s32 v46, v45  }
0x11d: {  	v60 =	vld [tilespmem:$0x1FE70];
	vm11 =	veq.s32 v53, v45;
	vm12 =	veq.s32 v54, v45;
	vm13 =	veq.s32 v55, v45  }
0x11e: {  	[tilespmem:$0x1FDE0] =	vst v46;
	v52 =	vmovc v46;
	vm15 =	veq.s32 v35, v45;
	v46 =	vld [tilespmem:$0x1FE50];
	v15 =	vsel vm10, $0xBF800000, v15;
	v16 =	vsel vm11, $0xBF800000, v16  }
0x11f: {  	v17 =	vsel vm12, $0xBF800000, v17;
	v6 =	vsel vm13, $0xBF800000, v6;
	v3 =	vsel vm15, $0xBF800000, v3  }
0x120: {  	vm8 =	veq.s32 v36, v45;
	vm10 =	vgt.f32 v16, v15;
	vm11 =	vgt.f32 v6, v17  }
0x121: {  	v47 =	vld [tilespmem:$0x1FEB0];
	vm14 =	veq.s32 v34, v45;
	v50 =	vsel vm8, $0xBF800000, v0;
	v56 =	vsel vm10, v16, v15  }
0x122: {  	[tilespmem:$0x1FCD0] =	vst v30;
	v43 =	vld [tilespmem:$0x1FE60];
	v57 =	vsel vm11, v6, v17;
	v30 =	vsel vm10, v53, v52;
	v31 =	vsel vm11, v55, v54  }
0x123: {  	vm10 =	veq.s32 v60, v45;
	v7 =	vsel vm14, $0xBF800000, v7;
	vm9 =	veq.s32 v46, v45  }
0x124: {  	v53 =	vld [tilespmem:$0x1FE90];
	vm14 =	vgt.f32 v57, v56;
	v19 =	vsel vm10, $0xBF800000, v19;
	v1 =	vsel vm9, $0xBF800000, v1  }
0x125: {  	v42 =	vld [tilespmem:$0x1FEC0];
	vm12 =	vgt.f32 v3, v7;
	v0 =	vsel vm14, v57, v56;
	vm13 =	vgt.f32 v1, v50  }
0x126: {  	v30 =	vsel vm14, v31, v30;
	vm14 =	veq.s32 v47, v45;
	v55 =	vsel vm13, v46, v36;
	v36 =	vld [tilespmem:$0x1FE80]  }
0x127: {  	v58 =	vsel vm12, v3, v7;
	vm9 =	veq.s32 v43, v45;
	v59 =	vsel vm13, v1, v50  }
0x128: {  	v54 =	vsel vm12, v35, v34;
	v18 =	vsel vm9, $0xBF800000, v18;
	v46 =	vld [tilespmem:$0x1FED0];
	vm15 =	vgt.f32 v59, v58  }
0x129: {  	vm12 =	veq.s32 v53, v45;
	vm9 =	vgt.f32 v19, v18;
	v29 =	vsel vm15, v55, v54;
	v54 =	vld [tilespmem:$0x1FEA0]  }
0x12a: {  	v9 =	vsel vm14, $0xBF800000, v9;
	v21 =	vsel vm12, $0xBF800000, v21;
	v56 =	vsel vm9, v19, v18  }
0x12b: {  	v26 =	vsel vm15, v59, v58;
	vm15 =	veq.s32 v42, v45;
	vm11 =	veq.s32 v36, v45  }
0x12c: {  	v60 =	vsel vm9, v60, v43;
	v4 =	vsel vm15, $0xBF800000, v4;
	v20 =	vsel vm11, $0xBF800000, v20  }
0x12d: {  	vm15 =	veq.s32 v63, v45;
	vm8 =	veq.s32 v46, v45;
	vm10 =	vgt.f32 v21, v20  }
0x12e: {  	v2 =	vsel vm8, $0xBF800000, v2;
	vm13 =	veq.s32 v54, v45;
	v57 =	vsel vm10, v21, v20  }
0x12f: {  	v8 =	vsel vm13, $0xBF800000, v8;
	v36 =	vsel vm10, v53, v36;
	vm13 =	vgt.f32 v57, v56  }
0x130: {  	vm12 =	vgt.f32 v2, v4;
	vm11 =	vgt.f32 v9, v8;
	v34 =	vsel vm13, v36, v60;
	v36 =	vld [tilespmem:$0x1FEE0]  }
0x131: {  	[tilespmem:$0x1FD00] =	vst v63;
	v59 =	vsel vm12, v2, v4;
	v58 =	vsel vm11, v9, v8;
	v43 =	vsel vm11, v47, v54;
	v54 =	vld [tilespmem:$0x1FEF0]  }
0x132: {  	v31 =	vsel vm13, v57, v56;
	v47 =	vsel vm12, v46, v42;
	v56 =	vmovc v63;
	v63 =	vld [tilespmem:$0x1FF00];
	vm14 =	vgt.f32 v59, v58  }
0x133: {  	vm7 =	vgt.f32 v26, v0;
	v22 =	vsel vm15, $0xBF800000, v22;
	v52 =	vsel vm14, v47, v43;
	v43 =	vld [tilespmem:$0x1FD10]  }
0x134: {  	v0 =	vsel vm7, v26, v0;
	vm13 =	veq.s32 v62, v45;
	v35 =	vsel vm14, v59, v58;
	v58 =	vld [tilespmem:$0x1FF30]  }
0x135: {  	vm12 =	veq.s32 v39, v45;
	v28 =	vsel vm13, $0xBF800000, v28;
	vm13 =	veq.s32 v41, v45  }
0x136: {  	v10 =	vsel vm12, $0xBF800000, v10;
	v32 =	vsel vm13, $0xBF800000, v32;
	vm13 =	veq.s32 v40, v45  }
0x137: {  	vm8 =	veq.s32 v36, v45;
	vm9 =	veq.s32 v54, v45;
	vm11 =	veq.s32 v63, v45  }
0x138: {  	v23 =	vsel vm8, $0xBF800000, v23;
	v24 =	vsel vm9, $0xBF800000, v24;
	v27 =	vsel vm11, $0xBF800000, v27  }
0x139: {  	vm10 =	veq.s32 v43, v45;
	vm3 =	vgt.f32 v23, v22;
	vm14 =	veq.s32 v58, v45  }
0x13a: {  	vm5 =	vgt.f32 v10, v27;
	v25 =	vsel vm10, $0xBF800000, v25;
	v57 =	vsel vm3, v23, v22  }
0x13b: {  	v11 =	vsel vm14, $0xBF800000, v11;
	v60 =	vsel vm5, v10, v27;
	vm4 =	vgt.f32 v25, v24  }
0x13c: {  	v56 =	vsel vm3, v36, v56;
	v36 =	vld [tilespmem:$0x1FD30];
	vm12 =	vgt.f32 v11, v28;
	v59 =	vsel vm4, v25, v24  }
0x13d: {  	v42 =	vmovc v39;
	v39 =	vsel vm12, v11, v28;
	v43 =	vsel vm4, v43, v54;
	vm15 =	vgt.f32 v59, v57  }
0x13e: {  	v13 =	vsel vm13, $0xBF800000, v13;
	vm8 =	vgt.f32 v39, v60;
	v56 =	vsel vm15, v43, v56;
	v43 =	vld [tilespmem:$0x1FF40]  }
0x13f: {  	v47 =	vsel vm5, v42, v63;
	v54 =	vsel vm12, v58, v62;
	v55 =	vsel vm8, v39, v60;
	v39 =	vld [tilespmem:$0x1FD20]  }
0x140: {  	vm12 =	veq.s32 v37, v45;
	v53 =	vsel vm15, v59, v57;
	vm15 =	veq.s32 v61, v45  }
0x141: {  	v12 =	vsel vm12, $0xBF800000, v12;
	v51 =	vsel vm15, $0xBF800000, v48;
	vm10 =	veq.s32 v36, v45  }
0x142: {  	v48 =	vsel vm8, v54, v47;
	vm8 =	vgt.f32 v35, v31;
	v49 =	vsel vm10, $0xBF800000, v49  }
0x143: {  	v52 =	vsel vm8, v52, v34;
	vm15 =	vgt.f32 v12, v49;
	vm14 =	veq.s32 v43, v45  }
0x144: {  	v47 =	vsel vm15, v12, v49;
	vm9 =	veq.s32 v39, v45;
	v33 =	vsel vm14, $0xBF800000, v33  }
0x145: {  	v14 =	vsel vm9, $0xBF800000, v14;
	vm14 =	veq.s32 v38, v45;
	vm9 =	vgt.f32 v55, v53  }
0x146: {  	vm2 =	vgt.f32 v33, v32;
	vm3 =	vgt.f32 v14, v51;
	v5 =	vsel vm14, $0xBF800000, v5  }
0x147: {  	v46 =	vmovc v62;
	v60 =	vsel vm2, v33, v32;
	v62 =	vsel vm3, v14, v51;
	vm6 =	vgt.f32 v5, v13  }
0x148: {  	v42 =	vsel vm2, v43, v41;
	vm11 =	vgt.f32 v62, v60;
	v54 =	vsel vm6, v5, v13  }
0x149: {  	v43 =	vsel vm3, v39, v61;
	v61 =	vld [tilespmem:$0x1FDF0];
	v57 =	vsel vm11, v62, v60;
	vm5 =	vgt.f32 v54, v47  }
0x14a: {  	v58 =	vsel vm11, v43, v42;
	v62 =	vld [tilespmem:$0x1FE00];
	v59 =	vsel vm5, v54, v47;
	v47 =	vsel vm8, v35, v31  }
0x14b: {  	v43 =	vsel vm7, v29, v30;
	v35 =	vld [tilespmem:$0x1FE30];
	vm10 =	vgt.f32 v59, v57;
	vm11 =	vgt.f32 v47, v0  }
0x14c: {  	v54 =	vsel vm9, v55, v53;
	v55 =	vsel vm10, v59, v57;
	v59 =	vsel vm11, v52, v43;
	v43 =	vld [tilespmem:$0x1FE10]  }
0x14d: {  	v36 =	vsel vm15, v37, v36;
	v39 =	vsel vm6, v38, v40;
	v29 =	vsel vm11, v47, v0;
	v47 =	vld [tilespmem:$0x1FE20]  }
0x14e: {  	v42 =	vsel vm5, v39, v36;
	v52 =	vld [tilespmem:$0x1FE40];
	vm12 =	vgt.f32 v55, v54  }
0x14f: {  	v57 =	vsel vm9, v48, v56;
	v58 =	vsel vm10, v42, v58;
	v56 =	vld [tilespmem:$0x1FE50];
	v31 =	vsel vm12, v55, v54  }
0x150: {  	v60 =	vsel vm12, v58, v57;
	vm2 =	vgt.f32 v31, v29  }
0x151: {  	v48 =	vsel vm2, v60, v59  }
0x152: {  	[tilespmem:$0x1FCE0] =	vst v31;
	v31 =	vld [tilespmem:$0x1FDE0];
	vm14 =	veq.s32 v61, v48;
	vm15 =	veq.s32 v62, v48;
	vm8 =	veq.s32 v43, v48  }
0x153: {  	vm9 =	veq.s32 v47, v48;
	vm10 =	veq.s32 v35, v48;
	vm11 =	veq.s32 v52, v48  }
0x154: {  	vm12 =	veq.s32 v56, v48;
	v16 =	vsel vm14, $0xBF800000, v16;
	v7 =	vsel vm9, $0xBF800000, v7  }
0x155: {  	v3 =	vsel vm10, $0xBF800000, v3;
	v50 =	vsel vm11, $0xBF800000, v50;
	v1 =	vsel vm12, $0xBF800000, v1  }
0x156: {  	v0 =	vld [tilespmem:$0x1FE80];
	v17 =	vsel vm15, $0xBF800000, v17;
	vm3 =	vgt.f32 v3, v7;
	vm6 =	vgt.f32 v1, v50  }
0x157: {  	v54 =	vld [tilespmem:$0x1FEC0];
	vm13 =	veq.s32 v31, v48;
	v59 =	vsel vm3, v3, v7;
	v60 =	vsel vm6, v1, v50  }
0x158: {  	v55 =	vsel vm3, v35, v47;
	v56 =	vsel vm6, v56, v52;
	v47 =	vld [tilespmem:$0x1FEB0];
	vm12 =	vgt.f32 v60, v59  }
0x159: {  	[tilespmem:$0x1FCF0] =	vst v29;
	v6 =	vsel vm8, $0xBF800000, v6;
	v15 =	vsel vm13, $0xBF800000, v15;
	v29 =	vsel vm12, v56, v55;
	v55 =	vld [tilespmem:$0x1FE90]  }
0x15a: {  	vm14 =	vgt.f32 v6, v17;
	vm13 =	vgt.f32 v16, v15;
	v56 =	vld [tilespmem:$0x1FEA0]  }
0x15b: {  	v30 =	vsel vm13, v61, v31;
	v61 =	vsel vm14, v43, v62;
	v43 =	vld [tilespmem:$0x1FE60]  }
0x15c: {  	vm11 =	veq.s32 v54, v48;
	v58 =	vsel vm14, v6, v17;
	v57 =	vsel vm13, v16, v15;
	v62 =	vld [tilespmem:$0x1FE70]  }
0x15d: {  	v4 =	vsel vm11, $0xBF800000, v4;
	vm15 =	vgt.f32 v58, v57  }
0x15e: {  	v36 =	vsel vm15, v58, v57;
	v30 =	vsel vm15, v61, v30;
	vm15 =	veq.s32 v0, v48;
	v57 =	vld [tilespmem:$0x1FED0]  }
0x15f: {  	v26 =	vsel vm12, v60, v59;
	vm10 =	veq.s32 v47, v48;
	v20 =	vsel vm15, $0xBF800000, v20  }
0x160: {  	v9 =	vsel vm10, $0xBF800000, v9;
	vm8 =	veq.s32 v55, v48;
	vm9 =	veq.s32 v56, v48  }
0x161: {  	vm13 =	veq.s32 v43, v48;
	vm14 =	veq.s32 v62, v48;
	v21 =	vsel vm8, $0xBF800000, v21  }
0x162: {  	v8 =	vsel vm9, $0xBF800000, v8;
	v18 =	vsel vm13, $0xBF800000, v18;
	v19 =	vsel vm14, $0xBF800000, v19  }
0x163: {  	vm4 =	vgt.f32 v21, v20;
	vm13 =	vgt.f32 v9, v8;
	vm12 =	veq.s32 v57, v48  }
0x164: {  	v42 =	vld [tilespmem:$0x1FF30];
	vm3 =	vgt.f32 v19, v18;
	v59 =	vsel vm4, v21, v20;
	v47 =	vsel vm13, v47, v56  }
0x165: {  	v56 =	vld [tilespmem:$0x1FF10];
	v2 =	vsel vm12, $0xBF800000, v2;
	v58 =	vsel vm3, v19, v18;
	v62 =	vsel vm3, v62, v43  }
0x166: {  	v39 =	vmovc v43;
	v43 =	vsel vm4, v55, v0;
	v0 =	vld [tilespmem:$0x1FEE0];
	vm14 =	vgt.f32 v2, v4;
	vm15 =	vgt.f32 v59, v58  }
0x167: {  	v60 =	vsel vm13, v9, v8;
	v61 =	vsel vm14, v2, v4;
	v31 =	vsel vm15, v59, v58;
	v59 =	vld [tilespmem:$0x1FD00]  }
0x168: {  	v54 =	vsel vm14, v57, v54;
	v34 =	vsel vm15, v43, v62;
	v43 =	vld [tilespmem:$0x1FD10];
	vm12 =	vgt.f32 v61, v60  }
0x169: {  	vm11 =	veq.s32 v46, v48;
	vm9 =	veq.s32 v63, v48;
	v53 =	vsel vm12, v54, v47;
	v54 =	vld [tilespmem:$0x1FEF0]  }
0x16a: {  	v28 =	vsel vm11, $0xBF800000, v28;
	v27 =	vsel vm9, $0xBF800000, v27  }
0x16b: {  	v35 =	vsel vm12, v61, v60;
	vm10 =	veq.s32 v56, v48;
	vm12 =	veq.s32 v42, v48  }
0x16c: {  	vm14 =	veq.s32 v0, v48;
	v10 =	vsel vm10, $0xBF800000, v10;
	v11 =	vsel vm12, $0xBF800000, v11  }
0x16d: {  	vm10 =	veq.s32 v40, v48;
	v23 =	vsel vm14, $0xBF800000, v23;
	vm6 =	vgt.f32 v10, v27  }
0x16e: {  	vm13 =	veq.s32 v59, v48;
	vm8 =	veq.s32 v43, v48;
	vm15 =	veq.s32 v54, v48  }
0x16f: {  	v22 =	vsel vm13, $0xBF800000, v22;
	v25 =	vsel vm8, $0xBF800000, v25;
	v24 =	vsel vm15, $0xBF800000, v24  }
0x170: {  	vm14 =	vgt.f32 v11, v28;
	vm4 =	vgt.f32 v23, v22;
	vm5 =	vgt.f32 v25, v24  }
0x171: {  	v61 =	vmovc v63;
	v57 =	vsel vm4, v23, v22;
	v58 =	vsel vm5, v25, v24;
	v63 =	vsel vm5, v43, v54;
	v54 =	vld [tilespmem:$0x1FF50]  }
0x172: {  	v52 =	vsel vm6, v10, v27;
	v62 =	vsel vm4, v0, v59;
	v43 =	vld [tilespmem:$0x1FD20];
	vm13 =	vgt.f32 v58, v57  }
0x173: {  	v60 =	vsel vm14, v11, v28;
	v55 =	vsel vm13, v58, v57;
	v58 =	vsel vm13, v63, v62;
	v63 =	vld [tilespmem:$0x1FF40]  }
0x174: {  	v47 =	vmov v46;
	v13 =	vsel vm10, $0xBF800000, v13;
	vm9 =	vgt.f32 v60, v52  }
0x175: {  	vm15 =	veq.s32 v41, v48;
	v0 =	vsel vm14, v42, v47;
	v57 =	vsel vm9, v60, v52  }
0x176: {  	v32 =	vsel vm15, $0xBF800000, v32;
	vm8 =	vgt.f32 v57, v55;
	vm12 =	veq.s32 v54, v48  }
0x177: {  	vm13 =	veq.s32 v43, v48;
	v52 =	vsel vm12, $0xBF800000, v51;
	v51 =	vsel vm6, v56, v61  }
0x178: {  	v14 =	vsel vm13, $0xBF800000, v14;
	vm11 =	veq.s32 v63, v48;
	v51 =	vsel vm9, v0, v51;
	v0 =	vld [tilespmem:$0x1FD30]  }
0x179: {  	vm4 =	vgt.f32 v14, v52;
	vm9 =	veq.s32 v37, v48;
	v33 =	vsel vm11, $0xBF800000, v33  }
0x17a: {  	v47 =	vsel vm4, v14, v52;
	vm11 =	veq.s32 v38, v48;
	vm3 =	vgt.f32 v33, v32  }
0x17b: {  	v12 =	vsel vm9, $0xBF800000, v12;
	v5 =	vsel vm11, $0xBF800000, v5;
	v42 =	vsel vm3, v33, v32  }
0x17c: {  	vm7 =	vgt.f32 v5, v13;
	v60 =	vsel vm3, v63, v41;
	vm15 =	vgt.f32 v47, v42  }
0x17d: {  	v46 =	vmovc v59;
	vm14 =	veq.s32 v0, v48;
	v59 =	vsel vm15, v47, v42;
	v42 =	vsel vm4, v43, v54  }
0x17e: {  	v54 =	vsel vm7, v5, v13;
	v49 =	vsel vm14, $0xBF800000, v49;
	v60 =	vsel vm15, v42, v60  }
0x17f: {  	v42 =	vsel vm7, v38, v40;
	vm14 =	vgt.f32 v26, v36;
	vm12 =	vgt.f32 v12, v49  }
0x180: {  	vm15 =	vgt.f32 v35, v31;
	v26 =	vsel vm14, v26, v36;
	v43 =	vsel vm12, v12, v49  }
0x181: {  	[tilespmem:$0x1FD40] =	vst v37;
	v29 =	vsel vm14, v29, v30;
	v37 =	vsel vm12, v37, v0;
	vm13 =	vgt.f32 v54, v43  }
0x182: {  	v56 =	vmovc v61;
	v61 =	vsel vm13, v54, v43;
	v0 =	vsel vm13, v42, v37;
	v43 =	vsel vm15, v35, v31;
	v37 =	vld [tilespmem:$0x1FDE0]  }
0x183: {  	v54 =	vsel vm15, v53, v34;
	v35 =	vld [tilespmem:$0x1FE00];
	vm9 =	vgt.f32 v61, v59;
	vm10 =	vgt.f32 v43, v26  }
0x184: {  	v55 =	vsel vm8, v57, v55;
	v57 =	vsel vm9, v61, v59;
	v59 =	vsel vm10, v54, v29;
	v29 =	vld [tilespmem:$0x1FE10]  }
0x185: {  	v0 =	vsel vm9, v0, v60;
	v60 =	vld [tilespmem:$0x1FE20]  }
0x186: {  	v61 =	vld [tilespmem:$0x1FE30];
	vm11 =	vgt.f32 v57, v55  }
0x187: {  	v62 =	vld [tilespmem:$0x1FE40];
	v58 =	vsel vm8, v51, v58;
	v30 =	vsel vm10, v43, v26;
	v34 =	vsel vm11, v57, v55  }
0x188: {  	v0 =	vsel vm11, v0, v58;
	vm3 =	vgt.f32 v34, v30  }
0x189: {  	v47 =	vmov v63;
	v63 =	vld [tilespmem:$0x1FE50];
	v51 =	vsel vm3, v0, v59  }
0x18a: {  	[tilespmem:$0x1FD90] =	vst v30;
	v30 =	vld [tilespmem:$0x1FDF0];
	vm12 =	veq.s32 v37, v51;
	vm14 =	veq.s32 v35, v51  }
0x18b: {  	vm15 =	veq.s32 v29, v51;
	vm9 =	veq.s32 v60, v51;
	vm10 =	veq.s32 v61, v51  }
0x18c: {  	vm11 =	veq.s32 v62, v51;
	v15 =	vsel vm12, $0xBF800000, v15;
	v17 =	vsel vm14, $0xBF800000, v17  }
0x18d: {  	v59 =	vld [tilespmem:$0x1FE90];
	v53 =	vsel vm15, $0xBF800000, v6;
	v57 =	vsel vm9, $0xBF800000, v7;
	v3 =	vsel vm10, $0xBF800000, v3  }
0x18e: {  	v0 =	vld [tilespmem:$0x1FEB0];
	v50 =	vsel vm11, $0xBF800000, v50;
	vm12 =	veq.s32 v63, v51;
	vm14 =	vgt.f32 v53, v17  }
0x18f: {  	v1 =	vsel vm12, $0xBF800000, v1;
	vm4 =	vgt.f32 v3, v57;
	vm13 =	veq.s32 v30, v51  }
0x190: {  	v6 =	vsel vm14, v53, v17;
	vm7 =	vgt.f32 v1, v50;
	v42 =	vsel vm4, v3, v57  }
0x191: {  	[tilespmem:$0x1FD60] =	vst v38;
	v38 =	vld [tilespmem:$0x1FEF0];
	v29 =	vsel vm14, v29, v35;
	v55 =	vsel vm4, v61, v60;
	v16 =	vsel vm13, $0xBF800000, v16  }
0x192: {  	v36 =	vld [tilespmem:$0x1FE80];
	v43 =	vsel vm7, v1, v50;
	v58 =	vsel vm7, v63, v62;
	vm9 =	veq.s32 v59, v51  }
0x193: {  	v35 =	vld [tilespmem:$0x1FE70];
	vm11 =	veq.s32 v0, v51;
	vm13 =	vgt.f32 v16, v15;
	vm12 =	vgt.f32 v43, v42  }
0x194: {  	[tilespmem:$0x1FD50] =	vst v40;
	v21 =	vsel vm9, $0xBF800000, v21;
	v9 =	vsel vm11, $0xBF800000, v9;
	v40 =	vsel vm13, v16, v15  }
0x195: {  	v54 =	vsel vm13, v30, v37;
	v30 =	vsel vm12, v43, v42;
	v42 =	vld [tilespmem:$0x1FEA0];
	vm15 =	vgt.f32 v6, v40  }
0x196: {  	vm9 =	veq.s32 v38, v51;
	vm11 =	veq.s32 v56, v51;
	v37 =	vsel vm15, v29, v54;
	v54 =	vld [tilespmem:$0x1FEC0]  }
0x197: {  	vm13 =	veq.s32 v39, v51;
	v24 =	vsel vm9, $0xBF800000, v24;
	v29 =	vsel vm12, v58, v55;
	v55 =	vld [tilespmem:$0x1FED0]  }
0x198: {  	v31 =	vsel vm15, v6, v40;
	vm14 =	veq.s32 v35, v51;
	vm15 =	veq.s32 v36, v51  }
0x199: {  	v18 =	vsel vm13, $0xBF800000, v18;
	v19 =	vsel vm14, $0xBF800000, v19;
	v20 =	vsel vm15, $0xBF800000, v20  }
0x19a: {  	vm4 =	vgt.f32 v19, v18;
	vm5 =	vgt.f32 v21, v20;
	vm10 =	veq.s32 v42, v51  }
0x19b: {  	v61 =	vsel vm4, v19, v18;
	v62 =	vsel vm5, v21, v20;
	v60 =	vsel vm10, $0xBF800000, v8  }
0x19c: {  	v43 =	vmovc v39;
	v39 =	vld [tilespmem:$0x1FF30];
	vm12 =	veq.s32 v54, v51;
	vm13 =	veq.s32 v55, v51;
	vm14 =	vgt.f32 v9, v60  }
0x19d: {  	v40 =	vld [tilespmem:$0x1FF20];
	v4 =	vsel vm12, $0xBF800000, v4;
	v26 =	vsel vm13, $0xBF800000, v2;
	vm12 =	vgt.f32 v62, v61  }
0x19e: {  	[tilespmem:$0x1FD80] =	vst v34;
	vm15 =	vgt.f32 v26, v4;
	v34 =	vsel vm12, v62, v61;
	v61 =	vsel vm14, v0, v42;
	v0 =	vld [tilespmem:$0x1FD10]  }
0x19f: {  	v6 =	vsel vm11, $0xBF800000, v27;
	v7 =	vsel vm14, v9, v60;
	v42 =	vld [tilespmem:$0x1FF10];
	v63 =	vsel vm15, v26, v4  }
0x1a0: {  	v58 =	vsel vm4, v35, v43;
	v59 =	vsel vm5, v59, v36;
	vm13 =	vgt.f32 v63, v7  }
0x1a1: {  	v62 =	vsel vm15, v55, v54;
	v55 =	vsel vm12, v59, v58;
	v58 =	vsel vm13, v63, v7;
	v63 =	vld [tilespmem:$0x1FEE0]  }
0x1a2: {  	vm14 =	veq.s32 v46, v51;
	v35 =	vsel vm13, v62, v61;
	vm13 =	veq.s32 v40, v51  }
0x1a3: {  	v22 =	vsel vm14, $0xBF800000, v22;
	vm14 =	veq.s32 v39, v51;
	v8 =	vsel vm13, $0xBF800000, v28  }
0x1a4: {  	vm13 =	veq.s32 v41, v51;
	vm10 =	veq.s32 v0, v51;
	vm12 =	veq.s32 v42, v51  }
0x1a5: {  	v32 =	vsel vm13, $0xBF800000, v32;
	v2 =	vsel vm10, $0xBF800000, v25;
	v7 =	vsel vm12, $0xBF800000, v10  }
0x1a6: {  	v10 =	vsel vm14, $0xBF800000, v11;
	vm6 =	vgt.f32 v2, v24;
	vm15 =	veq.s32 v63, v51  }
0x1a7: {  	vm7 =	vgt.f32 v7, v6;
	vm12 =	vgt.f32 v10, v8;
	v23 =	vsel vm15, $0xBF800000, v23  }
0x1a8: {  	v59 =	vsel vm6, v2, v24;
	v0 =	vsel vm6, v0, v38;
	v38 =	vld [tilespmem:$0x1FF50];
	vm5 =	vgt.f32 v23, v22  }
0x1a9: {  	v25 =	vsel vm7, v42, v56;
	v42 =	vsel vm12, v39, v40;
	v40 =	vld [tilespmem:$0x1FD30];
	v54 =	vsel vm5, v23, v22  }
0x1aa: {  	vm14 =	veq.s32 v47, v51;
	v39 =	vld [tilespmem:$0x1FD60];
	v63 =	vsel vm5, v63, v46;
	vm15 =	vgt.f32 v59, v54  }
0x1ab: {  	v33 =	vsel vm14, $0xBF800000, v33;
	v61 =	vsel vm7, v7, v6;
	v28 =	vsel vm15, v0, v63;
	v0 =	vld [tilespmem:$0x1FD20]  }
0x1ac: {  	v62 =	vsel vm12, v10, v8;
	vm4 =	vgt.f32 v33, v32;
	v27 =	vsel vm15, v59, v54;
	v54 =	vld [tilespmem:$0x1FD40]  }
0x1ad: {  	vm10 =	vgt.f32 v62, v61;
	v47 =	vsel vm4, v47, v41;
	vm15 =	veq.s32 v38, v51  }
0x1ae: {  	v36 =	vsel vm10, v62, v61;
	v11 =	vsel vm15, $0xBF800000, v52;
	v52 =	vsel vm10, v42, v25;
	v42 =	vld [tilespmem:$0x1FD50]  }
0x1af: {  	v59 =	vsel vm4, v33, v32;
	vm11 =	veq.s32 v40, v51;
	vm14 =	veq.s32 v39, v51  }
0x1b0: {  	v25 =	vsel vm11, $0xBF800000, v49;
	v5 =	vsel vm14, $0xBF800000, v5;
	vm14 =	vgt.f32 v36, v27  }
0x1b1: {  	v27 =	vsel vm14, v36, v27;
	vm9 =	veq.s32 v0, v51;
	vm12 =	veq.s32 v54, v51  }
0x1b2: {  	v28 =	vsel vm14, v52, v28;
	v14 =	vsel vm9, $0xBF800000, v14;
	v12 =	vsel vm12, $0xBF800000, v12  }
0x1b3: {  	vm13 =	veq.s32 v42, v51;
	vm12 =	vgt.f32 v30, v31;
	vm5 =	vgt.f32 v14, v11  }
0x1b4: {  	v13 =	vsel vm13, $0xBF800000, v13;
	vm15 =	vgt.f32 v12, v25;
	v56 =	vsel vm5, v14, v11  }
0x1b5: {  	vm8 =	vgt.f32 v5, v13;
	v38 =	vsel vm5, v0, v38;
	vm7 =	vgt.f32 v56, v59  }
0x1b6: {  	v61 =	vsel vm15, v12, v25;
	v49 =	vsel vm7, v38, v47;
	v47 =	vsel vm8, v5, v13  }
0x1b7: {  	v30 =	vsel vm12, v30, v31;
	v29 =	vsel vm12, v29, v37;
	vm11 =	vgt.f32 v47, v61  }
0x1b8: {  	vm13 =	vgt.f32 v58, v34;
	v59 =	vsel vm7, v56, v59;
	v61 =	vsel vm11, v47, v61  }
0x1b9: {  	v39 =	vsel vm8, v39, v42;
	v38 =	vsel vm15, v54, v40;
	vm15 =	vgt.f32 v61, v59  }
0x1ba: {  	v40 =	vsel vm13, v58, v34;
	v56 =	vmovc v0;
	v0 =	vsel vm11, v39, v38;
	v39 =	vld [tilespmem:$0x1FDE0];
	v47 =	vsel vm15, v61, v59  }
0x1bb: {  	v42 =	vsel vm13, v35, v55;
	v58 =	vld [tilespmem:$0x1FE10];
	vm9 =	vgt.f32 v40, v30;
	vm10 =	vgt.f32 v47, v27  }
0x1bc: {  	v52 =	vld [tilespmem:$0x1FE20];
	v30 =	vsel vm9, v40, v30;
	v0 =	vsel vm15, v0, v49;
	v54 =	vsel vm10, v47, v27  }
0x1bd: {  	v55 =	vsel vm9, v42, v29;
	v40 =	vld [tilespmem:$0x1FE00];
	v0 =	vsel vm10, v0, v28;
	vm4 =	vgt.f32 v54, v30  }
0x1be: {  	v47 =	vld [tilespmem:$0x1FE30];
	v55 =	vsel vm4, v0, v55  }
0x1bf: {  	[tilespmem:$0x1FDA0] =	vst v54;
	v54 =	vld [tilespmem:$0x1FE50];
	vm11 =	veq.s32 v39, v55  }
0x1c0: {  	vm14 =	veq.s32 v58, v55;
	v27 =	vsel vm11, $0xBF800000, v15;
	v15 =	vld [tilespmem:$0x1FDF0]  }
0x1c1: {  	v36 =	vsel vm14, $0xBF800000, v53;
	v53 =	vld [tilespmem:$0x1FE40];
	_ =	sdelay $0x1  }
0x1c2: {  	vm13 =	veq.s32 v40, v55;
	vm15 =	veq.s32 v52, v55  }
0x1c3: {  	v28 =	vsel vm13, $0xBF800000, v17;
	v29 =	vsel vm15, $0xBF800000, v57;
	vm9 =	veq.s32 v47, v55  }
0x1c4: {  	[tilespmem:$0x1FDB0] =	vst v30;
	v30 =	vsel vm9, $0xBF800000, v3;
	vm11 =	veq.s32 v54, v55;
	vm12 =	veq.s32 v15, v55  }
0x1c5: {  	vm10 =	veq.s32 v53, v55;
	v35 =	vsel vm12, $0xBF800000, v16;
	vm12 =	vgt.f32 v36, v28  }
0x1c6: {  	v31 =	vsel vm11, $0xBF800000, v1;
	v34 =	vsel vm10, $0xBF800000, v50;
	v0 =	vsel vm12, v58, v40;
	v40 =	vld [tilespmem:$0x1FE70]  }
0x1c7: {  	vm5 =	vgt.f32 v30, v29;
	vm13 =	vgt.f32 v31, v34  }
0x1c8: {  	v62 =	vsel vm5, v30, v29;
	v63 =	vsel vm13, v31, v34  }
0x1c9: {  	v37 =	vld [tilespmem:$0x1FEB0];
	v16 =	vsel vm5, v47, v52;
	v17 =	vsel vm13, v54, v53;
	vm15 =	vgt.f32 v63, v62  }
0x1ca: {  	vm6 =	vgt.f32 v35, v27;
	v61 =	vsel vm12, v36, v28;
	v47 =	vsel vm15, v17, v16;
	v16 =	vld [tilespmem:$0x1FE80]  }
0x1cb: {  	v59 =	vsel vm6, v35, v27;
	v15 =	vsel vm6, v15, v39;
	v17 =	vld [tilespmem:$0x1FEC0];
	vm12 =	veq.s32 v40, v55  }
0x1cc: {  	vm14 =	vgt.f32 v61, v59;
	v57 =	vsel vm15, v63, v62;
	v62 =	vsel vm12, $0xBF800000, v19;
	v19 =	vld [tilespmem:$0x1FEA0]  }
0x1cd: {  	v38 =	vsel vm14, v61, v59;
	v15 =	vsel vm14, v0, v15;
	v59 =	vld [tilespmem:$0x1FED0]  }
0x1ce: {  	vm11 =	veq.s32 v43, v55;
	[tilespmem:$0x1FC90] =	vst v15;
	v15 =	vld [tilespmem:$0x1FE90]  }
0x1cf: {  	vm9 =	veq.s32 v37, v55;
	v61 =	vsel vm11, $0xBF800000, v18  }
0x1d0: {  	v52 =	vsel vm9, $0xBF800000, v9;
	vm9 =	veq.s32 v46, v55;
	v18 =	vld [tilespmem:$0x1FEE0];
	vm5 =	vgt.f32 v62, v61  }
0x1d1: {  	vm13 =	veq.s32 v16, v55;
	vm10 =	veq.s32 v17, v55;
	vm15 =	veq.s32 v19, v55  }
0x1d2: {  	vm11 =	veq.s32 v59, v55;
	v42 =	vsel vm5, v62, v61;
	v50 =	vsel vm15, $0xBF800000, v60  }
0x1d3: {  	vm14 =	veq.s32 v15, v55;
	v63 =	vsel vm13, $0xBF800000, v20;
	vm12 =	vgt.f32 v52, v50  }
0x1d4: {  	v53 =	vsel vm10, $0xBF800000, v4;
	v49 =	vsel vm14, $0xBF800000, v21;
	v37 =	vsel vm12, v37, v19;
	v19 =	vld [tilespmem:$0x1FEF0]  }
0x1d5: {  	v20 =	vsel vm5, v40, v43;
	vm10 =	veq.s32 v18, v55;
	vm6 =	vgt.f32 v49, v63  }
0x1d6: {  	v3 =	vsel vm10, $0xBF800000, v23;
	v60 =	vsel vm11, $0xBF800000, v26;
	v54 =	vsel vm6, v49, v63  }
0x1d7: {  	v1 =	vld [tilespmem:$0x1FD10];
	v21 =	vsel vm6, v15, v16;
	vm13 =	vgt.f32 v60, v53;
	vm14 =	vgt.f32 v54, v42  }
0x1d8: {  	v23 =	vld [tilespmem:$0x1FF10];
	v4 =	vsel vm12, v52, v50;
	v58 =	vsel vm13, v60, v53;
	v26 =	vsel vm14, v54, v42  }
0x1d9: {  	v42 =	vsel vm14, v21, v20;
	v21 =	vld [tilespmem:$0x1FF30];
	vm15 =	vgt.f32 v58, v4;
	vm11 =	veq.s32 v19, v55  }
0x1da: {  	v54 =	vsel vm13, v59, v17;
	v0 =	vsel vm15, v58, v4;
	v4 =	vsel vm11, $0xBF800000, v24;
	v24 =	vld [tilespmem:$0x1FF00]  }
0x1db: {  	v40 =	vsel vm15, v54, v37;
	v37 =	vsel vm9, $0xBF800000, v22;
	v22 =	vld [tilespmem:$0x1FF20];
	_ =	sdelay $0x1  }
0x1dc: {  	vm12 =	veq.s32 v1, v55  }
0x1dd: {  	vm14 =	veq.s32 v23, v55;
	v9 =	vsel vm12, $0xBF800000, v2;
	vm6 =	vgt.f32 v3, v37  }
0x1de: {  	v7 =	vsel vm14, $0xBF800000, v7;
	v58 =	vsel vm6, v3, v37;
	vm13 =	veq.s32 v24, v55  }
0x1df: {  	vm15 =	veq.s32 v22, v55;
	v2 =	vsel vm13, $0xBF800000, v6;
	vm13 =	veq.s32 v21, v55  }
0x1e0: {  	vm12 =	vgt.f32 v9, v4;
	v15 =	vsel vm15, $0xBF800000, v8;
	v16 =	vsel vm13, $0xBF800000, v10  }
0x1e1: {  	v20 =	vsel vm12, v9, v4;
	vm8 =	vgt.f32 v7, v2;
	vm9 =	vgt.f32 v16, v15  }
0x1e2: {  	vm14 =	vgt.f32 v20, v58;
	v54 =	vsel vm8, v7, v2;
	v10 =	vsel vm9, v16, v15  }
0x1e3: {  	v6 =	vsel vm14, v20, v58;
	v58 =	vsel vm6, v18, v46;
	v46 =	vld [tilespmem:$0x1FF40];
	vm11 =	vgt.f32 v10, v54  }
0x1e4: {  	v8 =	vsel vm11, v10, v54;
	v54 =	vld [tilespmem:$0x1FF50];
	_ =	sdelay $0x2  }
0x1e5: {  	vm15 =	veq.s32 v41, v55;
	v1 =	vsel vm12, v1, v19  }
0x1e6: {  	v17 =	vsel vm15, $0xBF800000, v32;
	v1 =	vsel vm14, v1, v58;
	vm14 =	veq.s32 v56, v55  }
0x1e7: {  	v20 =	vsel vm14, $0xBF800000, v14;
	vm12 =	veq.s32 v46, v55;
	vm13 =	veq.s32 v54, v55  }
0x1e8: {  	v32 =	vsel vm8, v23, v24;
	v18 =	vsel vm12, $0xBF800000, v33;
	v19 =	vsel vm13, $0xBF800000, v11  }
0x1e9: {  	v14 =	vld [tilespmem:$0x1FD40];
	v33 =	vsel vm9, v21, v22;
	vm5 =	vgt.f32 v18, v17;
	vm6 =	vgt.f32 v20, v19  }
0x1ea: {  	v58 =	vmovc v56;
	v10 =	vsel vm11, v33, v32;
	v32 =	vld [tilespmem:$0x1FD30];
	v56 =	vsel vm5, v18, v17;
	v24 =	vsel vm6, v20, v19  }
0x1eb: {  	v33 =	vld [tilespmem:$0x1FD60];
	vm8 =	vgt.f32 v24, v56  }
0x1ec: {  	v11 =	vsel vm8, v24, v56;
	v56 =	vld [tilespmem:$0x1FD50];
	_ =	sdelay $0x2  }
0x1ed: {  	vm12 =	veq.s32 v14, v55  }
0x1ee: {  	v22 =	vsel vm12, $0xBF800000, v12;
	vm15 =	veq.s32 v32, v55  }
0x1ef: {  	vm14 =	veq.s32 v33, v55;
	v21 =	vsel vm15, $0xBF800000, v25;
	vm13 =	veq.s32 v56, v55  }
0x1f0: {  	v25 =	vsel vm5, v46, v41;
	v24 =	vsel vm14, $0xBF800000, v5;
	v23 =	vsel vm13, $0xBF800000, v13  }
0x1f1: {  	v46 =	vsel vm6, v58, v54;
	vm15 =	vgt.f32 v22, v21;
	vm9 =	vgt.f32 v24, v23  }
0x1f2: {  	v58 =	vmovc v54;
	v54 =	vsel vm15, v22, v21;
	v14 =	vsel vm15, v14, v32;
	v32 =	vld [tilespmem:$0x1FCA0];
	v13 =	vsel vm9, v24, v23  }
0x1f3: {  	v5 =	vsel vm8, v46, v25;
	v33 =	vsel vm9, v33, v56;
	v56 =	vld [tilespmem:$0x1FC90];
	vm8 =	vgt.f32 v13, v54  }
0x1f4: {  	vm10 =	vgt.f32 v57, v38;
	vm11 =	vgt.f32 v0, v26;
	v46 =	vsel vm8, v33, v14;
	v33 =	vld [tilespmem:$0x1FCB0]  }
0x1f5: {  	v0 =	vsel vm11, v0, v26;
	v12 =	vsel vm8, v13, v54;
	v54 =	vsel vm10, v57, v38;
	v38 =	vld [tilespmem:$0x1FCC0]  }
0x1f6: {  	vm12 =	vgt.f32 v8, v6;
	v57 =	vsel vm11, v40, v42;
	v40 =	vld [tilespmem:$0x1FCE0];
	vm13 =	vgt.f32 v12, v11  }
0x1f7: {  	v6 =	vsel vm12, v8, v6;
	v1 =	vsel vm12, v10, v1;
	v42 =	vld [tilespmem:$0x1FCF0];
	v12 =	vsel vm13, v12, v11  }
0x1f8: {  	vm14 =	vgt.f32 v0, v54;
	v5 =	vsel vm13, v46, v5;
	v46 =	vld [tilespmem:$0x1FE00];
	vm15 =	vgt.f32 v12, v6  }
0x1f9: {  	v14 =	vsel vm14, v0, v54;
	v25 =	vsel vm10, v47, v56;
	v47 =	vld [tilespmem:$0x1FE10];
	v6 =	vsel vm15, v12, v6  }
0x1fa: {  	v54 =	vld [tilespmem:$0x1FE40];
	v26 =	vsel vm14, v57, v25;
	v1 =	vsel vm15, v5, v1;
	vm5 =	vgt.f32 v6, v14  }
0x1fb: {  	[tilespmem:$0x1FDD0] =	vst v14;
	v14 =	vld [tilespmem:$0x1FDF0];
	v57 =	vsel vm5, v1, v26  }
0x1fc: {  	[tilespmem:$0x1FDC0] =	vst v6;
	v6 =	vmov v39;
	vm6 =	veq.s32 v39, v57;
	v39 =	vld [tilespmem:$0x1FCD0]  }
0x1fd: {  	v56 =	vld [tilespmem:$0x1FE50]  }
0x1fe: {  	v0 =	vsel vm0, v32, v33;
	vm8 =	veq.s32 v46, v57;
	vm9 =	veq.s32 v47, v57  }
0x1ff: {  	v5 =	vld [tilespmem:$0x1FE20];
	vm12 =	veq.s32 v54, v57;
	v13 =	vsel vm8, $0xBF800000, v28;
	v26 =	vsel vm9, $0xBF800000, v36  }
0x200: {  	v1 =	vld [tilespmem:$0x1FE80];
	v27 =	vsel vm6, $0xBF800000, v27;
	vm7 =	veq.s32 v14, v57;
	vm15 =	vgt.f32 v26, v13  }
0x201: {  	[tilespmem:$0x1FF60] =	vst v0;
	v10 =	vsel vm7, $0xBF800000, v35;
	v0 =	vsel vm1, v38, v39;
	v38 =	vsel vm15, v47, v46;
	v46 =	vld [tilespmem:$0x1FE70]  }
0x202: {  	vm13 =	veq.s32 v56, v57;
	vm14 =	vgt.f32 v10, v27;
	[tilespmem:$0x1FF70] =	vst v0;
	v0 =	vsel vm2, v40, v42;
	v42 =	vld [tilespmem:$0x1FE30]  }
0x203: {  	v32 =	vsel vm13, $0xBF800000, v31;
	v39 =	vsel vm12, $0xBF800000, v34;
	v14 =	vsel vm14, v14, v6;
	v6 =	vld [tilespmem:$0x1FEC0]  }
0x204: {  	vm6 =	vgt.f32 v32, v39;
	[tilespmem:$0x1FF80] =	vst v0;
	v0 =	vld [tilespmem:$0x1FE90]  }
0x205: {  	vm10 =	veq.s32 v5, v57;
	v47 =	vsel vm6, v56, v54;
	v54 =	vld [tilespmem:$0x1FEA0]  }
0x206: {  	v28 =	vsel vm10, $0xBF800000, v29;
	v29 =	vsel vm14, v10, v27  }
0x207: {  	vm14 =	veq.s32 v43, v57;
	v34 =	vsel vm6, v32, v39;
	vm11 =	veq.s32 v42, v57  }
0x208: {  	vm6 =	veq.s32 v1, v57;
	vm10 =	veq.s32 v6, v57;
	v33 =	vsel vm11, $0xBF800000, v30  }
0x209: {  	v30 =	vsel vm15, v26, v13;
	vm15 =	veq.s32 v46, v57;
	vm7 =	veq.s32 v0, v57  }
0x20a: {  	vm8 =	veq.s32 v54, v57;
	vm11 =	veq.s32 v59, v57;
	vm12 =	vgt.f32 v30, v29  }
0x20b: {  	v11 =	vsel vm10, $0xBF800000, v53;
	vm0 =	vgt.f32 v33, v28;
	v40 =	vsel vm12, v38, v14  }
0x20c: {  	v25 =	vsel vm15, $0xBF800000, v62;
	v12 =	vsel vm11, $0xBF800000, v60;
	v8 =	vsel vm12, v30, v29;
	[tilespmem:$0x1FD70] =	vst v40;
	v40 =	vld [tilespmem:$0x1FEB0]  }
0x20d: {  	v31 =	vsel vm0, v33, v28;
	v42 =	vsel vm0, v42, v5;
	v29 =	vsel vm14, $0xBF800000, v61  }
0x20e: {  	v30 =	vsel vm6, $0xBF800000, v63;
	v14 =	vsel vm8, $0xBF800000, v50;
	vm13 =	vgt.f32 v34, v31  }
0x20f: {  	vm0 =	vgt.f32 v25, v29;
	v38 =	vsel vm13, v34, v31;
	v36 =	vsel vm13, v47, v42  }
0x210: {  	v31 =	vsel vm7, $0xBF800000, v49;
	vm13 =	vgt.f32 v12, v11;
	v63 =	vsel vm0, v46, v43  }
0x211: {  	v46 =	vld [tilespmem:$0x1FD00];
	vm1 =	vgt.f32 v31, v30;
	v56 =	vsel vm13, v12, v11;
	vm9 =	veq.s32 v40, v57  }
0x212: {  	v43 =	vld [tilespmem:$0x1FD10];
	v5 =	vsel vm13, v59, v6;
	v53 =	vsel vm1, v31, v30;
	v49 =	vsel vm9, $0xBF800000, v52  }
0x213: {  	v59 =	vld [tilespmem:$0x1FF10];
	v0 =	vsel vm1, v0, v1;
	v52 =	vsel vm0, v25, v29;
	vm12 =	vgt.f32 v49, v14  }
0x214: {  	vm14 =	vgt.f32 v53, v52;
	v42 =	vsel vm12, v49, v14;
	v1 =	vsel vm12, v40, v54;
	v40 =	vld [tilespmem:$0x1FEE0]  }
0x215: {  	v63 =	vsel vm14, v0, v63;
	v0 =	vld [tilespmem:$0x1FEF0];
	vm15 =	vgt.f32 v56, v42  }
0x216: {  	v47 =	vsel vm15, v5, v1;
	v5 =	vld [tilespmem:$0x1FF00]  }
0x217: {  	v42 =	vsel vm15, v56, v42;
	v56 =	vld [tilespmem:$0x1FF20]  }
0x218: {  	vm7 =	veq.s32 v46, v57;
	vm10 =	veq.s32 v43, v57;
	v1 =	vld [tilespmem:$0x1FF30]  }
0x219: {  	v60 =	vsel vm10, $0xBF800000, v9;
	v62 =	vsel vm14, v53, v52;
	v53 =	vsel vm7, $0xBF800000, v37  }
0x21a: {  	vm12 =	veq.s32 v59, v57;
	vm8 =	veq.s32 v40, v57;
	vm9 =	veq.s32 v0, v57  }
0x21b: {  	v7 =	vsel vm12, $0xBF800000, v7;
	v50 =	vsel vm8, $0xBF800000, v3;
	v35 =	vsel vm9, $0xBF800000, v4  }
0x21c: {  	vm11 =	veq.s32 v5, v57;
	vm13 =	veq.s32 v56, v57;
	vm1 =	vgt.f32 v50, v53  }
0x21d: {  	vm2 =	vgt.f32 v60, v35;
	vm14 =	veq.s32 v1, v57;
	v9 =	vsel vm11, $0xBF800000, v2  }
0x21e: {  	v34 =	vsel vm13, $0xBF800000, v15;
	v16 =	vsel vm14, $0xBF800000, v16;
	v61 =	vsel vm1, v40, v46  }
0x21f: {  	v2 =	vsel vm2, v43, v0;
	v0 =	vld [tilespmem:$0x1FF40];
	vm6 =	vgt.f32 v7, v9;
	vm7 =	vgt.f32 v16, v34  }
0x220: {  	v40 =	vmovc v46;
	v52 =	vsel vm6, v7, v9;
	v54 =	vsel vm7, v16, v34;
	v46 =	vsel vm6, v59, v5;
	v5 =	vld [tilespmem:$0x1FD40]  }
0x221: {  	v59 =	vsel vm7, v1, v56;
	v56 =	vld [tilespmem:$0x1FD60];
	vm13 =	vgt.f32 v54, v52  }
0x222: {  	v6 =	vsel vm1, v50, v53;
	v37 =	vsel vm2, v60, v35;
	v3 =	vsel vm13, v54, v52;
	v54 =	vld [tilespmem:$0x1FD20]  }
0x223: {  	vm15 =	vgt.f32 v37, v6;
	v4 =	vsel vm13, v59, v46;
	v46 =	vld [tilespmem:$0x1FD30]  }
0x224: {  	vm12 =	veq.s32 v41, v57;
	v6 =	vsel vm15, v37, v6;
	v59 =	vld [tilespmem:$0x1FD50]  }
0x225: {  	v15 =	vsel vm15, v2, v61;
	vm15 =	veq.s32 v58, v57;
	vm14 =	veq.s32 v0, v57  }
0x226: {  	v52 =	vsel vm12, $0xBF800000, v17;
	v17 =	vsel vm15, $0xBF800000, v19;
	v61 =	vsel vm14, $0xBF800000, v18  }
0x227: {  	vm0 =	vgt.f32 v61, v52;
	vm12 =	veq.s32 v5, v57;
	vm14 =	veq.s32 v56, v57  }
0x228: {  	v1 =	vsel vm0, v61, v52;
	v0 =	vsel vm0, v0, v41;
	vm8 =	veq.s32 v54, v57  }
0x229: {  	vm10 =	veq.s32 v46, v57;
	vm13 =	veq.s32 v59, v57;
	v18 =	vsel vm8, $0xBF800000, v20  }
0x22a: {  	v19 =	vsel vm10, $0xBF800000, v21;
	v20 =	vsel vm12, $0xBF800000, v22;
	vm1 =	vgt.f32 v18, v17  }
0x22b: {  	v21 =	vsel vm13, $0xBF800000, v23;
	v22 =	vsel vm14, $0xBF800000, v24;
	v2 =	vsel vm1, v18, v17  }
0x22c: {  	vm10 =	vgt.f32 v38, v8;
	vm15 =	vgt.f32 v20, v19;
	vm11 =	vgt.f32 v2, v1  }
0x22d: {  	vm7 =	vgt.f32 v22, v21;
	v37 =	vsel vm11, v2, v1;
	v2 =	vsel vm1, v54, v58  }
0x22e: {  	v24 =	vsel vm15, v20, v19;
	v58 =	vmovc v54;
	v23 =	vsel vm11, v2, v0;
	v0 =	vsel vm7, v22, v21  }
0x22f: {  	v54 =	vmovc v5;
	v2 =	vsel vm15, v5, v46;
	v5 =	vsel vm7, v56, v59;
	vm9 =	vgt.f32 v0, v24  }
0x230: {  	v1 =	vsel vm9, v5, v2;
	v2 =	vsel vm10, v38, v8;
	v38 =	vld [tilespmem:$0x1FD70]  }
0x231: {  	vm11 =	vgt.f32 v42, v62;
	v0 =	vsel vm9, v0, v24  }
0x232: {  	v42 =	vsel vm11, v42, v62;
	vm13 =	vgt.f32 v0, v37  }
0x233: {  	vm14 =	vgt.f32 v42, v2;
	v0 =	vsel vm13, v0, v37;
	v37 =	vld [tilespmem:$0x1FD90]  }
0x234: {  	vm12 =	vgt.f32 v3, v6;
	v5 =	vsel vm14, v42, v2;
	v42 =	vld [tilespmem:$0x1FDB0]  }
0x235: {  	v3 =	vsel vm12, v3, v6;
	v8 =	vsel vm10, v36, v38;
	v36 =	vld [tilespmem:$0x1FD80]  }
0x236: {  	v4 =	vsel vm12, v4, v15;
	v63 =	vsel vm11, v47, v63;
	vm15 =	vgt.f32 v0, v3;
	v38 =	vld [tilespmem:$0x1FDA0]  }
0x237: {  	v1 =	vsel vm13, v1, v23;
	v0 =	vsel vm15, v0, v3;
	v23 =	vsel vm14, v63, v8;
	v63 =	vld [tilespmem:$0x1FDC0]  }
0x238: {  	v24 =	vsel vm15, v1, v4;
	vm6 =	vgt.f32 v0, v5;
	v8 =	vld [tilespmem:$0x1FDD0]  }
0x239: {  	v2 =	vsel vm6, v24, v23;
	v23 =	vld [tilespmem:$0x1FDE0]  }
0x23a: {  	v24 =	vld [tilespmem:$0x1FE00]  }
0x23b: {  	v15 =	vsel vm3, v36, v37;
	v36 =	vld [tilespmem:$0x1FE10]  }
0x23c: {  	v1 =	vsel vm4, v38, v42;
	v38 =	vld [tilespmem:$0x1FE20];
	_ =	sdelay $0x2  }
0x23d: {  	v3 =	vsel vm6, v0, v5  }
0x23e: {  	v4 =	vsel vm5, v63, v8;
	v8 =	vld [tilespmem:$0x1FDF0];
	vm7 =	veq.s32 v23, v2;
	vm9 =	veq.s32 v24, v2  }
0x23f: {  	v0 =	vsel vm7, $0xBF800000, v27;
	vm10 =	veq.s32 v36, v2;
	vm11 =	veq.s32 v38, v2  }
0x240: {  	v13 =	vsel vm9, $0xBF800000, v13;
	v27 =	vsel vm10, $0xBF800000, v26;
	v6 =	vsel vm11, $0xBF800000, v28;
	v28 =	vld [tilespmem:$0x1FE40]  }
0x241: {  	v26 =	vld [tilespmem:$0x1FE50];
	vm1 =	vgt.f32 v27, v13  }
0x242: {  	v5 =	vsel vm1, v27, v13;
	v27 =	vld [tilespmem:$0x1FE30]  }
0x243: {  	vm8 =	veq.s32 v8, v2  }
0x244: {  	v10 =	vsel vm8, $0xBF800000, v10  }
0x245: {  	vm2 =	vgt.f32 v10, v0;
	v24 =	vsel vm1, v36, v24;
	v36 =	vld [tilespmem:$0x1FE60]  }
0x246: {  	v0 =	vsel vm2, v10, v0  }
0x247: {  	vm13 =	veq.s32 v28, v2;
	vm14 =	veq.s32 v26, v2;
	vm12 =	veq.s32 v27, v2  }
0x248: {  	v39 =	vsel vm13, $0xBF800000, v39;
	v10 =	vsel vm12, $0xBF800000, v33;
	v33 =	vsel vm14, $0xBF800000, v32  }
0x249: {  	v32 =	vld [tilespmem:$0x1FE70];
	vm4 =	vgt.f32 v33, v39  }
0x24a: {  	vm5 =	veq.s32 v36, v2;
	v13 =	vsel vm4, v33, v39;
	v33 =	vld [tilespmem:$0x1FE90]  }
0x24b: {  	v8 =	vsel vm2, v8, v23;
	v23 =	vsel vm4, v26, v28;
	v26 =	vsel vm5, $0xBF800000, v29;
	v29 =	vld [tilespmem:$0x1FE80];
	_ =	sdelay $0x2  }
0x24c: {  	vm15 =	vgt.f32 v10, v6  }
0x24d: {  	v6 =	vsel vm15, v10, v6;
	vm6 =	veq.s32 v32, v2;
	vm8 =	veq.s32 v33, v2  }
0x24e: {  	v25 =	vsel vm6, $0xBF800000, v25;
	vm7 =	veq.s32 v29, v2;
	v39 =	vsel vm8, $0xBF800000, v31;
	v31 =	vld [tilespmem:$0x1FEA0]  }
0x24f: {  	v10 =	vsel vm15, v27, v38;
	vm9 =	vgt.f32 v25, v26;
	v38 =	vsel vm7, $0xBF800000, v30;
	v30 =	vld [tilespmem:$0x1FEB0]  }
0x250: {  	v25 =	vsel vm9, v25, v26;
	v26 =	vsel vm9, v32, v36;
	v36 =	vld [tilespmem:$0x1FEE0];
	vm10 =	vgt.f32 v39, v38  }
0x251: {  	v27 =	vsel vm10, v39, v38;
	v39 =	vld [tilespmem:$0x1FEC0]  }
0x252: {  	v28 =	vsel vm10, v33, v29;
	v33 =	vld [tilespmem:$0x1FED0]  }
0x253: {  	v38 =	vld [tilespmem:$0x1FEF0];
	_ =	sdelay $0x1  }
0x254: {  	vm6 =	veq.s32 v43, v2;
	vm11 =	veq.s32 v31, v2;
	vm12 =	veq.s32 v30, v2  }
0x255: {  	vm4 =	veq.s32 v36, v2;
	v14 =	vsel vm11, $0xBF800000, v14;
	v49 =	vsel vm12, $0xBF800000, v49  }
0x256: {  	vm13 =	veq.s32 v39, v2;
	vm14 =	veq.s32 v33, v2;
	vm2 =	vgt.f32 v49, v14  }
0x257: {  	vm5 =	veq.s32 v38, v2;
	v14 =	vsel vm2, v49, v14;
	v29 =	vsel vm2, v30, v31  }
0x258: {  	v30 =	vsel vm4, $0xBF800000, v50;
	v49 =	vsel vm5, $0xBF800000, v35;
	v50 =	vsel vm6, $0xBF800000, v60  }
0x259: {  	v11 =	vsel vm13, $0xBF800000, v11;
	v12 =	vsel vm14, $0xBF800000, v12;
	vm8 =	vgt.f32 v50, v49  }
0x25a: {  	vm15 =	veq.s32 v40, v2;
	vm1 =	vgt.f32 v12, v11;
	v31 =	vsel vm8, v50, v49;
	v49 =	vld [tilespmem:$0x1FF20]  }
0x25b: {  	v11 =	vsel vm1, v12, v11;
	v12 =	vsel vm15, $0xBF800000, v53;
	v50 =	vld [tilespmem:$0x1FF30]  }
0x25c: {  	v32 =	vsel vm8, v43, v38;
	v43 =	vld [tilespmem:$0x1FF10];
	vm7 =	vgt.f32 v30, v12  }
0x25d: {  	v12 =	vsel vm7, v30, v12;
	v30 =	vsel vm7, v36, v40;
	v40 =	vld [tilespmem:$0x1FF00]  }
0x25e: {  	v3 =	vmul.f32 $1.600000000e+01, v3  }
0x25f: {  	v15 =	vmul.f32 $1.600000000e+01, v15;
	v1 =	vmul.f32 $1.600000000e+01, v1;
	vm6 =	veq.s32 v58, v2  }
0x260: {  	v18 =	vsel vm6, $0xBF800000, v18;
	vm11 =	veq.s32 v49, v2;
	vm12 =	veq.s32 v50, v2  }
0x261: {  	vm15 =	veq.s32 v41, v2;
	v34 =	vsel vm11, $0xBF800000, v34;
	v16 =	vsel vm12, $0xBF800000, v16  }
0x262: {  	vm10 =	veq.s32 v43, v2;
	vm9 =	veq.s32 v40, v2;
	vm14 =	vgt.f32 v16, v34  }
0x263: {  	v7 =	vsel vm10, $0xBF800000, v7;
	v9 =	vsel vm9, $0xBF800000, v9;
	v16 =	vsel vm14, v16, v34  }
0x264: {  	v34 =	vsel vm14, v50, v49;
	v49 =	vsel vm15, $0xBF800000, v52;
	v52 =	vld [tilespmem:$0x1FF50];
	vm13 =	vgt.f32 v7, v9  }
0x265: {  	v33 =	vsel vm1, v33, v39;
	v7 =	vsel vm13, v7, v9;
	v9 =	vsel vm13, v43, v40;
	v43 =	vld [tilespmem:$0x1FF40]  }
0x266: {  	vm8 =	veq.s32 v54, v2;
	vm7 =	veq.s32 v46, v2;
	vm10 =	veq.s32 v56, v2  }
0x267: {  	vm9 =	veq.s32 v59, v2;
	vm14 =	vgt.f32 v13, v6;
	vm15 =	vgt.f32 v27, v25  }
0x268: {  	v6 =	vsel vm14, v13, v6;
	v38 =	vsel vm15, v27, v25;
	vm13 =	vgt.f32 v5, v0  }
0x269: {  	v39 =	vsel vm15, v28, v26;
	v0 =	vsel vm13, v5, v0;
	vm6 =	vgt.f32 v16, v7  }
0x26a: {  	v7 =	vsel vm6, v16, v7;
	vm5 =	veq.s32 v52, v2;
	vm4 =	veq.s32 v43, v2  }
0x26b: {  	[tilespmem:s28+$0x8000] =	vst v44;
	v44 =	vld [tilespmem:$0x1FF70];
	v9 =	vsel vm6, v34, v9;
	v17 =	vsel vm5, $0xBF800000, v17;
	v50 =	vsel vm4, $0xBF800000, v61  }
0x26c: {  	vm5 =	vgt.f32 v31, v12;
	vm1 =	vgt.f32 v18, v17;
	vm2 =	vgt.f32 v50, v49  }
0x26d: {  	v36 =	vsel vm2, v43, v41;
	v41 =	vsel vm7, $0xBF800000, v19;
	v43 =	vsel vm8, $0xBF800000, v20  }
0x26e: {  	v40 =	vld [tilespmem:$0x1FF60];
	v12 =	vsel vm5, v31, v12;
	v17 =	vsel vm1, v18, v17;
	vm11 =	vgt.f32 v43, v41  }
0x26f: {  	v52 =	vsel vm1, v58, v52;
	vm4 =	vgt.f32 v11, v14;
	v54 =	vsel vm11, v54, v46;
	v46 =	vld [tilespmem:$0x1FF80]  }
0x270: {  	v58 =	vsel vm13, v24, v8;
	v24 =	vmul.f32 $1.600000000e+01, v44;
	v11 =	vsel vm4, v11, v14  }
0x271: {  	v35 =	vsel vm2, v50, v49;
	v49 =	vsel vm9, $0xBF800000, v21;
	v50 =	vsel vm10, $0xBF800000, v22  }
0x272: {  	[tilespmem:s28+$0x8080] =	vst v45;
	vm9 =	vgt.f32 v6, v0;
	vm12 =	vgt.f32 v50, v49;
	vm7 =	vgt.f32 v17, v35  }
0x273: {  	[tilespmem:s28+$0x8100] =	vst v48;
	v56 =	vsel vm12, v56, v59;
	v59 =	vsel vm14, v23, v10;
	v23 =	vmul.f32 $1.600000000e+01, v40  }
0x274: {  	[tilespmem:s28+$0x9080] =	vst v24;
	vm10 =	vgt.f32 v11, v38;
	v45 =	vsel vm7, v17, v35;
	v17 =	vmul.f32 $1.600000000e+01, v46  }
0x275: {  	v0 =	vsel vm9, v6, v0;
	v18 =	vsel vm11, v43, v41;
	v20 =	vsel vm12, v50, v49;
	[tilespmem:s28+$0x9000] =	vst v23  }
0x276: {  	v41 =	vsel vm4, v33, v29;
	v43 =	vsel vm5, v32, v30;
	vm8 =	vgt.f32 v20, v18;
	[tilespmem:s28+$0x9100] =	vst v17  }
0x277: {  	v22 =	vsel vm7, v52, v36;
	v49 =	vsel vm10, v11, v38;
	v18 =	vsel vm8, v20, v18;
	[tilespmem:s30+$0x8000] =	vst v51  }
0x278: {  	vm11 =	vgt.f32 v7, v12;
	v52 =	vmul.f32 $1.600000000e+01, v4;
	vm12 =	vgt.f32 v18, v45;
	[tilespmem:s30+$0x9000] =	vst v15  }
0x279: {  	v5 =	vsel vm9, v59, v58;
	v7 =	vsel vm11, v7, v12;
	v51 =	vsel vm12, v18, v45;
	[tilespmem:s28+$0x8200] =	vst v55  }
0x27a: {  	v50 =	vsel vm10, v41, v39;
	vm13 =	vgt.f32 v49, v0;
	[tilespmem:s28+$0x9200] =	vst v1;
	vm14 =	vgt.f32 v51, v7  }
0x27b: {  	p0 =	sne.s32 s26, $0x1F;
	v62 =	vld [tilespmem:$0x1FFE0];
	v19 =	vsel vm8, v56, v54;
	v0 =	vsel vm13, v49, v0;
	[tilespmem:s28+$0x8280] =	vst v57;
	v58 =	vsel vm14, v51, v7  }
.Ltmp0:
0x27c: {  	v47 =	vld [tilespmem:$0x1FFF0];
	v54 =	vsel vm11, v9, v43;
	v59 =	vsel vm12, v19, v22;
	[tilespmem:s28+$0x9280] =	vst v52;
	vm15 =	vgt.f32 v58, v0;
	(pc) =	sbr.rel @p0 .LBB2_2-.Ltmp0, $4  }
0x27d: {  	v37 =	vld [tilespmem:$0x1FFB0];
	v5 =	vsel vm13, v50, v5;
	[tilespmem:s28+$0x8300] =	vst v2;
	v1 =	vsel vm14, v59, v54;
	v0 =	vsel vm15, v58, v0  }
0x27e: {  	v42 =	vld [tilespmem:$0x1FFA0];
	[tilespmem:s28+$0x9300] =	vst v3;
	v1 =	vsel vm15, v1, v5;
	v0 =	vmul.f32 $1.600000000e+01, v0  }
0x27f: {  	v63 =	vimm.s32 $0x2;
	v60 =	vld [tilespmem:$0x1FFC0];
	[tilespmem:s29+$0x8000] =	vst v1  }
0x280: {  	s26 =	sadd.s32 $0x1, s26;
	s25 =	sadd.s32 $0x10, s25;
	v53 =	vimm.s32 $0x0;
	v61 =	vld [tilespmem:$0x1FFD0];
	v55 =	vlaneseq.u32;
	v57 =	vimm.s32 $0x6;
	[tilespmem:s29+$0x9000] =	vst v0  }
0x281: {  	[hbm4b:s11+s2] =	stream.linear.scatter [tilespmem:s22], [sflag:$0x1], $0x1000, $0x38;
	[tilespmem:$0xA000] =	vst v63  }
0x282: {  	s24 =	sadd.s32 $0x1, s24;
	_ =	swait.ge [sflag:s14], $0x1000  }
0x283: {  	p0 =	sne.s32 s24, s13;
	[sflag:s14] =	ssyncset.done $0x0  }
.Ltmp1:
0x284: {  	[sflag:s14] =	ssyncadd.s32 $0xFFFFF000;
	(pc) =	sbr.rel @p0 .LBB2_1-.Ltmp1, $4  }
0x285: {  	[hbm4b:s12+s2] =	stream.linear.scatter [tilespmem:s23], [sflag:$0x1], $0x1000, $0x38;
	[tilespmem:$0xA000] =	vst v63  }
0x286: {  	_ =	swait.ge [sflag:s14], $0x1000  }
0x287: {  	[sflag:s14] =	ssyncset.done $0x0  }
0x288: {  	[sflag:s14] =	ssyncadd.s32 $0xFFFFF000  }
0x289: {  	_ =	sfence.sel $0x180000  }
0x28a: {  	[bflag:$0x0] =	sbarrier.arrive $0xFFFF  }
0x28b: {  	_ =	strace $0x90000047  }
0x28c: {  	[bflag:$0x2] =	sbarrier.arrive $0xFFFF  }
0x28d: {  	p0 =	sne.s32 s1, $0x0;
	s0 =	rddreg [dreg:$0x3]  }
0x28e: {  	s0 =	sadd.s32 @!p0 $0x100000, s0  }
0x28f: {  	[sflag:s0] =	ssyncadd.tile.s32 @!p0 $0x1;
	_ =	shalt  }
.Lfunc_end2:
_tile_overlayer_lowered:
.L_overlay_start_2:
0x290: {  	(tag) =	ssettag $0x2  }
0x291: {  	s0 =	rddreg [dreg:$0x0];
	s2 =	stileid.u32  }
0x292: {  	s1 =	rddreg [dreg:$0x1];
	p0 =	sne.s32 s2, $0x0  }
0x293: {  	s3 =	rddreg [dreg:$0x2];
	[bflag:$0x3] =	sbarrier.arrive $0xFFFF;
	s2 =	simm.s32 @!p0 $0x1C01  }
0x294: {  	[timem:s3], [sflag:s2] =	dma.local @!p0 [hbm:s0], s1  }
0x295: {  	s0 =	simm.s32 @!p0 $0x1  }
0x296: {  	_ =	swait.ge @!p0 [sflag:s0], s1  }
0x297: {  	s1 =	ssub.s32 @!p0 $0x0, s1;
	[sflag:s0] =	ssyncset.done @!p0 $0x0  }
0x298: {  	[sflag:s0] =	ssyncadd.s32 @!p0 s1  }
0x299: {  	[bflag:$0x3] =	sbarrier.arrive $0xFFFF  }
0x29a: {  	_ =	shalt  }

</sc_bundles>
